<compile_context>
chip_gen: v7x
topology: tpu7x:2x2x1
jax: 0.10.2.dev20260603
libtpu: 0.0.44.dev20260713+nightly
codegen_flags: <defaults>
</compile_context>

<pallas_src>
import functools

import jax
import jax.numpy as jnp
from jax import lax
from jax.experimental import pallas as pl
from jax.experimental.pallas import tpu as pltpu
import jax.experimental.pallas.tpu_sc as plsc

N = 10000
E = 160000
NT = 16
KB = 80
NB = 126
NROWS = N + NT
TRASH = N
ROWS_A = 632
ROWS_LAST = N - (NT - 1) * ROWS_A
CHUNK = 128
ROWS_BLK = 1000
DEGW = 128

_mesh = plsc.VectorSubcoreMesh(core_axis_name="c", subcore_axis_name="s",
                               num_cores=2, num_subcores=NT)



def _part_copy(src, dst, sid):
    base = pl.multiple_of(sid * ROWS_A, 8)

    @pl.when(sid < NT - 1)
    def _():
        pltpu.sync_copy(src.at[pl.ds(base, ROWS_A)],
                        dst.at[pl.ds(base, ROWS_A)])

    @pl.when(sid == NT - 1)
    def _():
        pltpu.sync_copy(src.at[pl.ds(N - ROWS_LAST, ROWS_LAST)],
                        dst.at[pl.ds(N - ROWS_LAST, ROWS_LAST)])


HALVES = ((0, 64), (64, NB - 64))


def _edge_pass(y_hbm, o_hbm, src3d, dst3d, src_v, dst_v, rows_a, rows_b, acc,
               gsem_a, gsem_b, sid):
    _part_copy(y_hbm, acc, sid)
    plsc.subcore_barrier()

    for off, nbh in HALVES:
        pltpu.sync_copy(src3d.at[sid].at[pl.ds(off, nbh)],
                        src_v.at[pl.ds(0, nbh)])
        pltpu.sync_copy(dst3d.at[sid].at[pl.ds(off, nbh)],
                        dst_v.at[pl.ds(0, nbh)])
        pltpu.async_copy(y_hbm.at[src_v.at[0]], rows_a, gsem_a)

        def body(i, carry, nbh=nbh):
            b = 2 * i
            pltpu.make_async_copy(y_hbm.at[src_v.at[0]], rows_a,
                                  gsem_a).wait()
            pltpu.async_copy(y_hbm.at[src_v.at[b + 1]], rows_b, gsem_b)
            pltpu.sync_copy(rows_a, acc.at[dst_v.at[b]], add=True)
            pltpu.make_async_copy(y_hbm.at[src_v.at[0]], rows_b,
                                  gsem_b).wait()

            @pl.when(b + 2 < nbh)
            def _():
                pltpu.async_copy(y_hbm.at[src_v.at[b + 2]], rows_a, gsem_a)

            pltpu.sync_copy(rows_b, acc.at[dst_v.at[b + 1]], add=True)
            return carry

        lax.fori_loop(0, nbh // 2, body, 0)

    plsc.subcore_barrier()
    _part_copy(acc, o_hbm, sid)


@functools.partial(
    pl.kernel,
    out_type=[jax.ShapeDtypeStruct((N, DEGW), jnp.float32)] * 2,
    mesh=_mesh,
    scratch_types=[
        pltpu.VMEM((NB, KB), jnp.int32),
        pltpu.VMEM((KB, DEGW), jnp.float32),
        pltpu.VMEM_SHARED((NROWS, DEGW), jnp.float32),
        pltpu.SemaphoreType.DMA,
    ],
)
def _deg_kernel(dst3d, zeros_hbm, ones_hbm, deg0, deg1, dst_v, ones_v, acc,
                sem):
    c = lax.axis_index("c")
    s = lax.axis_index("s")
    half = NB // 2
    lo = c * half
    _part_copy(zeros_hbm, acc, s)
    pltpu.sync_copy(ones_hbm, ones_v)
    pltpu.sync_copy(dst3d.at[s], dst_v)
    plsc.subcore_barrier()

    pltpu.async_copy(ones_v, acc.at[dst_v.at[lo]], sem, add=True)

    def body(i, carry):
        pltpu.async_copy(ones_v, acc.at[dst_v.at[lo + i]], sem, add=True)
        pltpu.make_async_copy(ones_v, acc.at[dst_v.at[lo]], sem).wait()
        return carry

    lax.fori_loop(1, half, body, 0)
    pltpu.make_async_copy(ones_v, acc.at[dst_v.at[lo]], sem).wait()
    plsc.subcore_barrier()

    @pl.when(c == 0)
    def _():
        _part_copy(acc, deg0, s)

    @pl.when(c == 1)
    def _():
        _part_copy(acc, deg1, s)


def _make_edge_kernel(n_chunks):
    per_core = n_chunks // 2

    @functools.partial(
        pl.kernel,
        out_type=[jax.ShapeDtypeStruct((N, CHUNK), jnp.float32)] * n_chunks,
        mesh=_mesh,
        scratch_types=[
            pltpu.VMEM((HALVES[0][1], KB), jnp.int32),
            pltpu.VMEM((HALVES[0][1], KB), jnp.int32),
            pltpu.VMEM((KB, CHUNK), jnp.float32),
            pltpu.VMEM((KB, CHUNK), jnp.float32),
            pltpu.VMEM_SHARED((NROWS, CHUNK), jnp.float32),
            pltpu.SemaphoreType.DMA,
            pltpu.SemaphoreType.DMA,
        ],
    )
    def edge_kernel(*refs):
        ys = refs[:n_chunks]
        src3d, dst3d = refs[n_chunks], refs[n_chunks + 1]
        os = refs[n_chunks + 2:2 * n_chunks + 2]
        src_v, dst_v, rows_a, rows_b, acc, gsem_a, gsem_b = \
            refs[2 * n_chunks + 2:]
        c = lax.axis_index("c")
        s = lax.axis_index("s")
        for core in range(2):
            @pl.when(c == core)
            def _():
                for p in range(per_core):
                    i = core * per_core + p
                    _edge_pass(ys[i], os[i], src3d, dst3d, src_v, dst_v,
                               rows_a, rows_b, acc, gsem_a, gsem_b, s)

    return edge_kernel


_edges_l1 = _make_edge_kernel(4)
_edges_l2 = _make_edge_kernel(2)



def _l1_body(x_ref, w_ref, dega_ref, degb_ref, *outs):
    dinv = lax.rsqrt(dega_ref[:, 0:1] + degb_ref[:, 0:1] + 1.0)
    y = jnp.dot(x_ref[...], w_ref[...], preferred_element_type=jnp.float32)
    y = y * dinv
    for i, o in enumerate(outs):
        o[...] = y[:, i * CHUNK:(i + 1) * CHUNK]


def _l2_body(a0, a1, a2, a3, dega_ref, degb_ref, b1_ref, w_ref, o0, o1):
    dinv = lax.rsqrt(dega_ref[:, 0:1] + degb_ref[:, 0:1] + 1.0)
    agg = jnp.concatenate([a0[...], a1[...], a2[...], a3[...]], axis=1)
    h = jnp.maximum(agg * dinv + b1_ref[...], 0.0)
    y = jnp.dot(h, w_ref[...], preferred_element_type=jnp.float32) * dinv
    o0[...] = y[:, :CHUNK]
    o1[...] = y[:, CHUNK:]


def _head_body(a0, a1, dega_ref, degb_ref, b2_ref, wc_ref, bc_ref,
               osf_ref, optx_ref):
    dinv = lax.rsqrt(dega_ref[:, 0:1] + degb_ref[:, 0:1] + 1.0)
    agg = jnp.concatenate([a0[...], a1[...]], axis=1)
    h = jnp.maximum(agg * dinv + b2_ref[...], 0.0)
    o = (jnp.dot(h, wc_ref[...], preferred_element_type=jnp.float32)
         + bc_ref[...])
    nsf = osf_ref.shape[1]
    osf_ref[...] = o[:, :nsf]
    optx_ref[...] = o[:, nsf:]


def _row_spec(cols):
    return pl.BlockSpec((ROWS_BLK, cols), lambda i: (i, 0))


def _full_spec(r, c):
    return pl.BlockSpec((r, c), lambda i: (0, 0))


_tc_params = pltpu.CompilerParams(dimension_semantics=("parallel",))



def kernel(x, edge_index, edge_SF_num, W1, b1, W2, b2, W_sf, b_sf, W_ptx, b_ptx):
    d_in = x.shape[1]
    d_h = W1.shape[1]
    d_out = W2.shape[1]
    grid = (N // ROWS_BLK,)

    pad = NB * KB - E // NT
    src_pad = jnp.zeros((NT, pad), jnp.int32)
    dst_pad = jnp.broadcast_to(
        TRASH + jnp.arange(NT, dtype=jnp.int32)[:, None], (NT, pad))
    src3d = jnp.concatenate(
        [edge_index[0].reshape(NT, -1), src_pad], axis=1).reshape(NT, NB, KB)
    dst3d = jnp.concatenate(
        [edge_index[1].reshape(NT, -1), dst_pad], axis=1).reshape(NT, NB, KB)
    zeros = jnp.zeros((N, DEGW), jnp.float32)
    ones = jnp.ones((KB, DEGW), jnp.float32)

    deg = _deg_kernel(dst3d, zeros, ones)

    y1 = pl.pallas_call(
        _l1_body,
        grid=grid,
        in_specs=[_row_spec(d_in), _full_spec(d_in, d_h), _row_spec(DEGW),
                  _row_spec(DEGW)],
        out_specs=[_row_spec(CHUNK)] * 4,
        out_shape=[jax.ShapeDtypeStruct((N, CHUNK), jnp.float32)] * 4,
        compiler_params=_tc_params,
    )(x, W1, *deg)

    agg1 = _edges_l1(*y1, src3d, dst3d)

    y2 = pl.pallas_call(
        _l2_body,
        grid=grid,
        in_specs=[_row_spec(CHUNK)] * 4
        + [_row_spec(DEGW), _row_spec(DEGW), _full_spec(1, d_h),
           _full_spec(d_h, d_out)],
        out_specs=[_row_spec(CHUNK)] * 2,
        out_shape=[jax.ShapeDtypeStruct((N, CHUNK), jnp.float32)] * 2,
        compiler_params=_tc_params,
    )(*agg1, *deg, b1.reshape(1, d_h), W2)

    agg2 = _edges_l2(*y2, src3d, dst3d)

    w_cat = jnp.concatenate([W_sf, W_ptx], axis=1)
    b_cat = jnp.concatenate([b_sf, b_ptx]).reshape(1, -1)
    n_heads = w_cat.shape[1]

    n_sf = W_sf.shape[1]
    x_sf, x_ptx = pl.pallas_call(
        _head_body,
        grid=grid,
        in_specs=[_row_spec(CHUNK)] * 2
        + [_row_spec(DEGW), _row_spec(DEGW), _full_spec(1, d_out),
           _full_spec(d_out, n_heads), _full_spec(1, n_heads)],
        out_specs=[_row_spec(n_sf), _row_spec(n_heads - n_sf)],
        out_shape=[jax.ShapeDtypeStruct((N, n_sf), jnp.float32),
                   jax.ShapeDtypeStruct((N, n_heads - n_sf), jnp.float32)],
        compiler_params=_tc_params,
    )(*agg2, *deg, b2.reshape(1, d_out), w_cat, b_cat)

    return (x_sf, x_ptx)

# --- scband reference (transcript-rebuilt; emitter-appended) ---
"""Pipeline reference for scband-gcn-49057116455169 (READ-ONLY COPY).

The authoritative reference and input builder live on the scoring server;
editing this copy changes nothing except your own understanding.
"""

import jax, jax.numpy as jnp
import numpy as np

N = 10000
E = 160000
D_IN = 256
D_H = 512
D_OUT = 256


def setup_inputs(seed: int = 0) -> dict:
    key = jax.random.key(seed)
    ks = jax.random.split(key, 12)
    x = jax.random.normal(ks[0], (N, D_IN), dtype=jnp.float32)
    edge_index = jax.random.randint(ks[1], (2, E), 0, N, dtype=jnp.int32)
    W1 = jax.random.normal(ks[2], (D_IN, D_H), dtype=jnp.float32) * (1.0 / np.sqrt(D_IN))
    b1 = jnp.zeros((D_H,), dtype=jnp.float32)
    W2 = jax.random.normal(ks[3], (D_H, D_OUT), dtype=jnp.float32) * (1.0 / np.sqrt(D_H))
    b2 = jnp.zeros((D_OUT,), dtype=jnp.float32)
    W_sf = jax.random.normal(ks[4], (D_OUT, 6), dtype=jnp.float32) * (1.0 / np.sqrt(D_OUT))
    b_sf = jnp.zeros((6,), dtype=jnp.float32)
    W_ptx = jax.random.normal(ks[5], (D_OUT, 5), dtype=jnp.float32) * (1.0 / np.sqrt(D_OUT))
    b_ptx = jnp.zeros((5,), dtype=jnp.float32)
    return {"x": x, "edge_index": edge_index, "edge_SF_num": 1,
            "W1": W1, "b1": b1, "W2": W2, "b2": b2,
            "W_sf": W_sf, "b_sf": b_sf, "W_ptx": W_ptx, "b_ptx": b_ptx}


def _gcn_conv(x, src, dst, W, b, n_nodes):
    # GCNConv with symmetric normalization (self-loops already appended to src/dst)
    xw = x @ W
    ones = jnp.ones(src.shape[0], dtype=x.dtype)
    deg = jax.ops.segment_sum(ones, dst, num_segments=n_nodes)
    dinv = jnp.where(deg > 0, 1.0 / jnp.sqrt(deg), 0.0)
    norm = dinv[src] * dinv[dst]
    msg = xw[src] * norm[:, None]
    out = jax.ops.segment_sum(msg, dst, num_segments=n_nodes)
    return out + b


def reference(x, edge_index, edge_SF_num, W1, b1, W2, b2, W_sf, b_sf, W_ptx, b_ptx):
    n_nodes = x.shape[0]
    loop = jnp.arange(n_nodes, dtype=edge_index.dtype)
    src = jnp.concatenate([edge_index[0], loop])
    dst = jnp.concatenate([edge_index[1], loop])
    h = jax.nn.relu(_gcn_conv(x, src, dst, W1, b1, n_nodes))
    h = jax.nn.relu(_gcn_conv(h, src, dst, W2, b2, n_nodes))
    x_SF = h @ W_sf + b_sf
    x_Ptx = h @ W_ptx + b_ptx
    return (x_SF, x_Ptx)

if __name__ == "__main__":
    import jax
    _d = setup_inputs()
    print(jax.jit(kernel)(*tuple(_d.values())))

</pallas_src>

<mosaic_0001>
#map = affine_map<(d0, d1) -> (0, 0)>
#map1 = affine_map<(d0, d1) -> (0, 0, 0)>
module attributes {stable_mosaic.version = 14 : i64} {
  func.func @edge_kernel(%arg0: i32, %arg1: i32, %arg2: memref<10000x128xf32, #tpu.memory_space<hbm>>, %arg3: memref<10000x128xf32, #tpu.memory_space<hbm>>, %arg4: memref<10000x128xf32, #tpu.memory_space<hbm>>, %arg5: memref<10000x128xf32, #tpu.memory_space<hbm>>, %arg6: memref<16x126x80xi32, #tpu.memory_space<hbm>>, %arg7: memref<16x126x80xi32, #tpu.memory_space<hbm>>, %arg8: memref<10000x128xf32, #tpu.memory_space<hbm>>, %arg9: memref<10000x128xf32, #tpu.memory_space<hbm>>, %arg10: memref<10000x128xf32, #tpu.memory_space<hbm>>, %arg11: memref<10000x128xf32, #tpu.memory_space<hbm>>, %arg12: memref<64x80xi32, #tpu.memory_space<vmem>>, %arg13: memref<64x80xi32, #tpu.memory_space<vmem>>, %arg14: memref<80x128xf32, #tpu.memory_space<vmem>>, %arg15: memref<80x128xf32, #tpu.memory_space<vmem>>, %arg16: memref<10016x128xf32, #tpu.memory_space<vmem_shared>>, %arg17: memref<!tpu.dma_semaphore, #tpu.memory_space<semaphore_mem>>, %arg18: memref<!tpu.dma_semaphore, #tpu.memory_space<semaphore_mem>>) attributes {dimension_semantics = [#tpu.dimension_semantics<core_parallel>, #tpu.dimension_semantics<subcore_parallel>], iteration_bounds = array<i64: 2, 16>, scalar_prefetch = 0 : i64, scratch_operands = 7 : i64, tpu.core_type = #tpu.core_type<sc_vector_subcore>, window_params = [{transform_indices = #map}, {transform_indices = #map}, {transform_indices = #map}, {transform_indices = #map}, {transform_indices = #map1}, {transform_indices = #map1}, {transform_indices = #map}, {transform_indices = #map}, {transform_indices = #map}, {transform_indices = #map}]} {
    %eq3A = arith.constant 0 : i32
    %eq3A_0 = arith.cmpi eq, %arg0, %eq3A : i32
    %convert_element_type3A = arith.extui %eq3A_0 : i1 to i32
    %cond3A = arith.constant 0 : i32
    %cond3A_1 = arith.cmpi ne, %convert_element_type3A, %cond3A : i32
    scf.if %cond3A_1 {
      %mul3A = arith.constant 632 : i32
      %mul3A_7 = arith.muli %arg1, %mul3A : i32
      %multiple_of3A = tpu.assume_multiple %mul3A_7, 8 : i32
      %lt3A = arith.constant 15 : i32
      %lt3A_8 = arith.cmpi slt, %arg1, %lt3A : i32
      %convert_element_type3A_9 = arith.extui %lt3A_8 : i1 to i32
      %cond3A_10 = arith.constant 0 : i32
      %cond3A_11 = arith.cmpi ne, %convert_element_type3A_9, %cond3A_10 : i32
      scf.if %cond3A_11 {
        "tpu.region"() ({
          %run_scoped3A = tpu.sem_alloc : memref<!tpu.dma_semaphore, #tpu.memory_space<semaphore_mem>>
          %dma_start3A_109 = arith.constant 0 : i32
          %dma_start3A_110 = tpu.memref_slice %arg16[%multiple_of3A, %dma_start3A_109] : memref<10016x128xf32, #tpu.memory_space<vmem_shared>> -> memref<632x128xf32, #tpu.memory_space<vmem_shared>>
          %dma_start3A_111 = arith.constant 0 : i32
          %dma_start3A_112 = tpu.memref_slice %arg2[%multiple_of3A, %dma_start3A_111] : memref<10000x128xf32, #tpu.memory_space<hbm>> -> memref<632x128xf32, #tpu.memory_space<hbm>>
          tpu.enqueue_dma source(%dma_start3A_112 : memref<632x128xf32, #tpu.memory_space<hbm>>) target(%dma_start3A_110 : memref<632x128xf32, #tpu.memory_space<vmem_shared>>) target_semaphore(%run_scoped3A : memref<!tpu.dma_semaphore, #tpu.memory_space<semaphore_mem>>)
          %dma_wait3A = arith.constant 0 : i32
          %dma_wait3A_113 = tpu.memref_slice %arg16[%multiple_of3A, %dma_wait3A] : memref<10016x128xf32, #tpu.memory_space<vmem_shared>> -> memref<632x128xf32, #tpu.memory_space<vmem_shared>>
          %dma_wait3A_114 = arith.constant 0 : i32
          %dma_wait3A_115 = tpu.memref_slice %arg2[%multiple_of3A, %dma_wait3A_114] : memref<10000x128xf32, #tpu.memory_space<hbm>> -> memref<632x128xf32, #tpu.memory_space<hbm>>
          tpu.wait_dma2 semaphore(%run_scoped3A : memref<!tpu.dma_semaphore, #tpu.memory_space<semaphore_mem>>) src(%dma_wait3A_115 : memref<632x128xf32, #tpu.memory_space<hbm>>) dst(%dma_wait3A_113 : memref<632x128xf32, #tpu.memory_space<vmem_shared>>)
          tpu.yield
        }) : () -> ()
      } else {
      }
      %eq3A_12 = arith.constant 15 : i32
      %eq3A_13 = arith.cmpi eq, %arg1, %eq3A_12 : i32
      %convert_element_type3A_14 = arith.extui %eq3A_13 : i1 to i32
      %cond3A_15 = arith.constant 0 : i32
      %cond3A_16 = arith.cmpi ne, %convert_element_type3A_14, %cond3A_15 : i32
      scf.if %cond3A_16 {
        "tpu.region"() ({
          %run_scoped3A = tpu.sem_alloc : memref<!tpu.dma_semaphore, #tpu.memory_space<semaphore_mem>>
          %dma_start3A_109 = arith.constant 9480 : i32
          %dma_start3A_110 = arith.constant 0 : i32
          %dma_start3A_111 = tpu.memref_slice %arg16[%dma_start3A_109, %dma_start3A_110] : memref<10016x128xf32, #tpu.memory_space<vmem_shared>> -> memref<520x128xf32, #tpu.memory_space<vmem_shared>>
          %dma_start3A_112 = arith.constant 9480 : i32
          %dma_start3A_113 = arith.constant 0 : i32
          %dma_start3A_114 = tpu.memref_slice %arg2[%dma_start3A_112, %dma_start3A_113] : memref<10000x128xf32, #tpu.memory_space<hbm>> -> memref<520x128xf32, #tpu.memory_space<hbm>>
          tpu.enqueue_dma source(%dma_start3A_114 : memref<520x128xf32, #tpu.memory_space<hbm>>) target(%dma_start3A_111 : memref<520x128xf32, #tpu.memory_space<vmem_shared>>) target_semaphore(%run_scoped3A : memref<!tpu.dma_semaphore, #tpu.memory_space<semaphore_mem>>)
          %dma_wait3A = arith.constant 9480 : i32
          %dma_wait3A_115 = arith.constant 0 : i32
          %dma_wait3A_116 = tpu.memref_slice %arg16[%dma_wait3A, %dma_wait3A_115] : memref<10016x128xf32, #tpu.memory_space<vmem_shared>> -> memref<520x128xf32, #tpu.memory_space<vmem_shared>>
          %dma_wait3A_117 = arith.constant 9480 : i32
          %dma_wait3A_118 = arith.constant 0 : i32
          %dma_wait3A_119 = tpu.memref_slice %arg2[%dma_wait3A_117, %dma_wait3A_118] : memref<10000x128xf32, #tpu.memory_space<hbm>> -> memref<520x128xf32, #tpu.memory_space<hbm>>
          tpu.wait_dma2 semaphore(%run_scoped3A : memref<!tpu.dma_semaphore, #tpu.memory_space<semaphore_mem>>) src(%dma_wait3A_119 : memref<520x128xf32, #tpu.memory_space<hbm>>) dst(%dma_wait3A_116 : memref<520x128xf32, #tpu.memory_space<vmem_shared>>)
          tpu.yield
        }) : () -> ()
      } else {
      }
      %barrier3A = arith.constant 0 : index
      tpu.barrier barrier_id(%barrier3A)
      "tpu.region"() ({
        %run_scoped3A = tpu.sem_alloc : memref<!tpu.dma_semaphore, #tpu.memory_space<semaphore_mem>>
        %dma_start3A_109 = arith.constant 0 : i32
        %dma_start3A_110 = arith.constant 0 : i32
        %dma_start3A_111 = tpu.memref_slice %arg12[%dma_start3A_109, %dma_start3A_110] : memref<64x80xi32, #tpu.memory_space<vmem>> -> memref<64x80xi32, #tpu.memory_space<vmem>>
        %dma_start3A_112 = arith.constant 0 : i32
        %dma_start3A_113 = arith.constant 0 : i32
        %dma_start3A_114 = tpu.memref_slice %arg6[%arg1, %dma_start3A_112, %dma_start3A_113] : memref<16x126x80xi32, #tpu.memory_space<hbm>> -> memref<1x126x80xi32, #tpu.memory_space<hbm>>
        %dma_start3A_115 = tpu.memref_squeeze %dma_start3A_114 : memref<1x126x80xi32, #tpu.memory_space<hbm>> -> memref<126x80xi32, #tpu.memory_space<hbm>>
        %dma_start3A_116 = arith.constant 0 : i32
        %dma_start3A_117 = arith.constant 0 : i32
        %dma_start3A_118 = tpu.memref_slice %dma_start3A_115[%dma_start3A_116, %dma_start3A_117] : memref<126x80xi32, #tpu.memory_space<hbm>> -> memref<64x80xi32, #tpu.memory_space<hbm>>
        %dma_start3A_119 = arith.constant 0 : i32
        %dma_start3A_120 = arith.constant 0 : i32
        %dma_start3A_121 = tpu.memref_slice %arg12[%dma_start3A_119, %dma_start3A_120] : memref<64x80xi32, #tpu.memory_space<vmem>> -> memref<64x80xi32, #tpu.memory_space<vmem>>
        %dma_start3A_122 = arith.constant 0 : i32
        %dma_start3A_123 = arith.constant 0 : i32
        %dma_start3A_124 = tpu.memref_slice %arg6[%arg1, %dma_start3A_122, %dma_start3A_123] : memref<16x126x80xi32, #tpu.memory_space<hbm>> -> memref<1x126x80xi32, #tpu.memory_space<hbm>>
        %dma_start3A_125 = tpu.memref_squeeze %dma_start3A_124 : memref<1x126x80xi32, #tpu.memory_space<hbm>> -> memref<126x80xi32, #tpu.memory_space<hbm>>
        %dma_start3A_126 = arith.constant 0 : i32
        %dma_start3A_127 = arith.constant 0 : i32
        %dma_start3A_128 = tpu.memref_slice %dma_start3A_125[%dma_start3A_126, %dma_start3A_127] : memref<126x80xi32, #tpu.memory_space<hbm>> -> memref<64x80xi32, #tpu.memory_space<hbm>>
        tpu.enqueue_dma source(%dma_start3A_128 : memref<64x80xi32, #tpu.memory_space<hbm>>) target(%dma_start3A_121 : memref<64x80xi32, #tpu.memory_space<vmem>>) target_semaphore(%run_scoped3A : memref<!tpu.dma_semaphore, #tpu.memory_space<semaphore_mem>>)
        %dma_wait3A = arith.constant 0 : i32
        %dma_wait3A_129 = arith.constant 0 : i32
        %dma_wait3A_130 = tpu.memref_slice %arg12[%dma_wait3A, %dma_wait3A_129] : memref<64x80xi32, #tpu.memory_space<vmem>> -> memref<64x80xi32, #tpu.memory_space<vmem>>
        %dma_wait3A_131 = arith.constant 0 : i32
        %dma_wait3A_132 = arith.constant 0 : i32
        %dma_wait3A_133 = tpu.memref_slice %arg6[%arg1, %dma_wait3A_131, %dma_wait3A_132] : memref<16x126x80xi32, #tpu.memory_space<hbm>> -> memref<1x126x80xi32, #tpu.memory_space<hbm>>
        %dma_wait3A_134 = tpu.memref_squeeze %dma_wait3A_133 : memref<1x126x80xi32, #tpu.memory_space<hbm>> -> memref<126x80xi32, #tpu.memory_space<hbm>>
        %dma_wait3A_135 = arith.constant 0 : i32
        %dma_wait3A_136 = arith.constant 0 : i32
        %dma_wait3A_137 = tpu.memref_slice %dma_wait3A_134[%dma_wait3A_135, %dma_wait3A_136] : memref<126x80xi32, #tpu.memory_space<hbm>> -> memref<64x80xi32, #tpu.memory_space<hbm>>
        %dma_wait3A_138 = arith.constant 0 : i32
        %dma_wait3A_139 = arith.constant 0 : i32
        %dma_wait3A_140 = tpu.memref_slice %arg12[%dma_wait3A_138, %dma_wait3A_139] : memref<64x80xi32, #tpu.memory_space<vmem>> -> memref<64x80xi32, #tpu.memory_space<vmem>>
        %dma_wait3A_141 = arith.constant 0 : i32
        %dma_wait3A_142 = arith.constant 0 : i32
        %dma_wait3A_143 = tpu.memref_slice %arg6[%arg1, %dma_wait3A_141, %dma_wait3A_142] : memref<16x126x80xi32, #tpu.memory_space<hbm>> -> memref<1x126x80xi32, #tpu.memory_space<hbm>>
        %dma_wait3A_144 = tpu.memref_squeeze %dma_wait3A_143 : memref<1x126x80xi32, #tpu.memory_space<hbm>> -> memref<126x80xi32, #tpu.memory_space<hbm>>
        %dma_wait3A_145 = arith.constant 0 : i32
        %dma_wait3A_146 = arith.constant 0 : i32
        %dma_wait3A_147 = tpu.memref_slice %dma_wait3A_144[%dma_wait3A_145, %dma_wait3A_146] : memref<126x80xi32, #tpu.memory_space<hbm>> -> memref<64x80xi32, #tpu.memory_space<hbm>>
        tpu.wait_dma2 semaphore(%run_scoped3A : memref<!tpu.dma_semaphore, #tpu.memory_space<semaphore_mem>>) src(%dma_wait3A_147 : memref<64x80xi32, #tpu.memory_space<hbm>>) dst(%dma_wait3A_140 : memref<64x80xi32, #tpu.memory_space<vmem>>)
        tpu.yield
      }) : () -> ()
      "tpu.region"() ({
        %run_scoped3A = tpu.sem_alloc : memref<!tpu.dma_semaphore, #tpu.memory_space<semaphore_mem>>
        %dma_start3A_109 = arith.constant 0 : i32
        %dma_start3A_110 = arith.constant 0 : i32
        %dma_start3A_111 = tpu.memref_slice %arg13[%dma_start3A_109, %dma_start3A_110] : memref<64x80xi32, #tpu.memory_space<vmem>> -> memref<64x80xi32, #tpu.memory_space<vmem>>
        %dma_start3A_112 = arith.constant 0 : i32
        %dma_start3A_113 = arith.constant 0 : i32
        %dma_start3A_114 = tpu.memref_slice %arg7[%arg1, %dma_start3A_112, %dma_start3A_113] : memref<16x126x80xi32, #tpu.memory_space<hbm>> -> memref<1x126x80xi32, #tpu.memory_space<hbm>>
        %dma_start3A_115 = tpu.memref_squeeze %dma_start3A_114 : memref<1x126x80xi32, #tpu.memory_space<hbm>> -> memref<126x80xi32, #tpu.memory_space<hbm>>
        %dma_start3A_116 = arith.constant 0 : i32
        %dma_start3A_117 = arith.constant 0 : i32
        %dma_start3A_118 = tpu.memref_slice %dma_start3A_115[%dma_start3A_116, %dma_start3A_117] : memref<126x80xi32, #tpu.memory_space<hbm>> -> memref<64x80xi32, #tpu.memory_space<hbm>>
        %dma_start3A_119 = arith.constant 0 : i32
        %dma_start3A_120 = arith.constant 0 : i32
        %dma_start3A_121 = tpu.memref_slice %arg13[%dma_start3A_119, %dma_start3A_120] : memref<64x80xi32, #tpu.memory_space<vmem>> -> memref<64x80xi32, #tpu.memory_space<vmem>>
        %dma_start3A_122 = arith.constant 0 : i32
        %dma_start3A_123 = arith.constant 0 : i32
        %dma_start3A_124 = tpu.memref_slice %arg7[%arg1, %dma_start3A_122, %dma_start3A_123] : memref<16x126x80xi32, #tpu.memory_space<hbm>> -> memref<1x126x80xi32, #tpu.memory_space<hbm>>
        %dma_start3A_125 = tpu.memref_squeeze %dma_start3A_124 : memref<1x126x80xi32, #tpu.memory_space<hbm>> -> memref<126x80xi32, #tpu.memory_space<hbm>>
        %dma_start3A_126 = arith.constant 0 : i32
        %dma_start3A_127 = arith.constant 0 : i32
        %dma_start3A_128 = tpu.memref_slice %dma_start3A_125[%dma_start3A_126, %dma_start3A_127] : memref<126x80xi32, #tpu.memory_space<hbm>> -> memref<64x80xi32, #tpu.memory_space<hbm>>
        tpu.enqueue_dma source(%dma_start3A_128 : memref<64x80xi32, #tpu.memory_space<hbm>>) target(%dma_start3A_121 : memref<64x80xi32, #tpu.memory_space<vmem>>) target_semaphore(%run_scoped3A : memref<!tpu.dma_semaphore, #tpu.memory_space<semaphore_mem>>)
        %dma_wait3A = arith.constant 0 : i32
        %dma_wait3A_129 = arith.constant 0 : i32
        %dma_wait3A_130 = tpu.memref_slice %arg13[%dma_wait3A, %dma_wait3A_129] : memref<64x80xi32, #tpu.memory_space<vmem>> -> memref<64x80xi32, #tpu.memory_space<vmem>>
        %dma_wait3A_131 = arith.constant 0 : i32
        %dma_wait3A_132 = arith.constant 0 : i32
        %dma_wait3A_133 = tpu.memref_slice %arg7[%arg1, %dma_wait3A_131, %dma_wait3A_132] : memref<16x126x80xi32, #tpu.memory_space<hbm>> -> memref<1x126x80xi32, #tpu.memory_space<hbm>>
        %dma_wait3A_134 = tpu.memref_squeeze %dma_wait3A_133 : memref<1x126x80xi32, #tpu.memory_space<hbm>> -> memref<126x80xi32, #tpu.memory_space<hbm>>
        %dma_wait3A_135 = arith.constant 0 : i32
        %dma_wait3A_136 = arith.constant 0 : i32
        %dma_wait3A_137 = tpu.memref_slice %dma_wait3A_134[%dma_wait3A_135, %dma_wait3A_136] : memref<126x80xi32, #tpu.memory_space<hbm>> -> memref<64x80xi32, #tpu.memory_space<hbm>>
        %dma_wait3A_138 = arith.constant 0 : i32
        %dma_wait3A_139 = arith.constant 0 : i32
        %dma_wait3A_140 = tpu.memref_slice %arg13[%dma_wait3A_138, %dma_wait3A_139] : memref<64x80xi32, #tpu.memory_space<vmem>> -> memref<64x80xi32, #tpu.memory_space<vmem>>
        %dma_wait3A_141 = arith.constant 0 : i32
        %dma_wait3A_142 = arith.constant 0 : i32
        %dma_wait3A_143 = tpu.memref_slice %arg7[%arg1, %dma_wait3A_141, %dma_wait3A_142] : memref<16x126x80xi32, #tpu.memory_space<hbm>> -> memref<1x126x80xi32, #tpu.memory_space<hbm>>
        %dma_wait3A_144 = tpu.memref_squeeze %dma_wait3A_143 : memref<1x126x80xi32, #tpu.memory_space<hbm>> -> memref<126x80xi32, #tpu.memory_space<hbm>>
        %dma_wait3A_145 = arith.constant 0 : i32
        %dma_wait3A_146 = arith.constant 0 : i32
        %dma_wait3A_147 = tpu.memref_slice %dma_wait3A_144[%dma_wait3A_145, %dma_wait3A_146] : memref<126x80xi32, #tpu.memory_space<hbm>> -> memref<64x80xi32, #tpu.memory_space<hbm>>
        tpu.wait_dma2 semaphore(%run_scoped3A : memref<!tpu.dma_semaphore, #tpu.memory_space<semaphore_mem>>) src(%dma_wait3A_147 : memref<64x80xi32, #tpu.memory_space<hbm>>) dst(%dma_wait3A_140 : memref<64x80xi32, #tpu.memory_space<vmem>>)
        tpu.yield
      }) : () -> ()
      %dma_start3A = arith.constant 0 : i32
      %dma_start3A_17 = arith.constant 0 : i32
      %dma_start3A_18 = tpu.memref_slice %arg12[%dma_start3A, %dma_start3A_17] : memref<64x80xi32, #tpu.memory_space<vmem>> -> memref<1x80xi32, #tpu.memory_space<vmem>>
      %dma_start3A_19 = tpu.memref_squeeze %dma_start3A_18 : memref<1x80xi32, #tpu.memory_space<vmem>> -> memref<80xi32, #tpu.memory_space<vmem>>
      %dma_start3A_20 = arith.constant 0 : i32
      %dma_start3A_21 = arith.constant 0 : i32
      %dma_start3A_22 = tpu.memref_slice %arg2[%dma_start3A_20, %dma_start3A_21] : memref<10000x128xf32, #tpu.memory_space<hbm>> -> memref<10000x128xf32, #tpu.memory_space<hbm>>
      tpu.enqueue_indirect_dma source(%dma_start3A_22 : memref<10000x128xf32, #tpu.memory_space<hbm>>) target(%arg14 : memref<80x128xf32, #tpu.memory_space<vmem>>) offsets(%dma_start3A_19 : memref<80xi32, #tpu.memory_space<vmem>>) semaphore(%arg17 : memref<!tpu.dma_semaphore, #tpu.memory_space<semaphore_mem>>)
      %scan3A = arith.constant 0 : i32
      %scan3A_23 = arith.constant 0 : i32
      %scan3A_24 = arith.constant 32 : i32
      %scan3A_25 = arith.addi %scan3A_23, %scan3A_24 : i32
      %scan3A_26 = arith.constant 1 : i32
      scf.for %scan3A_109 = %scan3A_23 to %scan3A_25 step %scan3A_26  : i32 {
        %mul3A_110 = arith.constant 2 : i32
        %mul3A_111 = arith.muli %mul3A_110, %scan3A_109 : i32
        %dma_wait3A = arith.constant 0 : i32
        %dma_wait3A_112 = arith.constant 0 : i32
        %dma_wait3A_113 = tpu.memref_slice %arg12[%dma_wait3A, %dma_wait3A_112] : memref<64x80xi32, #tpu.memory_space<vmem>> -> memref<1x80xi32, #tpu.memory_space<vmem>>
        %dma_wait3A_114 = tpu.memref_squeeze %dma_wait3A_113 : memref<1x80xi32, #tpu.memory_space<vmem>> -> memref<80xi32, #tpu.memory_space<vmem>>
        %dma_wait3A_115 = arith.constant 0 : i32
        %dma_wait3A_116 = arith.constant 0 : i32
        %dma_wait3A_117 = tpu.memref_slice %arg2[%dma_wait3A_115, %dma_wait3A_116] : memref<10000x128xf32, #tpu.memory_space<hbm>> -> memref<10000x128xf32, #tpu.memory_space<hbm>>
        tpu.wait_indirect_dma semaphore(%arg17 : memref<!tpu.dma_semaphore, #tpu.memory_space<semaphore_mem>>) src(%dma_wait3A_117 : memref<10000x128xf32, #tpu.memory_space<hbm>>) dst(%arg14 : memref<80x128xf32, #tpu.memory_space<vmem>>)
        %add3A = arith.constant 1 : i32
        %add3A_118 = arith.addi %mul3A_111, %add3A : i32
        %dma_start3A_119 = arith.constant 0 : i32
        %dma_start3A_120 = tpu.memref_slice %arg12[%add3A_118, %dma_start3A_119] : memref<64x80xi32, #tpu.memory_space<vmem>> -> memref<1x80xi32, #tpu.memory_space<vmem>>
        %dma_start3A_121 = tpu.memref_squeeze %dma_start3A_120 : memref<1x80xi32, #tpu.memory_space<vmem>> -> memref<80xi32, #tpu.memory_space<vmem>>
        %dma_start3A_122 = arith.constant 0 : i32
        %dma_start3A_123 = arith.constant 0 : i32
        %dma_start3A_124 = tpu.memref_slice %arg2[%dma_start3A_122, %dma_start3A_123] : memref<10000x128xf32, #tpu.memory_space<hbm>> -> memref<10000x128xf32, #tpu.memory_space<hbm>>
        tpu.enqueue_indirect_dma source(%dma_start3A_124 : memref<10000x128xf32, #tpu.memory_space<hbm>>) target(%arg15 : memref<80x128xf32, #tpu.memory_space<vmem>>) offsets(%dma_start3A_121 : memref<80xi32, #tpu.memory_space<vmem>>) semaphore(%arg18 : memref<!tpu.dma_semaphore, #tpu.memory_space<semaphore_mem>>)
        "tpu.region"() ({
          %run_scoped3A = tpu.sem_alloc : memref<!tpu.dma_semaphore, #tpu.memory_space<semaphore_mem>>
          %dma_start3A_141 = arith.constant 0 : i32
          %dma_start3A_142 = tpu.memref_slice %arg13[%mul3A_111, %dma_start3A_141] : memref<64x80xi32, #tpu.memory_space<vmem>> -> memref<1x80xi32, #tpu.memory_space<vmem>>
          %dma_start3A_143 = tpu.memref_squeeze %dma_start3A_142 : memref<1x80xi32, #tpu.memory_space<vmem>> -> memref<80xi32, #tpu.memory_space<vmem>>
          %dma_start3A_144 = arith.constant 0 : i32
          %dma_start3A_145 = arith.constant 0 : i32
          %dma_start3A_146 = tpu.memref_slice %arg16[%dma_start3A_144, %dma_start3A_145] : memref<10016x128xf32, #tpu.memory_space<vmem_shared>> -> memref<10016x128xf32, #tpu.memory_space<vmem_shared>>
          tpu.enqueue_indirect_dma source(%arg14 : memref<80x128xf32, #tpu.memory_space<vmem>>) target(%dma_start3A_146 : memref<10016x128xf32, #tpu.memory_space<vmem_shared>>) offsets(%dma_start3A_143 : memref<80xi32, #tpu.memory_space<vmem>>) semaphore(%run_scoped3A : memref<!tpu.dma_semaphore, #tpu.memory_space<semaphore_mem>>) {add = true}
          %dma_wait3A_147 = arith.constant 0 : i32
          %dma_wait3A_148 = tpu.memref_slice %arg13[%mul3A_111, %dma_wait3A_147] : memref<64x80xi32, #tpu.memory_space<vmem>> -> memref<1x80xi32, #tpu.memory_space<vmem>>
          %dma_wait3A_149 = tpu.memref_squeeze %dma_wait3A_148 : memref<1x80xi32, #tpu.memory_space<vmem>> -> memref<80xi32, #tpu.memory_space<vmem>>
          %dma_wait3A_150 = arith.constant 0 : i32
          %dma_wait3A_151 = arith.constant 0 : i32
          %dma_wait3A_152 = tpu.memref_slice %arg16[%dma_wait3A_150, %dma_wait3A_151] : memref<10016x128xf32, #tpu.memory_space<vmem_shared>> -> memref<10016x128xf32, #tpu.memory_space<vmem_shared>>
          tpu.wait_indirect_dma semaphore(%run_scoped3A : memref<!tpu.dma_semaphore, #tpu.memory_space<semaphore_mem>>) src(%arg14 : memref<80x128xf32, #tpu.memory_space<vmem>>) dst(%dma_wait3A_152 : memref<10016x128xf32, #tpu.memory_space<vmem_shared>>)
          tpu.yield
        }) : () -> ()
        %dma_wait3A_125 = arith.constant 0 : i32
        %dma_wait3A_126 = arith.constant 0 : i32
        %dma_wait3A_127 = tpu.memref_slice %arg12[%dma_wait3A_125, %dma_wait3A_126] : memref<64x80xi32, #tpu.memory_space<vmem>> -> memref<1x80xi32, #tpu.memory_space<vmem>>
        %dma_wait3A_128 = tpu.memref_squeeze %dma_wait3A_127 : memref<1x80xi32, #tpu.memory_space<vmem>> -> memref<80xi32, #tpu.memory_space<vmem>>
        %dma_wait3A_129 = arith.constant 0 : i32
        %dma_wait3A_130 = arith.constant 0 : i32
        %dma_wait3A_131 = tpu.memref_slice %arg2[%dma_wait3A_129, %dma_wait3A_130] : memref<10000x128xf32, #tpu.memory_space<hbm>> -> memref<10000x128xf32, #tpu.memory_space<hbm>>
        tpu.wait_indirect_dma semaphore(%arg18 : memref<!tpu.dma_semaphore, #tpu.memory_space<semaphore_mem>>) src(%dma_wait3A_131 : memref<10000x128xf32, #tpu.memory_space<hbm>>) dst(%arg15 : memref<80x128xf32, #tpu.memory_space<vmem>>)
        %add3A_132 = arith.constant 2 : i32
        %add3A_133 = arith.addi %mul3A_111, %add3A_132 : i32
        %lt3A_134 = arith.constant 64 : i32
        %lt3A_135 = arith.cmpi slt, %add3A_133, %lt3A_134 : i32
        %convert_element_type3A_136 = arith.extui %lt3A_135 : i1 to i32
        %cond3A_137 = arith.constant 0 : i32
        %cond3A_138 = arith.cmpi ne, %convert_element_type3A_136, %cond3A_137 : i32
        scf.if %cond3A_138 {
          %add3A_141 = arith.constant 2 : i32
          %add3A_142 = arith.addi %mul3A_111, %add3A_141 : i32
          %dma_start3A_143 = arith.constant 0 : i32
          %dma_start3A_144 = tpu.memref_slice %arg12[%add3A_142, %dma_start3A_143] : memref<64x80xi32, #tpu.memory_space<vmem>> -> memref<1x80xi32, #tpu.memory_space<vmem>>
          %dma_start3A_145 = tpu.memref_squeeze %dma_start3A_144 : memref<1x80xi32, #tpu.memory_space<vmem>> -> memref<80xi32, #tpu.memory_space<vmem>>
          %dma_start3A_146 = arith.constant 0 : i32
          %dma_start3A_147 = arith.constant 0 : i32
          %dma_start3A_148 = tpu.memref_slice %arg2[%dma_start3A_146, %dma_start3A_147] : memref<10000x128xf32, #tpu.memory_space<hbm>> -> memref<10000x128xf32, #tpu.memory_space<hbm>>
          tpu.enqueue_indirect_dma source(%dma_start3A_148 : memref<10000x128xf32, #tpu.memory_space<hbm>>) target(%arg14 : memref<80x128xf32, #tpu.memory_space<vmem>>) offsets(%dma_start3A_145 : memref<80xi32, #tpu.memory_space<vmem>>) semaphore(%arg17 : memref<!tpu.dma_semaphore, #tpu.memory_space<semaphore_mem>>)
        } else {
        }
        %add3A_139 = arith.constant 1 : i32
        %add3A_140 = arith.addi %mul3A_111, %add3A_139 : i32
        "tpu.region"() ({
          %run_scoped3A = tpu.sem_alloc : memref<!tpu.dma_semaphore, #tpu.memory_space<semaphore_mem>>
          %dma_start3A_141 = arith.constant 0 : i32
          %dma_start3A_142 = tpu.memref_slice %arg13[%add3A_140, %dma_start3A_141] : memref<64x80xi32, #tpu.memory_space<vmem>> -> memref<1x80xi32, #tpu.memory_space<vmem>>
          %dma_start3A_143 = tpu.memref_squeeze %dma_start3A_142 : memref<1x80xi32, #tpu.memory_space<vmem>> -> memref<80xi32, #tpu.memory_space<vmem>>
          %dma_start3A_144 = arith.constant 0 : i32
          %dma_start3A_145 = arith.constant 0 : i32
          %dma_start3A_146 = tpu.memref_slice %arg16[%dma_start3A_144, %dma_start3A_145] : memref<10016x128xf32, #tpu.memory_space<vmem_shared>> -> memref<10016x128xf32, #tpu.memory_space<vmem_shared>>
          tpu.enqueue_indirect_dma source(%arg15 : memref<80x128xf32, #tpu.memory_space<vmem>>) target(%dma_start3A_146 : memref<10016x128xf32, #tpu.memory_space<vmem_shared>>) offsets(%dma_start3A_143 : memref<80xi32, #tpu.memory_space<vmem>>) semaphore(%run_scoped3A : memref<!tpu.dma_semaphore, #tpu.memory_space<semaphore_mem>>) {add = true}
          %dma_wait3A_147 = arith.constant 0 : i32
          %dma_wait3A_148 = tpu.memref_slice %arg13[%add3A_140, %dma_wait3A_147] : memref<64x80xi32, #tpu.memory_space<vmem>> -> memref<1x80xi32, #tpu.memory_space<vmem>>
          %dma_wait3A_149 = tpu.memref_squeeze %dma_wait3A_148 : memref<1x80xi32, #tpu.memory_space<vmem>> -> memref<80xi32, #tpu.memory_space<vmem>>
          %dma_wait3A_150 = arith.constant 0 : i32
          %dma_wait3A_151 = arith.constant 0 : i32
          %dma_wait3A_152 = tpu.memref_slice %arg16[%dma_wait3A_150, %dma_wait3A_151] : memref<10016x128xf32, #tpu.memory_space<vmem_shared>> -> memref<10016x128xf32, #tpu.memory_space<vmem_shared>>
          tpu.wait_indirect_dma semaphore(%run_scoped3A : memref<!tpu.dma_semaphore, #tpu.memory_space<semaphore_mem>>) src(%arg15 : memref<80x128xf32, #tpu.memory_space<vmem>>) dst(%dma_wait3A_152 : memref<10016x128xf32, #tpu.memory_space<vmem_shared>>)
          tpu.yield
        }) : () -> ()
      }
      %scan3A_27 = arith.constant 32 : i32
      "tpu.region"() ({
        %run_scoped3A = tpu.sem_alloc : memref<!tpu.dma_semaphore, #tpu.memory_space<semaphore_mem>>
        %dma_start3A_109 = arith.constant 0 : i32
        %dma_start3A_110 = arith.constant 0 : i32
        %dma_start3A_111 = tpu.memref_slice %arg12[%dma_start3A_109, %dma_start3A_110] : memref<64x80xi32, #tpu.memory_space<vmem>> -> memref<62x80xi32, #tpu.memory_space<vmem>>
        %dma_start3A_112 = arith.constant 0 : i32
        %dma_start3A_113 = arith.constant 0 : i32
        %dma_start3A_114 = tpu.memref_slice %arg6[%arg1, %dma_start3A_112, %dma_start3A_113] : memref<16x126x80xi32, #tpu.memory_space<hbm>> -> memref<1x126x80xi32, #tpu.memory_space<hbm>>
        %dma_start3A_115 = tpu.memref_squeeze %dma_start3A_114 : memref<1x126x80xi32, #tpu.memory_space<hbm>> -> memref<126x80xi32, #tpu.memory_space<hbm>>
        %dma_start3A_116 = arith.constant 64 : i32
        %dma_start3A_117 = arith.constant 0 : i32
        %dma_start3A_118 = tpu.memref_slice %dma_start3A_115[%dma_start3A_116, %dma_start3A_117] : memref<126x80xi32, #tpu.memory_space<hbm>> -> memref<62x80xi32, #tpu.memory_space<hbm>>
        %dma_start3A_119 = arith.constant 0 : i32
        %dma_start3A_120 = arith.constant 0 : i32
        %dma_start3A_121 = tpu.memref_slice %arg12[%dma_start3A_119, %dma_start3A_120] : memref<64x80xi32, #tpu.memory_space<vmem>> -> memref<62x80xi32, #tpu.memory_space<vmem>>
        %dma_start3A_122 = arith.constant 0 : i32
        %dma_start3A_123 = arith.constant 0 : i32
        %dma_start3A_124 = tpu.memref_slice %arg6[%arg1, %dma_start3A_122, %dma_start3A_123] : memref<16x126x80xi32, #tpu.memory_space<hbm>> -> memref<1x126x80xi32, #tpu.memory_space<hbm>>
        %dma_start3A_125 = tpu.memref_squeeze %dma_start3A_124 : memref<1x126x80xi32, #tpu.memory_space<hbm>> -> memref<126x80xi32, #tpu.memory_space<hbm>>
        %dma_start3A_126 = arith.constant 64 : i32
        %dma_start3A_127 = arith.constant 0 : i32
        %dma_start3A_128 = tpu.memref_slice %dma_start3A_125[%dma_start3A_126, %dma_start3A_127] : memref<126x80xi32, #tpu.memory_space<hbm>> -> memref<62x80xi32, #tpu.memory_space<hbm>>
        tpu.enqueue_dma source(%dma_start3A_128 : memref<62x80xi32, #tpu.memory_space<hbm>>) target(%dma_start3A_121 : memref<62x80xi32, #tpu.memory_space<vmem>>) target_semaphore(%run_scoped3A : memref<!tpu.dma_semaphore, #tpu.memory_space<semaphore_mem>>)
        %dma_wait3A = arith.constant 0 : i32
        %dma_wait3A_129 = arith.constant 0 : i32
        %dma_wait3A_130 = tpu.memref_slice %arg12[%dma_wait3A, %dma_wait3A_129] : memref<64x80xi32, #tpu.memory_space<vmem>> -> memref<62x80xi32, #tpu.memory_space<vmem>>
        %dma_wait3A_131 = arith.constant 0 : i32
        %dma_wait3A_132 = arith.constant 0 : i32
        %dma_wait3A_133 = tpu.memref_slice %arg6[%arg1, %dma_wait3A_131, %dma_wait3A_132] : memref<16x126x80xi32, #tpu.memory_space<hbm>> -> memref<1x126x80xi32, #tpu.memory_space<hbm>>
        %dma_wait3A_134 = tpu.memref_squeeze %dma_wait3A_133 : memref<1x126x80xi32, #tpu.memory_space<hbm>> -> memref<126x80xi32, #tpu.memory_space<hbm>>
        %dma_wait3A_135 = arith.constant 64 : i32
        %dma_wait3A_136 = arith.constant 0 : i32
        %dma_wait3A_137 = tpu.memref_slice %dma_wait3A_134[%dma_wait3A_135, %dma_wait3A_136] : memref<126x80xi32, #tpu.memory_space<hbm>> -> memref<62x80xi32, #tpu.memory_space<hbm>>
        %dma_wait3A_138 = arith.constant 0 : i32
        %dma_wait3A_139 = arith.constant 0 : i32
        %dma_wait3A_140 = tpu.memref_slice %arg12[%dma_wait3A_138, %dma_wait3A_139] : memref<64x80xi32, #tpu.memory_space<vmem>> -> memref<62x80xi32, #tpu.memory_space<vmem>>
        %dma_wait3A_141 = arith.constant 0 : i32
        %dma_wait3A_142 = arith.constant 0 : i32
        %dma_wait3A_143 = tpu.memref_slice %arg6[%arg1, %dma_wait3A_141, %dma_wait3A_142] : memref<16x126x80xi32, #tpu.memory_space<hbm>> -> memref<1x126x80xi32, #tpu.memory_space<hbm>>
        %dma_wait3A_144 = tpu.memref_squeeze %dma_wait3A_143 : memref<1x126x80xi32, #tpu.memory_space<hbm>> -> memref<126x80xi32, #tpu.memory_space<hbm>>
        %dma_wait3A_145 = arith.constant 64 : i32
        %dma_wait3A_146 = arith.constant 0 : i32
        %dma_wait3A_147 = tpu.memref_slice %dma_wait3A_144[%dma_wait3A_145, %dma_wait3A_146] : memref<126x80xi32, #tpu.memory_space<hbm>> -> memref<62x80xi32, #tpu.memory_space<hbm>>
        tpu.wait_dma2 semaphore(%run_scoped3A : memref<!tpu.dma_semaphore, #tpu.memory_space<semaphore_mem>>) src(%dma_wait3A_147 : memref<62x80xi32, #tpu.memory_space<hbm>>) dst(%dma_wait3A_140 : memref<62x80xi32, #tpu.memory_space<vmem>>)
        tpu.yield
      }) : () -> ()
      "tpu.region"() ({
        %run_scoped3A = tpu.sem_alloc : memref<!tpu.dma_semaphore, #tpu.memory_space<semaphore_mem>>
        %dma_start3A_109 = arith.constant 0 : i32
        %dma_start3A_110 = arith.constant 0 : i32
        %dma_start3A_111 = tpu.memref_slice %arg13[%dma_start3A_109, %dma_start3A_110] : memref<64x80xi32, #tpu.memory_space<vmem>> -> memref<62x80xi32, #tpu.memory_space<vmem>>
        %dma_start3A_112 = arith.constant 0 : i32
        %dma_start3A_113 = arith.constant 0 : i32
        %dma_start3A_114 = tpu.memref_slice %arg7[%arg1, %dma_start3A_112, %dma_start3A_113] : memref<16x126x80xi32, #tpu.memory_space<hbm>> -> memref<1x126x80xi32, #tpu.memory_space<hbm>>
        %dma_start3A_115 = tpu.memref_squeeze %dma_start3A_114 : memref<1x126x80xi32, #tpu.memory_space<hbm>> -> memref<126x80xi32, #tpu.memory_space<hbm>>
        %dma_start3A_116 = arith.constant 64 : i32
        %dma_start3A_117 = arith.constant 0 : i32
        %dma_start3A_118 = tpu.memref_slice %dma_start3A_115[%dma_start3A_116, %dma_start3A_117] : memref<126x80xi32, #tpu.memory_space<hbm>> -> memref<62x80xi32, #tpu.memory_space<hbm>>
        %dma_start3A_119 = arith.constant 0 : i32
        %dma_start3A_120 = arith.constant 0 : i32
        %dma_start3A_121 = tpu.memref_slice %arg13[%dma_start3A_119, %dma_start3A_120] : memref<64x80xi32, #tpu.memory_space<vmem>> -> memref<62x80xi32, #tpu.memory_space<vmem>>
        %dma_start3A_122 = arith.constant 0 : i32
        %dma_start3A_123 = arith.constant 0 : i32
        %dma_start3A_124 = tpu.memref_slice %arg7[%arg1, %dma_start3A_122, %dma_start3A_123] : memref<16x126x80xi32, #tpu.memory_space<hbm>> -> memref<1x126x80xi32, #tpu.memory_space<hbm>>
        %dma_start3A_125 = tpu.memref_squeeze %dma_start3A_124 : memref<1x126x80xi32, #tpu.memory_space<hbm>> -> memref<126x80xi32, #tpu.memory_space<hbm>>
        %dma_start3A_126 = arith.constant 64 : i32
        %dma_start3A_127 = arith.constant 0 : i32
        %dma_start3A_128 = tpu.memref_slice %dma_start3A_125[%dma_start3A_126, %dma_start3A_127] : memref<126x80xi32, #tpu.memory_space<hbm>> -> memref<62x80xi32, #tpu.memory_space<hbm>>
        tpu.enqueue_dma source(%dma_start3A_128 : memref<62x80xi32, #tpu.memory_space<hbm>>) target(%dma_start3A_121 : memref<62x80xi32, #tpu.memory_space<vmem>>) target_semaphore(%run_scoped3A : memref<!tpu.dma_semaphore, #tpu.memory_space<semaphore_mem>>)
        %dma_wait3A = arith.constant 0 : i32
        %dma_wait3A_129 = arith.constant 0 : i32
        %dma_wait3A_130 = tpu.memref_slice %arg13[%dma_wait3A, %dma_wait3A_129] : memref<64x80xi32, #tpu.memory_space<vmem>> -> memref<62x80xi32, #tpu.memory_space<vmem>>
        %dma_wait3A_131 = arith.constant 0 : i32
        %dma_wait3A_132 = arith.constant 0 : i32
        %dma_wait3A_133 = tpu.memref_slice %arg7[%arg1, %dma_wait3A_131, %dma_wait3A_132] : memref<16x126x80xi32, #tpu.memory_space<hbm>> -> memref<1x126x80xi32, #tpu.memory_space<hbm>>
        %dma_wait3A_134 = tpu.memref_squeeze %dma_wait3A_133 : memref<1x126x80xi32, #tpu.memory_space<hbm>> -> memref<126x80xi32, #tpu.memory_space<hbm>>
        %dma_wait3A_135 = arith.constant 64 : i32
        %dma_wait3A_136 = arith.constant 0 : i32
        %dma_wait3A_137 = tpu.memref_slice %dma_wait3A_134[%dma_wait3A_135, %dma_wait3A_136] : memref<126x80xi32, #tpu.memory_space<hbm>> -> memref<62x80xi32, #tpu.memory_space<hbm>>
        %dma_wait3A_138 = arith.constant 0 : i32
        %dma_wait3A_139 = arith.constant 0 : i32
        %dma_wait3A_140 = tpu.memref_slice %arg13[%dma_wait3A_138, %dma_wait3A_139] : memref<64x80xi32, #tpu.memory_space<vmem>> -> memref<62x80xi32, #tpu.memory_space<vmem>>
        %dma_wait3A_141 = arith.constant 0 : i32
        %dma_wait3A_142 = arith.constant 0 : i32
        %dma_wait3A_143 = tpu.memref_slice %arg7[%arg1, %dma_wait3A_141, %dma_wait3A_142] : memref<16x126x80xi32, #tpu.memory_space<hbm>> -> memref<1x126x80xi32, #tpu.memory_space<hbm>>
        %dma_wait3A_144 = tpu.memref_squeeze %dma_wait3A_143 : memref<1x126x80xi32, #tpu.memory_space<hbm>> -> memref<126x80xi32, #tpu.memory_space<hbm>>
        %dma_wait3A_145 = arith.constant 64 : i32
        %dma_wait3A_146 = arith.constant 0 : i32
        %dma_wait3A_147 = tpu.memref_slice %dma_wait3A_144[%dma_wait3A_145, %dma_wait3A_146] : memref<126x80xi32, #tpu.memory_space<hbm>> -> memref<62x80xi32, #tpu.memory_space<hbm>>
        tpu.wait_dma2 semaphore(%run_scoped3A : memref<!tpu.dma_semaphore, #tpu.memory_space<semaphore_mem>>) src(%dma_wait3A_147 : memref<62x80xi32, #tpu.memory_space<hbm>>) dst(%dma_wait3A_140 : memref<62x80xi32, #tpu.memory_space<vmem>>)
        tpu.yield
      }) : () -> ()
      %dma_start3A_28 = arith.constant 0 : i32
      %dma_start3A_29 = arith.constant 0 : i32
      %dma_start3A_30 = tpu.memref_slice %arg12[%dma_start3A_28, %dma_start3A_29] : memref<64x80xi32, #tpu.memory_space<vmem>> -> memref<1x80xi32, #tpu.memory_space<vmem>>
      %dma_start3A_31 = tpu.memref_squeeze %dma_start3A_30 : memref<1x80xi32, #tpu.memory_space<vmem>> -> memref<80xi32, #tpu.memory_space<vmem>>
      %dma_start3A_32 = arith.constant 0 : i32
      %dma_start3A_33 = arith.constant 0 : i32
      %dma_start3A_34 = tpu.memref_slice %arg2[%dma_start3A_32, %dma_start3A_33] : memref<10000x128xf32, #tpu.memory_space<hbm>> -> memref<10000x128xf32, #tpu.memory_space<hbm>>
      tpu.enqueue_indirect_dma source(%dma_start3A_34 : memref<10000x128xf32, #tpu.memory_space<hbm>>) target(%arg14 : memref<80x128xf32, #tpu.memory_space<vmem>>) offsets(%dma_start3A_31 : memref<80xi32, #tpu.memory_space<vmem>>) semaphore(%arg17 : memref<!tpu.dma_semaphore, #tpu.memory_space<semaphore_mem>>)
      %scan3A_35 = arith.constant 0 : i32
      %scan3A_36 = arith.constant 0 : i32
      %scan3A_37 = arith.constant 31 : i32
      %scan3A_38 = arith.addi %scan3A_36, %scan3A_37 : i32
      %scan3A_39 = arith.constant 1 : i32
      scf.for %scan3A_109 = %scan3A_36 to %scan3A_38 step %scan3A_39  : i32 {
        %mul3A_110 = arith.constant 2 : i32
        %mul3A_111 = arith.muli %mul3A_110, %scan3A_109 : i32
        %dma_wait3A = arith.constant 0 : i32
        %dma_wait3A_112 = arith.constant 0 : i32
        %dma_wait3A_113 = tpu.memref_slice %arg12[%dma_wait3A, %dma_wait3A_112] : memref<64x80xi32, #tpu.memory_space<vmem>> -> memref<1x80xi32, #tpu.memory_space<vmem>>
        %dma_wait3A_114 = tpu.memref_squeeze %dma_wait3A_113 : memref<1x80xi32, #tpu.memory_space<vmem>> -> memref<80xi32, #tpu.memory_space<vmem>>
        %dma_wait3A_115 = arith.constant 0 : i32
        %dma_wait3A_116 = arith.constant 0 : i32
        %dma_wait3A_117 = tpu.memref_slice %arg2[%dma_wait3A_115, %dma_wait3A_116] : memref<10000x128xf32, #tpu.memory_space<hbm>> -> memref<10000x128xf32, #tpu.memory_space<hbm>>
        tpu.wait_indirect_dma semaphore(%arg17 : memref<!tpu.dma_semaphore, #tpu.memory_space<semaphore_mem>>) src(%dma_wait3A_117 : memref<10000x128xf32, #tpu.memory_space<hbm>>) dst(%arg14 : memref<80x128xf32, #tpu.memory_space<vmem>>)
        %add3A = arith.constant 1 : i32
        %add3A_118 = arith.addi %mul3A_111, %add3A : i32
        %dma_start3A_119 = arith.constant 0 : i32
        %dma_start3A_120 = tpu.memref_slice %arg12[%add3A_118, %dma_start3A_119] : memref<64x80xi32, #tpu.memory_space<vmem>> -> memref<1x80xi32, #tpu.memory_space<vmem>>
        %dma_start3A_121 = tpu.memref_squeeze %dma_start3A_120 : memref<1x80xi32, #tpu.memory_space<vmem>> -> memref<80xi32, #tpu.memory_space<vmem>>
        %dma_start3A_122 = arith.constant 0 : i32
        %dma_start3A_123 = arith.constant 0 : i32
        %dma_start3A_124 = tpu.memref_slice %arg2[%dma_start3A_122, %dma_start3A_123] : memref<10000x128xf32, #tpu.memory_space<hbm>> -> memref<10000x128xf32, #tpu.memory_space<hbm>>
        tpu.enqueue_indirect_dma source(%dma_start3A_124 : memref<10000x128xf32, #tpu.memory_space<hbm>>) target(%arg15 : memref<80x128xf32, #tpu.memory_space<vmem>>) offsets(%dma_start3A_121 : memref<80xi32, #tpu.memory_space<vmem>>) semaphore(%arg18 : memref<!tpu.dma_semaphore, #tpu.memory_space<semaphore_mem>>)
        "tpu.region"() ({
          %run_scoped3A = tpu.sem_alloc : memref<!tpu.dma_semaphore, #tpu.memory_space<semaphore_mem>>
          %dma_start3A_141 = arith.constant 0 : i32
          %dma_start3A_142 = tpu.memref_slice %arg13[%mul3A_111, %dma_start3A_141] : memref<64x80xi32, #tpu.memory_space<vmem>> -> memref<1x80xi32, #tpu.memory_space<vmem>>
          %dma_start3A_143 = tpu.memref_squeeze %dma_start3A_142 : memref<1x80xi32, #tpu.memory_space<vmem>> -> memref<80xi32, #tpu.memory_space<vmem>>
          %dma_start3A_144 = arith.constant 0 : i32
          %dma_start3A_145 = arith.constant 0 : i32
          %dma_start3A_146 = tpu.memref_slice %arg16[%dma_start3A_144, %dma_start3A_145] : memref<10016x128xf32, #tpu.memory_space<vmem_shared>> -> memref<10016x128xf32, #tpu.memory_space<vmem_shared>>
          tpu.enqueue_indirect_dma source(%arg14 : memref<80x128xf32, #tpu.memory_space<vmem>>) target(%dma_start3A_146 : memref<10016x128xf32, #tpu.memory_space<vmem_shared>>) offsets(%dma_start3A_143 : memref<80xi32, #tpu.memory_space<vmem>>) semaphore(%run_scoped3A : memref<!tpu.dma_semaphore, #tpu.memory_space<semaphore_mem>>) {add = true}
          %dma_wait3A_147 = arith.constant 0 : i32
          %dma_wait3A_148 = tpu.memref_slice %arg13[%mul3A_111, %dma_wait3A_147] : memref<64x80xi32, #tpu.memory_space<vmem>> -> memref<1x80xi32, #tpu.memory_space<vmem>>
          %dma_wait3A_149 = tpu.memref_squeeze %dma_wait3A_148 : memref<1x80xi32, #tpu.memory_space<vmem>> -> memref<80xi32, #tpu.memory_space<vmem>>
          %dma_wait3A_150 = arith.constant 0 : i32
          %dma_wait3A_151 = arith.constant 0 : i32
          %dma_wait3A_152 = tpu.memref_slice %arg16[%dma_wait3A_150, %dma_wait3A_151] : memref<10016x128xf32, #tpu.memory_space<vmem_shared>> -> memref<10016x128xf32, #tpu.memory_space<vmem_shared>>
          tpu.wait_indirect_dma semaphore(%run_scoped3A : memref<!tpu.dma_semaphore, #tpu.memory_space<semaphore_mem>>) src(%arg14 : memref<80x128xf32, #tpu.memory_space<vmem>>) dst(%dma_wait3A_152 : memref<10016x128xf32, #tpu.memory_space<vmem_shared>>)
          tpu.yield
        }) : () -> ()
        %dma_wait3A_125 = arith.constant 0 : i32
        %dma_wait3A_126 = arith.constant 0 : i32
        %dma_wait3A_127 = tpu.memref_slice %arg12[%dma_wait3A_125, %dma_wait3A_126] : memref<64x80xi32, #tpu.memory_space<vmem>> -> memref<1x80xi32, #tpu.memory_space<vmem>>
        %dma_wait3A_128 = tpu.memref_squeeze %dma_wait3A_127 : memref<1x80xi32, #tpu.memory_space<vmem>> -> memref<80xi32, #tpu.memory_space<vmem>>
        %dma_wait3A_129 = arith.constant 0 : i32
        %dma_wait3A_130 = arith.constant 0 : i32
        %dma_wait3A_131 = tpu.memref_slice %arg2[%dma_wait3A_129, %dma_wait3A_130] : memref<10000x128xf32, #tpu.memory_space<hbm>> -> memref<10000x128xf32, #tpu.memory_space<hbm>>
        tpu.wait_indirect_dma semaphore(%arg18 : memref<!tpu.dma_semaphore, #tpu.memory_space<semaphore_mem>>) src(%dma_wait3A_131 : memref<10000x128xf32, #tpu.memory_space<hbm>>) dst(%arg15 : memref<80x128xf32, #tpu.memory_space<vmem>>)
        %add3A_132 = arith.constant 2 : i32
        %add3A_133 = arith.addi %mul3A_111, %add3A_132 : i32
        %lt3A_134 = arith.constant 62 : i32
        %lt3A_135 = arith.cmpi slt, %add3A_133, %lt3A_134 : i32
        %convert_element_type3A_136 = arith.extui %lt3A_135 : i1 to i32
        %cond3A_137 = arith.constant 0 : i32
        %cond3A_138 = arith.cmpi ne, %convert_element_type3A_136, %cond3A_137 : i32
        scf.if %cond3A_138 {
          %add3A_141 = arith.constant 2 : i32
          %add3A_142 = arith.addi %mul3A_111, %add3A_141 : i32
          %dma_start3A_143 = arith.constant 0 : i32
          %dma_start3A_144 = tpu.memref_slice %arg12[%add3A_142, %dma_start3A_143] : memref<64x80xi32, #tpu.memory_space<vmem>> -> memref<1x80xi32, #tpu.memory_space<vmem>>
          %dma_start3A_145 = tpu.memref_squeeze %dma_start3A_144 : memref<1x80xi32, #tpu.memory_space<vmem>> -> memref<80xi32, #tpu.memory_space<vmem>>
          %dma_start3A_146 = arith.constant 0 : i32
          %dma_start3A_147 = arith.constant 0 : i32
          %dma_start3A_148 = tpu.memref_slice %arg2[%dma_start3A_146, %dma_start3A_147] : memref<10000x128xf32, #tpu.memory_space<hbm>> -> memref<10000x128xf32, #tpu.memory_space<hbm>>
          tpu.enqueue_indirect_dma source(%dma_start3A_148 : memref<10000x128xf32, #tpu.memory_space<hbm>>) target(%arg14 : memref<80x128xf32, #tpu.memory_space<vmem>>) offsets(%dma_start3A_145 : memref<80xi32, #tpu.memory_space<vmem>>) semaphore(%arg17 : memref<!tpu.dma_semaphore, #tpu.memory_space<semaphore_mem>>)
        } else {
        }
        %add3A_139 = arith.constant 1 : i32
        %add3A_140 = arith.addi %mul3A_111, %add3A_139 : i32
        "tpu.region"() ({
          %run_scoped3A = tpu.sem_alloc : memref<!tpu.dma_semaphore, #tpu.memory_space<semaphore_mem>>
          %dma_start3A_141 = arith.constant 0 : i32
          %dma_start3A_142 = tpu.memref_slice %arg13[%add3A_140, %dma_start3A_141] : memref<64x80xi32, #tpu.memory_space<vmem>> -> memref<1x80xi32, #tpu.memory_space<vmem>>
          %dma_start3A_143 = tpu.memref_squeeze %dma_start3A_142 : memref<1x80xi32, #tpu.memory_space<vmem>> -> memref<80xi32, #tpu.memory_space<vmem>>
          %dma_start3A_144 = arith.constant 0 : i32
          %dma_start3A_145 = arith.constant 0 : i32
          %dma_start3A_146 = tpu.memref_slice %arg16[%dma_start3A_144, %dma_start3A_145] : memref<10016x128xf32, #tpu.memory_space<vmem_shared>> -> memref<10016x128xf32, #tpu.memory_space<vmem_shared>>
          tpu.enqueue_indirect_dma source(%arg15 : memref<80x128xf32, #tpu.memory_space<vmem>>) target(%dma_start3A_146 : memref<10016x128xf32, #tpu.memory_space<vmem_shared>>) offsets(%dma_start3A_143 : memref<80xi32, #tpu.memory_space<vmem>>) semaphore(%run_scoped3A : memref<!tpu.dma_semaphore, #tpu.memory_space<semaphore_mem>>) {add = true}
          %dma_wait3A_147 = arith.constant 0 : i32
          %dma_wait3A_148 = tpu.memref_slice %arg13[%add3A_140, %dma_wait3A_147] : memref<64x80xi32, #tpu.memory_space<vmem>> -> memref<1x80xi32, #tpu.memory_space<vmem>>
          %dma_wait3A_149 = tpu.memref_squeeze %dma_wait3A_148 : memref<1x80xi32, #tpu.memory_space<vmem>> -> memref<80xi32, #tpu.memory_space<vmem>>
          %dma_wait3A_150 = arith.constant 0 : i32
          %dma_wait3A_151 = arith.constant 0 : i32
          %dma_wait3A_152 = tpu.memref_slice %arg16[%dma_wait3A_150, %dma_wait3A_151] : memref<10016x128xf32, #tpu.memory_space<vmem_shared>> -> memref<10016x128xf32, #tpu.memory_space<vmem_shared>>
          tpu.wait_indirect_dma semaphore(%run_scoped3A : memref<!tpu.dma_semaphore, #tpu.memory_space<semaphore_mem>>) src(%arg15 : memref<80x128xf32, #tpu.memory_space<vmem>>) dst(%dma_wait3A_152 : memref<10016x128xf32, #tpu.memory_space<vmem_shared>>)
          tpu.yield
        }) : () -> ()
      }
      %scan3A_40 = arith.constant 31 : i32
      %barrier3A_41 = arith.constant 0 : index
      tpu.barrier barrier_id(%barrier3A_41)
      %mul3A_42 = arith.constant 632 : i32
      %mul3A_43 = arith.muli %arg1, %mul3A_42 : i32
      %multiple_of3A_44 = tpu.assume_multiple %mul3A_43, 8 : i32
      %lt3A_45 = arith.constant 15 : i32
      %lt3A_46 = arith.cmpi slt, %arg1, %lt3A_45 : i32
      %convert_element_type3A_47 = arith.extui %lt3A_46 : i1 to i32
      %cond3A_48 = arith.constant 0 : i32
      %cond3A_49 = arith.cmpi ne, %convert_element_type3A_47, %cond3A_48 : i32
      scf.if %cond3A_49 {
        "tpu.region"() ({
          %run_scoped3A = tpu.sem_alloc : memref<!tpu.dma_semaphore, #tpu.memory_space<semaphore_mem>>
          %dma_start3A_109 = arith.constant 0 : i32
          %dma_start3A_110 = tpu.memref_slice %arg8[%multiple_of3A_44, %dma_start3A_109] : memref<10000x128xf32, #tpu.memory_space<hbm>> -> memref<632x128xf32, #tpu.memory_space<hbm>>
          %dma_start3A_111 = arith.constant 0 : i32
          %dma_start3A_112 = tpu.memref_slice %arg16[%multiple_of3A_44, %dma_start3A_111] : memref<10016x128xf32, #tpu.memory_space<vmem_shared>> -> memref<632x128xf32, #tpu.memory_space<vmem_shared>>
          tpu.enqueue_dma source(%dma_start3A_112 : memref<632x128xf32, #tpu.memory_space<vmem_shared>>) target(%dma_start3A_110 : memref<632x128xf32, #tpu.memory_space<hbm>>) target_semaphore(%run_scoped3A : memref<!tpu.dma_semaphore, #tpu.memory_space<semaphore_mem>>)
          %dma_wait3A = arith.constant 0 : i32
          %dma_wait3A_113 = tpu.memref_slice %arg8[%multiple_of3A_44, %dma_wait3A] : memref<10000x128xf32, #tpu.memory_space<hbm>> -> memref<632x128xf32, #tpu.memory_space<hbm>>
          %dma_wait3A_114 = arith.constant 0 : i32
          %dma_wait3A_115 = tpu.memref_slice %arg16[%multiple_of3A_44, %dma_wait3A_114] : memref<10016x128xf32, #tpu.memory_space<vmem_shared>> -> memref<632x128xf32, #tpu.memory_space<vmem_shared>>
          tpu.wait_dma2 semaphore(%run_scoped3A : memref<!tpu.dma_semaphore, #tpu.memory_space<semaphore_mem>>) src(%dma_wait3A_115 : memref<632x128xf32, #tpu.memory_space<vmem_shared>>) dst(%dma_wait3A_113 : memref<632x128xf32, #tpu.memory_space<hbm>>)
          tpu.yield
        }) : () -> ()
      } else {
      }
      %eq3A_50 = arith.constant 15 : i32
      %eq3A_51 = arith.cmpi eq, %arg1, %eq3A_50 : i32
      %convert_element_type3A_52 = arith.extui %eq3A_51 : i1 to i32
      %cond3A_53 = arith.constant 0 : i32
      %cond3A_54 = arith.cmpi ne, %convert_element_type3A_52, %cond3A_53 : i32
      scf.if %cond3A_54 {
        "tpu.region"() ({
          %run_scoped3A = tpu.sem_alloc : memref<!tpu.dma_semaphore, #tpu.memory_space<semaphore_mem>>
          %dma_start3A_109 = arith.constant 9480 : i32
          %dma_start3A_110 = arith.constant 0 : i32
          %dma_start3A_111 = tpu.memref_slice %arg8[%dma_start3A_109, %dma_start3A_110] : memref<10000x128xf32, #tpu.memory_space<hbm>> -> memref<520x128xf32, #tpu.memory_space<hbm>>
          %dma_start3A_112 = arith.constant 9480 : i32
          %dma_start3A_113 = arith.constant 0 : i32
          %dma_start3A_114 = tpu.memref_slice %arg16[%dma_start3A_112, %dma_start3A_113] : memref<10016x128xf32, #tpu.memory_space<vmem_shared>> -> memref<520x128xf32, #tpu.memory_space<vmem_shared>>
          tpu.enqueue_dma source(%dma_start3A_114 : memref<520x128xf32, #tpu.memory_space<vmem_shared>>) target(%dma_start3A_111 : memref<520x128xf32, #tpu.memory_space<hbm>>) target_semaphore(%run_scoped3A : memref<!tpu.dma_semaphore, #tpu.memory_space<semaphore_mem>>)
          %dma_wait3A = arith.constant 9480 : i32
          %dma_wait3A_115 = arith.constant 0 : i32
          %dma_wait3A_116 = tpu.memref_slice %arg8[%dma_wait3A, %dma_wait3A_115] : memref<10000x128xf32, #tpu.memory_space<hbm>> -> memref<520x128xf32, #tpu.memory_space<hbm>>
          %dma_wait3A_117 = arith.constant 9480 : i32
          %dma_wait3A_118 = arith.constant 0 : i32
          %dma_wait3A_119 = tpu.memref_slice %arg16[%dma_wait3A_117, %dma_wait3A_118] : memref<10016x128xf32, #tpu.memory_space<vmem_shared>> -> memref<520x128xf32, #tpu.memory_space<vmem_shared>>
          tpu.wait_dma2 semaphore(%run_scoped3A : memref<!tpu.dma_semaphore, #tpu.memory_space<semaphore_mem>>) src(%dma_wait3A_119 : memref<520x128xf32, #tpu.memory_space<vmem_shared>>) dst(%dma_wait3A_116 : memref<520x128xf32, #tpu.memory_space<hbm>>)
          tpu.yield
        }) : () -> ()
      } else {
      }
      %mul3A_55 = arith.constant 632 : i32
      %mul3A_56 = arith.muli %arg1, %mul3A_55 : i32
      %multiple_of3A_57 = tpu.assume_multiple %mul3A_56, 8 : i32
      %lt3A_58 = arith.constant 15 : i32
      %lt3A_59 = arith.cmpi slt, %arg1, %lt3A_58 : i32
      %convert_element_type3A_60 = arith.extui %lt3A_59 : i1 to i32
      %cond3A_61 = arith.constant 0 : i32
      %cond3A_62 = arith.cmpi ne, %convert_element_type3A_60, %cond3A_61 : i32
      scf.if %cond3A_62 {
        "tpu.region"() ({
          %run_scoped3A = tpu.sem_alloc : memref<!tpu.dma_semaphore, #tpu.memory_space<semaphore_mem>>
          %dma_start3A_109 = arith.constant 0 : i32
          %dma_start3A_110 = tpu.memref_slice %arg16[%multiple_of3A_57, %dma_start3A_109] : memref<10016x128xf32, #tpu.memory_space<vmem_shared>> -> memref<632x128xf32, #tpu.memory_space<vmem_shared>>
          %dma_start3A_111 = arith.constant 0 : i32
          %dma_start3A_112 = tpu.memref_slice %arg3[%multiple_of3A_57, %dma_start3A_111] : memref<10000x128xf32, #tpu.memory_space<hbm>> -> memref<632x128xf32, #tpu.memory_space<hbm>>
          tpu.enqueue_dma source(%dma_start3A_112 : memref<632x128xf32, #tpu.memory_space<hbm>>) target(%dma_start3A_110 : memref<632x128xf32, #tpu.memory_space<vmem_shared>>) target_semaphore(%run_scoped3A : memref<!tpu.dma_semaphore, #tpu.memory_space<semaphore_mem>>)
          %dma_wait3A = arith.constant 0 : i32
          %dma_wait3A_113 = tpu.memref_slice %arg16[%multiple_of3A_57, %dma_wait3A] : memref<10016x128xf32, #tpu.memory_space<vmem_shared>> -> memref<632x128xf32, #tpu.memory_space<vmem_shared>>
          %dma_wait3A_114 = arith.constant 0 : i32
          %dma_wait3A_115 = tpu.memref_slice %arg3[%multiple_of3A_57, %dma_wait3A_114] : memref<10000x128xf32, #tpu.memory_space<hbm>> -> memref<632x128xf32, #tpu.memory_space<hbm>>
          tpu.wait_dma2 semaphore(%run_scoped3A : memref<!tpu.dma_semaphore, #tpu.memory_space<semaphore_mem>>) src(%dma_wait3A_115 : memref<632x128xf32, #tpu.memory_space<hbm>>) dst(%dma_wait3A_113 : memref<632x128xf32, #tpu.memory_space<vmem_shared>>)
          tpu.yield
        }) : () -> ()
      } else {
      }
      %eq3A_63 = arith.constant 15 : i32
      %eq3A_64 = arith.cmpi eq, %arg1, %eq3A_63 : i32
      %convert_element_type3A_65 = arith.extui %eq3A_64 : i1 to i32
      %cond3A_66 = arith.constant 0 : i32
      %cond3A_67 = arith.cmpi ne, %convert_element_type3A_65, %cond3A_66 : i32
      scf.if %cond3A_67 {
        "tpu.region"() ({
          %run_scoped3A = tpu.sem_alloc : memref<!tpu.dma_semaphore, #tpu.memory_space<semaphore_mem>>
          %dma_start3A_109 = arith.constant 9480 : i32
          %dma_start3A_110 = arith.constant 0 : i32
          %dma_start3A_111 = tpu.memref_slice %arg16[%dma_start3A_109, %dma_start3A_110] : memref<10016x128xf32, #tpu.memory_space<vmem_shared>> -> memref<520x128xf32, #tpu.memory_space<vmem_shared>>
          %dma_start3A_112 = arith.constant 9480 : i32
          %dma_start3A_113 = arith.constant 0 : i32
          %dma_start3A_114 = tpu.memref_slice %arg3[%dma_start3A_112, %dma_start3A_113] : memref<10000x128xf32, #tpu.memory_space<hbm>> -> memref<520x128xf32, #tpu.memory_space<hbm>>
          tpu.enqueue_dma source(%dma_start3A_114 : memref<520x128xf32, #tpu.memory_space<hbm>>) target(%dma_start3A_111 : memref<520x128xf32, #tpu.memory_space<vmem_shared>>) target_semaphore(%run_scoped3A : memref<!tpu.dma_semaphore, #tpu.memory_space<semaphore_mem>>)
          %dma_wait3A = arith.constant 9480 : i32
          %dma_wait3A_115 = arith.constant 0 : i32
          %dma_wait3A_116 = tpu.memref_slice %arg16[%dma_wait3A, %dma_wait3A_115] : memref<10016x128xf32, #tpu.memory_space<vmem_shared>> -> memref<520x128xf32, #tpu.memory_space<vmem_shared>>
          %dma_wait3A_117 = arith.constant 9480 : i32
          %dma_wait3A_118 = arith.constant 0 : i32
          %dma_wait3A_119 = tpu.memref_slice %arg3[%dma_wait3A_117, %dma_wait3A_118] : memref<10000x128xf32, #tpu.memory_space<hbm>> -> memref<520x128xf32, #tpu.memory_space<hbm>>
          tpu.wait_dma2 semaphore(%run_scoped3A : memref<!tpu.dma_semaphore, #tpu.memory_space<semaphore_mem>>) src(%dma_wait3A_119 : memref<520x128xf32, #tpu.memory_space<hbm>>) dst(%dma_wait3A_116 : memref<520x128xf32, #tpu.memory_space<vmem_shared>>)
          tpu.yield
        }) : () -> ()
      } else {
      }
      %barrier3A_68 = arith.constant 0 : index
      tpu.barrier barrier_id(%barrier3A_68)
      "tpu.region"() ({
        %run_scoped3A = tpu.sem_alloc : memref<!tpu.dma_semaphore, #tpu.memory_space<semaphore_mem>>
        %dma_start3A_109 = arith.constant 0 : i32
        %dma_start3A_110 = arith.constant 0 : i32
        %dma_start3A_111 = tpu.memref_slice %arg12[%dma_start3A_109, %dma_start3A_110] : memref<64x80xi32, #tpu.memory_space<vmem>> -> memref<64x80xi32, #tpu.memory_space<vmem>>
        %dma_start3A_112 = arith.constant 0 : i32
        %dma_start3A_113 = arith.constant 0 : i32
        %dma_start3A_114 = tpu.memref_slice %arg6[%arg1, %dma_start3A_112, %dma_start3A_113] : memref<16x126x80xi32, #tpu.memory_space<hbm>> -> memref<1x126x80xi32, #tpu.memory_space<hbm>>
        %dma_start3A_115 = tpu.memref_squeeze %dma_start3A_114 : memref<1x126x80xi32, #tpu.memory_space<hbm>> -> memref<126x80xi32, #tpu.memory_space<hbm>>
        %dma_start3A_116 = arith.constant 0 : i32
        %dma_start3A_117 = arith.constant 0 : i32
        %dma_start3A_118 = tpu.memref_slice %dma_start3A_115[%dma_start3A_116, %dma_start3A_117] : memref<126x80xi32, #tpu.memory_space<hbm>> -> memref<64x80xi32, #tpu.memory_space<hbm>>
        %dma_start3A_119 = arith.constant 0 : i32
        %dma_start3A_120 = arith.constant 0 : i32
        %dma_start3A_121 = tpu.memref_slice %arg12[%dma_start3A_119, %dma_start3A_120] : memref<64x80xi32, #tpu.memory_space<vmem>> -> memref<64x80xi32, #tpu.memory_space<vmem>>
        %dma_start3A_122 = arith.constant 0 : i32
        %dma_start3A_123 = arith.constant 0 : i32
        %dma_start3A_124 = tpu.memref_slice %arg6[%arg1, %dma_start3A_122, %dma_start3A_123] : memref<16x126x80xi32, #tpu.memory_space<hbm>> -> memref<1x126x80xi32, #tpu.memory_space<hbm>>
        %dma_start3A_125 = tpu.memref_squeeze %dma_start3A_124 : memref<1x126x80xi32, #tpu.memory_space<hbm>> -> memref<126x80xi32, #tpu.memory_space<hbm>>
        %dma_start3A_126 = arith.constant 0 : i32
        %dma_start3A_127 = arith.constant 0 : i32
        %dma_start3A_128 = tpu.memref_slice %dma_start3A_125[%dma_start3A_126, %dma_start3A_127] : memref<126x80xi32, #tpu.memory_space<hbm>> -> memref<64x80xi32, #tpu.memory_space<hbm>>
        tpu.enqueue_dma source(%dma_start3A_128 : memref<64x80xi32, #tpu.memory_space<hbm>>) target(%dma_start3A_121 : memref<64x80xi32, #tpu.memory_space<vmem>>) target_semaphore(%run_scoped3A : memref<!tpu.dma_semaphore, #tpu.memory_space<semaphore_mem>>)
        %dma_wait3A = arith.constant 0 : i32
        %dma_wait3A_129 = arith.constant 0 : i32
        %dma_wait3A_130 = tpu.memref_slice %arg12[%dma_wait3A, %dma_wait3A_129] : memref<64x80xi32, #tpu.memory_space<vmem>> -> memref<64x80xi32, #tpu.memory_space<vmem>>
        %dma_wait3A_131 = arith.constant 0 : i32
        %dma_wait3A_132 = arith.constant 0 : i32
        %dma_wait3A_133 = tpu.memref_slice %arg6[%arg1, %dma_wait3A_131, %dma_wait3A_132] : memref<16x126x80xi32, #tpu.memory_space<hbm>> -> memref<1x126x80xi32, #tpu.memory_space<hbm>>
        %dma_wait3A_134 = tpu.memref_squeeze %dma_wait3A_133 : memref<1x126x80xi32, #tpu.memory_space<hbm>> -> memref<126x80xi32, #tpu.memory_space<hbm>>
        %dma_wait3A_135 = arith.constant 0 : i32
        %dma_wait3A_136 = arith.constant 0 : i32
        %dma_wait3A_137 = tpu.memref_slice %dma_wait3A_134[%dma_wait3A_135, %dma_wait3A_136] : memref<126x80xi32, #tpu.memory_space<hbm>> -> memref<64x80xi32, #tpu.memory_space<hbm>>
        %dma_wait3A_138 = arith.constant 0 : i32
        %dma_wait3A_139 = arith.constant 0 : i32
        %dma_wait3A_140 = tpu.memref_slice %arg12[%dma_wait3A_138, %dma_wait3A_139] : memref<64x80xi32, #tpu.memory_space<vmem>> -> memref<64x80xi32, #tpu.memory_space<vmem>>
        %dma_wait3A_141 = arith.constant 0 : i32
        %dma_wait3A_142 = arith.constant 0 : i32
        %dma_wait3A_143 = tpu.memref_slice %arg6[%arg1, %dma_wait3A_141, %dma_wait3A_142] : memref<16x126x80xi32, #tpu.memory_space<hbm>> -> memref<1x126x80xi32, #tpu.memory_space<hbm>>
        %dma_wait3A_144 = tpu.memref_squeeze %dma_wait3A_143 : memref<1x126x80xi32, #tpu.memory_space<hbm>> -> memref<126x80xi32, #tpu.memory_space<hbm>>
        %dma_wait3A_145 = arith.constant 0 : i32
        %dma_wait3A_146 = arith.constant 0 : i32
        %dma_wait3A_147 = tpu.memref_slice %dma_wait3A_144[%dma_wait3A_145, %dma_wait3A_146] : memref<126x80xi32, #tpu.memory_space<hbm>> -> memref<64x80xi32, #tpu.memory_space<hbm>>
        tpu.wait_dma2 semaphore(%run_scoped3A : memref<!tpu.dma_semaphore, #tpu.memory_space<semaphore_mem>>) src(%dma_wait3A_147 : memref<64x80xi32, #tpu.memory_space<hbm>>) dst(%dma_wait3A_140 : memref<64x80xi32, #tpu.memory_space<vmem>>)
        tpu.yield
      }) : () -> ()
      "tpu.region"() ({
        %run_scoped3A = tpu.sem_alloc : memref<!tpu.dma_semaphore, #tpu.memory_space<semaphore_mem>>
        %dma_start3A_109 = arith.constant 0 : i32
        %dma_start3A_110 = arith.constant 0 : i32
        %dma_start3A_111 = tpu.memref_slice %arg13[%dma_start3A_109, %dma_start3A_110] : memref<64x80xi32, #tpu.memory_space<vmem>> -> memref<64x80xi32, #tpu.memory_space<vmem>>
        %dma_start3A_112 = arith.constant 0 : i32
        %dma_start3A_113 = arith.constant 0 : i32
        %dma_start3A_114 = tpu.memref_slice %arg7[%arg1, %dma_start3A_112, %dma_start3A_113] : memref<16x126x80xi32, #tpu.memory_space<hbm>> -> memref<1x126x80xi32, #tpu.memory_space<hbm>>
        %dma_start3A_115 = tpu.memref_squeeze %dma_start3A_114 : memref<1x126x80xi32, #tpu.memory_space<hbm>> -> memref<126x80xi32, #tpu.memory_space<hbm>>
        %dma_start3A_116 = arith.constant 0 : i32
        %dma_start3A_117 = arith.constant 0 : i32
        %dma_start3A_118 = tpu.memref_slice %dma_start3A_115[%dma_start3A_116, %dma_start3A_117] : memref<126x80xi32, #tpu.memory_space<hbm>> -> memref<64x80xi32, #tpu.memory_space<hbm>>
        %dma_start3A_119 = arith.constant 0 : i32
        %dma_start3A_120 = arith.constant 0 : i32
        %dma_start3A_121 = tpu.memref_slice %arg13[%dma_start3A_119, %dma_start3A_120] : memref<64x80xi32, #tpu.memory_space<vmem>> -> memref<64x80xi32, #tpu.memory_space<vmem>>
        %dma_start3A_122 = arith.constant 0 : i32
        %dma_start3A_123 = arith.constant 0 : i32
        %dma_start3A_124 = tpu.memref_slice %arg7[%arg1, %dma_start3A_122, %dma_start3A_123] : memref<16x126x80xi32, #tpu.memory_space<hbm>> -> memref<1x126x80xi32, #tpu.memory_space<hbm>>
        %dma_start3A_125 = tpu.memref_squeeze %dma_start3A_124 : memref<1x126x80xi32, #tpu.memory_space<hbm>> -> memref<126x80xi32, #tpu.memory_space<hbm>>
        %dma_start3A_126 = arith.constant 0 : i32
        %dma_start3A_127 = arith.constant 0 : i32
        %dma_start3A_128 = tpu.memref_slice %dma_start3A_125[%dma_start3A_126, %dma_start3A_127] : memref<126x80xi32, #tpu.memory_space<hbm>> -> memref<64x80xi32, #tpu.memory_space<hbm>>
        tpu.enqueue_dma source(%dma_start3A_128 : memref<64x80xi32, #tpu.memory_space<hbm>>) target(%dma_start3A_121 : memref<64x80xi32, #tpu.memory_space<vmem>>) target_semaphore(%run_scoped3A : memref<!tpu.dma_semaphore, #tpu.memory_space<semaphore_mem>>)
        %dma_wait3A = arith.constant 0 : i32
        %dma_wait3A_129 = arith.constant 0 : i32
        %dma_wait3A_130 = tpu.memref_slice %arg13[%dma_wait3A, %dma_wait3A_129] : memref<64x80xi32, #tpu.memory_space<vmem>> -> memref<64x80xi32, #tpu.memory_space<vmem>>
        %dma_wait3A_131 = arith.constant 0 : i32
        %dma_wait3A_132 = arith.constant 0 : i32
        %dma_wait3A_133 = tpu.memref_slice %arg7[%arg1, %dma_wait3A_131, %dma_wait3A_132] : memref<16x126x80xi32, #tpu.memory_space<hbm>> -> memref<1x126x80xi32, #tpu.memory_space<hbm>>
        %dma_wait3A_134 = tpu.memref_squeeze %dma_wait3A_133 : memref<1x126x80xi32, #tpu.memory_space<hbm>> -> memref<126x80xi32, #tpu.memory_space<hbm>>
        %dma_wait3A_135 = arith.constant 0 : i32
        %dma_wait3A_136 = arith.constant 0 : i32
        %dma_wait3A_137 = tpu.memref_slice %dma_wait3A_134[%dma_wait3A_135, %dma_wait3A_136] : memref<126x80xi32, #tpu.memory_space<hbm>> -> memref<64x80xi32, #tpu.memory_space<hbm>>
        %dma_wait3A_138 = arith.constant 0 : i32
        %dma_wait3A_139 = arith.constant 0 : i32
        %dma_wait3A_140 = tpu.memref_slice %arg13[%dma_wait3A_138, %dma_wait3A_139] : memref<64x80xi32, #tpu.memory_space<vmem>> -> memref<64x80xi32, #tpu.memory_space<vmem>>
        %dma_wait3A_141 = arith.constant 0 : i32
        %dma_wait3A_142 = arith.constant 0 : i32
        %dma_wait3A_143 = tpu.memref_slice %arg7[%arg1, %dma_wait3A_141, %dma_wait3A_142] : memref<16x126x80xi32, #tpu.memory_space<hbm>> -> memref<1x126x80xi32, #tpu.memory_space<hbm>>
        %dma_wait3A_144 = tpu.memref_squeeze %dma_wait3A_143 : memref<1x126x80xi32, #tpu.memory_space<hbm>> -> memref<126x80xi32, #tpu.memory_space<hbm>>
        %dma_wait3A_145 = arith.constant 0 : i32
        %dma_wait3A_146 = arith.constant 0 : i32
        %dma_wait3A_147 = tpu.memref_slice %dma_wait3A_144[%dma_wait3A_145, %dma_wait3A_146] : memref<126x80xi32, #tpu.memory_space<hbm>> -> memref<64x80xi32, #tpu.memory_space<hbm>>
        tpu.wait_dma2 semaphore(%run_scoped3A : memref<!tpu.dma_semaphore, #tpu.memory_space<semaphore_mem>>) src(%dma_wait3A_147 : memref<64x80xi32, #tpu.memory_space<hbm>>) dst(%dma_wait3A_140 : memref<64x80xi32, #tpu.memory_space<vmem>>)
        tpu.yield
      }) : () -> ()
      %dma_start3A_69 = arith.constant 0 : i32
      %dma_start3A_70 = arith.constant 0 : i32
      %dma_start3A_71 = tpu.memref_slice %arg12[%dma_start3A_69, %dma_start3A_70] : memref<64x80xi32, #tpu.memory_space<vmem>> -> memref<1x80xi32, #tpu.memory_space<vmem>>
      %dma_start3A_72 = tpu.memref_squeeze %dma_start3A_71 : memref<1x80xi32, #tpu.memory_space<vmem>> -> memref<80xi32, #tpu.memory_space<vmem>>
      %dma_start3A_73 = arith.constant 0 : i32
      %dma_start3A_74 = arith.constant 0 : i32
      %dma_start3A_75 = tpu.memref_slice %arg3[%dma_start3A_73, %dma_start3A_74] : memref<10000x128xf32, #tpu.memory_space<hbm>> -> memref<10000x128xf32, #tpu.memory_space<hbm>>
      tpu.enqueue_indirect_dma source(%dma_start3A_75 : memref<10000x128xf32, #tpu.memory_space<hbm>>) target(%arg14 : memref<80x128xf32, #tpu.memory_space<vmem>>) offsets(%dma_start3A_72 : memref<80xi32, #tpu.memory_space<vmem>>) semaphore(%arg17 : memref<!tpu.dma_semaphore, #tpu.memory_space<semaphore_mem>>)
      %scan3A_76 = arith.constant 0 : i32
      %scan3A_77 = arith.constant 0 : i32
      %scan3A_78 = arith.constant 32 : i32
      %scan3A_79 = arith.addi %scan3A_77, %scan3A_78 : i32
      %scan3A_80 = arith.constant 1 : i32
      scf.for %scan3A_109 = %scan3A_77 to %scan3A_79 step %scan3A_80  : i32 {
        %mul3A_110 = arith.constant 2 : i32
        %mul3A_111 = arith.muli %mul3A_110, %scan3A_109 : i32
        %dma_wait3A = arith.constant 0 : i32
        %dma_wait3A_112 = arith.constant 0 : i32
        %dma_wait3A_113 = tpu.memref_slice %arg12[%dma_wait3A, %dma_wait3A_112] : memref<64x80xi32, #tpu.memory_space<vmem>> -> memref<1x80xi32, #tpu.memory_space<vmem>>
        %dma_wait3A_114 = tpu.memref_squeeze %dma_wait3A_113 : memref<1x80xi32, #tpu.memory_space<vmem>> -> memref<80xi32, #tpu.memory_space<vmem>>
        %dma_wait3A_115 = arith.constant 0 : i32
        %dma_wait3A_116 = arith.constant 0 : i32
        %dma_wait3A_117 = tpu.memref_slice %arg3[%dma_wait3A_115, %dma_wait3A_116] : memref<10000x128xf32, #tpu.memory_space<hbm>> -> memref<10000x128xf32, #tpu.memory_space<hbm>>
        tpu.wait_indirect_dma semaphore(%arg17 : memref<!tpu.dma_semaphore, #tpu.memory_space<semaphore_mem>>) src(%dma_wait3A_117 : memref<10000x128xf32, #tpu.memory_space<hbm>>) dst(%arg14 : memref<80x128xf32, #tpu.memory_space<vmem>>)
        %add3A = arith.constant 1 : i32
        %add3A_118 = arith.addi %mul3A_111, %add3A : i32
        %dma_start3A_119 = arith.constant 0 : i32
        %dma_start3A_120 = tpu.memref_slice %arg12[%add3A_118, %dma_start3A_119] : memref<64x80xi32, #tpu.memory_space<vmem>> -> memref<1x80xi32, #tpu.memory_space<vmem>>
        %dma_start3A_121 = tpu.memref_squeeze %dma_start3A_120 : memref<1x80xi32, #tpu.memory_space<vmem>> -> memref<80xi32, #tpu.memory_space<vmem>>
        %dma_start3A_122 = arith.constant 0 : i32
        %dma_start3A_123 = arith.constant 0 : i32
        %dma_start3A_124 = tpu.memref_slice %arg3[%dma_start3A_122, %dma_start3A_123] : memref<10000x128xf32, #tpu.memory_space<hbm>> -> memref<10000x128xf32, #tpu.memory_space<hbm>>
        tpu.enqueue_indirect_dma source(%dma_start3A_124 : memref<10000x128xf32, #tpu.memory_space<hbm>>) target(%arg15 : memref<80x128xf32, #tpu.memory_space<vmem>>) offsets(%dma_start3A_121 : memref<80xi32, #tpu.memory_space<vmem>>) semaphore(%arg18 : memref<!tpu.dma_semaphore, #tpu.memory_space<semaphore_mem>>)
        "tpu.region"() ({
          %run_scoped3A = tpu.sem_alloc : memref<!tpu.dma_semaphore, #tpu.memory_space<semaphore_mem>>
          %dma_start3A_141 = arith.constant 0 : i32
          %dma_start3A_142 = tpu.memref_slice %arg13[%mul3A_111, %dma_start3A_141] : memref<64x80xi32, #tpu.memory_space<vmem>> -> memref<1x80xi32, #tpu.memory_space<vmem>>
          %dma_start3A_143 = tpu.memref_squeeze %dma_start3A_142 : memref<1x80xi32, #tpu.memory_space<vmem>> -> memref<80xi32, #tpu.memory_space<vmem>>
          %dma_start3A_144 = arith.constant 0 : i32
          %dma_start3A_145 = arith.constant 0 : i32
          %dma_start3A_146 = tpu.memref_slice %arg16[%dma_start3A_144, %dma_start3A_145] : memref<10016x128xf32, #tpu.memory_space<vmem_shared>> -> memref<10016x128xf32, #tpu.memory_space<vmem_shared>>
          tpu.enqueue_indirect_dma source(%arg14 : memref<80x128xf32, #tpu.memory_space<vmem>>) target(%dma_start3A_146 : memref<10016x128xf32, #tpu.memory_space<vmem_shared>>) offsets(%dma_start3A_143 : memref<80xi32, #tpu.memory_space<vmem>>) semaphore(%run_scoped3A : memref<!tpu.dma_semaphore, #tpu.memory_space<semaphore_mem>>) {add = true}
          %dma_wait3A_147 = arith.constant 0 : i32
          %dma_wait3A_148 = tpu.memref_slice %arg13[%mul3A_111, %dma_wait3A_147] : memref<64x80xi32, #tpu.memory_space<vmem>> -> memref<1x80xi32, #tpu.memory_space<vmem>>
          %dma_wait3A_149 = tpu.memref_squeeze %dma_wait3A_148 : memref<1x80xi32, #tpu.memory_space<vmem>> -> memref<80xi32, #tpu.memory_space<vmem>>
          %dma_wait3A_150 = arith.constant 0 : i32
          %dma_wait3A_151 = arith.constant 0 : i32
          %dma_wait3A_152 = tpu.memref_slice %arg16[%dma_wait3A_150, %dma_wait3A_151] : memref<10016x128xf32, #tpu.memory_space<vmem_shared>> -> memref<10016x128xf32, #tpu.memory_space<vmem_shared>>
          tpu.wait_indirect_dma semaphore(%run_scoped3A : memref<!tpu.dma_semaphore, #tpu.memory_space<semaphore_mem>>) src(%arg14 : memref<80x128xf32, #tpu.memory_space<vmem>>) dst(%dma_wait3A_152 : memref<10016x128xf32, #tpu.memory_space<vmem_shared>>)
          tpu.yield
        }) : () -> ()
        %dma_wait3A_125 = arith.constant 0 : i32
        %dma_wait3A_126 = arith.constant 0 : i32
        %dma_wait3A_127 = tpu.memref_slice %arg12[%dma_wait3A_125, %dma_wait3A_126] : memref<64x80xi32, #tpu.memory_space<vmem>> -> memref<1x80xi32, #tpu.memory_space<vmem>>
        %dma_wait3A_128 = tpu.memref_squeeze %dma_wait3A_127 : memref<1x80xi32, #tpu.memory_space<vmem>> -> memref<80xi32, #tpu.memory_space<vmem>>
        %dma_wait3A_129 = arith.constant 0 : i32
        %dma_wait3A_130 = arith.constant 0 : i32
        %dma_wait3A_131 = tpu.memref_slice %arg3[%dma_wait3A_129, %dma_wait3A_130] : memref<10000x128xf32, #tpu.memory_space<hbm>> -> memref<10000x128xf32, #tpu.memory_space<hbm>>
        tpu.wait_indirect_dma semaphore(%arg18 : memref<!tpu.dma_semaphore, #tpu.memory_space<semaphore_mem>>) src(%dma_wait3A_131 : memref<10000x128xf32, #tpu.memory_space<hbm>>) dst(%arg15 : memref<80x128xf32, #tpu.memory_space<vmem>>)
        %add3A_132 = arith.constant 2 : i32
        %add3A_133 = arith.addi %mul3A_111, %add3A_132 : i32
        %lt3A_134 = arith.constant 64 : i32
        %lt3A_135 = arith.cmpi slt, %add3A_133, %lt3A_134 : i32
        %convert_element_type3A_136 = arith.extui %lt3A_135 : i1 to i32
        %cond3A_137 = arith.constant 0 : i32
        %cond3A_138 = arith.cmpi ne, %convert_element_type3A_136, %cond3A_137 : i32
        scf.if %cond3A_138 {
          %add3A_141 = arith.constant 2 : i32
          %add3A_142 = arith.addi %mul3A_111, %add3A_141 : i32
          %dma_start3A_143 = arith.constant 0 : i32
          %dma_start3A_144 = tpu.memref_slice %arg12[%add3A_142, %dma_start3A_143] : memref<64x80xi32, #tpu.memory_space<vmem>> -> memref<1x80xi32, #tpu.memory_space<vmem>>
          %dma_start3A_145 = tpu.memref_squeeze %dma_start3A_144 : memref<1x80xi32, #tpu.memory_space<vmem>> -> memref<80xi32, #tpu.memory_space<vmem>>
          %dma_start3A_146 = arith.constant 0 : i32
          %dma_start3A_147 = arith.constant 0 : i32
          %dma_start3A_148 = tpu.memref_slice %arg3[%dma_start3A_146, %dma_start3A_147] : memref<10000x128xf32, #tpu.memory_space<hbm>> -> memref<10000x128xf32, #tpu.memory_space<hbm>>
          tpu.enqueue_indirect_dma source(%dma_start3A_148 : memref<10000x128xf32, #tpu.memory_space<hbm>>) target(%arg14 : memref<80x128xf32, #tpu.memory_space<vmem>>) offsets(%dma_start3A_145 : memref<80xi32, #tpu.memory_space<vmem>>) semaphore(%arg17 : memref<!tpu.dma_semaphore, #tpu.memory_space<semaphore_mem>>)
        } else {
        }
        %add3A_139 = arith.constant 1 : i32
        %add3A_140 = arith.addi %mul3A_111, %add3A_139 : i32
        "tpu.region"() ({
          %run_scoped3A = tpu.sem_alloc : memref<!tpu.dma_semaphore, #tpu.memory_space<semaphore_mem>>
          %dma_start3A_141 = arith.constant 0 : i32
          %dma_start3A_142 = tpu.memref_slice %arg13[%add3A_140, %dma_start3A_141] : memref<64x80xi32, #tpu.memory_space<vmem>> -> memref<1x80xi32, #tpu.memory_space<vmem>>
          %dma_start3A_143 = tpu.memref_squeeze %dma_start3A_142 : memref<1x80xi32, #tpu.memory_space<vmem>> -> memref<80xi32, #tpu.memory_space<vmem>>
          %dma_start3A_144 = arith.constant 0 : i32
          %dma_start3A_145 = arith.constant 0 : i32
          %dma_start3A_146 = tpu.memref_slice %arg16[%dma_start3A_144, %dma_start3A_145] : memref<10016x128xf32, #tpu.memory_space<vmem_shared>> -> memref<10016x128xf32, #tpu.memory_space<vmem_shared>>
          tpu.enqueue_indirect_dma source(%arg15 : memref<80x128xf32, #tpu.memory_space<vmem>>) target(%dma_start3A_146 : memref<10016x128xf32, #tpu.memory_space<vmem_shared>>) offsets(%dma_start3A_143 : memref<80xi32, #tpu.memory_space<vmem>>) semaphore(%run_scoped3A : memref<!tpu.dma_semaphore, #tpu.memory_space<semaphore_mem>>) {add = true}
          %dma_wait3A_147 = arith.constant 0 : i32
          %dma_wait3A_148 = tpu.memref_slice %arg13[%add3A_140, %dma_wait3A_147] : memref<64x80xi32, #tpu.memory_space<vmem>> -> memref<1x80xi32, #tpu.memory_space<vmem>>
          %dma_wait3A_149 = tpu.memref_squeeze %dma_wait3A_148 : memref<1x80xi32, #tpu.memory_space<vmem>> -> memref<80xi32, #tpu.memory_space<vmem>>
          %dma_wait3A_150 = arith.constant 0 : i32
          %dma_wait3A_151 = arith.constant 0 : i32
          %dma_wait3A_152 = tpu.memref_slice %arg16[%dma_wait3A_150, %dma_wait3A_151] : memref<10016x128xf32, #tpu.memory_space<vmem_shared>> -> memref<10016x128xf32, #tpu.memory_space<vmem_shared>>
          tpu.wait_indirect_dma semaphore(%run_scoped3A : memref<!tpu.dma_semaphore, #tpu.memory_space<semaphore_mem>>) src(%arg15 : memref<80x128xf32, #tpu.memory_space<vmem>>) dst(%dma_wait3A_152 : memref<10016x128xf32, #tpu.memory_space<vmem_shared>>)
          tpu.yield
        }) : () -> ()
      }
      %scan3A_81 = arith.constant 32 : i32
      "tpu.region"() ({
        %run_scoped3A = tpu.sem_alloc : memref<!tpu.dma_semaphore, #tpu.memory_space<semaphore_mem>>
        %dma_start3A_109 = arith.constant 0 : i32
        %dma_start3A_110 = arith.constant 0 : i32
        %dma_start3A_111 = tpu.memref_slice %arg12[%dma_start3A_109, %dma_start3A_110] : memref<64x80xi32, #tpu.memory_space<vmem>> -> memref<62x80xi32, #tpu.memory_space<vmem>>
        %dma_start3A_112 = arith.constant 0 : i32
        %dma_start3A_113 = arith.constant 0 : i32
        %dma_start3A_114 = tpu.memref_slice %arg6[%arg1, %dma_start3A_112, %dma_start3A_113] : memref<16x126x80xi32, #tpu.memory_space<hbm>> -> memref<1x126x80xi32, #tpu.memory_space<hbm>>
        %dma_start3A_115 = tpu.memref_squeeze %dma_start3A_114 : memref<1x126x80xi32, #tpu.memory_space<hbm>> -> memref<126x80xi32, #tpu.memory_space<hbm>>
        %dma_start3A_116 = arith.constant 64 : i32
        %dma_start3A_117 = arith.constant 0 : i32
        %dma_start3A_118 = tpu.memref_slice %dma_start3A_115[%dma_start3A_116, %dma_start3A_117] : memref<126x80xi32, #tpu.memory_space<hbm>> -> memref<62x80xi32, #tpu.memory_space<hbm>>
        %dma_start3A_119 = arith.constant 0 : i32
        %dma_start3A_120 = arith.constant 0 : i32
        %dma_start3A_121 = tpu.memref_slice %arg12[%dma_start3A_119, %dma_start3A_120] : memref<64x80xi32, #tpu.memory_space<vmem>> -> memref<62x80xi32, #tpu.memory_space<vmem>>
        %dma_start3A_122 = arith.constant 0 : i32
        %dma_start3A_123 = arith.constant 0 : i32
        %dma_start3A_124 = tpu.memref_slice %arg6[%arg1, %dma_start3A_122, %dma_start3A_123] : memref<16x126x80xi32, #tpu.memory_space<hbm>> -> memref<1x126x80xi32, #tpu.memory_space<hbm>>
        %dma_start3A_125 = tpu.memref_squeeze %dma_start3A_124 : memref<1x126x80xi32, #tpu.memory_space<hbm>> -> memref<126x80xi32, #tpu.memory_space<hbm>>
        %dma_start3A_126 = arith.constant 64 : i32
        %dma_start3A_127 = arith.constant 0 : i32
        %dma_start3A_128 = tpu.memref_slice %dma_start3A_125[%dma_start3A_126, %dma_start3A_127] : memref<126x80xi32, #tpu.memory_space<hbm>> -> memref<62x80xi32, #tpu.memory_space<hbm>>
        tpu.enqueue_dma source(%dma_start3A_128 : memref<62x80xi32, #tpu.memory_space<hbm>>) target(%dma_start3A_121 : memref<62x80xi32, #tpu.memory_space<vmem>>) target_semaphore(%run_scoped3A : memref<!tpu.dma_semaphore, #tpu.memory_space<semaphore_mem>>)
        %dma_wait3A = arith.constant 0 : i32
        %dma_wait3A_129 = arith.constant 0 : i32
        %dma_wait3A_130 = tpu.memref_slice %arg12[%dma_wait3A, %dma_wait3A_129] : memref<64x80xi32, #tpu.memory_space<vmem>> -> memref<62x80xi32, #tpu.memory_space<vmem>>
        %dma_wait3A_131 = arith.constant 0 : i32
        %dma_wait3A_132 = arith.constant 0 : i32
        %dma_wait3A_133 = tpu.memref_slice %arg6[%arg1, %dma_wait3A_131, %dma_wait3A_132] : memref<16x126x80xi32, #tpu.memory_space<hbm>> -> memref<1x126x80xi32, #tpu.memory_space<hbm>>
        %dma_wait3A_134 = tpu.memref_squeeze %dma_wait3A_133 : memref<1x126x80xi32, #tpu.memory_space<hbm>> -> memref<126x80xi32, #tpu.memory_space<hbm>>
        %dma_wait3A_135 = arith.constant 64 : i32
        %dma_wait3A_136 = arith.constant 0 : i32
        %dma_wait3A_137 = tpu.memref_slice %dma_wait3A_134[%dma_wait3A_135, %dma_wait3A_136] : memref<126x80xi32, #tpu.memory_space<hbm>> -> memref<62x80xi32, #tpu.memory_space<hbm>>
        %dma_wait3A_138 = arith.constant 0 : i32
        %dma_wait3A_139 = arith.constant 0 : i32
        %dma_wait3A_140 = tpu.memref_slice %arg12[%dma_wait3A_138, %dma_wait3A_139] : memref<64x80xi32, #tpu.memory_space<vmem>> -> memref<62x80xi32, #tpu.memory_space<vmem>>
        %dma_wait3A_141 = arith.constant 0 : i32
        %dma_wait3A_142 = arith.constant 0 : i32
        %dma_wait3A_143 = tpu.memref_slice %arg6[%arg1, %dma_wait3A_141, %dma_wait3A_142] : memref<16x126x80xi32, #tpu.memory_space<hbm>> -> memref<1x126x80xi32, #tpu.memory_space<hbm>>
        %dma_wait3A_144 = tpu.memref_squeeze %dma_wait3A_143 : memref<1x126x80xi32, #tpu.memory_space<hbm>> -> memref<126x80xi32, #tpu.memory_space<hbm>>
        %dma_wait3A_145 = arith.constant 64 : i32
        %dma_wait3A_146 = arith.constant 0 : i32
        %dma_wait3A_147 = tpu.memref_slice %dma_wait3A_144[%dma_wait3A_145, %dma_wait3A_146] : memref<126x80xi32, #tpu.memory_space<hbm>> -> memref<62x80xi32, #tpu.memory_space<hbm>>
        tpu.wait_dma2 semaphore(%run_scoped3A : memref<!tpu.dma_semaphore, #tpu.memory_space<semaphore_mem>>) src(%dma_wait3A_147 : memref<62x80xi32, #tpu.memory_space<hbm>>) dst(%dma_wait3A_140 : memref<62x80xi32, #tpu.memory_space<vmem>>)
        tpu.yield
      }) : () -> ()
      "tpu.region"() ({
        %run_scoped3A = tpu.sem_alloc : memref<!tpu.dma_semaphore, #tpu.memory_space<semaphore_mem>>
        %dma_start3A_109 = arith.constant 0 : i32
        %dma_start3A_110 = arith.constant 0 : i32
        %dma_start3A_111 = tpu.memref_slice %arg13[%dma_start3A_109, %dma_start3A_110] : memref<64x80xi32, #tpu.memory_space<vmem>> -> memref<62x80xi32, #tpu.memory_space<vmem>>
        %dma_start3A_112 = arith.constant 0 : i32
        %dma_start3A_113 = arith.constant 0 : i32
        %dma_start3A_114 = tpu.memref_slice %arg7[%arg1, %dma_start3A_112, %dma_start3A_113] : memref<16x126x80xi32, #tpu.memory_space<hbm>> -> memref<1x126x80xi32, #tpu.memory_space<hbm>>
        %dma_start3A_115 = tpu.memref_squeeze %dma_start3A_114 : memref<1x126x80xi32, #tpu.memory_space<hbm>> -> memref<126x80xi32, #tpu.memory_space<hbm>>
        %dma_start3A_116 = arith.constant 64 : i32
        %dma_start3A_117 = arith.constant 0 : i32
        %dma_start3A_118 = tpu.memref_slice %dma_start3A_115[%dma_start3A_116, %dma_start3A_117] : memref<126x80xi32, #tpu.memory_space<hbm>> -> memref<62x80xi32, #tpu.memory_space<hbm>>
        %dma_start3A_119 = arith.constant 0 : i32
        %dma_start3A_120 = arith.constant 0 : i32
        %dma_start3A_121 = tpu.memref_slice %arg13[%dma_start3A_119, %dma_start3A_120] : memref<64x80xi32, #tpu.memory_space<vmem>> -> memref<62x80xi32, #tpu.memory_space<vmem>>
        %dma_start3A_122 = arith.constant 0 : i32
        %dma_start3A_123 = arith.constant 0 : i32
        %dma_start3A_124 = tpu.memref_slice %arg7[%arg1, %dma_start3A_122, %dma_start3A_123] : memref<16x126x80xi32, #tpu.memory_space<hbm>> -> memref<1x126x80xi32, #tpu.memory_space<hbm>>
        %dma_start3A_125 = tpu.memref_squeeze %dma_start3A_124 : memref<1x126x80xi32, #tpu.memory_space<hbm>> -> memref<126x80xi32, #tpu.memory_space<hbm>>
        %dma_start3A_126 = arith.constant 64 : i32
        %dma_start3A_127 = arith.constant 0 : i32
        %dma_start3A_128 = tpu.memref_slice %dma_start3A_125[%dma_start3A_126, %dma_start3A_127] : memref<126x80xi32, #tpu.memory_space<hbm>> -> memref<62x80xi32, #tpu.memory_space<hbm>>
        tpu.enqueue_dma source(%dma_start3A_128 : memref<62x80xi32, #tpu.memory_space<hbm>>) target(%dma_start3A_121 : memref<62x80xi32, #tpu.memory_space<vmem>>) target_semaphore(%run_scoped3A : memref<!tpu.dma_semaphore, #tpu.memory_space<semaphore_mem>>)
        %dma_wait3A = arith.constant 0 : i32
        %dma_wait3A_129 = arith.constant 0 : i32
        %dma_wait3A_130 = tpu.memref_slice %arg13[%dma_wait3A, %dma_wait3A_129] : memref<64x80xi32, #tpu.memory_space<vmem>> -> memref<62x80xi32, #tpu.memory_space<vmem>>
        %dma_wait3A_131 = arith.constant 0 : i32
        %dma_wait3A_132 = arith.constant 0 : i32
        %dma_wait3A_133 = tpu.memref_slice %arg7[%arg1, %dma_wait3A_131, %dma_wait3A_132] : memref<16x126x80xi32, #tpu.memory_space<hbm>> -> memref<1x126x80xi32, #tpu.memory_space<hbm>>
        %dma_wait3A_134 = tpu.memref_squeeze %dma_wait3A_133 : memref<1x126x80xi32, #tpu.memory_space<hbm>> -> memref<126x80xi32, #tpu.memory_space<hbm>>
        %dma_wait3A_135 = arith.constant 64 : i32
        %dma_wait3A_136 = arith.constant 0 : i32
        %dma_wait3A_137 = tpu.memref_slice %dma_wait3A_134[%dma_wait3A_135, %dma_wait3A_136] : memref<126x80xi32, #tpu.memory_space<hbm>> -> memref<62x80xi32, #tpu.memory_space<hbm>>
        %dma_wait3A_138 = arith.constant 0 : i32
        %dma_wait3A_139 = arith.constant 0 : i32
        %dma_wait3A_140 = tpu.memref_slice %arg13[%dma_wait3A_138, %dma_wait3A_139] : memref<64x80xi32, #tpu.memory_space<vmem>> -> memref<62x80xi32, #tpu.memory_space<vmem>>
        %dma_wait3A_141 = arith.constant 0 : i32
        %dma_wait3A_142 = arith.constant 0 : i32
        %dma_wait3A_143 = tpu.memref_slice %arg7[%arg1, %dma_wait3A_141, %dma_wait3A_142] : memref<16x126x80xi32, #tpu.memory_space<hbm>> -> memref<1x126x80xi32, #tpu.memory_space<hbm>>
        %dma_wait3A_144 = tpu.memref_squeeze %dma_wait3A_143 : memref<1x126x80xi32, #tpu.memory_space<hbm>> -> memref<126x80xi32, #tpu.memory_space<hbm>>
        %dma_wait3A_145 = arith.constant 64 : i32
        %dma_wait3A_146 = arith.constant 0 : i32
        %dma_wait3A_147 = tpu.memref_slice %dma_wait3A_144[%dma_wait3A_145, %dma_wait3A_146] : memref<126x80xi32, #tpu.memory_space<hbm>> -> memref<62x80xi32, #tpu.memory_space<hbm>>
        tpu.wait_dma2 semaphore(%run_scoped3A : memref<!tpu.dma_semaphore, #tpu.memory_space<semaphore_mem>>) src(%dma_wait3A_147 : memref<62x80xi32, #tpu.memory_space<hbm>>) dst(%dma_wait3A_140 : memref<62x80xi32, #tpu.memory_space<vmem>>)
        tpu.yield
      }) : () -> ()
      %dma_start3A_82 = arith.constant 0 : i32
      %dma_start3A_83 = arith.constant 0 : i32
      %dma_start3A_84 = tpu.memref_slice %arg12[%dma_start3A_82, %dma_start3A_83] : memref<64x80xi32, #tpu.memory_space<vmem>> -> memref<1x80xi32, #tpu.memory_space<vmem>>
      %dma_start3A_85 = tpu.memref_squeeze %dma_start3A_84 : memref<1x80xi32, #tpu.memory_space<vmem>> -> memref<80xi32, #tpu.memory_space<vmem>>
      %dma_start3A_86 = arith.constant 0 : i32
      %dma_start3A_87 = arith.constant 0 : i32
      %dma_start3A_88 = tpu.memref_slice %arg3[%dma_start3A_86, %dma_start3A_87] : memref<10000x128xf32, #tpu.memory_space<hbm>> -> memref<10000x128xf32, #tpu.memory_space<hbm>>
      tpu.enqueue_indirect_dma source(%dma_start3A_88 : memref<10000x128xf32, #tpu.memory_space<hbm>>) target(%arg14 : memref<80x128xf32, #tpu.memory_space<vmem>>) offsets(%dma_start3A_85 : memref<80xi32, #tpu.memory_space<vmem>>) semaphore(%arg17 : memref<!tpu.dma_semaphore, #tpu.memory_space<semaphore_mem>>)
      %scan3A_89 = arith.constant 0 : i32
      %scan3A_90 = arith.constant 0 : i32
      %scan3A_91 = arith.constant 31 : i32
      %scan3A_92 = arith.addi %scan3A_90, %scan3A_91 : i32
      %scan3A_93 = arith.constant 1 : i32
      scf.for %scan3A_109 = %scan3A_90 to %scan3A_92 step %scan3A_93  : i32 {
        %mul3A_110 = arith.constant 2 : i32
        %mul3A_111 = arith.muli %mul3A_110, %scan3A_109 : i32
        %dma_wait3A = arith.constant 0 : i32
        %dma_wait3A_112 = arith.constant 0 : i32
        %dma_wait3A_113 = tpu.memref_slice %arg12[%dma_wait3A, %dma_wait3A_112] : memref<64x80xi32, #tpu.memory_space<vmem>> -> memref<1x80xi32, #tpu.memory_space<vmem>>
        %dma_wait3A_114 = tpu.memref_squeeze %dma_wait3A_113 : memref<1x80xi32, #tpu.memory_space<vmem>> -> memref<80xi32, #tpu.memory_space<vmem>>
        %dma_wait3A_115 = arith.constant 0 : i32
        %dma_wait3A_116 = arith.constant 0 : i32
        %dma_wait3A_117 = tpu.memref_slice %arg3[%dma_wait3A_115, %dma_wait3A_116] : memref<10000x128xf32, #tpu.memory_space<hbm>> -> memref<10000x128xf32, #tpu.memory_space<hbm>>
        tpu.wait_indirect_dma semaphore(%arg17 : memref<!tpu.dma_semaphore, #tpu.memory_space<semaphore_mem>>) src(%dma_wait3A_117 : memref<10000x128xf32, #tpu.memory_space<hbm>>) dst(%arg14 : memref<80x128xf32, #tpu.memory_space<vmem>>)
        %add3A = arith.constant 1 : i32
        %add3A_118 = arith.addi %mul3A_111, %add3A : i32
        %dma_start3A_119 = arith.constant 0 : i32
        %dma_start3A_120 = tpu.memref_slice %arg12[%add3A_118, %dma_start3A_119] : memref<64x80xi32, #tpu.memory_space<vmem>> -> memref<1x80xi32, #tpu.memory_space<vmem>>
        %dma_start3A_121 = tpu.memref_squeeze %dma_start3A_120 : memref<1x80xi32, #tpu.memory_space<vmem>> -> memref<80xi32, #tpu.memory_space<vmem>>
        %dma_start3A_122 = arith.constant 0 : i32
        %dma_start3A_123 = arith.constant 0 : i32
        %dma_start3A_124 = tpu.memref_slice %arg3[%dma_start3A_122, %dma_start3A_123] : memref<10000x128xf32, #tpu.memory_space<hbm>> -> memref<10000x128xf32, #tpu.memory_space<hbm>>
        tpu.enqueue_indirect_dma source(%dma_start3A_124 : memref<10000x128xf32, #tpu.memory_space<hbm>>) target(%arg15 : memref<80x128xf32, #tpu.memory_space<vmem>>) offsets(%dma_start3A_121 : memref<80xi32, #tpu.memory_space<vmem>>) semaphore(%arg18 : memref<!tpu.dma_semaphore, #tpu.memory_space<semaphore_mem>>)
        "tpu.region"() ({
          %run_scoped3A = tpu.sem_alloc : memref<!tpu.dma_semaphore, #tpu.memory_space<semaphore_mem>>
          %dma_start3A_141 = arith.constant 0 : i32
          %dma_start3A_142 = tpu.memref_slice %arg13[%mul3A_111, %dma_start3A_141] : memref<64x80xi32, #tpu.memory_space<vmem>> -> memref<1x80xi32, #tpu.memory_space<vmem>>
          %dma_start3A_143 = tpu.memref_squeeze %dma_start3A_142 : memref<1x80xi32, #tpu.memory_space<vmem>> -> memref<80xi32, #tpu.memory_space<vmem>>
          %dma_start3A_144 = arith.constant 0 : i32
          %dma_start3A_145 = arith.constant 0 : i32
          %dma_start3A_146 = tpu.memref_slice %arg16[%dma_start3A_144, %dma_start3A_145] : memref<10016x128xf32, #tpu.memory_space<vmem_shared>> -> memref<10016x128xf32, #tpu.memory_space<vmem_shared>>
          tpu.enqueue_indirect_dma source(%arg14 : memref<80x128xf32, #tpu.memory_space<vmem>>) target(%dma_start3A_146 : memref<10016x128xf32, #tpu.memory_space<vmem_shared>>) offsets(%dma_start3A_143 : memref<80xi32, #tpu.memory_space<vmem>>) semaphore(%run_scoped3A : memref<!tpu.dma_semaphore, #tpu.memory_space<semaphore_mem>>) {add = true}
          %dma_wait3A_147 = arith.constant 0 : i32
          %dma_wait3A_148 = tpu.memref_slice %arg13[%mul3A_111, %dma_wait3A_147] : memref<64x80xi32, #tpu.memory_space<vmem>> -> memref<1x80xi32, #tpu.memory_space<vmem>>
          %dma_wait3A_149 = tpu.memref_squeeze %dma_wait3A_148 : memref<1x80xi32, #tpu.memory_space<vmem>> -> memref<80xi32, #tpu.memory_space<vmem>>
          %dma_wait3A_150 = arith.constant 0 : i32
          %dma_wait3A_151 = arith.constant 0 : i32
          %dma_wait3A_152 = tpu.memref_slice %arg16[%dma_wait3A_150, %dma_wait3A_151] : memref<10016x128xf32, #tpu.memory_space<vmem_shared>> -> memref<10016x128xf32, #tpu.memory_space<vmem_shared>>
          tpu.wait_indirect_dma semaphore(%run_scoped3A : memref<!tpu.dma_semaphore, #tpu.memory_space<semaphore_mem>>) src(%arg14 : memref<80x128xf32, #tpu.memory_space<vmem>>) dst(%dma_wait3A_152 : memref<10016x128xf32, #tpu.memory_space<vmem_shared>>)
          tpu.yield
        }) : () -> ()
        %dma_wait3A_125 = arith.constant 0 : i32
        %dma_wait3A_126 = arith.constant 0 : i32
        %dma_wait3A_127 = tpu.memref_slice %arg12[%dma_wait3A_125, %dma_wait3A_126] : memref<64x80xi32, #tpu.memory_space<vmem>> -> memref<1x80xi32, #tpu.memory_space<vmem>>
        %dma_wait3A_128 = tpu.memref_squeeze %dma_wait3A_127 : memref<1x80xi32, #tpu.memory_space<vmem>> -> memref<80xi32, #tpu.memory_space<vmem>>
        %dma_wait3A_129 = arith.constant 0 : i32
        %dma_wait3A_130 = arith.constant 0 : i32
        %dma_wait3A_131 = tpu.memref_slice %arg3[%dma_wait3A_129, %dma_wait3A_130] : memref<10000x128xf32, #tpu.memory_space<hbm>> -> memref<10000x128xf32, #tpu.memory_space<hbm>>
        tpu.wait_indirect_dma semaphore(%arg18 : memref<!tpu.dma_semaphore, #tpu.memory_space<semaphore_mem>>) src(%dma_wait3A_131 : memref<10000x128xf32, #tpu.memory_space<hbm>>) dst(%arg15 : memref<80x128xf32, #tpu.memory_space<vmem>>)
        %add3A_132 = arith.constant 2 : i32
        %add3A_133 = arith.addi %mul3A_111, %add3A_132 : i32
        %lt3A_134 = arith.constant 62 : i32
        %lt3A_135 = arith.cmpi slt, %add3A_133, %lt3A_134 : i32
        %convert_element_type3A_136 = arith.extui %lt3A_135 : i1 to i32
        %cond3A_137 = arith.constant 0 : i32
        %cond3A_138 = arith.cmpi ne, %convert_element_type3A_136, %cond3A_137 : i32
        scf.if %cond3A_138 {
          %add3A_141 = arith.constant 2 : i32
          %add3A_142 = arith.addi %mul3A_111, %add3A_141 : i32
          %dma_start3A_143 = arith.constant 0 : i32
          %dma_start3A_144 = tpu.memref_slice %arg12[%add3A_142, %dma_start3A_143] : memref<64x80xi32, #tpu.memory_space<vmem>> -> memref<1x80xi32, #tpu.memory_space<vmem>>
          %dma_start3A_145 = tpu.memref_squeeze %dma_start3A_144 : memref<1x80xi32, #tpu.memory_space<vmem>> -> memref<80xi32, #tpu.memory_space<vmem>>
          %dma_start3A_146 = arith.constant 0 : i32
          %dma_start3A_147 = arith.constant 0 : i32
          %dma_start3A_148 = tpu.memref_slice %arg3[%dma_start3A_146, %dma_start3A_147] : memref<10000x128xf32, #tpu.memory_space<hbm>> -> memref<10000x128xf32, #tpu.memory_space<hbm>>
          tpu.enqueue_indirect_dma source(%dma_start3A_148 : memref<10000x128xf32, #tpu.memory_space<hbm>>) target(%arg14 : memref<80x128xf32, #tpu.memory_space<vmem>>) offsets(%dma_start3A_145 : memref<80xi32, #tpu.memory_space<vmem>>) semaphore(%arg17 : memref<!tpu.dma_semaphore, #tpu.memory_space<semaphore_mem>>)
        } else {
        }
        %add3A_139 = arith.constant 1 : i32
        %add3A_140 = arith.addi %mul3A_111, %add3A_139 : i32
        "tpu.region"() ({
          %run_scoped3A = tpu.sem_alloc : memref<!tpu.dma_semaphore, #tpu.memory_space<semaphore_mem>>
          %dma_start3A_141 = arith.constant 0 : i32
          %dma_start3A_142 = tpu.memref_slice %arg13[%add3A_140, %dma_start3A_141] : memref<64x80xi32, #tpu.memory_space<vmem>> -> memref<1x80xi32, #tpu.memory_space<vmem>>
          %dma_start3A_143 = tpu.memref_squeeze %dma_start3A_142 : memref<1x80xi32, #tpu.memory_space<vmem>> -> memref<80xi32, #tpu.memory_space<vmem>>
          %dma_start3A_144 = arith.constant 0 : i32
          %dma_start3A_145 = arith.constant 0 : i32
          %dma_start3A_146 = tpu.memref_slice %arg16[%dma_start3A_144, %dma_start3A_145] : memref<10016x128xf32, #tpu.memory_space<vmem_shared>> -> memref<10016x128xf32, #tpu.memory_space<vmem_shared>>
          tpu.enqueue_indirect_dma source(%arg15 : memref<80x128xf32, #tpu.memory_space<vmem>>) target(%dma_start3A_146 : memref<10016x128xf32, #tpu.memory_space<vmem_shared>>) offsets(%dma_start3A_143 : memref<80xi32, #tpu.memory_space<vmem>>) semaphore(%run_scoped3A : memref<!tpu.dma_semaphore, #tpu.memory_space<semaphore_mem>>) {add = true}
          %dma_wait3A_147 = arith.constant 0 : i32
          %dma_wait3A_148 = tpu.memref_slice %arg13[%add3A_140, %dma_wait3A_147] : memref<64x80xi32, #tpu.memory_space<vmem>> -> memref<1x80xi32, #tpu.memory_space<vmem>>
          %dma_wait3A_149 = tpu.memref_squeeze %dma_wait3A_148 : memref<1x80xi32, #tpu.memory_space<vmem>> -> memref<80xi32, #tpu.memory_space<vmem>>
          %dma_wait3A_150 = arith.constant 0 : i32
          %dma_wait3A_151 = arith.constant 0 : i32
          %dma_wait3A_152 = tpu.memref_slice %arg16[%dma_wait3A_150, %dma_wait3A_151] : memref<10016x128xf32, #tpu.memory_space<vmem_shared>> -> memref<10016x128xf32, #tpu.memory_space<vmem_shared>>
          tpu.wait_indirect_dma semaphore(%run_scoped3A : memref<!tpu.dma_semaphore, #tpu.memory_space<semaphore_mem>>) src(%arg15 : memref<80x128xf32, #tpu.memory_space<vmem>>) dst(%dma_wait3A_152 : memref<10016x128xf32, #tpu.memory_space<vmem_shared>>)
          tpu.yield
        }) : () -> ()
      }
      %scan3A_94 = arith.constant 31 : i32
      %barrier3A_95 = arith.constant 0 : index
      tpu.barrier barrier_id(%barrier3A_95)
      %mul3A_96 = arith.constant 632 : i32
      %mul3A_97 = arith.muli %arg1, %mul3A_96 : i32
      %multiple_of3A_98 = tpu.assume_multiple %mul3A_97, 8 : i32
      %lt3A_99 = arith.constant 15 : i32
      %lt3A_100 = arith.cmpi slt, %arg1, %lt3A_99 : i32
      %convert_element_type3A_101 = arith.extui %lt3A_100 : i1 to i32
      %cond3A_102 = arith.constant 0 : i32
      %cond3A_103 = arith.cmpi ne, %convert_element_type3A_101, %cond3A_102 : i32
      scf.if %cond3A_103 {
        "tpu.region"() ({
          %run_scoped3A = tpu.sem_alloc : memref<!tpu.dma_semaphore, #tpu.memory_space<semaphore_mem>>
          %dma_start3A_109 = arith.constant 0 : i32
          %dma_start3A_110 = tpu.memref_slice %arg9[%multiple_of3A_98, %dma_start3A_109] : memref<10000x128xf32, #tpu.memory_space<hbm>> -> memref<632x128xf32, #tpu.memory_space<hbm>>
          %dma_start3A_111 = arith.constant 0 : i32
          %dma_start3A_112 = tpu.memref_slice %arg16[%multiple_of3A_98, %dma_start3A_111] : memref<10016x128xf32, #tpu.memory_space<vmem_shared>> -> memref<632x128xf32, #tpu.memory_space<vmem_shared>>
          tpu.enqueue_dma source(%dma_start3A_112 : memref<632x128xf32, #tpu.memory_space<vmem_shared>>) target(%dma_start3A_110 : memref<632x128xf32, #tpu.memory_space<hbm>>) target_semaphore(%run_scoped3A : memref<!tpu.dma_semaphore, #tpu.memory_space<semaphore_mem>>)
          %dma_wait3A = arith.constant 0 : i32
          %dma_wait3A_113 = tpu.memref_slice %arg9[%multiple_of3A_98, %dma_wait3A] : memref<10000x128xf32, #tpu.memory_space<hbm>> -> memref<632x128xf32, #tpu.memory_space<hbm>>
          %dma_wait3A_114 = arith.constant 0 : i32
          %dma_wait3A_115 = tpu.memref_slice %arg16[%multiple_of3A_98, %dma_wait3A_114] : memref<10016x128xf32, #tpu.memory_space<vmem_shared>> -> memref<632x128xf32, #tpu.memory_space<vmem_shared>>
          tpu.wait_dma2 semaphore(%run_scoped3A : memref<!tpu.dma_semaphore, #tpu.memory_space<semaphore_mem>>) src(%dma_wait3A_115 : memref<632x128xf32, #tpu.memory_space<vmem_shared>>) dst(%dma_wait3A_113 : memref<632x128xf32, #tpu.memory_space<hbm>>)
          tpu.yield
        }) : () -> ()
      } else {
      }
      %eq3A_104 = arith.constant 15 : i32
      %eq3A_105 = arith.cmpi eq, %arg1, %eq3A_104 : i32
      %convert_element_type3A_106 = arith.extui %eq3A_105 : i1 to i32
      %cond3A_107 = arith.constant 0 : i32
      %cond3A_108 = arith.cmpi ne, %convert_element_type3A_106, %cond3A_107 : i32
      scf.if %cond3A_108 {
        "tpu.region"() ({
          %run_scoped3A = tpu.sem_alloc : memref<!tpu.dma_semaphore, #tpu.memory_space<semaphore_mem>>
          %dma_start3A_109 = arith.constant 9480 : i32
          %dma_start3A_110 = arith.constant 0 : i32
          %dma_start3A_111 = tpu.memref_slice %arg9[%dma_start3A_109, %dma_start3A_110] : memref<10000x128xf32, #tpu.memory_space<hbm>> -> memref<520x128xf32, #tpu.memory_space<hbm>>
          %dma_start3A_112 = arith.constant 9480 : i32
          %dma_start3A_113 = arith.constant 0 : i32
          %dma_start3A_114 = tpu.memref_slice %arg16[%dma_start3A_112, %dma_start3A_113] : memref<10016x128xf32, #tpu.memory_space<vmem_shared>> -> memref<520x128xf32, #tpu.memory_space<vmem_shared>>
          tpu.enqueue_dma source(%dma_start3A_114 : memref<520x128xf32, #tpu.memory_space<vmem_shared>>) target(%dma_start3A_111 : memref<520x128xf32, #tpu.memory_space<hbm>>) target_semaphore(%run_scoped3A : memref<!tpu.dma_semaphore, #tpu.memory_space<semaphore_mem>>)
          %dma_wait3A = arith.constant 9480 : i32
          %dma_wait3A_115 = arith.constant 0 : i32
          %dma_wait3A_116 = tpu.memref_slice %arg9[%dma_wait3A, %dma_wait3A_115] : memref<10000x128xf32, #tpu.memory_space<hbm>> -> memref<520x128xf32, #tpu.memory_space<hbm>>
          %dma_wait3A_117 = arith.constant 9480 : i32
          %dma_wait3A_118 = arith.constant 0 : i32
          %dma_wait3A_119 = tpu.memref_slice %arg16[%dma_wait3A_117, %dma_wait3A_118] : memref<10016x128xf32, #tpu.memory_space<vmem_shared>> -> memref<520x128xf32, #tpu.memory_space<vmem_shared>>
          tpu.wait_dma2 semaphore(%run_scoped3A : memref<!tpu.dma_semaphore, #tpu.memory_space<semaphore_mem>>) src(%dma_wait3A_119 : memref<520x128xf32, #tpu.memory_space<vmem_shared>>) dst(%dma_wait3A_116 : memref<520x128xf32, #tpu.memory_space<hbm>>)
          tpu.yield
        }) : () -> ()
      } else {
      }
    } else {
    }
    %eq3A_2 = arith.constant 1 : i32
    %eq3A_3 = arith.cmpi eq, %arg0, %eq3A_2 : i32
    %convert_element_type3A_4 = arith.extui %eq3A_3 : i1 to i32
    %cond3A_5 = arith.constant 0 : i32
    %cond3A_6 = arith.cmpi ne, %convert_element_type3A_4, %cond3A_5 : i32
    scf.if %cond3A_6 {
      %mul3A = arith.constant 632 : i32
      %mul3A_7 = arith.muli %arg1, %mul3A : i32
      %multiple_of3A = tpu.assume_multiple %mul3A_7, 8 : i32
      %lt3A = arith.constant 15 : i32
      %lt3A_8 = arith.cmpi slt, %arg1, %lt3A : i32
      %convert_element_type3A_9 = arith.extui %lt3A_8 : i1 to i32
      %cond3A_10 = arith.constant 0 : i32
      %cond3A_11 = arith.cmpi ne, %convert_element_type3A_9, %cond3A_10 : i32
      scf.if %cond3A_11 {
        "tpu.region"() ({
          %run_scoped3A = tpu.sem_alloc : memref<!tpu.dma_semaphore, #tpu.memory_space<semaphore_mem>>
          %dma_start3A_109 = arith.constant 0 : i32
          %dma_start3A_110 = tpu.memref_slice %arg16[%multiple_of3A, %dma_start3A_109] : memref<10016x128xf32, #tpu.memory_space<vmem_shared>> -> memref<632x128xf32, #tpu.memory_space<vmem_shared>>
          %dma_start3A_111 = arith.constant 0 : i32
          %dma_start3A_112 = tpu.memref_slice %arg4[%multiple_of3A, %dma_start3A_111] : memref<10000x128xf32, #tpu.memory_space<hbm>> -> memref<632x128xf32, #tpu.memory_space<hbm>>
          tpu.enqueue_dma source(%dma_start3A_112 : memref<632x128xf32, #tpu.memory_space<hbm>>) target(%dma_start3A_110 : memref<632x128xf32, #tpu.memory_space<vmem_shared>>) target_semaphore(%run_scoped3A : memref<!tpu.dma_semaphore, #tpu.memory_space<semaphore_mem>>)
          %dma_wait3A = arith.constant 0 : i32
          %dma_wait3A_113 = tpu.memref_slice %arg16[%multiple_of3A, %dma_wait3A] : memref<10016x128xf32, #tpu.memory_space<vmem_shared>> -> memref<632x128xf32, #tpu.memory_space<vmem_shared>>
          %dma_wait3A_114 = arith.constant 0 : i32
          %dma_wait3A_115 = tpu.memref_slice %arg4[%multiple_of3A, %dma_wait3A_114] : memref<10000x128xf32, #tpu.memory_space<hbm>> -> memref<632x128xf32, #tpu.memory_space<hbm>>
          tpu.wait_dma2 semaphore(%run_scoped3A : memref<!tpu.dma_semaphore, #tpu.memory_space<semaphore_mem>>) src(%dma_wait3A_115 : memref<632x128xf32, #tpu.memory_space<hbm>>) dst(%dma_wait3A_113 : memref<632x128xf32, #tpu.memory_space<vmem_shared>>)
          tpu.yield
        }) : () -> ()
      } else {
      }
      %eq3A_12 = arith.constant 15 : i32
      %eq3A_13 = arith.cmpi eq, %arg1, %eq3A_12 : i32
      %convert_element_type3A_14 = arith.extui %eq3A_13 : i1 to i32
      %cond3A_15 = arith.constant 0 : i32
      %cond3A_16 = arith.cmpi ne, %convert_element_type3A_14, %cond3A_15 : i32
      scf.if %cond3A_16 {
        "tpu.region"() ({
          %run_scoped3A = tpu.sem_alloc : memref<!tpu.dma_semaphore, #tpu.memory_space<semaphore_mem>>
          %dma_start3A_109 = arith.constant 9480 : i32
          %dma_start3A_110 = arith.constant 0 : i32
          %dma_start3A_111 = tpu.memref_slice %arg16[%dma_start3A_109, %dma_start3A_110] : memref<10016x128xf32, #tpu.memory_space<vmem_shared>> -> memref<520x128xf32, #tpu.memory_space<vmem_shared>>
          %dma_start3A_112 = arith.constant 9480 : i32
          %dma_start3A_113 = arith.constant 0 : i32
          %dma_start3A_114 = tpu.memref_slice %arg4[%dma_start3A_112, %dma_start3A_113] : memref<10000x128xf32, #tpu.memory_space<hbm>> -> memref<520x128xf32, #tpu.memory_space<hbm>>
          tpu.enqueue_dma source(%dma_start3A_114 : memref<520x128xf32, #tpu.memory_space<hbm>>) target(%dma_start3A_111 : memref<520x128xf32, #tpu.memory_space<vmem_shared>>) target_semaphore(%run_scoped3A : memref<!tpu.dma_semaphore, #tpu.memory_space<semaphore_mem>>)
          %dma_wait3A = arith.constant 9480 : i32
          %dma_wait3A_115 = arith.constant 0 : i32
          %dma_wait3A_116 = tpu.memref_slice %arg16[%dma_wait3A, %dma_wait3A_115] : memref<10016x128xf32, #tpu.memory_space<vmem_shared>> -> memref<520x128xf32, #tpu.memory_space<vmem_shared>>
          %dma_wait3A_117 = arith.constant 9480 : i32
          %dma_wait3A_118 = arith.constant 0 : i32
          %dma_wait3A_119 = tpu.memref_slice %arg4[%dma_wait3A_117, %dma_wait3A_118] : memref<10000x128xf32, #tpu.memory_space<hbm>> -> memref<520x128xf32, #tpu.memory_space<hbm>>
          tpu.wait_dma2 semaphore(%run_scoped3A : memref<!tpu.dma_semaphore, #tpu.memory_space<semaphore_mem>>) src(%dma_wait3A_119 : memref<520x128xf32, #tpu.memory_space<hbm>>) dst(%dma_wait3A_116 : memref<520x128xf32, #tpu.memory_space<vmem_shared>>)
          tpu.yield
        }) : () -> ()
      } else {
      }
      %barrier3A = arith.constant 0 : index
      tpu.barrier barrier_id(%barrier3A)
      "tpu.region"() ({
        %run_scoped3A = tpu.sem_alloc : memref<!tpu.dma_semaphore, #tpu.memory_space<semaphore_mem>>
        %dma_start3A_109 = arith.constant 0 : i32
        %dma_start3A_110 = arith.constant 0 : i32
        %dma_start3A_111 = tpu.memref_slice %arg12[%dma_start3A_109, %dma_start3A_110] : memref<64x80xi32, #tpu.memory_space<vmem>> -> memref<64x80xi32, #tpu.memory_space<vmem>>
        %dma_start3A_112 = arith.constant 0 : i32
        %dma_start3A_113 = arith.constant 0 : i32
        %dma_start3A_114 = tpu.memref_slice %arg6[%arg1, %dma_start3A_112, %dma_start3A_113] : memref<16x126x80xi32, #tpu.memory_space<hbm>> -> memref<1x126x80xi32, #tpu.memory_space<hbm>>
        %dma_start3A_115 = tpu.memref_squeeze %dma_start3A_114 : memref<1x126x80xi32, #tpu.memory_space<hbm>> -> memref<126x80xi32, #tpu.memory_space<hbm>>
        %dma_start3A_116 = arith.constant 0 : i32
        %dma_start3A_117 = arith.constant 0 : i32
        %dma_start3A_118 = tpu.memref_slice %dma_start3A_115[%dma_start3A_116, %dma_start3A_117] : memref<126x80xi32, #tpu.memory_space<hbm>> -> memref<64x80xi32, #tpu.memory_space<hbm>>
        %dma_start3A_119 = arith.constant 0 : i32
        %dma_start3A_120 = arith.constant 0 : i32
        %dma_start3A_121 = tpu.memref_slice %arg12[%dma_start3A_119, %dma_start3A_120] : memref<64x80xi32, #tpu.memory_space<vmem>> -> memref<64x80xi32, #tpu.memory_space<vmem>>
        %dma_start3A_122 = arith.constant 0 : i32
        %dma_start3A_123 = arith.constant 0 : i32
        %dma_start3A_124 = tpu.memref_slice %arg6[%arg1, %dma_start3A_122, %dma_start3A_123] : memref<16x126x80xi32, #tpu.memory_space<hbm>> -> memref<1x126x80xi32, #tpu.memory_space<hbm>>
        %dma_start3A_125 = tpu.memref_squeeze %dma_start3A_124 : memref<1x126x80xi32, #tpu.memory_space<hbm>> -> memref<126x80xi32, #tpu.memory_space<hbm>>
        %dma_start3A_126 = arith.constant 0 : i32
        %dma_start3A_127 = arith.constant 0 : i32
        %dma_start3A_128 = tpu.memref_slice %dma_start3A_125[%dma_start3A_126, %dma_start3A_127] : memref<126x80xi32, #tpu.memory_space<hbm>> -> memref<64x80xi32, #tpu.memory_space<hbm>>
        tpu.enqueue_dma source(%dma_start3A_128 : memref<64x80xi32, #tpu.memory_space<hbm>>) target(%dma_start3A_121 : memref<64x80xi32, #tpu.memory_space<vmem>>) target_semaphore(%run_scoped3A : memref<!tpu.dma_semaphore, #tpu.memory_space<semaphore_mem>>)
        %dma_wait3A = arith.constant 0 : i32
        %dma_wait3A_129 = arith.constant 0 : i32
        %dma_wait3A_130 = tpu.memref_slice %arg12[%dma_wait3A, %dma_wait3A_129] : memref<64x80xi32, #tpu.memory_space<vmem>> -> memref<64x80xi32, #tpu.memory_space<vmem>>
        %dma_wait3A_131 = arith.constant 0 : i32
        %dma_wait3A_132 = arith.constant 0 : i32
        %dma_wait3A_133 = tpu.memref_slice %arg6[%arg1, %dma_wait3A_131, %dma_wait3A_132] : memref<16x126x80xi32, #tpu.memory_space<hbm>> -> memref<1x126x80xi32, #tpu.memory_space<hbm>>
        %dma_wait3A_134 = tpu.memref_squeeze %dma_wait3A_133 : memref<1x126x80xi32, #tpu.memory_space<hbm>> -> memref<126x80xi32, #tpu.memory_space<hbm>>
        %dma_wait3A_135 = arith.constant 0 : i32
        %dma_wait3A_136 = arith.constant 0 : i32
        %dma_wait3A_137 = tpu.memref_slice %dma_wait3A_134[%dma_wait3A_135, %dma_wait3A_136] : memref<126x80xi32, #tpu.memory_space<hbm>> -> memref<64x80xi32, #tpu.memory_space<hbm>>
        %dma_wait3A_138 = arith.constant 0 : i32
        %dma_wait3A_139 = arith.constant 0 : i32
        %dma_wait3A_140 = tpu.memref_slice %arg12[%dma_wait3A_138, %dma_wait3A_139] : memref<64x80xi32, #tpu.memory_space<vmem>> -> memref<64x80xi32, #tpu.memory_space<vmem>>
        %dma_wait3A_141 = arith.constant 0 : i32
        %dma_wait3A_142 = arith.constant 0 : i32
        %dma_wait3A_143 = tpu.memref_slice %arg6[%arg1, %dma_wait3A_141, %dma_wait3A_142] : memref<16x126x80xi32, #tpu.memory_space<hbm>> -> memref<1x126x80xi32, #tpu.memory_space<hbm>>
        %dma_wait3A_144 = tpu.memref_squeeze %dma_wait3A_143 : memref<1x126x80xi32, #tpu.memory_space<hbm>> -> memref<126x80xi32, #tpu.memory_space<hbm>>
        %dma_wait3A_145 = arith.constant 0 : i32
        %dma_wait3A_146 = arith.constant 0 : i32
        %dma_wait3A_147 = tpu.memref_slice %dma_wait3A_144[%dma_wait3A_145, %dma_wait3A_146] : memref<126x80xi32, #tpu.memory_space<hbm>> -> memref<64x80xi32, #tpu.memory_space<hbm>>
        tpu.wait_dma2 semaphore(%run_scoped3A : memref<!tpu.dma_semaphore, #tpu.memory_space<semaphore_mem>>) src(%dma_wait3A_147 : memref<64x80xi32, #tpu.memory_space<hbm>>) dst(%dma_wait3A_140 : memref<64x80xi32, #tpu.memory_space<vmem>>)
        tpu.yield
      }) : () -> ()
      "tpu.region"() ({
        %run_scoped3A = tpu.sem_alloc : memref<!tpu.dma_semaphore, #tpu.memory_space<semaphore_mem>>
        %dma_start3A_109 = arith.constant 0 : i32
        %dma_start3A_110 = arith.constant 0 : i32
        %dma_start3A_111 = tpu.memref_slice %arg13[%dma_start3A_109, %dma_start3A_110] : memref<64x80xi32, #tpu.memory_space<vmem>> -> memref<64x80xi32, #tpu.memory_space<vmem>>
        %dma_start3A_112 = arith.constant 0 : i32
        %dma_start3A_113 = arith.constant 0 : i32
        %dma_start3A_114 = tpu.memref_slice %arg7[%arg1, %dma_start3A_112, %dma_start3A_113] : memref<16x126x80xi32, #tpu.memory_space<hbm>> -> memref<1x126x80xi32, #tpu.memory_space<hbm>>
        %dma_start3A_115 = tpu.memref_squeeze %dma_start3A_114 : memref<1x126x80xi32, #tpu.memory_space<hbm>> -> memref<126x80xi32, #tpu.memory_space<hbm>>
        %dma_start3A_116 = arith.constant 0 : i32
        %dma_start3A_117 = arith.constant 0 : i32
        %dma_start3A_118 = tpu.memref_slice %dma_start3A_115[%dma_start3A_116, %dma_start3A_117] : memref<126x80xi32, #tpu.memory_space<hbm>> -> memref<64x80xi32, #tpu.memory_space<hbm>>
        %dma_start3A_119 = arith.constant 0 : i32
        %dma_start3A_120 = arith.constant 0 : i32
        %dma_start3A_121 = tpu.memref_slice %arg13[%dma_start3A_119, %dma_start3A_120] : memref<64x80xi32, #tpu.memory_space<vmem>> -> memref<64x80xi32, #tpu.memory_space<vmem>>
        %dma_start3A_122 = arith.constant 0 : i32
        %dma_start3A_123 = arith.constant 0 : i32
        %dma_start3A_124 = tpu.memref_slice %arg7[%arg1, %dma_start3A_122, %dma_start3A_123] : memref<16x126x80xi32, #tpu.memory_space<hbm>> -> memref<1x126x80xi32, #tpu.memory_space<hbm>>
        %dma_start3A_125 = tpu.memref_squeeze %dma_start3A_124 : memref<1x126x80xi32, #tpu.memory_space<hbm>> -> memref<126x80xi32, #tpu.memory_space<hbm>>
        %dma_start3A_126 = arith.constant 0 : i32
        %dma_start3A_127 = arith.constant 0 : i32
        %dma_start3A_128 = tpu.memref_slice %dma_start3A_125[%dma_start3A_126, %dma_start3A_127] : memref<126x80xi32, #tpu.memory_space<hbm>> -> memref<64x80xi32, #tpu.memory_space<hbm>>
        tpu.enqueue_dma source(%dma_start3A_128 : memref<64x80xi32, #tpu.memory_space<hbm>>) target(%dma_start3A_121 : memref<64x80xi32, #tpu.memory_space<vmem>>) target_semaphore(%run_scoped3A : memref<!tpu.dma_semaphore, #tpu.memory_space<semaphore_mem>>)
        %dma_wait3A = arith.constant 0 : i32
        %dma_wait3A_129 = arith.constant 0 : i32
        %dma_wait3A_130 = tpu.memref_slice %arg13[%dma_wait3A, %dma_wait3A_129] : memref<64x80xi32, #tpu.memory_space<vmem>> -> memref<64x80xi32, #tpu.memory_space<vmem>>
        %dma_wait3A_131 = arith.constant 0 : i32
        %dma_wait3A_132 = arith.constant 0 : i32
        %dma_wait3A_133 = tpu.memref_slice %arg7[%arg1, %dma_wait3A_131, %dma_wait3A_132] : memref<16x126x80xi32, #tpu.memory_space<hbm>> -> memref<1x126x80xi32, #tpu.memory_space<hbm>>
        %dma_wait3A_134 = tpu.memref_squeeze %dma_wait3A_133 : memref<1x126x80xi32, #tpu.memory_space<hbm>> -> memref<126x80xi32, #tpu.memory_space<hbm>>
        %dma_wait3A_135 = arith.constant 0 : i32
        %dma_wait3A_136 = arith.constant 0 : i32
        %dma_wait3A_137 = tpu.memref_slice %dma_wait3A_134[%dma_wait3A_135, %dma_wait3A_136] : memref<126x80xi32, #tpu.memory_space<hbm>> -> memref<64x80xi32, #tpu.memory_space<hbm>>
        %dma_wait3A_138 = arith.constant 0 : i32
        %dma_wait3A_139 = arith.constant 0 : i32
        %dma_wait3A_140 = tpu.memref_slice %arg13[%dma_wait3A_138, %dma_wait3A_139] : memref<64x80xi32, #tpu.memory_space<vmem>> -> memref<64x80xi32, #tpu.memory_space<vmem>>
        %dma_wait3A_141 = arith.constant 0 : i32
        %dma_wait3A_142 = arith.constant 0 : i32
        %dma_wait3A_143 = tpu.memref_slice %arg7[%arg1, %dma_wait3A_141, %dma_wait3A_142] : memref<16x126x80xi32, #tpu.memory_space<hbm>> -> memref<1x126x80xi32, #tpu.memory_space<hbm>>
        %dma_wait3A_144 = tpu.memref_squeeze %dma_wait3A_143 : memref<1x126x80xi32, #tpu.memory_space<hbm>> -> memref<126x80xi32, #tpu.memory_space<hbm>>
        %dma_wait3A_145 = arith.constant 0 : i32
        %dma_wait3A_146 = arith.constant 0 : i32
        %dma_wait3A_147 = tpu.memref_slice %dma_wait3A_144[%dma_wait3A_145, %dma_wait3A_146] : memref<126x80xi32, #tpu.memory_space<hbm>> -> memref<64x80xi32, #tpu.memory_space<hbm>>
        tpu.wait_dma2 semaphore(%run_scoped3A : memref<!tpu.dma_semaphore, #tpu.memory_space<semaphore_mem>>) src(%dma_wait3A_147 : memref<64x80xi32, #tpu.memory_space<hbm>>) dst(%dma_wait3A_140 : memref<64x80xi32, #tpu.memory_space<vmem>>)
        tpu.yield
      }) : () -> ()
      %dma_start3A = arith.constant 0 : i32
      %dma_start3A_17 = arith.constant 0 : i32
      %dma_start3A_18 = tpu.memref_slice %arg12[%dma_start3A, %dma_start3A_17] : memref<64x80xi32, #tpu.memory_space<vmem>> -> memref<1x80xi32, #tpu.memory_space<vmem>>
      %dma_start3A_19 = tpu.memref_squeeze %dma_start3A_18 : memref<1x80xi32, #tpu.memory_space<vmem>> -> memref<80xi32, #tpu.memory_space<vmem>>
      %dma_start3A_20 = arith.constant 0 : i32
      %dma_start3A_21 = arith.constant 0 : i32
      %dma_start3A_22 = tpu.memref_slice %arg4[%dma_start3A_20, %dma_start3A_21] : memref<10000x128xf32, #tpu.memory_space<hbm>> -> memref<10000x128xf32, #tpu.memory_space<hbm>>
      tpu.enqueue_indirect_dma source(%dma_start3A_22 : memref<10000x128xf32, #tpu.memory_space<hbm>>) target(%arg14 : memref<80x128xf32, #tpu.memory_space<vmem>>) offsets(%dma_start3A_19 : memref<80xi32, #tpu.memory_space<vmem>>) semaphore(%arg17 : memref<!tpu.dma_semaphore, #tpu.memory_space<semaphore_mem>>)
      %scan3A = arith.constant 0 : i32
      %scan3A_23 = arith.constant 0 : i32
      %scan3A_24 = arith.constant 32 : i32
      %scan3A_25 = arith.addi %scan3A_23, %scan3A_24 : i32
      %scan3A_26 = arith.constant 1 : i32
      scf.for %scan3A_109 = %scan3A_23 to %scan3A_25 step %scan3A_26  : i32 {
        %mul3A_110 = arith.constant 2 : i32
        %mul3A_111 = arith.muli %mul3A_110, %scan3A_109 : i32
        %dma_wait3A = arith.constant 0 : i32
        %dma_wait3A_112 = arith.constant 0 : i32
        %dma_wait3A_113 = tpu.memref_slice %arg12[%dma_wait3A, %dma_wait3A_112] : memref<64x80xi32, #tpu.memory_space<vmem>> -> memref<1x80xi32, #tpu.memory_space<vmem>>
        %dma_wait3A_114 = tpu.memref_squeeze %dma_wait3A_113 : memref<1x80xi32, #tpu.memory_space<vmem>> -> memref<80xi32, #tpu.memory_space<vmem>>
        %dma_wait3A_115 = arith.constant 0 : i32
        %dma_wait3A_116 = arith.constant 0 : i32
        %dma_wait3A_117 = tpu.memref_slice %arg4[%dma_wait3A_115, %dma_wait3A_116] : memref<10000x128xf32, #tpu.memory_space<hbm>> -> memref<10000x128xf32, #tpu.memory_space<hbm>>
        tpu.wait_indirect_dma semaphore(%arg17 : memref<!tpu.dma_semaphore, #tpu.memory_space<semaphore_mem>>) src(%dma_wait3A_117 : memref<10000x128xf32, #tpu.memory_space<hbm>>) dst(%arg14 : memref<80x128xf32, #tpu.memory_space<vmem>>)
        %add3A = arith.constant 1 : i32
        %add3A_118 = arith.addi %mul3A_111, %add3A : i32
        %dma_start3A_119 = arith.constant 0 : i32
        %dma_start3A_120 = tpu.memref_slice %arg12[%add3A_118, %dma_start3A_119] : memref<64x80xi32, #tpu.memory_space<vmem>> -> memref<1x80xi32, #tpu.memory_space<vmem>>
        %dma_start3A_121 = tpu.memref_squeeze %dma_start3A_120 : memref<1x80xi32, #tpu.memory_space<vmem>> -> memref<80xi32, #tpu.memory_space<vmem>>
        %dma_start3A_122 = arith.constant 0 : i32
        %dma_start3A_123 = arith.constant 0 : i32
        %dma_start3A_124 = tpu.memref_slice %arg4[%dma_start3A_122, %dma_start3A_123] : memref<10000x128xf32, #tpu.memory_space<hbm>> -> memref<10000x128xf32, #tpu.memory_space<hbm>>
        tpu.enqueue_indirect_dma source(%dma_start3A_124 : memref<10000x128xf32, #tpu.memory_space<hbm>>) target(%arg15 : memref<80x128xf32, #tpu.memory_space<vmem>>) offsets(%dma_start3A_121 : memref<80xi32, #tpu.memory_space<vmem>>) semaphore(%arg18 : memref<!tpu.dma_semaphore, #tpu.memory_space<semaphore_mem>>)
        "tpu.region"() ({
          %run_scoped3A = tpu.sem_alloc : memref<!tpu.dma_semaphore, #tpu.memory_space<semaphore_mem>>
          %dma_start3A_141 = arith.constant 0 : i32
          %dma_start3A_142 = tpu.memref_slice %arg13[%mul3A_111, %dma_start3A_141] : memref<64x80xi32, #tpu.memory_space<vmem>> -> memref<1x80xi32, #tpu.memory_space<vmem>>
          %dma_start3A_143 = tpu.memref_squeeze %dma_start3A_142 : memref<1x80xi32, #tpu.memory_space<vmem>> -> memref<80xi32, #tpu.memory_space<vmem>>
          %dma_start3A_144 = arith.constant 0 : i32
          %dma_start3A_145 = arith.constant 0 : i32
          %dma_start3A_146 = tpu.memref_slice %arg16[%dma_start3A_144, %dma_start3A_145] : memref<10016x128xf32, #tpu.memory_space<vmem_shared>> -> memref<10016x128xf32, #tpu.memory_space<vmem_shared>>
          tpu.enqueue_indirect_dma source(%arg14 : memref<80x128xf32, #tpu.memory_space<vmem>>) target(%dma_start3A_146 : memref<10016x128xf32, #tpu.memory_space<vmem_shared>>) offsets(%dma_start3A_143 : memref<80xi32, #tpu.memory_space<vmem>>) semaphore(%run_scoped3A : memref<!tpu.dma_semaphore, #tpu.memory_space<semaphore_mem>>) {add = true}
          %dma_wait3A_147 = arith.constant 0 : i32
          %dma_wait3A_148 = tpu.memref_slice %arg13[%mul3A_111, %dma_wait3A_147] : memref<64x80xi32, #tpu.memory_space<vmem>> -> memref<1x80xi32, #tpu.memory_space<vmem>>
          %dma_wait3A_149 = tpu.memref_squeeze %dma_wait3A_148 : memref<1x80xi32, #tpu.memory_space<vmem>> -> memref<80xi32, #tpu.memory_space<vmem>>
          %dma_wait3A_150 = arith.constant 0 : i32
          %dma_wait3A_151 = arith.constant 0 : i32
          %dma_wait3A_152 = tpu.memref_slice %arg16[%dma_wait3A_150, %dma_wait3A_151] : memref<10016x128xf32, #tpu.memory_space<vmem_shared>> -> memref<10016x128xf32, #tpu.memory_space<vmem_shared>>
          tpu.wait_indirect_dma semaphore(%run_scoped3A : memref<!tpu.dma_semaphore, #tpu.memory_space<semaphore_mem>>) src(%arg14 : memref<80x128xf32, #tpu.memory_space<vmem>>) dst(%dma_wait3A_152 : memref<10016x128xf32, #tpu.memory_space<vmem_shared>>)
          tpu.yield
        }) : () -> ()
        %dma_wait3A_125 = arith.constant 0 : i32
        %dma_wait3A_126 = arith.constant 0 : i32
        %dma_wait3A_127 = tpu.memref_slice %arg12[%dma_wait3A_125, %dma_wait3A_126] : memref<64x80xi32, #tpu.memory_space<vmem>> -> memref<1x80xi32, #tpu.memory_space<vmem>>
        %dma_wait3A_128 = tpu.memref_squeeze %dma_wait3A_127 : memref<1x80xi32, #tpu.memory_space<vmem>> -> memref<80xi32, #tpu.memory_space<vmem>>
        %dma_wait3A_129 = arith.constant 0 : i32
        %dma_wait3A_130 = arith.constant 0 : i32
        %dma_wait3A_131 = tpu.memref_slice %arg4[%dma_wait3A_129, %dma_wait3A_130] : memref<10000x128xf32, #tpu.memory_space<hbm>> -> memref<10000x128xf32, #tpu.memory_space<hbm>>
        tpu.wait_indirect_dma semaphore(%arg18 : memref<!tpu.dma_semaphore, #tpu.memory_space<semaphore_mem>>) src(%dma_wait3A_131 : memref<10000x128xf32, #tpu.memory_space<hbm>>) dst(%arg15 : memref<80x128xf32, #tpu.memory_space<vmem>>)
        %add3A_132 = arith.constant 2 : i32
        %add3A_133 = arith.addi %mul3A_111, %add3A_132 : i32
        %lt3A_134 = arith.constant 64 : i32
        %lt3A_135 = arith.cmpi slt, %add3A_133, %lt3A_134 : i32
        %convert_element_type3A_136 = arith.extui %lt3A_135 : i1 to i32
        %cond3A_137 = arith.constant 0 : i32
        %cond3A_138 = arith.cmpi ne, %convert_element_type3A_136, %cond3A_137 : i32
        scf.if %cond3A_138 {
          %add3A_141 = arith.constant 2 : i32
          %add3A_142 = arith.addi %mul3A_111, %add3A_141 : i32
          %dma_start3A_143 = arith.constant 0 : i32
          %dma_start3A_144 = tpu.memref_slice %arg12[%add3A_142, %dma_start3A_143] : memref<64x80xi32, #tpu.memory_space<vmem>> -> memref<1x80xi32, #tpu.memory_space<vmem>>
          %dma_start3A_145 = tpu.memref_squeeze %dma_start3A_144 : memref<1x80xi32, #tpu.memory_space<vmem>> -> memref<80xi32, #tpu.memory_space<vmem>>
          %dma_start3A_146 = arith.constant 0 : i32
          %dma_start3A_147 = arith.constant 0 : i32
          %dma_start3A_148 = tpu.memref_slice %arg4[%dma_start3A_146, %dma_start3A_147] : memref<10000x128xf32, #tpu.memory_space<hbm>> -> memref<10000x128xf32, #tpu.memory_space<hbm>>
          tpu.enqueue_indirect_dma source(%dma_start3A_148 : memref<10000x128xf32, #tpu.memory_space<hbm>>) target(%arg14 : memref<80x128xf32, #tpu.memory_space<vmem>>) offsets(%dma_start3A_145 : memref<80xi32, #tpu.memory_space<vmem>>) semaphore(%arg17 : memref<!tpu.dma_semaphore, #tpu.memory_space<semaphore_mem>>)
        } else {
        }
        %add3A_139 = arith.constant 1 : i32
        %add3A_140 = arith.addi %mul3A_111, %add3A_139 : i32
        "tpu.region"() ({
          %run_scoped3A = tpu.sem_alloc : memref<!tpu.dma_semaphore, #tpu.memory_space<semaphore_mem>>
          %dma_start3A_141 = arith.constant 0 : i32
          %dma_start3A_142 = tpu.memref_slice %arg13[%add3A_140, %dma_start3A_141] : memref<64x80xi32, #tpu.memory_space<vmem>> -> memref<1x80xi32, #tpu.memory_space<vmem>>
          %dma_start3A_143 = tpu.memref_squeeze %dma_start3A_142 : memref<1x80xi32, #tpu.memory_space<vmem>> -> memref<80xi32, #tpu.memory_space<vmem>>
          %dma_start3A_144 = arith.constant 0 : i32
          %dma_start3A_145 = arith.constant 0 : i32
          %dma_start3A_146 = tpu.memref_slice %arg16[%dma_start3A_144, %dma_start3A_145] : memref<10016x128xf32, #tpu.memory_space<vmem_shared>> -> memref<10016x128xf32, #tpu.memory_space<vmem_shared>>
          tpu.enqueue_indirect_dma source(%arg15 : memref<80x128xf32, #tpu.memory_space<vmem>>) target(%dma_start3A_146 : memref<10016x128xf32, #tpu.memory_space<vmem_shared>>) offsets(%dma_start3A_143 : memref<80xi32, #tpu.memory_space<vmem>>) semaphore(%run_scoped3A : memref<!tpu.dma_semaphore, #tpu.memory_space<semaphore_mem>>) {add = true}
          %dma_wait3A_147 = arith.constant 0 : i32
          %dma_wait3A_148 = tpu.memref_slice %arg13[%add3A_140, %dma_wait3A_147] : memref<64x80xi32, #tpu.memory_space<vmem>> -> memref<1x80xi32, #tpu.memory_space<vmem>>
          %dma_wait3A_149 = tpu.memref_squeeze %dma_wait3A_148 : memref<1x80xi32, #tpu.memory_space<vmem>> -> memref<80xi32, #tpu.memory_space<vmem>>
          %dma_wait3A_150 = arith.constant 0 : i32
          %dma_wait3A_151 = arith.constant 0 : i32
          %dma_wait3A_152 = tpu.memref_slice %arg16[%dma_wait3A_150, %dma_wait3A_151] : memref<10016x128xf32, #tpu.memory_space<vmem_shared>> -> memref<10016x128xf32, #tpu.memory_space<vmem_shared>>
          tpu.wait_indirect_dma semaphore(%run_scoped3A : memref<!tpu.dma_semaphore, #tpu.memory_space<semaphore_mem>>) src(%arg15 : memref<80x128xf32, #tpu.memory_space<vmem>>) dst(%dma_wait3A_152 : memref<10016x128xf32, #tpu.memory_space<vmem_shared>>)
          tpu.yield
        }) : () -> ()
      }
      %scan3A_27 = arith.constant 32 : i32
      "tpu.region"() ({
        %run_scoped3A = tpu.sem_alloc : memref<!tpu.dma_semaphore, #tpu.memory_space<semaphore_mem>>
        %dma_start3A_109 = arith.constant 0 : i32
        %dma_start3A_110 = arith.constant 0 : i32
        %dma_start3A_111 = tpu.memref_slice %arg12[%dma_start3A_109, %dma_start3A_110] : memref<64x80xi32, #tpu.memory_space<vmem>> -> memref<62x80xi32, #tpu.memory_space<vmem>>
        %dma_start3A_112 = arith.constant 0 : i32
        %dma_start3A_113 = arith.constant 0 : i32
        %dma_start3A_114 = tpu.memref_slice %arg6[%arg1, %dma_start3A_112, %dma_start3A_113] : memref<16x126x80xi32, #tpu.memory_space<hbm>> -> memref<1x126x80xi32, #tpu.memory_space<hbm>>
        %dma_start3A_115 = tpu.memref_squeeze %dma_start3A_114 : memref<1x126x80xi32, #tpu.memory_space<hbm>> -> memref<126x80xi32, #tpu.memory_space<hbm>>
        %dma_start3A_116 = arith.constant 64 : i32
        %dma_start3A_117 = arith.constant 0 : i32
        %dma_start3A_118 = tpu.memref_slice %dma_start3A_115[%dma_start3A_116, %dma_start3A_117] : memref<126x80xi32, #tpu.memory_space<hbm>> -> memref<62x80xi32, #tpu.memory_space<hbm>>
        %dma_start3A_119 = arith.constant 0 : i32
        %dma_start3A_120 = arith.constant 0 : i32
        %dma_start3A_121 = tpu.memref_slice %arg12[%dma_start3A_119, %dma_start3A_120] : memref<64x80xi32, #tpu.memory_space<vmem>> -> memref<62x80xi32, #tpu.memory_space<vmem>>
        %dma_start3A_122 = arith.constant 0 : i32
        %dma_start3A_123 = arith.constant 0 : i32
        %dma_start3A_124 = tpu.memref_slice %arg6[%arg1, %dma_start3A_122, %dma_start3A_123] : memref<16x126x80xi32, #tpu.memory_space<hbm>> -> memref<1x126x80xi32, #tpu.memory_space<hbm>>
        %dma_start3A_125 = tpu.memref_squeeze %dma_start3A_124 : memref<1x126x80xi32, #tpu.memory_space<hbm>> -> memref<126x80xi32, #tpu.memory_space<hbm>>
        %dma_start3A_126 = arith.constant 64 : i32
        %dma_start3A_127 = arith.constant 0 : i32
        %dma_start3A_128 = tpu.memref_slice %dma_start3A_125[%dma_start3A_126, %dma_start3A_127] : memref<126x80xi32, #tpu.memory_space<hbm>> -> memref<62x80xi32, #tpu.memory_space<hbm>>
        tpu.enqueue_dma source(%dma_start3A_128 : memref<62x80xi32, #tpu.memory_space<hbm>>) target(%dma_start3A_121 : memref<62x80xi32, #tpu.memory_space<vmem>>) target_semaphore(%run_scoped3A : memref<!tpu.dma_semaphore, #tpu.memory_space<semaphore_mem>>)
        %dma_wait3A = arith.constant 0 : i32
        %dma_wait3A_129 = arith.constant 0 : i32
        %dma_wait3A_130 = tpu.memref_slice %arg12[%dma_wait3A, %dma_wait3A_129] : memref<64x80xi32, #tpu.memory_space<vmem>> -> memref<62x80xi32, #tpu.memory_space<vmem>>
        %dma_wait3A_131 = arith.constant 0 : i32
        %dma_wait3A_132 = arith.constant 0 : i32
        %dma_wait3A_133 = tpu.memref_slice %arg6[%arg1, %dma_wait3A_131, %dma_wait3A_132] : memref<16x126x80xi32, #tpu.memory_space<hbm>> -> memref<1x126x80xi32, #tpu.memory_space<hbm>>
        %dma_wait3A_134 = tpu.memref_squeeze %dma_wait3A_133 : memref<1x126x80xi32, #tpu.memory_space<hbm>> -> memref<126x80xi32, #tpu.memory_space<hbm>>
        %dma_wait3A_135 = arith.constant 64 : i32
        %dma_wait3A_136 = arith.constant 0 : i32
        %dma_wait3A_137 = tpu.memref_slice %dma_wait3A_134[%dma_wait3A_135, %dma_wait3A_136] : memref<126x80xi32, #tpu.memory_space<hbm>> -> memref<62x80xi32, #tpu.memory_space<hbm>>
        %dma_wait3A_138 = arith.constant 0 : i32
        %dma_wait3A_139 = arith.constant 0 : i32
        %dma_wait3A_140 = tpu.memref_slice %arg12[%dma_wait3A_138, %dma_wait3A_139] : memref<64x80xi32, #tpu.memory_space<vmem>> -> memref<62x80xi32, #tpu.memory_space<vmem>>
        %dma_wait3A_141 = arith.constant 0 : i32
        %dma_wait3A_142 = arith.constant 0 : i32
        %dma_wait3A_143 = tpu.memref_slice %arg6[%arg1, %dma_wait3A_141, %dma_wait3A_142] : memref<16x126x80xi32, #tpu.memory_space<hbm>> -> memref<1x126x80xi32, #tpu.memory_space<hbm>>
        %dma_wait3A_144 = tpu.memref_squeeze %dma_wait3A_143 : memref<1x126x80xi32, #tpu.memory_space<hbm>> -> memref<126x80xi32, #tpu.memory_space<hbm>>
        %dma_wait3A_145 = arith.constant 64 : i32
        %dma_wait3A_146 = arith.constant 0 : i32
        %dma_wait3A_147 = tpu.memref_slice %dma_wait3A_144[%dma_wait3A_145, %dma_wait3A_146] : memref<126x80xi32, #tpu.memory_space<hbm>> -> memref<62x80xi32, #tpu.memory_space<hbm>>
        tpu.wait_dma2 semaphore(%run_scoped3A : memref<!tpu.dma_semaphore, #tpu.memory_space<semaphore_mem>>) src(%dma_wait3A_147 : memref<62x80xi32, #tpu.memory_space<hbm>>) dst(%dma_wait3A_140 : memref<62x80xi32, #tpu.memory_space<vmem>>)
        tpu.yield
      }) : () -> ()
      "tpu.region"() ({
        %run_scoped3A = tpu.sem_alloc : memref<!tpu.dma_semaphore, #tpu.memory_space<semaphore_mem>>
        %dma_start3A_109 = arith.constant 0 : i32
        %dma_start3A_110 = arith.constant 0 : i32
        %dma_start3A_111 = tpu.memref_slice %arg13[%dma_start3A_109, %dma_start3A_110] : memref<64x80xi32, #tpu.memory_space<vmem>> -> memref<62x80xi32, #tpu.memory_space<vmem>>
        %dma_start3A_112 = arith.constant 0 : i32
        %dma_start3A_113 = arith.constant 0 : i32
        %dma_start3A_114 = tpu.memref_slice %arg7[%arg1, %dma_start3A_112, %dma_start3A_113] : memref<16x126x80xi32, #tpu.memory_space<hbm>> -> memref<1x126x80xi32, #tpu.memory_space<hbm>>
        %dma_start3A_115 = tpu.memref_squeeze %dma_start3A_114 : memref<1x126x80xi32, #tpu.memory_space<hbm>> -> memref<126x80xi32, #tpu.memory_space<hbm>>
        %dma_start3A_116 = arith.constant 64 : i32
        %dma_start3A_117 = arith.constant 0 : i32
        %dma_start3A_118 = tpu.memref_slice %dma_start3A_115[%dma_start3A_116, %dma_start3A_117] : memref<126x80xi32, #tpu.memory_space<hbm>> -> memref<62x80xi32, #tpu.memory_space<hbm>>
        %dma_start3A_119 = arith.constant 0 : i32
        %dma_start3A_120 = arith.constant 0 : i32
        %dma_start3A_121 = tpu.memref_slice %arg13[%dma_start3A_119, %dma_start3A_120] : memref<64x80xi32, #tpu.memory_space<vmem>> -> memref<62x80xi32, #tpu.memory_space<vmem>>
        %dma_start3A_122 = arith.constant 0 : i32
        %dma_start3A_123 = arith.constant 0 : i32
        %dma_start3A_124 = tpu.memref_slice %arg7[%arg1, %dma_start3A_122, %dma_start3A_123] : memref<16x126x80xi32, #tpu.memory_space<hbm>> -> memref<1x126x80xi32, #tpu.memory_space<hbm>>
        %dma_start3A_125 = tpu.memref_squeeze %dma_start3A_124 : memref<1x126x80xi32, #tpu.memory_space<hbm>> -> memref<126x80xi32, #tpu.memory_space<hbm>>
        %dma_start3A_126 = arith.constant 64 : i32
        %dma_start3A_127 = arith.constant 0 : i32
        %dma_start3A_128 = tpu.memref_slice %dma_start3A_125[%dma_start3A_126, %dma_start3A_127] : memref<126x80xi32, #tpu.memory_space<hbm>> -> memref<62x80xi32, #tpu.memory_space<hbm>>
        tpu.enqueue_dma source(%dma_start3A_128 : memref<62x80xi32, #tpu.memory_space<hbm>>) target(%dma_start3A_121 : memref<62x80xi32, #tpu.memory_space<vmem>>) target_semaphore(%run_scoped3A : memref<!tpu.dma_semaphore, #tpu.memory_space<semaphore_mem>>)
        %dma_wait3A = arith.constant 0 : i32
        %dma_wait3A_129 = arith.constant 0 : i32
        %dma_wait3A_130 = tpu.memref_slice %arg13[%dma_wait3A, %dma_wait3A_129] : memref<64x80xi32, #tpu.memory_space<vmem>> -> memref<62x80xi32, #tpu.memory_space<vmem>>
        %dma_wait3A_131 = arith.constant 0 : i32
        %dma_wait3A_132 = arith.constant 0 : i32
        %dma_wait3A_133 = tpu.memref_slice %arg7[%arg1, %dma_wait3A_131, %dma_wait3A_132] : memref<16x126x80xi32, #tpu.memory_space<hbm>> -> memref<1x126x80xi32, #tpu.memory_space<hbm>>
        %dma_wait3A_134 = tpu.memref_squeeze %dma_wait3A_133 : memref<1x126x80xi32, #tpu.memory_space<hbm>> -> memref<126x80xi32, #tpu.memory_space<hbm>>
        %dma_wait3A_135 = arith.constant 64 : i32
        %dma_wait3A_136 = arith.constant 0 : i32
        %dma_wait3A_137 = tpu.memref_slice %dma_wait3A_134[%dma_wait3A_135, %dma_wait3A_136] : memref<126x80xi32, #tpu.memory_space<hbm>> -> memref<62x80xi32, #tpu.memory_space<hbm>>
        %dma_wait3A_138 = arith.constant 0 : i32
        %dma_wait3A_139 = arith.constant 0 : i32
        %dma_wait3A_140 = tpu.memref_slice %arg13[%dma_wait3A_138, %dma_wait3A_139] : memref<64x80xi32, #tpu.memory_space<vmem>> -> memref<62x80xi32, #tpu.memory_space<vmem>>
        %dma_wait3A_141 = arith.constant 0 : i32
        %dma_wait3A_142 = arith.constant 0 : i32
        %dma_wait3A_143 = tpu.memref_slice %arg7[%arg1, %dma_wait3A_141, %dma_wait3A_142] : memref<16x126x80xi32, #tpu.memory_space<hbm>> -> memref<1x126x80xi32, #tpu.memory_space<hbm>>
        %dma_wait3A_144 = tpu.memref_squeeze %dma_wait3A_143 : memref<1x126x80xi32, #tpu.memory_space<hbm>> -> memref<126x80xi32, #tpu.memory_space<hbm>>
        %dma_wait3A_145 = arith.constant 64 : i32
        %dma_wait3A_146 = arith.constant 0 : i32
        %dma_wait3A_147 = tpu.memref_slice %dma_wait3A_144[%dma_wait3A_145, %dma_wait3A_146] : memref<126x80xi32, #tpu.memory_space<hbm>> -> memref<62x80xi32, #tpu.memory_space<hbm>>
        tpu.wait_dma2 semaphore(%run_scoped3A : memref<!tpu.dma_semaphore, #tpu.memory_space<semaphore_mem>>) src(%dma_wait3A_147 : memref<62x80xi32, #tpu.memory_space<hbm>>) dst(%dma_wait3A_140 : memref<62x80xi32, #tpu.memory_space<vmem>>)
        tpu.yield
      }) : () -> ()
      %dma_start3A_28 = arith.constant 0 : i32
      %dma_start3A_29 = arith.constant 0 : i32
      %dma_start3A_30 = tpu.memref_slice %arg12[%dma_start3A_28, %dma_start3A_29] : memref<64x80xi32, #tpu.memory_space<vmem>> -> memref<1x80xi32, #tpu.memory_space<vmem>>
      %dma_start3A_31 = tpu.memref_squeeze %dma_start3A_30 : memref<1x80xi32, #tpu.memory_space<vmem>> -> memref<80xi32, #tpu.memory_space<vmem>>
      %dma_start3A_32 = arith.constant 0 : i32
      %dma_start3A_33 = arith.constant 0 : i32
      %dma_start3A_34 = tpu.memref_slice %arg4[%dma_start3A_32, %dma_start3A_33] : memref<10000x128xf32, #tpu.memory_space<hbm>> -> memref<10000x128xf32, #tpu.memory_space<hbm>>
      tpu.enqueue_indirect_dma source(%dma_start3A_34 : memref<10000x128xf32, #tpu.memory_space<hbm>>) target(%arg14 : memref<80x128xf32, #tpu.memory_space<vmem>>) offsets(%dma_start3A_31 : memref<80xi32, #tpu.memory_space<vmem>>) semaphore(%arg17 : memref<!tpu.dma_semaphore, #tpu.memory_space<semaphore_mem>>)
      %scan3A_35 = arith.constant 0 : i32
      %scan3A_36 = arith.constant 0 : i32
      %scan3A_37 = arith.constant 31 : i32
      %scan3A_38 = arith.addi %scan3A_36, %scan3A_37 : i32
      %scan3A_39 = arith.constant 1 : i32
      scf.for %scan3A_109 = %scan3A_36 to %scan3A_38 step %scan3A_39  : i32 {
        %mul3A_110 = arith.constant 2 : i32
        %mul3A_111 = arith.muli %mul3A_110, %scan3A_109 : i32
        %dma_wait3A = arith.constant 0 : i32
        %dma_wait3A_112 = arith.constant 0 : i32
        %dma_wait3A_113 = tpu.memref_slice %arg12[%dma_wait3A, %dma_wait3A_112] : memref<64x80xi32, #tpu.memory_space<vmem>> -> memref<1x80xi32, #tpu.memory_space<vmem>>
        %dma_wait3A_114 = tpu.memref_squeeze %dma_wait3A_113 : memref<1x80xi32, #tpu.memory_space<vmem>> -> memref<80xi32, #tpu.memory_space<vmem>>
        %dma_wait3A_115 = arith.constant 0 : i32
        %dma_wait3A_116 = arith.constant 0 : i32
        %dma_wait3A_117 = tpu.memref_slice %arg4[%dma_wait3A_115, %dma_wait3A_116] : memref<10000x128xf32, #tpu.memory_space<hbm>> -> memref<10000x128xf32, #tpu.memory_space<hbm>>
        tpu.wait_indirect_dma semaphore(%arg17 : memref<!tpu.dma_semaphore, #tpu.memory_space<semaphore_mem>>) src(%dma_wait3A_117 : memref<10000x128xf32, #tpu.memory_space<hbm>>) dst(%arg14 : memref<80x128xf32, #tpu.memory_space<vmem>>)
        %add3A = arith.constant 1 : i32
        %add3A_118 = arith.addi %mul3A_111, %add3A : i32
        %dma_start3A_119 = arith.constant 0 : i32
        %dma_start3A_120 = tpu.memref_slice %arg12[%add3A_118, %dma_start3A_119] : memref<64x80xi32, #tpu.memory_space<vmem>> -> memref<1x80xi32, #tpu.memory_space<vmem>>
        %dma_start3A_121 = tpu.memref_squeeze %dma_start3A_120 : memref<1x80xi32, #tpu.memory_space<vmem>> -> memref<80xi32, #tpu.memory_space<vmem>>
        %dma_start3A_122 = arith.constant 0 : i32
        %dma_start3A_123 = arith.constant 0 : i32
        %dma_start3A_124 = tpu.memref_slice %arg4[%dma_start3A_122, %dma_start3A_123] : memref<10000x128xf32, #tpu.memory_space<hbm>> -> memref<10000x128xf32, #tpu.memory_space<hbm>>
        tpu.enqueue_indirect_dma source(%dma_start3A_124 : memref<10000x128xf32, #tpu.memory_space<hbm>>) target(%arg15 : memref<80x128xf32, #tpu.memory_space<vmem>>) offsets(%dma_start3A_121 : memref<80xi32, #tpu.memory_space<vmem>>) semaphore(%arg18 : memref<!tpu.dma_semaphore, #tpu.memory_space<semaphore_mem>>)
        "tpu.region"() ({
          %run_scoped3A = tpu.sem_alloc : memref<!tpu.dma_semaphore, #tpu.memory_space<semaphore_mem>>
          %dma_start3A_141 = arith.constant 0 : i32
          %dma_start3A_142 = tpu.memref_slice %arg13[%mul3A_111, %dma_start3A_141] : memref<64x80xi32, #tpu.memory_space<vmem>> -> memref<1x80xi32, #tpu.memory_space<vmem>>
          %dma_start3A_143 = tpu.memref_squeeze %dma_start3A_142 : memref<1x80xi32, #tpu.memory_space<vmem>> -> memref<80xi32, #tpu.memory_space<vmem>>
          %dma_start3A_144 = arith.constant 0 : i32
          %dma_start3A_145 = arith.constant 0 : i32
          %dma_start3A_146 = tpu.memref_slice %arg16[%dma_start3A_144, %dma_start3A_145] : memref<10016x128xf32, #tpu.memory_space<vmem_shared>> -> memref<10016x128xf32, #tpu.memory_space<vmem_shared>>
          tpu.enqueue_indirect_dma source(%arg14 : memref<80x128xf32, #tpu.memory_space<vmem>>) target(%dma_start3A_146 : memref<10016x128xf32, #tpu.memory_space<vmem_shared>>) offsets(%dma_start3A_143 : memref<80xi32, #tpu.memory_space<vmem>>) semaphore(%run_scoped3A : memref<!tpu.dma_semaphore, #tpu.memory_space<semaphore_mem>>) {add = true}
          %dma_wait3A_147 = arith.constant 0 : i32
          %dma_wait3A_148 = tpu.memref_slice %arg13[%mul3A_111, %dma_wait3A_147] : memref<64x80xi32, #tpu.memory_space<vmem>> -> memref<1x80xi32, #tpu.memory_space<vmem>>
          %dma_wait3A_149 = tpu.memref_squeeze %dma_wait3A_148 : memref<1x80xi32, #tpu.memory_space<vmem>> -> memref<80xi32, #tpu.memory_space<vmem>>
          %dma_wait3A_150 = arith.constant 0 : i32
          %dma_wait3A_151 = arith.constant 0 : i32
          %dma_wait3A_152 = tpu.memref_slice %arg16[%dma_wait3A_150, %dma_wait3A_151] : memref<10016x128xf32, #tpu.memory_space<vmem_shared>> -> memref<10016x128xf32, #tpu.memory_space<vmem_shared>>
          tpu.wait_indirect_dma semaphore(%run_scoped3A : memref<!tpu.dma_semaphore, #tpu.memory_space<semaphore_mem>>) src(%arg14 : memref<80x128xf32, #tpu.memory_space<vmem>>) dst(%dma_wait3A_152 : memref<10016x128xf32, #tpu.memory_space<vmem_shared>>)
          tpu.yield
        }) : () -> ()
        %dma_wait3A_125 = arith.constant 0 : i32
        %dma_wait3A_126 = arith.constant 0 : i32
        %dma_wait3A_127 = tpu.memref_slice %arg12[%dma_wait3A_125, %dma_wait3A_126] : memref<64x80xi32, #tpu.memory_space<vmem>> -> memref<1x80xi32, #tpu.memory_space<vmem>>
        %dma_wait3A_128 = tpu.memref_squeeze %dma_wait3A_127 : memref<1x80xi32, #tpu.memory_space<vmem>> -> memref<80xi32, #tpu.memory_space<vmem>>
        %dma_wait3A_129 = arith.constant 0 : i32
        %dma_wait3A_130 = arith.constant 0 : i32
        %dma_wait3A_131 = tpu.memref_slice %arg4[%dma_wait3A_129, %dma_wait3A_130] : memref<10000x128xf32, #tpu.memory_space<hbm>> -> memref<10000x128xf32, #tpu.memory_space<hbm>>
        tpu.wait_indirect_dma semaphore(%arg18 : memref<!tpu.dma_semaphore, #tpu.memory_space<semaphore_mem>>) src(%dma_wait3A_131 : memref<10000x128xf32, #tpu.memory_space<hbm>>) dst(%arg15 : memref<80x128xf32, #tpu.memory_space<vmem>>)
        %add3A_132 = arith.constant 2 : i32
        %add3A_133 = arith.addi %mul3A_111, %add3A_132 : i32
        %lt3A_134 = arith.constant 62 : i32
        %lt3A_135 = arith.cmpi slt, %add3A_133, %lt3A_134 : i32
        %convert_element_type3A_136 = arith.extui %lt3A_135 : i1 to i32
        %cond3A_137 = arith.constant 0 : i32
        %cond3A_138 = arith.cmpi ne, %convert_element_type3A_136, %cond3A_137 : i32
        scf.if %cond3A_138 {
          %add3A_141 = arith.constant 2 : i32
          %add3A_142 = arith.addi %mul3A_111, %add3A_141 : i32
          %dma_start3A_143 = arith.constant 0 : i32
          %dma_start3A_144 = tpu.memref_slice %arg12[%add3A_142, %dma_start3A_143] : memref<64x80xi32, #tpu.memory_space<vmem>> -> memref<1x80xi32, #tpu.memory_space<vmem>>
          %dma_start3A_145 = tpu.memref_squeeze %dma_start3A_144 : memref<1x80xi32, #tpu.memory_space<vmem>> -> memref<80xi32, #tpu.memory_space<vmem>>
          %dma_start3A_146 = arith.constant 0 : i32
          %dma_start3A_147 = arith.constant 0 : i32
          %dma_start3A_148 = tpu.memref_slice %arg4[%dma_start3A_146, %dma_start3A_147] : memref<10000x128xf32, #tpu.memory_space<hbm>> -> memref<10000x128xf32, #tpu.memory_space<hbm>>
          tpu.enqueue_indirect_dma source(%dma_start3A_148 : memref<10000x128xf32, #tpu.memory_space<hbm>>) target(%arg14 : memref<80x128xf32, #tpu.memory_space<vmem>>) offsets(%dma_start3A_145 : memref<80xi32, #tpu.memory_space<vmem>>) semaphore(%arg17 : memref<!tpu.dma_semaphore, #tpu.memory_space<semaphore_mem>>)
        } else {
        }
        %add3A_139 = arith.constant 1 : i32
        %add3A_140 = arith.addi %mul3A_111, %add3A_139 : i32
        "tpu.region"() ({
          %run_scoped3A = tpu.sem_alloc : memref<!tpu.dma_semaphore, #tpu.memory_space<semaphore_mem>>
          %dma_start3A_141 = arith.constant 0 : i32
          %dma_start3A_142 = tpu.memref_slice %arg13[%add3A_140, %dma_start3A_141] : memref<64x80xi32, #tpu.memory_space<vmem>> -> memref<1x80xi32, #tpu.memory_space<vmem>>
          %dma_start3A_143 = tpu.memref_squeeze %dma_start3A_142 : memref<1x80xi32, #tpu.memory_space<vmem>> -> memref<80xi32, #tpu.memory_space<vmem>>
          %dma_start3A_144 = arith.constant 0 : i32
          %dma_start3A_145 = arith.constant 0 : i32
          %dma_start3A_146 = tpu.memref_slice %arg16[%dma_start3A_144, %dma_start3A_145] : memref<10016x128xf32, #tpu.memory_space<vmem_shared>> -> memref<10016x128xf32, #tpu.memory_space<vmem_shared>>
          tpu.enqueue_indirect_dma source(%arg15 : memref<80x128xf32, #tpu.memory_space<vmem>>) target(%dma_start3A_146 : memref<10016x128xf32, #tpu.memory_space<vmem_shared>>) offsets(%dma_start3A_143 : memref<80xi32, #tpu.memory_space<vmem>>) semaphore(%run_scoped3A : memref<!tpu.dma_semaphore, #tpu.memory_space<semaphore_mem>>) {add = true}
          %dma_wait3A_147 = arith.constant 0 : i32
          %dma_wait3A_148 = tpu.memref_slice %arg13[%add3A_140, %dma_wait3A_147] : memref<64x80xi32, #tpu.memory_space<vmem>> -> memref<1x80xi32, #tpu.memory_space<vmem>>
          %dma_wait3A_149 = tpu.memref_squeeze %dma_wait3A_148 : memref<1x80xi32, #tpu.memory_space<vmem>> -> memref<80xi32, #tpu.memory_space<vmem>>
          %dma_wait3A_150 = arith.constant 0 : i32
          %dma_wait3A_151 = arith.constant 0 : i32
          %dma_wait3A_152 = tpu.memref_slice %arg16[%dma_wait3A_150, %dma_wait3A_151] : memref<10016x128xf32, #tpu.memory_space<vmem_shared>> -> memref<10016x128xf32, #tpu.memory_space<vmem_shared>>
          tpu.wait_indirect_dma semaphore(%run_scoped3A : memref<!tpu.dma_semaphore, #tpu.memory_space<semaphore_mem>>) src(%arg15 : memref<80x128xf32, #tpu.memory_space<vmem>>) dst(%dma_wait3A_152 : memref<10016x128xf32, #tpu.memory_space<vmem_shared>>)
          tpu.yield
        }) : () -> ()
      }
      %scan3A_40 = arith.constant 31 : i32
      %barrier3A_41 = arith.constant 0 : index
      tpu.barrier barrier_id(%barrier3A_41)
      %mul3A_42 = arith.constant 632 : i32
      %mul3A_43 = arith.muli %arg1, %mul3A_42 : i32
      %multiple_of3A_44 = tpu.assume_multiple %mul3A_43, 8 : i32
      %lt3A_45 = arith.constant 15 : i32
      %lt3A_46 = arith.cmpi slt, %arg1, %lt3A_45 : i32
      %convert_element_type3A_47 = arith.extui %lt3A_46 : i1 to i32
      %cond3A_48 = arith.constant 0 : i32
      %cond3A_49 = arith.cmpi ne, %convert_element_type3A_47, %cond3A_48 : i32
      scf.if %cond3A_49 {
        "tpu.region"() ({
          %run_scoped3A = tpu.sem_alloc : memref<!tpu.dma_semaphore, #tpu.memory_space<semaphore_mem>>
          %dma_start3A_109 = arith.constant 0 : i32
          %dma_start3A_110 = tpu.memref_slice %arg10[%multiple_of3A_44, %dma_start3A_109] : memref<10000x128xf32, #tpu.memory_space<hbm>> -> memref<632x128xf32, #tpu.memory_space<hbm>>
          %dma_start3A_111 = arith.constant 0 : i32
          %dma_start3A_112 = tpu.memref_slice %arg16[%multiple_of3A_44, %dma_start3A_111] : memref<10016x128xf32, #tpu.memory_space<vmem_shared>> -> memref<632x128xf32, #tpu.memory_space<vmem_shared>>
          tpu.enqueue_dma source(%dma_start3A_112 : memref<632x128xf32, #tpu.memory_space<vmem_shared>>) target(%dma_start3A_110 : memref<632x128xf32, #tpu.memory_space<hbm>>) target_semaphore(%run_scoped3A : memref<!tpu.dma_semaphore, #tpu.memory_space<semaphore_mem>>)
          %dma_wait3A = arith.constant 0 : i32
          %dma_wait3A_113 = tpu.memref_slice %arg10[%multiple_of3A_44, %dma_wait3A] : memref<10000x128xf32, #tpu.memory_space<hbm>> -> memref<632x128xf32, #tpu.memory_space<hbm>>
          %dma_wait3A_114 = arith.constant 0 : i32
          %dma_wait3A_115 = tpu.memref_slice %arg16[%multiple_of3A_44, %dma_wait3A_114] : memref<10016x128xf32, #tpu.memory_space<vmem_shared>> -> memref<632x128xf32, #tpu.memory_space<vmem_shared>>
          tpu.wait_dma2 semaphore(%run_scoped3A : memref<!tpu.dma_semaphore, #tpu.memory_space<semaphore_mem>>) src(%dma_wait3A_115 : memref<632x128xf32, #tpu.memory_space<vmem_shared>>) dst(%dma_wait3A_113 : memref<632x128xf32, #tpu.memory_space<hbm>>)
          tpu.yield
        }) : () -> ()
      } else {
      }
      %eq3A_50 = arith.constant 15 : i32
      %eq3A_51 = arith.cmpi eq, %arg1, %eq3A_50 : i32
      %convert_element_type3A_52 = arith.extui %eq3A_51 : i1 to i32
      %cond3A_53 = arith.constant 0 : i32
      %cond3A_54 = arith.cmpi ne, %convert_element_type3A_52, %cond3A_53 : i32
      scf.if %cond3A_54 {
        "tpu.region"() ({
          %run_scoped3A = tpu.sem_alloc : memref<!tpu.dma_semaphore, #tpu.memory_space<semaphore_mem>>
          %dma_start3A_109 = arith.constant 9480 : i32
          %dma_start3A_110 = arith.constant 0 : i32
          %dma_start3A_111 = tpu.memref_slice %arg10[%dma_start3A_109, %dma_start3A_110] : memref<10000x128xf32, #tpu.memory_space<hbm>> -> memref<520x128xf32, #tpu.memory_space<hbm>>
          %dma_start3A_112 = arith.constant 9480 : i32
          %dma_start3A_113 = arith.constant 0 : i32
          %dma_start3A_114 = tpu.memref_slice %arg16[%dma_start3A_112, %dma_start3A_113] : memref<10016x128xf32, #tpu.memory_space<vmem_shared>> -> memref<520x128xf32, #tpu.memory_space<vmem_shared>>
          tpu.enqueue_dma source(%dma_start3A_114 : memref<520x128xf32, #tpu.memory_space<vmem_shared>>) target(%dma_start3A_111 : memref<520x128xf32, #tpu.memory_space<hbm>>) target_semaphore(%run_scoped3A : memref<!tpu.dma_semaphore, #tpu.memory_space<semaphore_mem>>)
          %dma_wait3A = arith.constant 9480 : i32
          %dma_wait3A_115 = arith.constant 0 : i32
          %dma_wait3A_116 = tpu.memref_slice %arg10[%dma_wait3A, %dma_wait3A_115] : memref<10000x128xf32, #tpu.memory_space<hbm>> -> memref<520x128xf32, #tpu.memory_space<hbm>>
          %dma_wait3A_117 = arith.constant 9480 : i32
          %dma_wait3A_118 = arith.constant 0 : i32
          %dma_wait3A_119 = tpu.memref_slice %arg16[%dma_wait3A_117, %dma_wait3A_118] : memref<10016x128xf32, #tpu.memory_space<vmem_shared>> -> memref<520x128xf32, #tpu.memory_space<vmem_shared>>
          tpu.wait_dma2 semaphore(%run_scoped3A : memref<!tpu.dma_semaphore, #tpu.memory_space<semaphore_mem>>) src(%dma_wait3A_119 : memref<520x128xf32, #tpu.memory_space<vmem_shared>>) dst(%dma_wait3A_116 : memref<520x128xf32, #tpu.memory_space<hbm>>)
          tpu.yield
        }) : () -> ()
      } else {
      }
      %mul3A_55 = arith.constant 632 : i32
      %mul3A_56 = arith.muli %arg1, %mul3A_55 : i32
      %multiple_of3A_57 = tpu.assume_multiple %mul3A_56, 8 : i32
      %lt3A_58 = arith.constant 15 : i32
      %lt3A_59 = arith.cmpi slt, %arg1, %lt3A_58 : i32
      %convert_element_type3A_60 = arith.extui %lt3A_59 : i1 to i32
      %cond3A_61 = arith.constant 0 : i32
      %cond3A_62 = arith.cmpi ne, %convert_element_type3A_60, %cond3A_61 : i32
      scf.if %cond3A_62 {
        "tpu.region"() ({
          %run_scoped3A = tpu.sem_alloc : memref<!tpu.dma_semaphore, #tpu.memory_space<semaphore_mem>>
          %dma_start3A_109 = arith.constant 0 : i32
          %dma_start3A_110 = tpu.memref_slice %arg16[%multiple_of3A_57, %dma_start3A_109] : memref<10016x128xf32, #tpu.memory_space<vmem_shared>> -> memref<632x128xf32, #tpu.memory_space<vmem_shared>>
          %dma_start3A_111 = arith.constant 0 : i32
          %dma_start3A_112 = tpu.memref_slice %arg5[%multiple_of3A_57, %dma_start3A_111] : memref<10000x128xf32, #tpu.memory_space<hbm>> -> memref<632x128xf32, #tpu.memory_space<hbm>>
          tpu.enqueue_dma source(%dma_start3A_112 : memref<632x128xf32, #tpu.memory_space<hbm>>) target(%dma_start3A_110 : memref<632x128xf32, #tpu.memory_space<vmem_shared>>) target_semaphore(%run_scoped3A : memref<!tpu.dma_semaphore, #tpu.memory_space<semaphore_mem>>)
          %dma_wait3A = arith.constant 0 : i32
          %dma_wait3A_113 = tpu.memref_slice %arg16[%multiple_of3A_57, %dma_wait3A] : memref<10016x128xf32, #tpu.memory_space<vmem_shared>> -> memref<632x128xf32, #tpu.memory_space<vmem_shared>>
          %dma_wait3A_114 = arith.constant 0 : i32
          %dma_wait3A_115 = tpu.memref_slice %arg5[%multiple_of3A_57, %dma_wait3A_114] : memref<10000x128xf32, #tpu.memory_space<hbm>> -> memref<632x128xf32, #tpu.memory_space<hbm>>
          tpu.wait_dma2 semaphore(%run_scoped3A : memref<!tpu.dma_semaphore, #tpu.memory_space<semaphore_mem>>) src(%dma_wait3A_115 : memref<632x128xf32, #tpu.memory_space<hbm>>) dst(%dma_wait3A_113 : memref<632x128xf32, #tpu.memory_space<vmem_shared>>)
          tpu.yield
        }) : () -> ()
      } else {
      }
      %eq3A_63 = arith.constant 15 : i32
      %eq3A_64 = arith.cmpi eq, %arg1, %eq3A_63 : i32
      %convert_element_type3A_65 = arith.extui %eq3A_64 : i1 to i32
      %cond3A_66 = arith.constant 0 : i32
      %cond3A_67 = arith.cmpi ne, %convert_element_type3A_65, %cond3A_66 : i32
      scf.if %cond3A_67 {
        "tpu.region"() ({
          %run_scoped3A = tpu.sem_alloc : memref<!tpu.dma_semaphore, #tpu.memory_space<semaphore_mem>>
          %dma_start3A_109 = arith.constant 9480 : i32
          %dma_start3A_110 = arith.constant 0 : i32
          %dma_start3A_111 = tpu.memref_slice %arg16[%dma_start3A_109, %dma_start3A_110] : memref<10016x128xf32, #tpu.memory_space<vmem_shared>> -> memref<520x128xf32, #tpu.memory_space<vmem_shared>>
          %dma_start3A_112 = arith.constant 9480 : i32
          %dma_start3A_113 = arith.constant 0 : i32
          %dma_start3A_114 = tpu.memref_slice %arg5[%dma_start3A_112, %dma_start3A_113] : memref<10000x128xf32, #tpu.memory_space<hbm>> -> memref<520x128xf32, #tpu.memory_space<hbm>>
          tpu.enqueue_dma source(%dma_start3A_114 : memref<520x128xf32, #tpu.memory_space<hbm>>) target(%dma_start3A_111 : memref<520x128xf32, #tpu.memory_space<vmem_shared>>) target_semaphore(%run_scoped3A : memref<!tpu.dma_semaphore, #tpu.memory_space<semaphore_mem>>)
          %dma_wait3A = arith.constant 9480 : i32
          %dma_wait3A_115 = arith.constant 0 : i32
          %dma_wait3A_116 = tpu.memref_slice %arg16[%dma_wait3A, %dma_wait3A_115] : memref<10016x128xf32, #tpu.memory_space<vmem_shared>> -> memref<520x128xf32, #tpu.memory_space<vmem_shared>>
          %dma_wait3A_117 = arith.constant 9480 : i32
          %dma_wait3A_118 = arith.constant 0 : i32
          %dma_wait3A_119 = tpu.memref_slice %arg5[%dma_wait3A_117, %dma_wait3A_118] : memref<10000x128xf32, #tpu.memory_space<hbm>> -> memref<520x128xf32, #tpu.memory_space<hbm>>
          tpu.wait_dma2 semaphore(%run_scoped3A : memref<!tpu.dma_semaphore, #tpu.memory_space<semaphore_mem>>) src(%dma_wait3A_119 : memref<520x128xf32, #tpu.memory_space<hbm>>) dst(%dma_wait3A_116 : memref<520x128xf32, #tpu.memory_space<vmem_shared>>)
          tpu.yield
        }) : () -> ()
      } else {
      }
      %barrier3A_68 = arith.constant 0 : index
      tpu.barrier barrier_id(%barrier3A_68)
      "tpu.region"() ({
        %run_scoped3A = tpu.sem_alloc : memref<!tpu.dma_semaphore, #tpu.memory_space<semaphore_mem>>
        %dma_start3A_109 = arith.constant 0 : i32
        %dma_start3A_110 = arith.constant 0 : i32
        %dma_start3A_111 = tpu.memref_slice %arg12[%dma_start3A_109, %dma_start3A_110] : memref<64x80xi32, #tpu.memory_space<vmem>> -> memref<64x80xi32, #tpu.memory_space<vmem>>
        %dma_start3A_112 = arith.constant 0 : i32
        %dma_start3A_113 = arith.constant 0 : i32
        %dma_start3A_114 = tpu.memref_slice %arg6[%arg1, %dma_start3A_112, %dma_start3A_113] : memref<16x126x80xi32, #tpu.memory_space<hbm>> -> memref<1x126x80xi32, #tpu.memory_space<hbm>>
        %dma_start3A_115 = tpu.memref_squeeze %dma_start3A_114 : memref<1x126x80xi32, #tpu.memory_space<hbm>> -> memref<126x80xi32, #tpu.memory_space<hbm>>
        %dma_start3A_116 = arith.constant 0 : i32
        %dma_start3A_117 = arith.constant 0 : i32
        %dma_start3A_118 = tpu.memref_slice %dma_start3A_115[%dma_start3A_116, %dma_start3A_117] : memref<126x80xi32, #tpu.memory_space<hbm>> -> memref<64x80xi32, #tpu.memory_space<hbm>>
        %dma_start3A_119 = arith.constant 0 : i32
        %dma_start3A_120 = arith.constant 0 : i32
        %dma_start3A_121 = tpu.memref_slice %arg12[%dma_start3A_119, %dma_start3A_120] : memref<64x80xi32, #tpu.memory_space<vmem>> -> memref<64x80xi32, #tpu.memory_space<vmem>>
        %dma_start3A_122 = arith.constant 0 : i32
        %dma_start3A_123 = arith.constant 0 : i32
        %dma_start3A_124 = tpu.memref_slice %arg6[%arg1, %dma_start3A_122, %dma_start3A_123] : memref<16x126x80xi32, #tpu.memory_space<hbm>> -> memref<1x126x80xi32, #tpu.memory_space<hbm>>
        %dma_start3A_125 = tpu.memref_squeeze %dma_start3A_124 : memref<1x126x80xi32, #tpu.memory_space<hbm>> -> memref<126x80xi32, #tpu.memory_space<hbm>>
        %dma_start3A_126 = arith.constant 0 : i32
        %dma_start3A_127 = arith.constant 0 : i32
        %dma_start3A_128 = tpu.memref_slice %dma_start3A_125[%dma_start3A_126, %dma_start3A_127] : memref<126x80xi32, #tpu.memory_space<hbm>> -> memref<64x80xi32, #tpu.memory_space<hbm>>
        tpu.enqueue_dma source(%dma_start3A_128 : memref<64x80xi32, #tpu.memory_space<hbm>>) target(%dma_start3A_121 : memref<64x80xi32, #tpu.memory_space<vmem>>) target_semaphore(%run_scoped3A : memref<!tpu.dma_semaphore, #tpu.memory_space<semaphore_mem>>)
        %dma_wait3A = arith.constant 0 : i32
        %dma_wait3A_129 = arith.constant 0 : i32
        %dma_wait3A_130 = tpu.memref_slice %arg12[%dma_wait3A, %dma_wait3A_129] : memref<64x80xi32, #tpu.memory_space<vmem>> -> memref<64x80xi32, #tpu.memory_space<vmem>>
        %dma_wait3A_131 = arith.constant 0 : i32
        %dma_wait3A_132 = arith.constant 0 : i32
        %dma_wait3A_133 = tpu.memref_slice %arg6[%arg1, %dma_wait3A_131, %dma_wait3A_132] : memref<16x126x80xi32, #tpu.memory_space<hbm>> -> memref<1x126x80xi32, #tpu.memory_space<hbm>>
        %dma_wait3A_134 = tpu.memref_squeeze %dma_wait3A_133 : memref<1x126x80xi32, #tpu.memory_space<hbm>> -> memref<126x80xi32, #tpu.memory_space<hbm>>
        %dma_wait3A_135 = arith.constant 0 : i32
        %dma_wait3A_136 = arith.constant 0 : i32
        %dma_wait3A_137 = tpu.memref_slice %dma_wait3A_134[%dma_wait3A_135, %dma_wait3A_136] : memref<126x80xi32, #tpu.memory_space<hbm>> -> memref<64x80xi32, #tpu.memory_space<hbm>>
        %dma_wait3A_138 = arith.constant 0 : i32
        %dma_wait3A_139 = arith.constant 0 : i32
        %dma_wait3A_140 = tpu.memref_slice %arg12[%dma_wait3A_138, %dma_wait3A_139] : memref<64x80xi32, #tpu.memory_space<vmem>> -> memref<64x80xi32, #tpu.memory_space<vmem>>
        %dma_wait3A_141 = arith.constant 0 : i32
        %dma_wait3A_142 = arith.constant 0 : i32
        %dma_wait3A_143 = tpu.memref_slice %arg6[%arg1, %dma_wait3A_141, %dma_wait3A_142] : memref<16x126x80xi32, #tpu.memory_space<hbm>> -> memref<1x126x80xi32, #tpu.memory_space<hbm>>
        %dma_wait3A_144 = tpu.memref_squeeze %dma_wait3A_143 : memref<1x126x80xi32, #tpu.memory_space<hbm>> -> memref<126x80xi32, #tpu.memory_space<hbm>>
        %dma_wait3A_145 = arith.constant 0 : i32
        %dma_wait3A_146 = arith.constant 0 : i32
        %dma_wait3A_147 = tpu.memref_slice %dma_wait3A_144[%dma_wait3A_145, %dma_wait3A_146] : memref<126x80xi32, #tpu.memory_space<hbm>> -> memref<64x80xi32, #tpu.memory_space<hbm>>
        tpu.wait_dma2 semaphore(%run_scoped3A : memref<!tpu.dma_semaphore, #tpu.memory_space<semaphore_mem>>) src(%dma_wait3A_147 : memref<64x80xi32, #tpu.memory_space<hbm>>) dst(%dma_wait3A_140 : memref<64x80xi32, #tpu.memory_space<vmem>>)
        tpu.yield
      }) : () -> ()
      "tpu.region"() ({
        %run_scoped3A = tpu.sem_alloc : memref<!tpu.dma_semaphore, #tpu.memory_space<semaphore_mem>>
        %dma_start3A_109 = arith.constant 0 : i32
        %dma_start3A_110 = arith.constant 0 : i32
        %dma_start3A_111 = tpu.memref_slice %arg13[%dma_start3A_109, %dma_start3A_110] : memref<64x80xi32, #tpu.memory_space<vmem>> -> memref<64x80xi32, #tpu.memory_space<vmem>>
        %dma_start3A_112 = arith.constant 0 : i32
        %dma_start3A_113 = arith.constant 0 : i32
        %dma_start3A_114 = tpu.memref_slice %arg7[%arg1, %dma_start3A_112, %dma_start3A_113] : memref<16x126x80xi32, #tpu.memory_space<hbm>> -> memref<1x126x80xi32, #tpu.memory_space<hbm>>
        %dma_start3A_115 = tpu.memref_squeeze %dma_start3A_114 : memref<1x126x80xi32, #tpu.memory_space<hbm>> -> memref<126x80xi32, #tpu.memory_space<hbm>>
        %dma_start3A_116 = arith.constant 0 : i32
        %dma_start3A_117 = arith.constant 0 : i32
        %dma_start3A_118 = tpu.memref_slice %dma_start3A_115[%dma_start3A_116, %dma_start3A_117] : memref<126x80xi32, #tpu.memory_space<hbm>> -> memref<64x80xi32, #tpu.memory_space<hbm>>
        %dma_start3A_119 = arith.constant 0 : i32
        %dma_start3A_120 = arith.constant 0 : i32
        %dma_start3A_121 = tpu.memref_slice %arg13[%dma_start3A_119, %dma_start3A_120] : memref<64x80xi32, #tpu.memory_space<vmem>> -> memref<64x80xi32, #tpu.memory_space<vmem>>
        %dma_start3A_122 = arith.constant 0 : i32
        %dma_start3A_123 = arith.constant 0 : i32
        %dma_start3A_124 = tpu.memref_slice %arg7[%arg1, %dma_start3A_122, %dma_start3A_123] : memref<16x126x80xi32, #tpu.memory_space<hbm>> -> memref<1x126x80xi32, #tpu.memory_space<hbm>>
        %dma_start3A_125 = tpu.memref_squeeze %dma_start3A_124 : memref<1x126x80xi32, #tpu.memory_space<hbm>> -> memref<126x80xi32, #tpu.memory_space<hbm>>
        %dma_start3A_126 = arith.constant 0 : i32
        %dma_start3A_127 = arith.constant 0 : i32
        %dma_start3A_128 = tpu.memref_slice %dma_start3A_125[%dma_start3A_126, %dma_start3A_127] : memref<126x80xi32, #tpu.memory_space<hbm>> -> memref<64x80xi32, #tpu.memory_space<hbm>>
        tpu.enqueue_dma source(%dma_start3A_128 : memref<64x80xi32, #tpu.memory_space<hbm>>) target(%dma_start3A_121 : memref<64x80xi32, #tpu.memory_space<vmem>>) target_semaphore(%run_scoped3A : memref<!tpu.dma_semaphore, #tpu.memory_space<semaphore_mem>>)
        %dma_wait3A = arith.constant 0 : i32
        %dma_wait3A_129 = arith.constant 0 : i32
        %dma_wait3A_130 = tpu.memref_slice %arg13[%dma_wait3A, %dma_wait3A_129] : memref<64x80xi32, #tpu.memory_space<vmem>> -> memref<64x80xi32, #tpu.memory_space<vmem>>
        %dma_wait3A_131 = arith.constant 0 : i32
        %dma_wait3A_132 = arith.constant 0 : i32
        %dma_wait3A_133 = tpu.memref_slice %arg7[%arg1, %dma_wait3A_131, %dma_wait3A_132] : memref<16x126x80xi32, #tpu.memory_space<hbm>> -> memref<1x126x80xi32, #tpu.memory_space<hbm>>
        %dma_wait3A_134 = tpu.memref_squeeze %dma_wait3A_133 : memref<1x126x80xi32, #tpu.memory_space<hbm>> -> memref<126x80xi32, #tpu.memory_space<hbm>>
        %dma_wait3A_135 = arith.constant 0 : i32
        %dma_wait3A_136 = arith.constant 0 : i32
        %dma_wait3A_137 = tpu.memref_slice %dma_wait3A_134[%dma_wait3A_135, %dma_wait3A_136] : memref<126x80xi32, #tpu.memory_space<hbm>> -> memref<64x80xi32, #tpu.memory_space<hbm>>
        %dma_wait3A_138 = arith.constant 0 : i32
        %dma_wait3A_139 = arith.constant 0 : i32
        %dma_wait3A_140 = tpu.memref_slice %arg13[%dma_wait3A_138, %dma_wait3A_139] : memref<64x80xi32, #tpu.memory_space<vmem>> -> memref<64x80xi32, #tpu.memory_space<vmem>>
        %dma_wait3A_141 = arith.constant 0 : i32
        %dma_wait3A_142 = arith.constant 0 : i32
        %dma_wait3A_143 = tpu.memref_slice %arg7[%arg1, %dma_wait3A_141, %dma_wait3A_142] : memref<16x126x80xi32, #tpu.memory_space<hbm>> -> memref<1x126x80xi32, #tpu.memory_space<hbm>>
        %dma_wait3A_144 = tpu.memref_squeeze %dma_wait3A_143 : memref<1x126x80xi32, #tpu.memory_space<hbm>> -> memref<126x80xi32, #tpu.memory_space<hbm>>
        %dma_wait3A_145 = arith.constant 0 : i32
        %dma_wait3A_146 = arith.constant 0 : i32
        %dma_wait3A_147 = tpu.memref_slice %dma_wait3A_144[%dma_wait3A_145, %dma_wait3A_146] : memref<126x80xi32, #tpu.memory_space<hbm>> -> memref<64x80xi32, #tpu.memory_space<hbm>>
        tpu.wait_dma2 semaphore(%run_scoped3A : memref<!tpu.dma_semaphore, #tpu.memory_space<semaphore_mem>>) src(%dma_wait3A_147 : memref<64x80xi32, #tpu.memory_space<hbm>>) dst(%dma_wait3A_140 : memref<64x80xi32, #tpu.memory_space<vmem>>)
        tpu.yield
      }) : () -> ()
      %dma_start3A_69 = arith.constant 0 : i32
      %dma_start3A_70 = arith.constant 0 : i32
      %dma_start3A_71 = tpu.memref_slice %arg12[%dma_start3A_69, %dma_start3A_70] : memref<64x80xi32, #tpu.memory_space<vmem>> -> memref<1x80xi32, #tpu.memory_space<vmem>>
      %dma_start3A_72 = tpu.memref_squeeze %dma_start3A_71 : memref<1x80xi32, #tpu.memory_space<vmem>> -> memref<80xi32, #tpu.memory_space<vmem>>
      %dma_start3A_73 = arith.constant 0 : i32
      %dma_start3A_74 = arith.constant 0 : i32
      %dma_start3A_75 = tpu.memref_slice %arg5[%dma_start3A_73, %dma_start3A_74] : memref<10000x128xf32, #tpu.memory_space<hbm>> -> memref<10000x128xf32, #tpu.memory_space<hbm>>
      tpu.enqueue_indirect_dma source(%dma_start3A_75 : memref<10000x128xf32, #tpu.memory_space<hbm>>) target(%arg14 : memref<80x128xf32, #tpu.memory_space<vmem>>) offsets(%dma_start3A_72 : memref<80xi32, #tpu.memory_space<vmem>>) semaphore(%arg17 : memref<!tpu.dma_semaphore, #tpu.memory_space<semaphore_mem>>)
      %scan3A_76 = arith.constant 0 : i32
      %scan3A_77 = arith.constant 0 : i32
      %scan3A_78 = arith.constant 32 : i32
      %scan3A_79 = arith.addi %scan3A_77, %scan3A_78 : i32
      %scan3A_80 = arith.constant 1 : i32
      scf.for %scan3A_109 = %scan3A_77 to %scan3A_79 step %scan3A_80  : i32 {
        %mul3A_110 = arith.constant 2 : i32
        %mul3A_111 = arith.muli %mul3A_110, %scan3A_109 : i32
        %dma_wait3A = arith.constant 0 : i32
        %dma_wait3A_112 = arith.constant 0 : i32
        %dma_wait3A_113 = tpu.memref_slice %arg12[%dma_wait3A, %dma_wait3A_112] : memref<64x80xi32, #tpu.memory_space<vmem>> -> memref<1x80xi32, #tpu.memory_space<vmem>>
        %dma_wait3A_114 = tpu.memref_squeeze %dma_wait3A_113 : memref<1x80xi32, #tpu.memory_space<vmem>> -> memref<80xi32, #tpu.memory_space<vmem>>
        %dma_wait3A_115 = arith.constant 0 : i32
        %dma_wait3A_116 = arith.constant 0 : i32
        %dma_wait3A_117 = tpu.memref_slice %arg5[%dma_wait3A_115, %dma_wait3A_116] : memref<10000x128xf32, #tpu.memory_space<hbm>> -> memref<10000x128xf32, #tpu.memory_space<hbm>>
        tpu.wait_indirect_dma semaphore(%arg17 : memref<!tpu.dma_semaphore, #tpu.memory_space<semaphore_mem>>) src(%dma_wait3A_117 : memref<10000x128xf32, #tpu.memory_space<hbm>>) dst(%arg14 : memref<80x128xf32, #tpu.memory_space<vmem>>)
        %add3A = arith.constant 1 : i32
        %add3A_118 = arith.addi %mul3A_111, %add3A : i32
        %dma_start3A_119 = arith.constant 0 : i32
        %dma_start3A_120 = tpu.memref_slice %arg12[%add3A_118, %dma_start3A_119] : memref<64x80xi32, #tpu.memory_space<vmem>> -> memref<1x80xi32, #tpu.memory_space<vmem>>
        %dma_start3A_121 = tpu.memref_squeeze %dma_start3A_120 : memref<1x80xi32, #tpu.memory_space<vmem>> -> memref<80xi32, #tpu.memory_space<vmem>>
        %dma_start3A_122 = arith.constant 0 : i32
        %dma_start3A_123 = arith.constant 0 : i32
        %dma_start3A_124 = tpu.memref_slice %arg5[%dma_start3A_122, %dma_start3A_123] : memref<10000x128xf32, #tpu.memory_space<hbm>> -> memref<10000x128xf32, #tpu.memory_space<hbm>>
        tpu.enqueue_indirect_dma source(%dma_start3A_124 : memref<10000x128xf32, #tpu.memory_space<hbm>>) target(%arg15 : memref<80x128xf32, #tpu.memory_space<vmem>>) offsets(%dma_start3A_121 : memref<80xi32, #tpu.memory_space<vmem>>) semaphore(%arg18 : memref<!tpu.dma_semaphore, #tpu.memory_space<semaphore_mem>>)
        "tpu.region"() ({
          %run_scoped3A = tpu.sem_alloc : memref<!tpu.dma_semaphore, #tpu.memory_space<semaphore_mem>>
          %dma_start3A_141 = arith.constant 0 : i32
          %dma_start3A_142 = tpu.memref_slice %arg13[%mul3A_111, %dma_start3A_141] : memref<64x80xi32, #tpu.memory_space<vmem>> -> memref<1x80xi32, #tpu.memory_space<vmem>>
          %dma_start3A_143 = tpu.memref_squeeze %dma_start3A_142 : memref<1x80xi32, #tpu.memory_space<vmem>> -> memref<80xi32, #tpu.memory_space<vmem>>
          %dma_start3A_144 = arith.constant 0 : i32
          %dma_start3A_145 = arith.constant 0 : i32
          %dma_start3A_146 = tpu.memref_slice %arg16[%dma_start3A_144, %dma_start3A_145] : memref<10016x128xf32, #tpu.memory_space<vmem_shared>> -> memref<10016x128xf32, #tpu.memory_space<vmem_shared>>
          tpu.enqueue_indirect_dma source(%arg14 : memref<80x128xf32, #tpu.memory_space<vmem>>) target(%dma_start3A_146 : memref<10016x128xf32, #tpu.memory_space<vmem_shared>>) offsets(%dma_start3A_143 : memref<80xi32, #tpu.memory_space<vmem>>) semaphore(%run_scoped3A : memref<!tpu.dma_semaphore, #tpu.memory_space<semaphore_mem>>) {add = true}
          %dma_wait3A_147 = arith.constant 0 : i32
          %dma_wait3A_148 = tpu.memref_slice %arg13[%mul3A_111, %dma_wait3A_147] : memref<64x80xi32, #tpu.memory_space<vmem>> -> memref<1x80xi32, #tpu.memory_space<vmem>>
          %dma_wait3A_149 = tpu.memref_squeeze %dma_wait3A_148 : memref<1x80xi32, #tpu.memory_space<vmem>> -> memref<80xi32, #tpu.memory_space<vmem>>
          %dma_wait3A_150 = arith.constant 0 : i32
          %dma_wait3A_151 = arith.constant 0 : i32
          %dma_wait3A_152 = tpu.memref_slice %arg16[%dma_wait3A_150, %dma_wait3A_151] : memref<10016x128xf32, #tpu.memory_space<vmem_shared>> -> memref<10016x128xf32, #tpu.memory_space<vmem_shared>>
          tpu.wait_indirect_dma semaphore(%run_scoped3A : memref<!tpu.dma_semaphore, #tpu.memory_space<semaphore_mem>>) src(%arg14 : memref<80x128xf32, #tpu.memory_space<vmem>>) dst(%dma_wait3A_152 : memref<10016x128xf32, #tpu.memory_space<vmem_shared>>)
          tpu.yield
        }) : () -> ()
        %dma_wait3A_125 = arith.constant 0 : i32
        %dma_wait3A_126 = arith.constant 0 : i32
        %dma_wait3A_127 = tpu.memref_slice %arg12[%dma_wait3A_125, %dma_wait3A_126] : memref<64x80xi32, #tpu.memory_space<vmem>> -> memref<1x80xi32, #tpu.memory_space<vmem>>
        %dma_wait3A_128 = tpu.memref_squeeze %dma_wait3A_127 : memref<1x80xi32, #tpu.memory_space<vmem>> -> memref<80xi32, #tpu.memory_space<vmem>>
        %dma_wait3A_129 = arith.constant 0 : i32
        %dma_wait3A_130 = arith.constant 0 : i32
        %dma_wait3A_131 = tpu.memref_slice %arg5[%dma_wait3A_129, %dma_wait3A_130] : memref<10000x128xf32, #tpu.memory_space<hbm>> -> memref<10000x128xf32, #tpu.memory_space<hbm>>
        tpu.wait_indirect_dma semaphore(%arg18 : memref<!tpu.dma_semaphore, #tpu.memory_space<semaphore_mem>>) src(%dma_wait3A_131 : memref<10000x128xf32, #tpu.memory_space<hbm>>) dst(%arg15 : memref<80x128xf32, #tpu.memory_space<vmem>>)
        %add3A_132 = arith.constant 2 : i32
        %add3A_133 = arith.addi %mul3A_111, %add3A_132 : i32
        %lt3A_134 = arith.constant 64 : i32
        %lt3A_135 = arith.cmpi slt, %add3A_133, %lt3A_134 : i32
        %convert_element_type3A_136 = arith.extui %lt3A_135 : i1 to i32
        %cond3A_137 = arith.constant 0 : i32
        %cond3A_138 = arith.cmpi ne, %convert_element_type3A_136, %cond3A_137 : i32
        scf.if %cond3A_138 {
          %add3A_141 = arith.constant 2 : i32
          %add3A_142 = arith.addi %mul3A_111, %add3A_141 : i32
          %dma_start3A_143 = arith.constant 0 : i32
          %dma_start3A_144 = tpu.memref_slice %arg12[%add3A_142, %dma_start3A_143] : memref<64x80xi32, #tpu.memory_space<vmem>> -> memref<1x80xi32, #tpu.memory_space<vmem>>
          %dma_start3A_145 = tpu.memref_squeeze %dma_start3A_144 : memref<1x80xi32, #tpu.memory_space<vmem>> -> memref<80xi32, #tpu.memory_space<vmem>>
          %dma_start3A_146 = arith.constant 0 : i32
          %dma_start3A_147 = arith.constant 0 : i32
          %dma_start3A_148 = tpu.memref_slice %arg5[%dma_start3A_146, %dma_start3A_147] : memref<10000x128xf32, #tpu.memory_space<hbm>> -> memref<10000x128xf32, #tpu.memory_space<hbm>>
          tpu.enqueue_indirect_dma source(%dma_start3A_148 : memref<10000x128xf32, #tpu.memory_space<hbm>>) target(%arg14 : memref<80x128xf32, #tpu.memory_space<vmem>>) offsets(%dma_start3A_145 : memref<80xi32, #tpu.memory_space<vmem>>) semaphore(%arg17 : memref<!tpu.dma_semaphore, #tpu.memory_space<semaphore_mem>>)
        } else {
        }
        %add3A_139 = arith.constant 1 : i32
        %add3A_140 = arith.addi %mul3A_111, %add3A_139 : i32
        "tpu.region"() ({
          %run_scoped3A = tpu.sem_alloc : memref<!tpu.dma_semaphore, #tpu.memory_space<semaphore_mem>>
          %dma_start3A_141 = arith.constant 0 : i32
          %dma_start3A_142 = tpu.memref_slice %arg13[%add3A_140, %dma_start3A_141] : memref<64x80xi32, #tpu.memory_space<vmem>> -> memref<1x80xi32, #tpu.memory_space<vmem>>
          %dma_start3A_143 = tpu.memref_squeeze %dma_start3A_142 : memref<1x80xi32, #tpu.memory_space<vmem>> -> memref<80xi32, #tpu.memory_space<vmem>>
          %dma_start3A_144 = arith.constant 0 : i32
          %dma_start3A_145 = arith.constant 0 : i32
          %dma_start3A_146 = tpu.memref_slice %arg16[%dma_start3A_144, %dma_start3A_145] : memref<10016x128xf32, #tpu.memory_space<vmem_shared>> -> memref<10016x128xf32, #tpu.memory_space<vmem_shared>>
          tpu.enqueue_indirect_dma source(%arg15 : memref<80x128xf32, #tpu.memory_space<vmem>>) target(%dma_start3A_146 : memref<10016x128xf32, #tpu.memory_space<vmem_shared>>) offsets(%dma_start3A_143 : memref<80xi32, #tpu.memory_space<vmem>>) semaphore(%run_scoped3A : memref<!tpu.dma_semaphore, #tpu.memory_space<semaphore_mem>>) {add = true}
          %dma_wait3A_147 = arith.constant 0 : i32
          %dma_wait3A_148 = tpu.memref_slice %arg13[%add3A_140, %dma_wait3A_147] : memref<64x80xi32, #tpu.memory_space<vmem>> -> memref<1x80xi32, #tpu.memory_space<vmem>>
          %dma_wait3A_149 = tpu.memref_squeeze %dma_wait3A_148 : memref<1x80xi32, #tpu.memory_space<vmem>> -> memref<80xi32, #tpu.memory_space<vmem>>
          %dma_wait3A_150 = arith.constant 0 : i32
          %dma_wait3A_151 = arith.constant 0 : i32
          %dma_wait3A_152 = tpu.memref_slice %arg16[%dma_wait3A_150, %dma_wait3A_151] : memref<10016x128xf32, #tpu.memory_space<vmem_shared>> -> memref<10016x128xf32, #tpu.memory_space<vmem_shared>>
          tpu.wait_indirect_dma semaphore(%run_scoped3A : memref<!tpu.dma_semaphore, #tpu.memory_space<semaphore_mem>>) src(%arg15 : memref<80x128xf32, #tpu.memory_space<vmem>>) dst(%dma_wait3A_152 : memref<10016x128xf32, #tpu.memory_space<vmem_shared>>)
          tpu.yield
        }) : () -> ()
      }
      %scan3A_81 = arith.constant 32 : i32
      "tpu.region"() ({
        %run_scoped3A = tpu.sem_alloc : memref<!tpu.dma_semaphore, #tpu.memory_space<semaphore_mem>>
        %dma_start3A_109 = arith.constant 0 : i32
        %dma_start3A_110 = arith.constant 0 : i32
        %dma_start3A_111 = tpu.memref_slice %arg12[%dma_start3A_109, %dma_start3A_110] : memref<64x80xi32, #tpu.memory_space<vmem>> -> memref<62x80xi32, #tpu.memory_space<vmem>>
        %dma_start3A_112 = arith.constant 0 : i32
        %dma_start3A_113 = arith.constant 0 : i32
        %dma_start3A_114 = tpu.memref_slice %arg6[%arg1, %dma_start3A_112, %dma_start3A_113] : memref<16x126x80xi32, #tpu.memory_space<hbm>> -> memref<1x126x80xi32, #tpu.memory_space<hbm>>
        %dma_start3A_115 = tpu.memref_squeeze %dma_start3A_114 : memref<1x126x80xi32, #tpu.memory_space<hbm>> -> memref<126x80xi32, #tpu.memory_space<hbm>>
        %dma_start3A_116 = arith.constant 64 : i32
        %dma_start3A_117 = arith.constant 0 : i32
        %dma_start3A_118 = tpu.memref_slice %dma_start3A_115[%dma_start3A_116, %dma_start3A_117] : memref<126x80xi32, #tpu.memory_space<hbm>> -> memref<62x80xi32, #tpu.memory_space<hbm>>
        %dma_start3A_119 = arith.constant 0 : i32
        %dma_start3A_120 = arith.constant 0 : i32
        %dma_start3A_121 = tpu.memref_slice %arg12[%dma_start3A_119, %dma_start3A_120] : memref<64x80xi32, #tpu.memory_space<vmem>> -> memref<62x80xi32, #tpu.memory_space<vmem>>
        %dma_start3A_122 = arith.constant 0 : i32
        %dma_start3A_123 = arith.constant 0 : i32
        %dma_start3A_124 = tpu.memref_slice %arg6[%arg1, %dma_start3A_122, %dma_start3A_123] : memref<16x126x80xi32, #tpu.memory_space<hbm>> -> memref<1x126x80xi32, #tpu.memory_space<hbm>>
        %dma_start3A_125 = tpu.memref_squeeze %dma_start3A_124 : memref<1x126x80xi32, #tpu.memory_space<hbm>> -> memref<126x80xi32, #tpu.memory_space<hbm>>
        %dma_start3A_126 = arith.constant 64 : i32
        %dma_start3A_127 = arith.constant 0 : i32
        %dma_start3A_128 = tpu.memref_slice %dma_start3A_125[%dma_start3A_126, %dma_start3A_127] : memref<126x80xi32, #tpu.memory_space<hbm>> -> memref<62x80xi32, #tpu.memory_space<hbm>>
        tpu.enqueue_dma source(%dma_start3A_128 : memref<62x80xi32, #tpu.memory_space<hbm>>) target(%dma_start3A_121 : memref<62x80xi32, #tpu.memory_space<vmem>>) target_semaphore(%run_scoped3A : memref<!tpu.dma_semaphore, #tpu.memory_space<semaphore_mem>>)
        %dma_wait3A = arith.constant 0 : i32
        %dma_wait3A_129 = arith.constant 0 : i32
        %dma_wait3A_130 = tpu.memref_slice %arg12[%dma_wait3A, %dma_wait3A_129] : memref<64x80xi32, #tpu.memory_space<vmem>> -> memref<62x80xi32, #tpu.memory_space<vmem>>
        %dma_wait3A_131 = arith.constant 0 : i32
        %dma_wait3A_132 = arith.constant 0 : i32
        %dma_wait3A_133 = tpu.memref_slice %arg6[%arg1, %dma_wait3A_131, %dma_wait3A_132] : memref<16x126x80xi32, #tpu.memory_space<hbm>> -> memref<1x126x80xi32, #tpu.memory_space<hbm>>
        %dma_wait3A_134 = tpu.memref_squeeze %dma_wait3A_133 : memref<1x126x80xi32, #tpu.memory_space<hbm>> -> memref<126x80xi32, #tpu.memory_space<hbm>>
        %dma_wait3A_135 = arith.constant 64 : i32
        %dma_wait3A_136 = arith.constant 0 : i32
        %dma_wait3A_137 = tpu.memref_slice %dma_wait3A_134[%dma_wait3A_135, %dma_wait3A_136] : memref<126x80xi32, #tpu.memory_space<hbm>> -> memref<62x80xi32, #tpu.memory_space<hbm>>
        %dma_wait3A_138 = arith.constant 0 : i32
        %dma_wait3A_139 = arith.constant 0 : i32
        %dma_wait3A_140 = tpu.memref_slice %arg12[%dma_wait3A_138, %dma_wait3A_139] : memref<64x80xi32, #tpu.memory_space<vmem>> -> memref<62x80xi32, #tpu.memory_space<vmem>>
        %dma_wait3A_141 = arith.constant 0 : i32
        %dma_wait3A_142 = arith.constant 0 : i32
        %dma_wait3A_143 = tpu.memref_slice %arg6[%arg1, %dma_wait3A_141, %dma_wait3A_142] : memref<16x126x80xi32, #tpu.memory_space<hbm>> -> memref<1x126x80xi32, #tpu.memory_space<hbm>>
        %dma_wait3A_144 = tpu.memref_squeeze %dma_wait3A_143 : memref<1x126x80xi32, #tpu.memory_space<hbm>> -> memref<126x80xi32, #tpu.memory_space<hbm>>
        %dma_wait3A_145 = arith.constant 64 : i32
        %dma_wait3A_146 = arith.constant 0 : i32
        %dma_wait3A_147 = tpu.memref_slice %dma_wait3A_144[%dma_wait3A_145, %dma_wait3A_146] : memref<126x80xi32, #tpu.memory_space<hbm>> -> memref<62x80xi32, #tpu.memory_space<hbm>>
        tpu.wait_dma2 semaphore(%run_scoped3A : memref<!tpu.dma_semaphore, #tpu.memory_space<semaphore_mem>>) src(%dma_wait3A_147 : memref<62x80xi32, #tpu.memory_space<hbm>>) dst(%dma_wait3A_140 : memref<62x80xi32, #tpu.memory_space<vmem>>)
        tpu.yield
      }) : () -> ()
      "tpu.region"() ({
        %run_scoped3A = tpu.sem_alloc : memref<!tpu.dma_semaphore, #tpu.memory_space<semaphore_mem>>
        %dma_start3A_109 = arith.constant 0 : i32
        %dma_start3A_110 = arith.constant 0 : i32
        %dma_start3A_111 = tpu.memref_slice %arg13[%dma_start3A_109, %dma_start3A_110] : memref<64x80xi32, #tpu.memory_space<vmem>> -> memref<62x80xi32, #tpu.memory_space<vmem>>
        %dma_start3A_112 = arith.constant 0 : i32
        %dma_start3A_113 = arith.constant 0 : i32
        %dma_start3A_114 = tpu.memref_slice %arg7[%arg1, %dma_start3A_112, %dma_start3A_113] : memref<16x126x80xi32, #tpu.memory_space<hbm>> -> memref<1x126x80xi32, #tpu.memory_space<hbm>>
        %dma_start3A_115 = tpu.memref_squeeze %dma_start3A_114 : memref<1x126x80xi32, #tpu.memory_space<hbm>> -> memref<126x80xi32, #tpu.memory_space<hbm>>
        %dma_start3A_116 = arith.constant 64 : i32
        %dma_start3A_117 = arith.constant 0 : i32
        %dma_start3A_118 = tpu.memref_slice %dma_start3A_115[%dma_start3A_116, %dma_start3A_117] : memref<126x80xi32, #tpu.memory_space<hbm>> -> memref<62x80xi32, #tpu.memory_space<hbm>>
        %dma_start3A_119 = arith.constant 0 : i32
        %dma_start3A_120 = arith.constant 0 : i32
        %dma_start3A_121 = tpu.memref_slice %arg13[%dma_start3A_119, %dma_start3A_120] : memref<64x80xi32, #tpu.memory_space<vmem>> -> memref<62x80xi32, #tpu.memory_space<vmem>>
        %dma_start3A_122 = arith.constant 0 : i32
        %dma_start3A_123 = arith.constant 0 : i32
        %dma_start3A_124 = tpu.memref_slice %arg7[%arg1, %dma_start3A_122, %dma_start3A_123] : memref<16x126x80xi32, #tpu.memory_space<hbm>> -> memref<1x126x80xi32, #tpu.memory_space<hbm>>
        %dma_start3A_125 = tpu.memref_squeeze %dma_start3A_124 : memref<1x126x80xi32, #tpu.memory_space<hbm>> -> memref<126x80xi32, #tpu.memory_space<hbm>>
        %dma_start3A_126 = arith.constant 64 : i32
        %dma_start3A_127 = arith.constant 0 : i32
        %dma_start3A_128 = tpu.memref_slice %dma_start3A_125[%dma_start3A_126, %dma_start3A_127] : memref<126x80xi32, #tpu.memory_space<hbm>> -> memref<62x80xi32, #tpu.memory_space<hbm>>
        tpu.enqueue_dma source(%dma_start3A_128 : memref<62x80xi32, #tpu.memory_space<hbm>>) target(%dma_start3A_121 : memref<62x80xi32, #tpu.memory_space<vmem>>) target_semaphore(%run_scoped3A : memref<!tpu.dma_semaphore, #tpu.memory_space<semaphore_mem>>)
        %dma_wait3A = arith.constant 0 : i32
        %dma_wait3A_129 = arith.constant 0 : i32
        %dma_wait3A_130 = tpu.memref_slice %arg13[%dma_wait3A, %dma_wait3A_129] : memref<64x80xi32, #tpu.memory_space<vmem>> -> memref<62x80xi32, #tpu.memory_space<vmem>>
        %dma_wait3A_131 = arith.constant 0 : i32
        %dma_wait3A_132 = arith.constant 0 : i32
        %dma_wait3A_133 = tpu.memref_slice %arg7[%arg1, %dma_wait3A_131, %dma_wait3A_132] : memref<16x126x80xi32, #tpu.memory_space<hbm>> -> memref<1x126x80xi32, #tpu.memory_space<hbm>>
        %dma_wait3A_134 = tpu.memref_squeeze %dma_wait3A_133 : memref<1x126x80xi32, #tpu.memory_space<hbm>> -> memref<126x80xi32, #tpu.memory_space<hbm>>
        %dma_wait3A_135 = arith.constant 64 : i32
        %dma_wait3A_136 = arith.constant 0 : i32
        %dma_wait3A_137 = tpu.memref_slice %dma_wait3A_134[%dma_wait3A_135, %dma_wait3A_136] : memref<126x80xi32, #tpu.memory_space<hbm>> -> memref<62x80xi32, #tpu.memory_space<hbm>>
        %dma_wait3A_138 = arith.constant 0 : i32
        %dma_wait3A_139 = arith.constant 0 : i32
        %dma_wait3A_140 = tpu.memref_slice %arg13[%dma_wait3A_138, %dma_wait3A_139] : memref<64x80xi32, #tpu.memory_space<vmem>> -> memref<62x80xi32, #tpu.memory_space<vmem>>
        %dma_wait3A_141 = arith.constant 0 : i32
        %dma_wait3A_142 = arith.constant 0 : i32
        %dma_wait3A_143 = tpu.memref_slice %arg7[%arg1, %dma_wait3A_141, %dma_wait3A_142] : memref<16x126x80xi32, #tpu.memory_space<hbm>> -> memref<1x126x80xi32, #tpu.memory_space<hbm>>
        %dma_wait3A_144 = tpu.memref_squeeze %dma_wait3A_143 : memref<1x126x80xi32, #tpu.memory_space<hbm>> -> memref<126x80xi32, #tpu.memory_space<hbm>>
        %dma_wait3A_145 = arith.constant 64 : i32
        %dma_wait3A_146 = arith.constant 0 : i32
        %dma_wait3A_147 = tpu.memref_slice %dma_wait3A_144[%dma_wait3A_145, %dma_wait3A_146] : memref<126x80xi32, #tpu.memory_space<hbm>> -> memref<62x80xi32, #tpu.memory_space<hbm>>
        tpu.wait_dma2 semaphore(%run_scoped3A : memref<!tpu.dma_semaphore, #tpu.memory_space<semaphore_mem>>) src(%dma_wait3A_147 : memref<62x80xi32, #tpu.memory_space<hbm>>) dst(%dma_wait3A_140 : memref<62x80xi32, #tpu.memory_space<vmem>>)
        tpu.yield
      }) : () -> ()
      %dma_start3A_82 = arith.constant 0 : i32
      %dma_start3A_83 = arith.constant 0 : i32
      %dma_start3A_84 = tpu.memref_slice %arg12[%dma_start3A_82, %dma_start3A_83] : memref<64x80xi32, #tpu.memory_space<vmem>> -> memref<1x80xi32, #tpu.memory_space<vmem>>
      %dma_start3A_85 = tpu.memref_squeeze %dma_start3A_84 : memref<1x80xi32, #tpu.memory_space<vmem>> -> memref<80xi32, #tpu.memory_space<vmem>>
      %dma_start3A_86 = arith.constant 0 : i32
      %dma_start3A_87 = arith.constant 0 : i32
      %dma_start3A_88 = tpu.memref_slice %arg5[%dma_start3A_86, %dma_start3A_87] : memref<10000x128xf32, #tpu.memory_space<hbm>> -> memref<10000x128xf32, #tpu.memory_space<hbm>>
      tpu.enqueue_indirect_dma source(%dma_start3A_88 : memref<10000x128xf32, #tpu.memory_space<hbm>>) target(%arg14 : memref<80x128xf32, #tpu.memory_space<vmem>>) offsets(%dma_start3A_85 : memref<80xi32, #tpu.memory_space<vmem>>) semaphore(%arg17 : memref<!tpu.dma_semaphore, #tpu.memory_space<semaphore_mem>>)
      %scan3A_89 = arith.constant 0 : i32
      %scan3A_90 = arith.constant 0 : i32
      %scan3A_91 = arith.constant 31 : i32
      %scan3A_92 = arith.addi %scan3A_90, %scan3A_91 : i32
      %scan3A_93 = arith.constant 1 : i32
      scf.for %scan3A_109 = %scan3A_90 to %scan3A_92 step %scan3A_93  : i32 {
        %mul3A_110 = arith.constant 2 : i32
        %mul3A_111 = arith.muli %mul3A_110, %scan3A_109 : i32
        %dma_wait3A = arith.constant 0 : i32
        %dma_wait3A_112 = arith.constant 0 : i32
        %dma_wait3A_113 = tpu.memref_slice %arg12[%dma_wait3A, %dma_wait3A_112] : memref<64x80xi32, #tpu.memory_space<vmem>> -> memref<1x80xi32, #tpu.memory_space<vmem>>
        %dma_wait3A_114 = tpu.memref_squeeze %dma_wait3A_113 : memref<1x80xi32, #tpu.memory_space<vmem>> -> memref<80xi32, #tpu.memory_space<vmem>>
        %dma_wait3A_115 = arith.constant 0 : i32
        %dma_wait3A_116 = arith.constant 0 : i32
        %dma_wait3A_117 = tpu.memref_slice %arg5[%dma_wait3A_115, %dma_wait3A_116] : memref<10000x128xf32, #tpu.memory_space<hbm>> -> memref<10000x128xf32, #tpu.memory_space<hbm>>
        tpu.wait_indirect_dma semaphore(%arg17 : memref<!tpu.dma_semaphore, #tpu.memory_space<semaphore_mem>>) src(%dma_wait3A_117 : memref<10000x128xf32, #tpu.memory_space<hbm>>) dst(%arg14 : memref<80x128xf32, #tpu.memory_space<vmem>>)
        %add3A = arith.constant 1 : i32
        %add3A_118 = arith.addi %mul3A_111, %add3A : i32
        %dma_start3A_119 = arith.constant 0 : i32
        %dma_start3A_120 = tpu.memref_slice %arg12[%add3A_118, %dma_start3A_119] : memref<64x80xi32, #tpu.memory_space<vmem>> -> memref<1x80xi32, #tpu.memory_space<vmem>>
        %dma_start3A_121 = tpu.memref_squeeze %dma_start3A_120 : memref<1x80xi32, #tpu.memory_space<vmem>> -> memref<80xi32, #tpu.memory_space<vmem>>
        %dma_start3A_122 = arith.constant 0 : i32
        %dma_start3A_123 = arith.constant 0 : i32
        %dma_start3A_124 = tpu.memref_slice %arg5[%dma_start3A_122, %dma_start3A_123] : memref<10000x128xf32, #tpu.memory_space<hbm>> -> memref<10000x128xf32, #tpu.memory_space<hbm>>
        tpu.enqueue_indirect_dma source(%dma_start3A_124 : memref<10000x128xf32, #tpu.memory_space<hbm>>) target(%arg15 : memref<80x128xf32, #tpu.memory_space<vmem>>) offsets(%dma_start3A_121 : memref<80xi32, #tpu.memory_space<vmem>>) semaphore(%arg18 : memref<!tpu.dma_semaphore, #tpu.memory_space<semaphore_mem>>)
        "tpu.region"() ({
          %run_scoped3A = tpu.sem_alloc : memref<!tpu.dma_semaphore, #tpu.memory_space<semaphore_mem>>
          %dma_start3A_141 = arith.constant 0 : i32
          %dma_start3A_142 = tpu.memref_slice %arg13[%mul3A_111, %dma_start3A_141] : memref<64x80xi32, #tpu.memory_space<vmem>> -> memref<1x80xi32, #tpu.memory_space<vmem>>
          %dma_start3A_143 = tpu.memref_squeeze %dma_start3A_142 : memref<1x80xi32, #tpu.memory_space<vmem>> -> memref<80xi32, #tpu.memory_space<vmem>>
          %dma_start3A_144 = arith.constant 0 : i32
          %dma_start3A_145 = arith.constant 0 : i32
          %dma_start3A_146 = tpu.memref_slice %arg16[%dma_start3A_144, %dma_start3A_145] : memref<10016x128xf32, #tpu.memory_space<vmem_shared>> -> memref<10016x128xf32, #tpu.memory_space<vmem_shared>>
          tpu.enqueue_indirect_dma source(%arg14 : memref<80x128xf32, #tpu.memory_space<vmem>>) target(%dma_start3A_146 : memref<10016x128xf32, #tpu.memory_space<vmem_shared>>) offsets(%dma_start3A_143 : memref<80xi32, #tpu.memory_space<vmem>>) semaphore(%run_scoped3A : memref<!tpu.dma_semaphore, #tpu.memory_space<semaphore_mem>>) {add = true}
          %dma_wait3A_147 = arith.constant 0 : i32
          %dma_wait3A_148 = tpu.memref_slice %arg13[%mul3A_111, %dma_wait3A_147] : memref<64x80xi32, #tpu.memory_space<vmem>> -> memref<1x80xi32, #tpu.memory_space<vmem>>
          %dma_wait3A_149 = tpu.memref_squeeze %dma_wait3A_148 : memref<1x80xi32, #tpu.memory_space<vmem>> -> memref<80xi32, #tpu.memory_space<vmem>>
          %dma_wait3A_150 = arith.constant 0 : i32
          %dma_wait3A_151 = arith.constant 0 : i32
          %dma_wait3A_152 = tpu.memref_slice %arg16[%dma_wait3A_150, %dma_wait3A_151] : memref<10016x128xf32, #tpu.memory_space<vmem_shared>> -> memref<10016x128xf32, #tpu.memory_space<vmem_shared>>
          tpu.wait_indirect_dma semaphore(%run_scoped3A : memref<!tpu.dma_semaphore, #tpu.memory_space<semaphore_mem>>) src(%arg14 : memref<80x128xf32, #tpu.memory_space<vmem>>) dst(%dma_wait3A_152 : memref<10016x128xf32, #tpu.memory_space<vmem_shared>>)
          tpu.yield
        }) : () -> ()
        %dma_wait3A_125 = arith.constant 0 : i32
        %dma_wait3A_126 = arith.constant 0 : i32
        %dma_wait3A_127 = tpu.memref_slice %arg12[%dma_wait3A_125, %dma_wait3A_126] : memref<64x80xi32, #tpu.memory_space<vmem>> -> memref<1x80xi32, #tpu.memory_space<vmem>>
        %dma_wait3A_128 = tpu.memref_squeeze %dma_wait3A_127 : memref<1x80xi32, #tpu.memory_space<vmem>> -> memref<80xi32, #tpu.memory_space<vmem>>
        %dma_wait3A_129 = arith.constant 0 : i32
        %dma_wait3A_130 = arith.constant 0 : i32
        %dma_wait3A_131 = tpu.memref_slice %arg5[%dma_wait3A_129, %dma_wait3A_130] : memref<10000x128xf32, #tpu.memory_space<hbm>> -> memref<10000x128xf32, #tpu.memory_space<hbm>>
        tpu.wait_indirect_dma semaphore(%arg18 : memref<!tpu.dma_semaphore, #tpu.memory_space<semaphore_mem>>) src(%dma_wait3A_131 : memref<10000x128xf32, #tpu.memory_space<hbm>>) dst(%arg15 : memref<80x128xf32, #tpu.memory_space<vmem>>)
        %add3A_132 = arith.constant 2 : i32
        %add3A_133 = arith.addi %mul3A_111, %add3A_132 : i32
        %lt3A_134 = arith.constant 62 : i32
        %lt3A_135 = arith.cmpi slt, %add3A_133, %lt3A_134 : i32
        %convert_element_type3A_136 = arith.extui %lt3A_135 : i1 to i32
        %cond3A_137 = arith.constant 0 : i32
        %cond3A_138 = arith.cmpi ne, %convert_element_type3A_136, %cond3A_137 : i32
        scf.if %cond3A_138 {
          %add3A_141 = arith.constant 2 : i32
          %add3A_142 = arith.addi %mul3A_111, %add3A_141 : i32
          %dma_start3A_143 = arith.constant 0 : i32
          %dma_start3A_144 = tpu.memref_slice %arg12[%add3A_142, %dma_start3A_143] : memref<64x80xi32, #tpu.memory_space<vmem>> -> memref<1x80xi32, #tpu.memory_space<vmem>>
          %dma_start3A_145 = tpu.memref_squeeze %dma_start3A_144 : memref<1x80xi32, #tpu.memory_space<vmem>> -> memref<80xi32, #tpu.memory_space<vmem>>
          %dma_start3A_146 = arith.constant 0 : i32
          %dma_start3A_147 = arith.constant 0 : i32
          %dma_start3A_148 = tpu.memref_slice %arg5[%dma_start3A_146, %dma_start3A_147] : memref<10000x128xf32, #tpu.memory_space<hbm>> -> memref<10000x128xf32, #tpu.memory_space<hbm>>
          tpu.enqueue_indirect_dma source(%dma_start3A_148 : memref<10000x128xf32, #tpu.memory_space<hbm>>) target(%arg14 : memref<80x128xf32, #tpu.memory_space<vmem>>) offsets(%dma_start3A_145 : memref<80xi32, #tpu.memory_space<vmem>>) semaphore(%arg17 : memref<!tpu.dma_semaphore, #tpu.memory_space<semaphore_mem>>)
        } else {
        }
        %add3A_139 = arith.constant 1 : i32
        %add3A_140 = arith.addi %mul3A_111, %add3A_139 : i32
        "tpu.region"() ({
          %run_scoped3A = tpu.sem_alloc : memref<!tpu.dma_semaphore, #tpu.memory_space<semaphore_mem>>
          %dma_start3A_141 = arith.constant 0 : i32
          %dma_start3A_142 = tpu.memref_slice %arg13[%add3A_140, %dma_start3A_141] : memref<64x80xi32, #tpu.memory_space<vmem>> -> memref<1x80xi32, #tpu.memory_space<vmem>>
          %dma_start3A_143 = tpu.memref_squeeze %dma_start3A_142 : memref<1x80xi32, #tpu.memory_space<vmem>> -> memref<80xi32, #tpu.memory_space<vmem>>
          %dma_start3A_144 = arith.constant 0 : i32
          %dma_start3A_145 = arith.constant 0 : i32
          %dma_start3A_146 = tpu.memref_slice %arg16[%dma_start3A_144, %dma_start3A_145] : memref<10016x128xf32, #tpu.memory_space<vmem_shared>> -> memref<10016x128xf32, #tpu.memory_space<vmem_shared>>
          tpu.enqueue_indirect_dma source(%arg15 : memref<80x128xf32, #tpu.memory_space<vmem>>) target(%dma_start3A_146 : memref<10016x128xf32, #tpu.memory_space<vmem_shared>>) offsets(%dma_start3A_143 : memref<80xi32, #tpu.memory_space<vmem>>) semaphore(%run_scoped3A : memref<!tpu.dma_semaphore, #tpu.memory_space<semaphore_mem>>) {add = true}
          %dma_wait3A_147 = arith.constant 0 : i32
          %dma_wait3A_148 = tpu.memref_slice %arg13[%add3A_140, %dma_wait3A_147] : memref<64x80xi32, #tpu.memory_space<vmem>> -> memref<1x80xi32, #tpu.memory_space<vmem>>
          %dma_wait3A_149 = tpu.memref_squeeze %dma_wait3A_148 : memref<1x80xi32, #tpu.memory_space<vmem>> -> memref<80xi32, #tpu.memory_space<vmem>>
          %dma_wait3A_150 = arith.constant 0 : i32
          %dma_wait3A_151 = arith.constant 0 : i32
          %dma_wait3A_152 = tpu.memref_slice %arg16[%dma_wait3A_150, %dma_wait3A_151] : memref<10016x128xf32, #tpu.memory_space<vmem_shared>> -> memref<10016x128xf32, #tpu.memory_space<vmem_shared>>
          tpu.wait_indirect_dma semaphore(%run_scoped3A : memref<!tpu.dma_semaphore, #tpu.memory_space<semaphore_mem>>) src(%arg15 : memref<80x128xf32, #tpu.memory_space<vmem>>) dst(%dma_wait3A_152 : memref<10016x128xf32, #tpu.memory_space<vmem_shared>>)
          tpu.yield
        }) : () -> ()
      }
      %scan3A_94 = arith.constant 31 : i32
      %barrier3A_95 = arith.constant 0 : index
      tpu.barrier barrier_id(%barrier3A_95)
      %mul3A_96 = arith.constant 632 : i32
      %mul3A_97 = arith.muli %arg1, %mul3A_96 : i32
      %multiple_of3A_98 = tpu.assume_multiple %mul3A_97, 8 : i32
      %lt3A_99 = arith.constant 15 : i32
      %lt3A_100 = arith.cmpi slt, %arg1, %lt3A_99 : i32
      %convert_element_type3A_101 = arith.extui %lt3A_100 : i1 to i32
      %cond3A_102 = arith.constant 0 : i32
      %cond3A_103 = arith.cmpi ne, %convert_element_type3A_101, %cond3A_102 : i32
      scf.if %cond3A_103 {
        "tpu.region"() ({
          %run_scoped3A = tpu.sem_alloc : memref<!tpu.dma_semaphore, #tpu.memory_space<semaphore_mem>>
          %dma_start3A_109 = arith.constant 0 : i32
          %dma_start3A_110 = tpu.memref_slice %arg11[%multiple_of3A_98, %dma_start3A_109] : memref<10000x128xf32, #tpu.memory_space<hbm>> -> memref<632x128xf32, #tpu.memory_space<hbm>>
          %dma_start3A_111 = arith.constant 0 : i32
          %dma_start3A_112 = tpu.memref_slice %arg16[%multiple_of3A_98, %dma_start3A_111] : memref<10016x128xf32, #tpu.memory_space<vmem_shared>> -> memref<632x128xf32, #tpu.memory_space<vmem_shared>>
          tpu.enqueue_dma source(%dma_start3A_112 : memref<632x128xf32, #tpu.memory_space<vmem_shared>>) target(%dma_start3A_110 : memref<632x128xf32, #tpu.memory_space<hbm>>) target_semaphore(%run_scoped3A : memref<!tpu.dma_semaphore, #tpu.memory_space<semaphore_mem>>)
          %dma_wait3A = arith.constant 0 : i32
          %dma_wait3A_113 = tpu.memref_slice %arg11[%multiple_of3A_98, %dma_wait3A] : memref<10000x128xf32, #tpu.memory_space<hbm>> -> memref<632x128xf32, #tpu.memory_space<hbm>>
          %dma_wait3A_114 = arith.constant 0 : i32
          %dma_wait3A_115 = tpu.memref_slice %arg16[%multiple_of3A_98, %dma_wait3A_114] : memref<10016x128xf32, #tpu.memory_space<vmem_shared>> -> memref<632x128xf32, #tpu.memory_space<vmem_shared>>
          tpu.wait_dma2 semaphore(%run_scoped3A : memref<!tpu.dma_semaphore, #tpu.memory_space<semaphore_mem>>) src(%dma_wait3A_115 : memref<632x128xf32, #tpu.memory_space<vmem_shared>>) dst(%dma_wait3A_113 : memref<632x128xf32, #tpu.memory_space<hbm>>)
          tpu.yield
        }) : () -> ()
      } else {
      }
      %eq3A_104 = arith.constant 15 : i32
      %eq3A_105 = arith.cmpi eq, %arg1, %eq3A_104 : i32
      %convert_element_type3A_106 = arith.extui %eq3A_105 : i1 to i32
      %cond3A_107 = arith.constant 0 : i32
      %cond3A_108 = arith.cmpi ne, %convert_element_type3A_106, %cond3A_107 : i32
      scf.if %cond3A_108 {
        "tpu.region"() ({
          %run_scoped3A = tpu.sem_alloc : memref<!tpu.dma_semaphore, #tpu.memory_space<semaphore_mem>>
          %dma_start3A_109 = arith.constant 9480 : i32
          %dma_start3A_110 = arith.constant 0 : i32
          %dma_start3A_111 = tpu.memref_slice %arg11[%dma_start3A_109, %dma_start3A_110] : memref<10000x128xf32, #tpu.memory_space<hbm>> -> memref<520x128xf32, #tpu.memory_space<hbm>>
          %dma_start3A_112 = arith.constant 9480 : i32
          %dma_start3A_113 = arith.constant 0 : i32
          %dma_start3A_114 = tpu.memref_slice %arg16[%dma_start3A_112, %dma_start3A_113] : memref<10016x128xf32, #tpu.memory_space<vmem_shared>> -> memref<520x128xf32, #tpu.memory_space<vmem_shared>>
          tpu.enqueue_dma source(%dma_start3A_114 : memref<520x128xf32, #tpu.memory_space<vmem_shared>>) target(%dma_start3A_111 : memref<520x128xf32, #tpu.memory_space<hbm>>) target_semaphore(%run_scoped3A : memref<!tpu.dma_semaphore, #tpu.memory_space<semaphore_mem>>)
          %dma_wait3A = arith.constant 9480 : i32
          %dma_wait3A_115 = arith.constant 0 : i32
          %dma_wait3A_116 = tpu.memref_slice %arg11[%dma_wait3A, %dma_wait3A_115] : memref<10000x128xf32, #tpu.memory_space<hbm>> -> memref<520x128xf32, #tpu.memory_space<hbm>>
          %dma_wait3A_117 = arith.constant 9480 : i32
          %dma_wait3A_118 = arith.constant 0 : i32
          %dma_wait3A_119 = tpu.memref_slice %arg16[%dma_wait3A_117, %dma_wait3A_118] : memref<10016x128xf32, #tpu.memory_space<vmem_shared>> -> memref<520x128xf32, #tpu.memory_space<vmem_shared>>
          tpu.wait_dma2 semaphore(%run_scoped3A : memref<!tpu.dma_semaphore, #tpu.memory_space<semaphore_mem>>) src(%dma_wait3A_119 : memref<520x128xf32, #tpu.memory_space<vmem_shared>>) dst(%dma_wait3A_116 : memref<520x128xf32, #tpu.memory_space<hbm>>)
          tpu.yield
        }) : () -> ()
      } else {
      }
    } else {
    }
    return
  }
}

#map = affine_map<(d0, d1) -> (0, 0, 0)>
#map1 = affine_map<(d0, d1) -> (0, 0)>
module attributes {stable_mosaic.version = 14 : i64} {
  func.func @_deg_kernel(%arg0: i32, %arg1: i32, %arg2: memref<16x126x80xi32, #tpu.memory_space<hbm>>, %arg3: memref<10000x128xf32, #tpu.memory_space<hbm>>, %arg4: memref<80x128xf32, #tpu.memory_space<hbm>>, %arg5: memref<10000x128xf32, #tpu.memory_space<hbm>>, %arg6: memref<10000x128xf32, #tpu.memory_space<hbm>>, %arg7: memref<126x80xi32, #tpu.memory_space<vmem>>, %arg8: memref<80x128xf32, #tpu.memory_space<vmem>>, %arg9: memref<10016x128xf32, #tpu.memory_space<vmem_shared>>, %arg10: memref<!tpu.dma_semaphore, #tpu.memory_space<semaphore_mem>>) attributes {dimension_semantics = [#tpu.dimension_semantics<core_parallel>, #tpu.dimension_semantics<subcore_parallel>], iteration_bounds = array<i64: 2, 16>, scalar_prefetch = 0 : i64, scratch_operands = 4 : i64, tpu.core_type = #tpu.core_type<sc_vector_subcore>, window_params = [{transform_indices = #map}, {transform_indices = #map1}, {transform_indices = #map1}, {transform_indices = #map1}, {transform_indices = #map1}]} {
    %mul3A = arith.constant 63 : i32
    %mul3A_0 = arith.muli %arg0, %mul3A : i32
    %mul3A_1 = arith.constant 632 : i32
    %mul3A_2 = arith.muli %arg1, %mul3A_1 : i32
    %multiple_of3A = tpu.assume_multiple %mul3A_2, 8 : i32
    %lt3A = arith.constant 15 : i32
    %lt3A_3 = arith.cmpi slt, %arg1, %lt3A : i32
    %convert_element_type3A = arith.extui %lt3A_3 : i1 to i32
    %cond3A = arith.constant 0 : i32
    %cond3A_4 = arith.cmpi ne, %convert_element_type3A, %cond3A : i32
    scf.if %cond3A_4 {
      "tpu.region"() ({
        %run_scoped3A = tpu.sem_alloc : memref<!tpu.dma_semaphore, #tpu.memory_space<semaphore_mem>>
        %dma_start3A_35 = arith.constant 0 : i32
        %dma_start3A_36 = tpu.memref_slice %arg9[%multiple_of3A, %dma_start3A_35] : memref<10016x128xf32, #tpu.memory_space<vmem_shared>> -> memref<632x128xf32, #tpu.memory_space<vmem_shared>>
        %dma_start3A_37 = arith.constant 0 : i32
        %dma_start3A_38 = tpu.memref_slice %arg3[%multiple_of3A, %dma_start3A_37] : memref<10000x128xf32, #tpu.memory_space<hbm>> -> memref<632x128xf32, #tpu.memory_space<hbm>>
        tpu.enqueue_dma source(%dma_start3A_38 : memref<632x128xf32, #tpu.memory_space<hbm>>) target(%dma_start3A_36 : memref<632x128xf32, #tpu.memory_space<vmem_shared>>) target_semaphore(%run_scoped3A : memref<!tpu.dma_semaphore, #tpu.memory_space<semaphore_mem>>)
        %dma_wait3A_39 = arith.constant 0 : i32
        %dma_wait3A_40 = tpu.memref_slice %arg9[%multiple_of3A, %dma_wait3A_39] : memref<10016x128xf32, #tpu.memory_space<vmem_shared>> -> memref<632x128xf32, #tpu.memory_space<vmem_shared>>
        %dma_wait3A_41 = arith.constant 0 : i32
        %dma_wait3A_42 = tpu.memref_slice %arg3[%multiple_of3A, %dma_wait3A_41] : memref<10000x128xf32, #tpu.memory_space<hbm>> -> memref<632x128xf32, #tpu.memory_space<hbm>>
        tpu.wait_dma2 semaphore(%run_scoped3A : memref<!tpu.dma_semaphore, #tpu.memory_space<semaphore_mem>>) src(%dma_wait3A_42 : memref<632x128xf32, #tpu.memory_space<hbm>>) dst(%dma_wait3A_40 : memref<632x128xf32, #tpu.memory_space<vmem_shared>>)
        tpu.yield
      }) : () -> ()
    } else {
    }
    %eq3A = arith.constant 15 : i32
    %eq3A_5 = arith.cmpi eq, %arg1, %eq3A : i32
    %convert_element_type3A_6 = arith.extui %eq3A_5 : i1 to i32
    %cond3A_7 = arith.constant 0 : i32
    %cond3A_8 = arith.cmpi ne, %convert_element_type3A_6, %cond3A_7 : i32
    scf.if %cond3A_8 {
      "tpu.region"() ({
        %run_scoped3A = tpu.sem_alloc : memref<!tpu.dma_semaphore, #tpu.memory_space<semaphore_mem>>
        %dma_start3A_35 = arith.constant 9480 : i32
        %dma_start3A_36 = arith.constant 0 : i32
        %dma_start3A_37 = tpu.memref_slice %arg9[%dma_start3A_35, %dma_start3A_36] : memref<10016x128xf32, #tpu.memory_space<vmem_shared>> -> memref<520x128xf32, #tpu.memory_space<vmem_shared>>
        %dma_start3A_38 = arith.constant 9480 : i32
        %dma_start3A_39 = arith.constant 0 : i32
        %dma_start3A_40 = tpu.memref_slice %arg3[%dma_start3A_38, %dma_start3A_39] : memref<10000x128xf32, #tpu.memory_space<hbm>> -> memref<520x128xf32, #tpu.memory_space<hbm>>
        tpu.enqueue_dma source(%dma_start3A_40 : memref<520x128xf32, #tpu.memory_space<hbm>>) target(%dma_start3A_37 : memref<520x128xf32, #tpu.memory_space<vmem_shared>>) target_semaphore(%run_scoped3A : memref<!tpu.dma_semaphore, #tpu.memory_space<semaphore_mem>>)
        %dma_wait3A_41 = arith.constant 9480 : i32
        %dma_wait3A_42 = arith.constant 0 : i32
        %dma_wait3A_43 = tpu.memref_slice %arg9[%dma_wait3A_41, %dma_wait3A_42] : memref<10016x128xf32, #tpu.memory_space<vmem_shared>> -> memref<520x128xf32, #tpu.memory_space<vmem_shared>>
        %dma_wait3A_44 = arith.constant 9480 : i32
        %dma_wait3A_45 = arith.constant 0 : i32
        %dma_wait3A_46 = tpu.memref_slice %arg3[%dma_wait3A_44, %dma_wait3A_45] : memref<10000x128xf32, #tpu.memory_space<hbm>> -> memref<520x128xf32, #tpu.memory_space<hbm>>
        tpu.wait_dma2 semaphore(%run_scoped3A : memref<!tpu.dma_semaphore, #tpu.memory_space<semaphore_mem>>) src(%dma_wait3A_46 : memref<520x128xf32, #tpu.memory_space<hbm>>) dst(%dma_wait3A_43 : memref<520x128xf32, #tpu.memory_space<vmem_shared>>)
        tpu.yield
      }) : () -> ()
    } else {
    }
    "tpu.region"() ({
      %run_scoped3A = tpu.sem_alloc : memref<!tpu.dma_semaphore, #tpu.memory_space<semaphore_mem>>
      tpu.enqueue_dma source(%arg4 : memref<80x128xf32, #tpu.memory_space<hbm>>) target(%arg8 : memref<80x128xf32, #tpu.memory_space<vmem>>) target_semaphore(%run_scoped3A : memref<!tpu.dma_semaphore, #tpu.memory_space<semaphore_mem>>)
      tpu.wait_dma2 semaphore(%run_scoped3A : memref<!tpu.dma_semaphore, #tpu.memory_space<semaphore_mem>>) src(%arg4 : memref<80x128xf32, #tpu.memory_space<hbm>>) dst(%arg8 : memref<80x128xf32, #tpu.memory_space<vmem>>)
      tpu.yield
    }) : () -> ()
    "tpu.region"() ({
      %run_scoped3A = tpu.sem_alloc : memref<!tpu.dma_semaphore, #tpu.memory_space<semaphore_mem>>
      %dma_start3A_35 = arith.constant 0 : i32
      %dma_start3A_36 = arith.constant 0 : i32
      %dma_start3A_37 = tpu.memref_slice %arg2[%arg1, %dma_start3A_35, %dma_start3A_36] : memref<16x126x80xi32, #tpu.memory_space<hbm>> -> memref<1x126x80xi32, #tpu.memory_space<hbm>>
      %dma_start3A_38 = tpu.memref_squeeze %dma_start3A_37 : memref<1x126x80xi32, #tpu.memory_space<hbm>> -> memref<126x80xi32, #tpu.memory_space<hbm>>
      %dma_start3A_39 = arith.constant 0 : i32
      %dma_start3A_40 = arith.constant 0 : i32
      %dma_start3A_41 = tpu.memref_slice %arg2[%arg1, %dma_start3A_39, %dma_start3A_40] : memref<16x126x80xi32, #tpu.memory_space<hbm>> -> memref<1x126x80xi32, #tpu.memory_space<hbm>>
      %dma_start3A_42 = tpu.memref_squeeze %dma_start3A_41 : memref<1x126x80xi32, #tpu.memory_space<hbm>> -> memref<126x80xi32, #tpu.memory_space<hbm>>
      tpu.enqueue_dma source(%dma_start3A_42 : memref<126x80xi32, #tpu.memory_space<hbm>>) target(%arg7 : memref<126x80xi32, #tpu.memory_space<vmem>>) target_semaphore(%run_scoped3A : memref<!tpu.dma_semaphore, #tpu.memory_space<semaphore_mem>>)
      %dma_wait3A_43 = arith.constant 0 : i32
      %dma_wait3A_44 = arith.constant 0 : i32
      %dma_wait3A_45 = tpu.memref_slice %arg2[%arg1, %dma_wait3A_43, %dma_wait3A_44] : memref<16x126x80xi32, #tpu.memory_space<hbm>> -> memref<1x126x80xi32, #tpu.memory_space<hbm>>
      %dma_wait3A_46 = tpu.memref_squeeze %dma_wait3A_45 : memref<1x126x80xi32, #tpu.memory_space<hbm>> -> memref<126x80xi32, #tpu.memory_space<hbm>>
      %dma_wait3A_47 = arith.constant 0 : i32
      %dma_wait3A_48 = arith.constant 0 : i32
      %dma_wait3A_49 = tpu.memref_slice %arg2[%arg1, %dma_wait3A_47, %dma_wait3A_48] : memref<16x126x80xi32, #tpu.memory_space<hbm>> -> memref<1x126x80xi32, #tpu.memory_space<hbm>>
      %dma_wait3A_50 = tpu.memref_squeeze %dma_wait3A_49 : memref<1x126x80xi32, #tpu.memory_space<hbm>> -> memref<126x80xi32, #tpu.memory_space<hbm>>
      tpu.wait_dma2 semaphore(%run_scoped3A : memref<!tpu.dma_semaphore, #tpu.memory_space<semaphore_mem>>) src(%dma_wait3A_50 : memref<126x80xi32, #tpu.memory_space<hbm>>) dst(%arg7 : memref<126x80xi32, #tpu.memory_space<vmem>>)
      tpu.yield
    }) : () -> ()
    %barrier3A = arith.constant 0 : index
    tpu.barrier barrier_id(%barrier3A)
    %dma_start3A = arith.constant 0 : i32
    %dma_start3A_9 = tpu.memref_slice %arg7[%mul3A_0, %dma_start3A] : memref<126x80xi32, #tpu.memory_space<vmem>> -> memref<1x80xi32, #tpu.memory_space<vmem>>
    %dma_start3A_10 = tpu.memref_squeeze %dma_start3A_9 : memref<1x80xi32, #tpu.memory_space<vmem>> -> memref<80xi32, #tpu.memory_space<vmem>>
    %dma_start3A_11 = arith.constant 0 : i32
    %dma_start3A_12 = arith.constant 0 : i32
    %dma_start3A_13 = tpu.memref_slice %arg9[%dma_start3A_11, %dma_start3A_12] : memref<10016x128xf32, #tpu.memory_space<vmem_shared>> -> memref<10016x128xf32, #tpu.memory_space<vmem_shared>>
    tpu.enqueue_indirect_dma source(%arg8 : memref<80x128xf32, #tpu.memory_space<vmem>>) target(%dma_start3A_13 : memref<10016x128xf32, #tpu.memory_space<vmem_shared>>) offsets(%dma_start3A_10 : memref<80xi32, #tpu.memory_space<vmem>>) semaphore(%arg10 : memref<!tpu.dma_semaphore, #tpu.memory_space<semaphore_mem>>) {add = true}
    %scan3A = arith.constant 0 : i32
    %scan3A_14 = arith.constant 1 : i32
    %scan3A_15 = arith.constant 62 : i32
    %scan3A_16 = arith.addi %scan3A_14, %scan3A_15 : i32
    %scan3A_17 = arith.constant 1 : i32
    scf.for %scan3A_35 = %scan3A_14 to %scan3A_16 step %scan3A_17  : i32 {
      %add3A = arith.addi %mul3A_0, %scan3A_35 : i32
      %dma_start3A_36 = arith.constant 0 : i32
      %dma_start3A_37 = tpu.memref_slice %arg7[%add3A, %dma_start3A_36] : memref<126x80xi32, #tpu.memory_space<vmem>> -> memref<1x80xi32, #tpu.memory_space<vmem>>
      %dma_start3A_38 = tpu.memref_squeeze %dma_start3A_37 : memref<1x80xi32, #tpu.memory_space<vmem>> -> memref<80xi32, #tpu.memory_space<vmem>>
      %dma_start3A_39 = arith.constant 0 : i32
      %dma_start3A_40 = arith.constant 0 : i32
      %dma_start3A_41 = tpu.memref_slice %arg9[%dma_start3A_39, %dma_start3A_40] : memref<10016x128xf32, #tpu.memory_space<vmem_shared>> -> memref<10016x128xf32, #tpu.memory_space<vmem_shared>>
      tpu.enqueue_indirect_dma source(%arg8 : memref<80x128xf32, #tpu.memory_space<vmem>>) target(%dma_start3A_41 : memref<10016x128xf32, #tpu.memory_space<vmem_shared>>) offsets(%dma_start3A_38 : memref<80xi32, #tpu.memory_space<vmem>>) semaphore(%arg10 : memref<!tpu.dma_semaphore, #tpu.memory_space<semaphore_mem>>) {add = true}
      %dma_wait3A_42 = arith.constant 0 : i32
      %dma_wait3A_43 = tpu.memref_slice %arg7[%mul3A_0, %dma_wait3A_42] : memref<126x80xi32, #tpu.memory_space<vmem>> -> memref<1x80xi32, #tpu.memory_space<vmem>>
      %dma_wait3A_44 = tpu.memref_squeeze %dma_wait3A_43 : memref<1x80xi32, #tpu.memory_space<vmem>> -> memref<80xi32, #tpu.memory_space<vmem>>
      %dma_wait3A_45 = arith.constant 0 : i32
      %dma_wait3A_46 = arith.constant 0 : i32
      %dma_wait3A_47 = tpu.memref_slice %arg9[%dma_wait3A_45, %dma_wait3A_46] : memref<10016x128xf32, #tpu.memory_space<vmem_shared>> -> memref<10016x128xf32, #tpu.memory_space<vmem_shared>>
      tpu.wait_indirect_dma semaphore(%arg10 : memref<!tpu.dma_semaphore, #tpu.memory_space<semaphore_mem>>) src(%arg8 : memref<80x128xf32, #tpu.memory_space<vmem>>) dst(%dma_wait3A_47 : memref<10016x128xf32, #tpu.memory_space<vmem_shared>>)
    }
    %scan3A_18 = arith.constant 62 : i32
    %dma_wait3A = arith.constant 0 : i32
    %dma_wait3A_19 = tpu.memref_slice %arg7[%mul3A_0, %dma_wait3A] : memref<126x80xi32, #tpu.memory_space<vmem>> -> memref<1x80xi32, #tpu.memory_space<vmem>>
    %dma_wait3A_20 = tpu.memref_squeeze %dma_wait3A_19 : memref<1x80xi32, #tpu.memory_space<vmem>> -> memref<80xi32, #tpu.memory_space<vmem>>
    %dma_wait3A_21 = arith.constant 0 : i32
    %dma_wait3A_22 = arith.constant 0 : i32
    %dma_wait3A_23 = tpu.memref_slice %arg9[%dma_wait3A_21, %dma_wait3A_22] : memref<10016x128xf32, #tpu.memory_space<vmem_shared>> -> memref<10016x128xf32, #tpu.memory_space<vmem_shared>>
    tpu.wait_indirect_dma semaphore(%arg10 : memref<!tpu.dma_semaphore, #tpu.memory_space<semaphore_mem>>) src(%arg8 : memref<80x128xf32, #tpu.memory_space<vmem>>) dst(%dma_wait3A_23 : memref<10016x128xf32, #tpu.memory_space<vmem_shared>>)
    %barrier3A_24 = arith.constant 0 : index
    tpu.barrier barrier_id(%barrier3A_24)
    %eq3A_25 = arith.constant 0 : i32
    %eq3A_26 = arith.cmpi eq, %arg0, %eq3A_25 : i32
    %convert_element_type3A_27 = arith.extui %eq3A_26 : i1 to i32
    %cond3A_28 = arith.constant 0 : i32
    %cond3A_29 = arith.cmpi ne, %convert_element_type3A_27, %cond3A_28 : i32
    scf.if %cond3A_29 {
      %mul3A_35 = arith.constant 632 : i32
      %mul3A_36 = arith.muli %arg1, %mul3A_35 : i32
      %multiple_of3A_37 = tpu.assume_multiple %mul3A_36, 8 : i32
      %lt3A_38 = arith.constant 15 : i32
      %lt3A_39 = arith.cmpi slt, %arg1, %lt3A_38 : i32
      %convert_element_type3A_40 = arith.extui %lt3A_39 : i1 to i32
      %cond3A_41 = arith.constant 0 : i32
      %cond3A_42 = arith.cmpi ne, %convert_element_type3A_40, %cond3A_41 : i32
      scf.if %cond3A_42 {
        "tpu.region"() ({
          %run_scoped3A = tpu.sem_alloc : memref<!tpu.dma_semaphore, #tpu.memory_space<semaphore_mem>>
          %dma_start3A_48 = arith.constant 0 : i32
          %dma_start3A_49 = tpu.memref_slice %arg5[%multiple_of3A_37, %dma_start3A_48] : memref<10000x128xf32, #tpu.memory_space<hbm>> -> memref<632x128xf32, #tpu.memory_space<hbm>>
          %dma_start3A_50 = arith.constant 0 : i32
          %dma_start3A_51 = tpu.memref_slice %arg9[%multiple_of3A_37, %dma_start3A_50] : memref<10016x128xf32, #tpu.memory_space<vmem_shared>> -> memref<632x128xf32, #tpu.memory_space<vmem_shared>>
          tpu.enqueue_dma source(%dma_start3A_51 : memref<632x128xf32, #tpu.memory_space<vmem_shared>>) target(%dma_start3A_49 : memref<632x128xf32, #tpu.memory_space<hbm>>) target_semaphore(%run_scoped3A : memref<!tpu.dma_semaphore, #tpu.memory_space<semaphore_mem>>)
          %dma_wait3A_52 = arith.constant 0 : i32
          %dma_wait3A_53 = tpu.memref_slice %arg5[%multiple_of3A_37, %dma_wait3A_52] : memref<10000x128xf32, #tpu.memory_space<hbm>> -> memref<632x128xf32, #tpu.memory_space<hbm>>
          %dma_wait3A_54 = arith.constant 0 : i32
          %dma_wait3A_55 = tpu.memref_slice %arg9[%multiple_of3A_37, %dma_wait3A_54] : memref<10016x128xf32, #tpu.memory_space<vmem_shared>> -> memref<632x128xf32, #tpu.memory_space<vmem_shared>>
          tpu.wait_dma2 semaphore(%run_scoped3A : memref<!tpu.dma_semaphore, #tpu.memory_space<semaphore_mem>>) src(%dma_wait3A_55 : memref<632x128xf32, #tpu.memory_space<vmem_shared>>) dst(%dma_wait3A_53 : memref<632x128xf32, #tpu.memory_space<hbm>>)
          tpu.yield
        }) : () -> ()
      } else {
      }
      %eq3A_43 = arith.constant 15 : i32
      %eq3A_44 = arith.cmpi eq, %arg1, %eq3A_43 : i32
      %convert_element_type3A_45 = arith.extui %eq3A_44 : i1 to i32
      %cond3A_46 = arith.constant 0 : i32
      %cond3A_47 = arith.cmpi ne, %convert_element_type3A_45, %cond3A_46 : i32
      scf.if %cond3A_47 {
        "tpu.region"() ({
          %run_scoped3A = tpu.sem_alloc : memref<!tpu.dma_semaphore, #tpu.memory_space<semaphore_mem>>
          %dma_start3A_48 = arith.constant 9480 : i32
          %dma_start3A_49 = arith.constant 0 : i32
          %dma_start3A_50 = tpu.memref_slice %arg5[%dma_start3A_48, %dma_start3A_49] : memref<10000x128xf32, #tpu.memory_space<hbm>> -> memref<520x128xf32, #tpu.memory_space<hbm>>
          %dma_start3A_51 = arith.constant 9480 : i32
          %dma_start3A_52 = arith.constant 0 : i32
          %dma_start3A_53 = tpu.memref_slice %arg9[%dma_start3A_51, %dma_start3A_52] : memref<10016x128xf32, #tpu.memory_space<vmem_shared>> -> memref<520x128xf32, #tpu.memory_space<vmem_shared>>
          tpu.enqueue_dma source(%dma_start3A_53 : memref<520x128xf32, #tpu.memory_space<vmem_shared>>) target(%dma_start3A_50 : memref<520x128xf32, #tpu.memory_space<hbm>>) target_semaphore(%run_scoped3A : memref<!tpu.dma_semaphore, #tpu.memory_space<semaphore_mem>>)
          %dma_wait3A_54 = arith.constant 9480 : i32
          %dma_wait3A_55 = arith.constant 0 : i32
          %dma_wait3A_56 = tpu.memref_slice %arg5[%dma_wait3A_54, %dma_wait3A_55] : memref<10000x128xf32, #tpu.memory_space<hbm>> -> memref<520x128xf32, #tpu.memory_space<hbm>>
          %dma_wait3A_57 = arith.constant 9480 : i32
          %dma_wait3A_58 = arith.constant 0 : i32
          %dma_wait3A_59 = tpu.memref_slice %arg9[%dma_wait3A_57, %dma_wait3A_58] : memref<10016x128xf32, #tpu.memory_space<vmem_shared>> -> memref<520x128xf32, #tpu.memory_space<vmem_shared>>
          tpu.wait_dma2 semaphore(%run_scoped3A : memref<!tpu.dma_semaphore, #tpu.memory_space<semaphore_mem>>) src(%dma_wait3A_59 : memref<520x128xf32, #tpu.memory_space<vmem_shared>>) dst(%dma_wait3A_56 : memref<520x128xf32, #tpu.memory_space<hbm>>)
          tpu.yield
        }) : () -> ()
      } else {
      }
    } else {
    }
    %eq3A_30 = arith.constant 1 : i32
    %eq3A_31 = arith.cmpi eq, %arg0, %eq3A_30 : i32
    %convert_element_type3A_32 = arith.extui %eq3A_31 : i1 to i32
    %cond3A_33 = arith.constant 0 : i32
    %cond3A_34 = arith.cmpi ne, %convert_element_type3A_32, %cond3A_33 : i32
    scf.if %cond3A_34 {
      %mul3A_35 = arith.constant 632 : i32
      %mul3A_36 = arith.muli %arg1, %mul3A_35 : i32
      %multiple_of3A_37 = tpu.assume_multiple %mul3A_36, 8 : i32
      %lt3A_38 = arith.constant 15 : i32
      %lt3A_39 = arith.cmpi slt, %arg1, %lt3A_38 : i32
      %convert_element_type3A_40 = arith.extui %lt3A_39 : i1 to i32
      %cond3A_41 = arith.constant 0 : i32
      %cond3A_42 = arith.cmpi ne, %convert_element_type3A_40, %cond3A_41 : i32
      scf.if %cond3A_42 {
        "tpu.region"() ({
          %run_scoped3A = tpu.sem_alloc : memref<!tpu.dma_semaphore, #tpu.memory_space<semaphore_mem>>
          %dma_start3A_48 = arith.constant 0 : i32
          %dma_start3A_49 = tpu.memref_slice %arg6[%multiple_of3A_37, %dma_start3A_48] : memref<10000x128xf32, #tpu.memory_space<hbm>> -> memref<632x128xf32, #tpu.memory_space<hbm>>
          %dma_start3A_50 = arith.constant 0 : i32
          %dma_start3A_51 = tpu.memref_slice %arg9[%multiple_of3A_37, %dma_start3A_50] : memref<10016x128xf32, #tpu.memory_space<vmem_shared>> -> memref<632x128xf32, #tpu.memory_space<vmem_shared>>
          tpu.enqueue_dma source(%dma_start3A_51 : memref<632x128xf32, #tpu.memory_space<vmem_shared>>) target(%dma_start3A_49 : memref<632x128xf32, #tpu.memory_space<hbm>>) target_semaphore(%run_scoped3A : memref<!tpu.dma_semaphore, #tpu.memory_space<semaphore_mem>>)
          %dma_wait3A_52 = arith.constant 0 : i32
          %dma_wait3A_53 = tpu.memref_slice %arg6[%multiple_of3A_37, %dma_wait3A_52] : memref<10000x128xf32, #tpu.memory_space<hbm>> -> memref<632x128xf32, #tpu.memory_space<hbm>>
          %dma_wait3A_54 = arith.constant 0 : i32
          %dma_wait3A_55 = tpu.memref_slice %arg9[%multiple_of3A_37, %dma_wait3A_54] : memref<10016x128xf32, #tpu.memory_space<vmem_shared>> -> memref<632x128xf32, #tpu.memory_space<vmem_shared>>
          tpu.wait_dma2 semaphore(%run_scoped3A : memref<!tpu.dma_semaphore, #tpu.memory_space<semaphore_mem>>) src(%dma_wait3A_55 : memref<632x128xf32, #tpu.memory_space<vmem_shared>>) dst(%dma_wait3A_53 : memref<632x128xf32, #tpu.memory_space<hbm>>)
          tpu.yield
        }) : () -> ()
      } else {
      }
      %eq3A_43 = arith.constant 15 : i32
      %eq3A_44 = arith.cmpi eq, %arg1, %eq3A_43 : i32
      %convert_element_type3A_45 = arith.extui %eq3A_44 : i1 to i32
      %cond3A_46 = arith.constant 0 : i32
      %cond3A_47 = arith.cmpi ne, %convert_element_type3A_45, %cond3A_46 : i32
      scf.if %cond3A_47 {
        "tpu.region"() ({
          %run_scoped3A = tpu.sem_alloc : memref<!tpu.dma_semaphore, #tpu.memory_space<semaphore_mem>>
          %dma_start3A_48 = arith.constant 9480 : i32
          %dma_start3A_49 = arith.constant 0 : i32
          %dma_start3A_50 = tpu.memref_slice %arg6[%dma_start3A_48, %dma_start3A_49] : memref<10000x128xf32, #tpu.memory_space<hbm>> -> memref<520x128xf32, #tpu.memory_space<hbm>>
          %dma_start3A_51 = arith.constant 9480 : i32
          %dma_start3A_52 = arith.constant 0 : i32
          %dma_start3A_53 = tpu.memref_slice %arg9[%dma_start3A_51, %dma_start3A_52] : memref<10016x128xf32, #tpu.memory_space<vmem_shared>> -> memref<520x128xf32, #tpu.memory_space<vmem_shared>>
          tpu.enqueue_dma source(%dma_start3A_53 : memref<520x128xf32, #tpu.memory_space<vmem_shared>>) target(%dma_start3A_50 : memref<520x128xf32, #tpu.memory_space<hbm>>) target_semaphore(%run_scoped3A : memref<!tpu.dma_semaphore, #tpu.memory_space<semaphore_mem>>)
          %dma_wait3A_54 = arith.constant 9480 : i32
          %dma_wait3A_55 = arith.constant 0 : i32
          %dma_wait3A_56 = tpu.memref_slice %arg6[%dma_wait3A_54, %dma_wait3A_55] : memref<10000x128xf32, #tpu.memory_space<hbm>> -> memref<520x128xf32, #tpu.memory_space<hbm>>
          %dma_wait3A_57 = arith.constant 9480 : i32
          %dma_wait3A_58 = arith.constant 0 : i32
          %dma_wait3A_59 = tpu.memref_slice %arg9[%dma_wait3A_57, %dma_wait3A_58] : memref<10016x128xf32, #tpu.memory_space<vmem_shared>> -> memref<520x128xf32, #tpu.memory_space<vmem_shared>>
          tpu.wait_dma2 semaphore(%run_scoped3A : memref<!tpu.dma_semaphore, #tpu.memory_space<semaphore_mem>>) src(%dma_wait3A_59 : memref<520x128xf32, #tpu.memory_space<vmem_shared>>) dst(%dma_wait3A_56 : memref<520x128xf32, #tpu.memory_space<hbm>>)
          tpu.yield
        }) : () -> ()
      } else {
      }
    } else {
    }
    return
  }
}

#map = affine_map<(d0, d1) -> (0, 0)>
#map1 = affine_map<(d0, d1) -> (0, 0, 0)>
module attributes {stable_mosaic.version = 14 : i64} {
  func.func @edge_kernel(%arg0: i32, %arg1: i32, %arg2: memref<10000x128xf32, #tpu.memory_space<hbm>>, %arg3: memref<10000x128xf32, #tpu.memory_space<hbm>>, %arg4: memref<16x126x80xi32, #tpu.memory_space<hbm>>, %arg5: memref<16x126x80xi32, #tpu.memory_space<hbm>>, %arg6: memref<10000x128xf32, #tpu.memory_space<hbm>>, %arg7: memref<10000x128xf32, #tpu.memory_space<hbm>>, %arg8: memref<64x80xi32, #tpu.memory_space<vmem>>, %arg9: memref<64x80xi32, #tpu.memory_space<vmem>>, %arg10: memref<80x128xf32, #tpu.memory_space<vmem>>, %arg11: memref<80x128xf32, #tpu.memory_space<vmem>>, %arg12: memref<10016x128xf32, #tpu.memory_space<vmem_shared>>, %arg13: memref<!tpu.dma_semaphore, #tpu.memory_space<semaphore_mem>>, %arg14: memref<!tpu.dma_semaphore, #tpu.memory_space<semaphore_mem>>) attributes {dimension_semantics = [#tpu.dimension_semantics<core_parallel>, #tpu.dimension_semantics<subcore_parallel>], iteration_bounds = array<i64: 2, 16>, scalar_prefetch = 0 : i64, scratch_operands = 7 : i64, tpu.core_type = #tpu.core_type<sc_vector_subcore>, window_params = [{transform_indices = #map}, {transform_indices = #map}, {transform_indices = #map1}, {transform_indices = #map1}, {transform_indices = #map}, {transform_indices = #map}]} {
    %eq3A = arith.constant 0 : i32
    %eq3A_0 = arith.cmpi eq, %arg0, %eq3A : i32
    %convert_element_type3A = arith.extui %eq3A_0 : i1 to i32
    %cond3A = arith.constant 0 : i32
    %cond3A_1 = arith.cmpi ne, %convert_element_type3A, %cond3A : i32
    scf.if %cond3A_1 {
      %mul3A = arith.constant 632 : i32
      %mul3A_7 = arith.muli %arg1, %mul3A : i32
      %multiple_of3A = tpu.assume_multiple %mul3A_7, 8 : i32
      %lt3A = arith.constant 15 : i32
      %lt3A_8 = arith.cmpi slt, %arg1, %lt3A : i32
      %convert_element_type3A_9 = arith.extui %lt3A_8 : i1 to i32
      %cond3A_10 = arith.constant 0 : i32
      %cond3A_11 = arith.cmpi ne, %convert_element_type3A_9, %cond3A_10 : i32
      scf.if %cond3A_11 {
        "tpu.region"() ({
          %run_scoped3A = tpu.sem_alloc : memref<!tpu.dma_semaphore, #tpu.memory_space<semaphore_mem>>
          %dma_start3A_55 = arith.constant 0 : i32
          %dma_start3A_56 = tpu.memref_slice %arg12[%multiple_of3A, %dma_start3A_55] : memref<10016x128xf32, #tpu.memory_space<vmem_shared>> -> memref<632x128xf32, #tpu.memory_space<vmem_shared>>
          %dma_start3A_57 = arith.constant 0 : i32
          %dma_start3A_58 = tpu.memref_slice %arg2[%multiple_of3A, %dma_start3A_57] : memref<10000x128xf32, #tpu.memory_space<hbm>> -> memref<632x128xf32, #tpu.memory_space<hbm>>
          tpu.enqueue_dma source(%dma_start3A_58 : memref<632x128xf32, #tpu.memory_space<hbm>>) target(%dma_start3A_56 : memref<632x128xf32, #tpu.memory_space<vmem_shared>>) target_semaphore(%run_scoped3A : memref<!tpu.dma_semaphore, #tpu.memory_space<semaphore_mem>>)
          %dma_wait3A = arith.constant 0 : i32
          %dma_wait3A_59 = tpu.memref_slice %arg12[%multiple_of3A, %dma_wait3A] : memref<10016x128xf32, #tpu.memory_space<vmem_shared>> -> memref<632x128xf32, #tpu.memory_space<vmem_shared>>
          %dma_wait3A_60 = arith.constant 0 : i32
          %dma_wait3A_61 = tpu.memref_slice %arg2[%multiple_of3A, %dma_wait3A_60] : memref<10000x128xf32, #tpu.memory_space<hbm>> -> memref<632x128xf32, #tpu.memory_space<hbm>>
          tpu.wait_dma2 semaphore(%run_scoped3A : memref<!tpu.dma_semaphore, #tpu.memory_space<semaphore_mem>>) src(%dma_wait3A_61 : memref<632x128xf32, #tpu.memory_space<hbm>>) dst(%dma_wait3A_59 : memref<632x128xf32, #tpu.memory_space<vmem_shared>>)
          tpu.yield
        }) : () -> ()
      } else {
      }
      %eq3A_12 = arith.constant 15 : i32
      %eq3A_13 = arith.cmpi eq, %arg1, %eq3A_12 : i32
      %convert_element_type3A_14 = arith.extui %eq3A_13 : i1 to i32
      %cond3A_15 = arith.constant 0 : i32
      %cond3A_16 = arith.cmpi ne, %convert_element_type3A_14, %cond3A_15 : i32
      scf.if %cond3A_16 {
        "tpu.region"() ({
          %run_scoped3A = tpu.sem_alloc : memref<!tpu.dma_semaphore, #tpu.memory_space<semaphore_mem>>
          %dma_start3A_55 = arith.constant 9480 : i32
          %dma_start3A_56 = arith.constant 0 : i32
          %dma_start3A_57 = tpu.memref_slice %arg12[%dma_start3A_55, %dma_start3A_56] : memref<10016x128xf32, #tpu.memory_space<vmem_shared>> -> memref<520x128xf32, #tpu.memory_space<vmem_shared>>
          %dma_start3A_58 = arith.constant 9480 : i32
          %dma_start3A_59 = arith.constant 0 : i32
          %dma_start3A_60 = tpu.memref_slice %arg2[%dma_start3A_58, %dma_start3A_59] : memref<10000x128xf32, #tpu.memory_space<hbm>> -> memref<520x128xf32, #tpu.memory_space<hbm>>
          tpu.enqueue_dma source(%dma_start3A_60 : memref<520x128xf32, #tpu.memory_space<hbm>>) target(%dma_start3A_57 : memref<520x128xf32, #tpu.memory_space<vmem_shared>>) target_semaphore(%run_scoped3A : memref<!tpu.dma_semaphore, #tpu.memory_space<semaphore_mem>>)
          %dma_wait3A = arith.constant 9480 : i32
          %dma_wait3A_61 = arith.constant 0 : i32
          %dma_wait3A_62 = tpu.memref_slice %arg12[%dma_wait3A, %dma_wait3A_61] : memref<10016x128xf32, #tpu.memory_space<vmem_shared>> -> memref<520x128xf32, #tpu.memory_space<vmem_shared>>
          %dma_wait3A_63 = arith.constant 9480 : i32
          %dma_wait3A_64 = arith.constant 0 : i32
          %dma_wait3A_65 = tpu.memref_slice %arg2[%dma_wait3A_63, %dma_wait3A_64] : memref<10000x128xf32, #tpu.memory_space<hbm>> -> memref<520x128xf32, #tpu.memory_space<hbm>>
          tpu.wait_dma2 semaphore(%run_scoped3A : memref<!tpu.dma_semaphore, #tpu.memory_space<semaphore_mem>>) src(%dma_wait3A_65 : memref<520x128xf32, #tpu.memory_space<hbm>>) dst(%dma_wait3A_62 : memref<520x128xf32, #tpu.memory_space<vmem_shared>>)
          tpu.yield
        }) : () -> ()
      } else {
      }
      %barrier3A = arith.constant 0 : index
      tpu.barrier barrier_id(%barrier3A)
      "tpu.region"() ({
        %run_scoped3A = tpu.sem_alloc : memref<!tpu.dma_semaphore, #tpu.memory_space<semaphore_mem>>
        %dma_start3A_55 = arith.constant 0 : i32
        %dma_start3A_56 = arith.constant 0 : i32
        %dma_start3A_57 = tpu.memref_slice %arg8[%dma_start3A_55, %dma_start3A_56] : memref<64x80xi32, #tpu.memory_space<vmem>> -> memref<64x80xi32, #tpu.memory_space<vmem>>
        %dma_start3A_58 = arith.constant 0 : i32
        %dma_start3A_59 = arith.constant 0 : i32
        %dma_start3A_60 = tpu.memref_slice %arg4[%arg1, %dma_start3A_58, %dma_start3A_59] : memref<16x126x80xi32, #tpu.memory_space<hbm>> -> memref<1x126x80xi32, #tpu.memory_space<hbm>>
        %dma_start3A_61 = tpu.memref_squeeze %dma_start3A_60 : memref<1x126x80xi32, #tpu.memory_space<hbm>> -> memref<126x80xi32, #tpu.memory_space<hbm>>
        %dma_start3A_62 = arith.constant 0 : i32
        %dma_start3A_63 = arith.constant 0 : i32
        %dma_start3A_64 = tpu.memref_slice %dma_start3A_61[%dma_start3A_62, %dma_start3A_63] : memref<126x80xi32, #tpu.memory_space<hbm>> -> memref<64x80xi32, #tpu.memory_space<hbm>>
        %dma_start3A_65 = arith.constant 0 : i32
        %dma_start3A_66 = arith.constant 0 : i32
        %dma_start3A_67 = tpu.memref_slice %arg8[%dma_start3A_65, %dma_start3A_66] : memref<64x80xi32, #tpu.memory_space<vmem>> -> memref<64x80xi32, #tpu.memory_space<vmem>>
        %dma_start3A_68 = arith.constant 0 : i32
        %dma_start3A_69 = arith.constant 0 : i32
        %dma_start3A_70 = tpu.memref_slice %arg4[%arg1, %dma_start3A_68, %dma_start3A_69] : memref<16x126x80xi32, #tpu.memory_space<hbm>> -> memref<1x126x80xi32, #tpu.memory_space<hbm>>
        %dma_start3A_71 = tpu.memref_squeeze %dma_start3A_70 : memref<1x126x80xi32, #tpu.memory_space<hbm>> -> memref<126x80xi32, #tpu.memory_space<hbm>>
        %dma_start3A_72 = arith.constant 0 : i32
        %dma_start3A_73 = arith.constant 0 : i32
        %dma_start3A_74 = tpu.memref_slice %dma_start3A_71[%dma_start3A_72, %dma_start3A_73] : memref<126x80xi32, #tpu.memory_space<hbm>> -> memref<64x80xi32, #tpu.memory_space<hbm>>
        tpu.enqueue_dma source(%dma_start3A_74 : memref<64x80xi32, #tpu.memory_space<hbm>>) target(%dma_start3A_67 : memref<64x80xi32, #tpu.memory_space<vmem>>) target_semaphore(%run_scoped3A : memref<!tpu.dma_semaphore, #tpu.memory_space<semaphore_mem>>)
        %dma_wait3A = arith.constant 0 : i32
        %dma_wait3A_75 = arith.constant 0 : i32
        %dma_wait3A_76 = tpu.memref_slice %arg8[%dma_wait3A, %dma_wait3A_75] : memref<64x80xi32, #tpu.memory_space<vmem>> -> memref<64x80xi32, #tpu.memory_space<vmem>>
        %dma_wait3A_77 = arith.constant 0 : i32
        %dma_wait3A_78 = arith.constant 0 : i32
        %dma_wait3A_79 = tpu.memref_slice %arg4[%arg1, %dma_wait3A_77, %dma_wait3A_78] : memref<16x126x80xi32, #tpu.memory_space<hbm>> -> memref<1x126x80xi32, #tpu.memory_space<hbm>>
        %dma_wait3A_80 = tpu.memref_squeeze %dma_wait3A_79 : memref<1x126x80xi32, #tpu.memory_space<hbm>> -> memref<126x80xi32, #tpu.memory_space<hbm>>
        %dma_wait3A_81 = arith.constant 0 : i32
        %dma_wait3A_82 = arith.constant 0 : i32
        %dma_wait3A_83 = tpu.memref_slice %dma_wait3A_80[%dma_wait3A_81, %dma_wait3A_82] : memref<126x80xi32, #tpu.memory_space<hbm>> -> memref<64x80xi32, #tpu.memory_space<hbm>>
        %dma_wait3A_84 = arith.constant 0 : i32
        %dma_wait3A_85 = arith.constant 0 : i32
        %dma_wait3A_86 = tpu.memref_slice %arg8[%dma_wait3A_84, %dma_wait3A_85] : memref<64x80xi32, #tpu.memory_space<vmem>> -> memref<64x80xi32, #tpu.memory_space<vmem>>
        %dma_wait3A_87 = arith.constant 0 : i32
        %dma_wait3A_88 = arith.constant 0 : i32
        %dma_wait3A_89 = tpu.memref_slice %arg4[%arg1, %dma_wait3A_87, %dma_wait3A_88] : memref<16x126x80xi32, #tpu.memory_space<hbm>> -> memref<1x126x80xi32, #tpu.memory_space<hbm>>
        %dma_wait3A_90 = tpu.memref_squeeze %dma_wait3A_89 : memref<1x126x80xi32, #tpu.memory_space<hbm>> -> memref<126x80xi32, #tpu.memory_space<hbm>>
        %dma_wait3A_91 = arith.constant 0 : i32
        %dma_wait3A_92 = arith.constant 0 : i32
        %dma_wait3A_93 = tpu.memref_slice %dma_wait3A_90[%dma_wait3A_91, %dma_wait3A_92] : memref<126x80xi32, #tpu.memory_space<hbm>> -> memref<64x80xi32, #tpu.memory_space<hbm>>
        tpu.wait_dma2 semaphore(%run_scoped3A : memref<!tpu.dma_semaphore, #tpu.memory_space<semaphore_mem>>) src(%dma_wait3A_93 : memref<64x80xi32, #tpu.memory_space<hbm>>) dst(%dma_wait3A_86 : memref<64x80xi32, #tpu.memory_space<vmem>>)
        tpu.yield
      }) : () -> ()
      "tpu.region"() ({
        %run_scoped3A = tpu.sem_alloc : memref<!tpu.dma_semaphore, #tpu.memory_space<semaphore_mem>>
        %dma_start3A_55 = arith.constant 0 : i32
        %dma_start3A_56 = arith.constant 0 : i32
        %dma_start3A_57 = tpu.memref_slice %arg9[%dma_start3A_55, %dma_start3A_56] : memref<64x80xi32, #tpu.memory_space<vmem>> -> memref<64x80xi32, #tpu.memory_space<vmem>>
        %dma_start3A_58 = arith.constant 0 : i32
        %dma_start3A_59 = arith.constant 0 : i32
        %dma_start3A_60 = tpu.memref_slice %arg5[%arg1, %dma_start3A_58, %dma_start3A_59] : memref<16x126x80xi32, #tpu.memory_space<hbm>> -> memref<1x126x80xi32, #tpu.memory_space<hbm>>
        %dma_start3A_61 = tpu.memref_squeeze %dma_start3A_60 : memref<1x126x80xi32, #tpu.memory_space<hbm>> -> memref<126x80xi32, #tpu.memory_space<hbm>>
        %dma_start3A_62 = arith.constant 0 : i32
        %dma_start3A_63 = arith.constant 0 : i32
        %dma_start3A_64 = tpu.memref_slice %dma_start3A_61[%dma_start3A_62, %dma_start3A_63] : memref<126x80xi32, #tpu.memory_space<hbm>> -> memref<64x80xi32, #tpu.memory_space<hbm>>
        %dma_start3A_65 = arith.constant 0 : i32
        %dma_start3A_66 = arith.constant 0 : i32
        %dma_start3A_67 = tpu.memref_slice %arg9[%dma_start3A_65, %dma_start3A_66] : memref<64x80xi32, #tpu.memory_space<vmem>> -> memref<64x80xi32, #tpu.memory_space<vmem>>
        %dma_start3A_68 = arith.constant 0 : i32
        %dma_start3A_69 = arith.constant 0 : i32
        %dma_start3A_70 = tpu.memref_slice %arg5[%arg1, %dma_start3A_68, %dma_start3A_69] : memref<16x126x80xi32, #tpu.memory_space<hbm>> -> memref<1x126x80xi32, #tpu.memory_space<hbm>>
        %dma_start3A_71 = tpu.memref_squeeze %dma_start3A_70 : memref<1x126x80xi32, #tpu.memory_space<hbm>> -> memref<126x80xi32, #tpu.memory_space<hbm>>
        %dma_start3A_72 = arith.constant 0 : i32
        %dma_start3A_73 = arith.constant 0 : i32
        %dma_start3A_74 = tpu.memref_slice %dma_start3A_71[%dma_start3A_72, %dma_start3A_73] : memref<126x80xi32, #tpu.memory_space<hbm>> -> memref<64x80xi32, #tpu.memory_space<hbm>>
        tpu.enqueue_dma source(%dma_start3A_74 : memref<64x80xi32, #tpu.memory_space<hbm>>) target(%dma_start3A_67 : memref<64x80xi32, #tpu.memory_space<vmem>>) target_semaphore(%run_scoped3A : memref<!tpu.dma_semaphore, #tpu.memory_space<semaphore_mem>>)
        %dma_wait3A = arith.constant 0 : i32
        %dma_wait3A_75 = arith.constant 0 : i32
        %dma_wait3A_76 = tpu.memref_slice %arg9[%dma_wait3A, %dma_wait3A_75] : memref<64x80xi32, #tpu.memory_space<vmem>> -> memref<64x80xi32, #tpu.memory_space<vmem>>
        %dma_wait3A_77 = arith.constant 0 : i32
        %dma_wait3A_78 = arith.constant 0 : i32
        %dma_wait3A_79 = tpu.memref_slice %arg5[%arg1, %dma_wait3A_77, %dma_wait3A_78] : memref<16x126x80xi32, #tpu.memory_space<hbm>> -> memref<1x126x80xi32, #tpu.memory_space<hbm>>
        %dma_wait3A_80 = tpu.memref_squeeze %dma_wait3A_79 : memref<1x126x80xi32, #tpu.memory_space<hbm>> -> memref<126x80xi32, #tpu.memory_space<hbm>>
        %dma_wait3A_81 = arith.constant 0 : i32
        %dma_wait3A_82 = arith.constant 0 : i32
        %dma_wait3A_83 = tpu.memref_slice %dma_wait3A_80[%dma_wait3A_81, %dma_wait3A_82] : memref<126x80xi32, #tpu.memory_space<hbm>> -> memref<64x80xi32, #tpu.memory_space<hbm>>
        %dma_wait3A_84 = arith.constant 0 : i32
        %dma_wait3A_85 = arith.constant 0 : i32
        %dma_wait3A_86 = tpu.memref_slice %arg9[%dma_wait3A_84, %dma_wait3A_85] : memref<64x80xi32, #tpu.memory_space<vmem>> -> memref<64x80xi32, #tpu.memory_space<vmem>>
        %dma_wait3A_87 = arith.constant 0 : i32
        %dma_wait3A_88 = arith.constant 0 : i32
        %dma_wait3A_89 = tpu.memref_slice %arg5[%arg1, %dma_wait3A_87, %dma_wait3A_88] : memref<16x126x80xi32, #tpu.memory_space<hbm>> -> memref<1x126x80xi32, #tpu.memory_space<hbm>>
        %dma_wait3A_90 = tpu.memref_squeeze %dma_wait3A_89 : memref<1x126x80xi32, #tpu.memory_space<hbm>> -> memref<126x80xi32, #tpu.memory_space<hbm>>
        %dma_wait3A_91 = arith.constant 0 : i32
        %dma_wait3A_92 = arith.constant 0 : i32
        %dma_wait3A_93 = tpu.memref_slice %dma_wait3A_90[%dma_wait3A_91, %dma_wait3A_92] : memref<126x80xi32, #tpu.memory_space<hbm>> -> memref<64x80xi32, #tpu.memory_space<hbm>>
        tpu.wait_dma2 semaphore(%run_scoped3A : memref<!tpu.dma_semaphore, #tpu.memory_space<semaphore_mem>>) src(%dma_wait3A_93 : memref<64x80xi32, #tpu.memory_space<hbm>>) dst(%dma_wait3A_86 : memref<64x80xi32, #tpu.memory_space<vmem>>)
        tpu.yield
      }) : () -> ()
      %dma_start3A = arith.constant 0 : i32
      %dma_start3A_17 = arith.constant 0 : i32
      %dma_start3A_18 = tpu.memref_slice %arg8[%dma_start3A, %dma_start3A_17] : memref<64x80xi32, #tpu.memory_space<vmem>> -> memref<1x80xi32, #tpu.memory_space<vmem>>
      %dma_start3A_19 = tpu.memref_squeeze %dma_start3A_18 : memref<1x80xi32, #tpu.memory_space<vmem>> -> memref<80xi32, #tpu.memory_space<vmem>>
      %dma_start3A_20 = arith.constant 0 : i32
      %dma_start3A_21 = arith.constant 0 : i32
      %dma_start3A_22 = tpu.memref_slice %arg2[%dma_start3A_20, %dma_start3A_21] : memref<10000x128xf32, #tpu.memory_space<hbm>> -> memref<10000x128xf32, #tpu.memory_space<hbm>>
      tpu.enqueue_indirect_dma source(%dma_start3A_22 : memref<10000x128xf32, #tpu.memory_space<hbm>>) target(%arg10 : memref<80x128xf32, #tpu.memory_space<vmem>>) offsets(%dma_start3A_19 : memref<80xi32, #tpu.memory_space<vmem>>) semaphore(%arg13 : memref<!tpu.dma_semaphore, #tpu.memory_space<semaphore_mem>>)
      %scan3A = arith.constant 0 : i32
      %scan3A_23 = arith.constant 0 : i32
      %scan3A_24 = arith.constant 32 : i32
      %scan3A_25 = arith.addi %scan3A_23, %scan3A_24 : i32
      %scan3A_26 = arith.constant 1 : i32
      scf.for %scan3A_55 = %scan3A_23 to %scan3A_25 step %scan3A_26  : i32 {
        %mul3A_56 = arith.constant 2 : i32
        %mul3A_57 = arith.muli %mul3A_56, %scan3A_55 : i32
        %dma_wait3A = arith.constant 0 : i32
        %dma_wait3A_58 = arith.constant 0 : i32
        %dma_wait3A_59 = tpu.memref_slice %arg8[%dma_wait3A, %dma_wait3A_58] : memref<64x80xi32, #tpu.memory_space<vmem>> -> memref<1x80xi32, #tpu.memory_space<vmem>>
        %dma_wait3A_60 = tpu.memref_squeeze %dma_wait3A_59 : memref<1x80xi32, #tpu.memory_space<vmem>> -> memref<80xi32, #tpu.memory_space<vmem>>
        %dma_wait3A_61 = arith.constant 0 : i32
        %dma_wait3A_62 = arith.constant 0 : i32
        %dma_wait3A_63 = tpu.memref_slice %arg2[%dma_wait3A_61, %dma_wait3A_62] : memref<10000x128xf32, #tpu.memory_space<hbm>> -> memref<10000x128xf32, #tpu.memory_space<hbm>>
        tpu.wait_indirect_dma semaphore(%arg13 : memref<!tpu.dma_semaphore, #tpu.memory_space<semaphore_mem>>) src(%dma_wait3A_63 : memref<10000x128xf32, #tpu.memory_space<hbm>>) dst(%arg10 : memref<80x128xf32, #tpu.memory_space<vmem>>)
        %add3A = arith.constant 1 : i32
        %add3A_64 = arith.addi %mul3A_57, %add3A : i32
        %dma_start3A_65 = arith.constant 0 : i32
        %dma_start3A_66 = tpu.memref_slice %arg8[%add3A_64, %dma_start3A_65] : memref<64x80xi32, #tpu.memory_space<vmem>> -> memref<1x80xi32, #tpu.memory_space<vmem>>
        %dma_start3A_67 = tpu.memref_squeeze %dma_start3A_66 : memref<1x80xi32, #tpu.memory_space<vmem>> -> memref<80xi32, #tpu.memory_space<vmem>>
        %dma_start3A_68 = arith.constant 0 : i32
        %dma_start3A_69 = arith.constant 0 : i32
        %dma_start3A_70 = tpu.memref_slice %arg2[%dma_start3A_68, %dma_start3A_69] : memref<10000x128xf32, #tpu.memory_space<hbm>> -> memref<10000x128xf32, #tpu.memory_space<hbm>>
        tpu.enqueue_indirect_dma source(%dma_start3A_70 : memref<10000x128xf32, #tpu.memory_space<hbm>>) target(%arg11 : memref<80x128xf32, #tpu.memory_space<vmem>>) offsets(%dma_start3A_67 : memref<80xi32, #tpu.memory_space<vmem>>) semaphore(%arg14 : memref<!tpu.dma_semaphore, #tpu.memory_space<semaphore_mem>>)
        "tpu.region"() ({
          %run_scoped3A = tpu.sem_alloc : memref<!tpu.dma_semaphore, #tpu.memory_space<semaphore_mem>>
          %dma_start3A_87 = arith.constant 0 : i32
          %dma_start3A_88 = tpu.memref_slice %arg9[%mul3A_57, %dma_start3A_87] : memref<64x80xi32, #tpu.memory_space<vmem>> -> memref<1x80xi32, #tpu.memory_space<vmem>>
          %dma_start3A_89 = tpu.memref_squeeze %dma_start3A_88 : memref<1x80xi32, #tpu.memory_space<vmem>> -> memref<80xi32, #tpu.memory_space<vmem>>
          %dma_start3A_90 = arith.constant 0 : i32
          %dma_start3A_91 = arith.constant 0 : i32
          %dma_start3A_92 = tpu.memref_slice %arg12[%dma_start3A_90, %dma_start3A_91] : memref<10016x128xf32, #tpu.memory_space<vmem_shared>> -> memref<10016x128xf32, #tpu.memory_space<vmem_shared>>
          tpu.enqueue_indirect_dma source(%arg10 : memref<80x128xf32, #tpu.memory_space<vmem>>) target(%dma_start3A_92 : memref<10016x128xf32, #tpu.memory_space<vmem_shared>>) offsets(%dma_start3A_89 : memref<80xi32, #tpu.memory_space<vmem>>) semaphore(%run_scoped3A : memref<!tpu.dma_semaphore, #tpu.memory_space<semaphore_mem>>) {add = true}
          %dma_wait3A_93 = arith.constant 0 : i32
          %dma_wait3A_94 = tpu.memref_slice %arg9[%mul3A_57, %dma_wait3A_93] : memref<64x80xi32, #tpu.memory_space<vmem>> -> memref<1x80xi32, #tpu.memory_space<vmem>>
          %dma_wait3A_95 = tpu.memref_squeeze %dma_wait3A_94 : memref<1x80xi32, #tpu.memory_space<vmem>> -> memref<80xi32, #tpu.memory_space<vmem>>
          %dma_wait3A_96 = arith.constant 0 : i32
          %dma_wait3A_97 = arith.constant 0 : i32
          %dma_wait3A_98 = tpu.memref_slice %arg12[%dma_wait3A_96, %dma_wait3A_97] : memref<10016x128xf32, #tpu.memory_space<vmem_shared>> -> memref<10016x128xf32, #tpu.memory_space<vmem_shared>>
          tpu.wait_indirect_dma semaphore(%run_scoped3A : memref<!tpu.dma_semaphore, #tpu.memory_space<semaphore_mem>>) src(%arg10 : memref<80x128xf32, #tpu.memory_space<vmem>>) dst(%dma_wait3A_98 : memref<10016x128xf32, #tpu.memory_space<vmem_shared>>)
          tpu.yield
        }) : () -> ()
        %dma_wait3A_71 = arith.constant 0 : i32
        %dma_wait3A_72 = arith.constant 0 : i32
        %dma_wait3A_73 = tpu.memref_slice %arg8[%dma_wait3A_71, %dma_wait3A_72] : memref<64x80xi32, #tpu.memory_space<vmem>> -> memref<1x80xi32, #tpu.memory_space<vmem>>
        %dma_wait3A_74 = tpu.memref_squeeze %dma_wait3A_73 : memref<1x80xi32, #tpu.memory_space<vmem>> -> memref<80xi32, #tpu.memory_space<vmem>>
        %dma_wait3A_75 = arith.constant 0 : i32
        %dma_wait3A_76 = arith.constant 0 : i32
        %dma_wait3A_77 = tpu.memref_slice %arg2[%dma_wait3A_75, %dma_wait3A_76] : memref<10000x128xf32, #tpu.memory_space<hbm>> -> memref<10000x128xf32, #tpu.memory_space<hbm>>
        tpu.wait_indirect_dma semaphore(%arg14 : memref<!tpu.dma_semaphore, #tpu.memory_space<semaphore_mem>>) src(%dma_wait3A_77 : memref<10000x128xf32, #tpu.memory_space<hbm>>) dst(%arg11 : memref<80x128xf32, #tpu.memory_space<vmem>>)
        %add3A_78 = arith.constant 2 : i32
        %add3A_79 = arith.addi %mul3A_57, %add3A_78 : i32
        %lt3A_80 = arith.constant 64 : i32
        %lt3A_81 = arith.cmpi slt, %add3A_79, %lt3A_80 : i32
        %convert_element_type3A_82 = arith.extui %lt3A_81 : i1 to i32
        %cond3A_83 = arith.constant 0 : i32
        %cond3A_84 = arith.cmpi ne, %convert_element_type3A_82, %cond3A_83 : i32
        scf.if %cond3A_84 {
          %add3A_87 = arith.constant 2 : i32
          %add3A_88 = arith.addi %mul3A_57, %add3A_87 : i32
          %dma_start3A_89 = arith.constant 0 : i32
          %dma_start3A_90 = tpu.memref_slice %arg8[%add3A_88, %dma_start3A_89] : memref<64x80xi32, #tpu.memory_space<vmem>> -> memref<1x80xi32, #tpu.memory_space<vmem>>
          %dma_start3A_91 = tpu.memref_squeeze %dma_start3A_90 : memref<1x80xi32, #tpu.memory_space<vmem>> -> memref<80xi32, #tpu.memory_space<vmem>>
          %dma_start3A_92 = arith.constant 0 : i32
          %dma_start3A_93 = arith.constant 0 : i32
          %dma_start3A_94 = tpu.memref_slice %arg2[%dma_start3A_92, %dma_start3A_93] : memref<10000x128xf32, #tpu.memory_space<hbm>> -> memref<10000x128xf32, #tpu.memory_space<hbm>>
          tpu.enqueue_indirect_dma source(%dma_start3A_94 : memref<10000x128xf32, #tpu.memory_space<hbm>>) target(%arg10 : memref<80x128xf32, #tpu.memory_space<vmem>>) offsets(%dma_start3A_91 : memref<80xi32, #tpu.memory_space<vmem>>) semaphore(%arg13 : memref<!tpu.dma_semaphore, #tpu.memory_space<semaphore_mem>>)
        } else {
        }
        %add3A_85 = arith.constant 1 : i32
        %add3A_86 = arith.addi %mul3A_57, %add3A_85 : i32
        "tpu.region"() ({
          %run_scoped3A = tpu.sem_alloc : memref<!tpu.dma_semaphore, #tpu.memory_space<semaphore_mem>>
          %dma_start3A_87 = arith.constant 0 : i32
          %dma_start3A_88 = tpu.memref_slice %arg9[%add3A_86, %dma_start3A_87] : memref<64x80xi32, #tpu.memory_space<vmem>> -> memref<1x80xi32, #tpu.memory_space<vmem>>
          %dma_start3A_89 = tpu.memref_squeeze %dma_start3A_88 : memref<1x80xi32, #tpu.memory_space<vmem>> -> memref<80xi32, #tpu.memory_space<vmem>>
          %dma_start3A_90 = arith.constant 0 : i32
          %dma_start3A_91 = arith.constant 0 : i32
          %dma_start3A_92 = tpu.memref_slice %arg12[%dma_start3A_90, %dma_start3A_91] : memref<10016x128xf32, #tpu.memory_space<vmem_shared>> -> memref<10016x128xf32, #tpu.memory_space<vmem_shared>>
          tpu.enqueue_indirect_dma source(%arg11 : memref<80x128xf32, #tpu.memory_space<vmem>>) target(%dma_start3A_92 : memref<10016x128xf32, #tpu.memory_space<vmem_shared>>) offsets(%dma_start3A_89 : memref<80xi32, #tpu.memory_space<vmem>>) semaphore(%run_scoped3A : memref<!tpu.dma_semaphore, #tpu.memory_space<semaphore_mem>>) {add = true}
          %dma_wait3A_93 = arith.constant 0 : i32
          %dma_wait3A_94 = tpu.memref_slice %arg9[%add3A_86, %dma_wait3A_93] : memref<64x80xi32, #tpu.memory_space<vmem>> -> memref<1x80xi32, #tpu.memory_space<vmem>>
          %dma_wait3A_95 = tpu.memref_squeeze %dma_wait3A_94 : memref<1x80xi32, #tpu.memory_space<vmem>> -> memref<80xi32, #tpu.memory_space<vmem>>
          %dma_wait3A_96 = arith.constant 0 : i32
          %dma_wait3A_97 = arith.constant 0 : i32
          %dma_wait3A_98 = tpu.memref_slice %arg12[%dma_wait3A_96, %dma_wait3A_97] : memref<10016x128xf32, #tpu.memory_space<vmem_shared>> -> memref<10016x128xf32, #tpu.memory_space<vmem_shared>>
          tpu.wait_indirect_dma semaphore(%run_scoped3A : memref<!tpu.dma_semaphore, #tpu.memory_space<semaphore_mem>>) src(%arg11 : memref<80x128xf32, #tpu.memory_space<vmem>>) dst(%dma_wait3A_98 : memref<10016x128xf32, #tpu.memory_space<vmem_shared>>)
          tpu.yield
        }) : () -> ()
      }
      %scan3A_27 = arith.constant 32 : i32
      "tpu.region"() ({
        %run_scoped3A = tpu.sem_alloc : memref<!tpu.dma_semaphore, #tpu.memory_space<semaphore_mem>>
        %dma_start3A_55 = arith.constant 0 : i32
        %dma_start3A_56 = arith.constant 0 : i32
        %dma_start3A_57 = tpu.memref_slice %arg8[%dma_start3A_55, %dma_start3A_56] : memref<64x80xi32, #tpu.memory_space<vmem>> -> memref<62x80xi32, #tpu.memory_space<vmem>>
        %dma_start3A_58 = arith.constant 0 : i32
        %dma_start3A_59 = arith.constant 0 : i32
        %dma_start3A_60 = tpu.memref_slice %arg4[%arg1, %dma_start3A_58, %dma_start3A_59] : memref<16x126x80xi32, #tpu.memory_space<hbm>> -> memref<1x126x80xi32, #tpu.memory_space<hbm>>
        %dma_start3A_61 = tpu.memref_squeeze %dma_start3A_60 : memref<1x126x80xi32, #tpu.memory_space<hbm>> -> memref<126x80xi32, #tpu.memory_space<hbm>>
        %dma_start3A_62 = arith.constant 64 : i32
        %dma_start3A_63 = arith.constant 0 : i32
        %dma_start3A_64 = tpu.memref_slice %dma_start3A_61[%dma_start3A_62, %dma_start3A_63] : memref<126x80xi32, #tpu.memory_space<hbm>> -> memref<62x80xi32, #tpu.memory_space<hbm>>
        %dma_start3A_65 = arith.constant 0 : i32
        %dma_start3A_66 = arith.constant 0 : i32
        %dma_start3A_67 = tpu.memref_slice %arg8[%dma_start3A_65, %dma_start3A_66] : memref<64x80xi32, #tpu.memory_space<vmem>> -> memref<62x80xi32, #tpu.memory_space<vmem>>
        %dma_start3A_68 = arith.constant 0 : i32
        %dma_start3A_69 = arith.constant 0 : i32
        %dma_start3A_70 = tpu.memref_slice %arg4[%arg1, %dma_start3A_68, %dma_start3A_69] : memref<16x126x80xi32, #tpu.memory_space<hbm>> -> memref<1x126x80xi32, #tpu.memory_space<hbm>>
        %dma_start3A_71 = tpu.memref_squeeze %dma_start3A_70 : memref<1x126x80xi32, #tpu.memory_space<hbm>> -> memref<126x80xi32, #tpu.memory_space<hbm>>
        %dma_start3A_72 = arith.constant 64 : i32
        %dma_start3A_73 = arith.constant 0 : i32
        %dma_start3A_74 = tpu.memref_slice %dma_start3A_71[%dma_start3A_72, %dma_start3A_73] : memref<126x80xi32, #tpu.memory_space<hbm>> -> memref<62x80xi32, #tpu.memory_space<hbm>>
        tpu.enqueue_dma source(%dma_start3A_74 : memref<62x80xi32, #tpu.memory_space<hbm>>) target(%dma_start3A_67 : memref<62x80xi32, #tpu.memory_space<vmem>>) target_semaphore(%run_scoped3A : memref<!tpu.dma_semaphore, #tpu.memory_space<semaphore_mem>>)
        %dma_wait3A = arith.constant 0 : i32
        %dma_wait3A_75 = arith.constant 0 : i32
        %dma_wait3A_76 = tpu.memref_slice %arg8[%dma_wait3A, %dma_wait3A_75] : memref<64x80xi32, #tpu.memory_space<vmem>> -> memref<62x80xi32, #tpu.memory_space<vmem>>
        %dma_wait3A_77 = arith.constant 0 : i32
        %dma_wait3A_78 = arith.constant 0 : i32
        %dma_wait3A_79 = tpu.memref_slice %arg4[%arg1, %dma_wait3A_77, %dma_wait3A_78] : memref<16x126x80xi32, #tpu.memory_space<hbm>> -> memref<1x126x80xi32, #tpu.memory_space<hbm>>
        %dma_wait3A_80 = tpu.memref_squeeze %dma_wait3A_79 : memref<1x126x80xi32, #tpu.memory_space<hbm>> -> memref<126x80xi32, #tpu.memory_space<hbm>>
        %dma_wait3A_81 = arith.constant 64 : i32
        %dma_wait3A_82 = arith.constant 0 : i32
        %dma_wait3A_83 = tpu.memref_slice %dma_wait3A_80[%dma_wait3A_81, %dma_wait3A_82] : memref<126x80xi32, #tpu.memory_space<hbm>> -> memref<62x80xi32, #tpu.memory_space<hbm>>
        %dma_wait3A_84 = arith.constant 0 : i32
        %dma_wait3A_85 = arith.constant 0 : i32
        %dma_wait3A_86 = tpu.memref_slice %arg8[%dma_wait3A_84, %dma_wait3A_85] : memref<64x80xi32, #tpu.memory_space<vmem>> -> memref<62x80xi32, #tpu.memory_space<vmem>>
        %dma_wait3A_87 = arith.constant 0 : i32
        %dma_wait3A_88 = arith.constant 0 : i32
        %dma_wait3A_89 = tpu.memref_slice %arg4[%arg1, %dma_wait3A_87, %dma_wait3A_88] : memref<16x126x80xi32, #tpu.memory_space<hbm>> -> memref<1x126x80xi32, #tpu.memory_space<hbm>>
        %dma_wait3A_90 = tpu.memref_squeeze %dma_wait3A_89 : memref<1x126x80xi32, #tpu.memory_space<hbm>> -> memref<126x80xi32, #tpu.memory_space<hbm>>
        %dma_wait3A_91 = arith.constant 64 : i32
        %dma_wait3A_92 = arith.constant 0 : i32
        %dma_wait3A_93 = tpu.memref_slice %dma_wait3A_90[%dma_wait3A_91, %dma_wait3A_92] : memref<126x80xi32, #tpu.memory_space<hbm>> -> memref<62x80xi32, #tpu.memory_space<hbm>>
        tpu.wait_dma2 semaphore(%run_scoped3A : memref<!tpu.dma_semaphore, #tpu.memory_space<semaphore_mem>>) src(%dma_wait3A_93 : memref<62x80xi32, #tpu.memory_space<hbm>>) dst(%dma_wait3A_86 : memref<62x80xi32, #tpu.memory_space<vmem>>)
        tpu.yield
      }) : () -> ()
      "tpu.region"() ({
        %run_scoped3A = tpu.sem_alloc : memref<!tpu.dma_semaphore, #tpu.memory_space<semaphore_mem>>
        %dma_start3A_55 = arith.constant 0 : i32
        %dma_start3A_56 = arith.constant 0 : i32
        %dma_start3A_57 = tpu.memref_slice %arg9[%dma_start3A_55, %dma_start3A_56] : memref<64x80xi32, #tpu.memory_space<vmem>> -> memref<62x80xi32, #tpu.memory_space<vmem>>
        %dma_start3A_58 = arith.constant 0 : i32
        %dma_start3A_59 = arith.constant 0 : i32
        %dma_start3A_60 = tpu.memref_slice %arg5[%arg1, %dma_start3A_58, %dma_start3A_59] : memref<16x126x80xi32, #tpu.memory_space<hbm>> -> memref<1x126x80xi32, #tpu.memory_space<hbm>>
        %dma_start3A_61 = tpu.memref_squeeze %dma_start3A_60 : memref<1x126x80xi32, #tpu.memory_space<hbm>> -> memref<126x80xi32, #tpu.memory_space<hbm>>
        %dma_start3A_62 = arith.constant 64 : i32
        %dma_start3A_63 = arith.constant 0 : i32
        %dma_start3A_64 = tpu.memref_slice %dma_start3A_61[%dma_start3A_62, %dma_start3A_63] : memref<126x80xi32, #tpu.memory_space<hbm>> -> memref<62x80xi32, #tpu.memory_space<hbm>>
        %dma_start3A_65 = arith.constant 0 : i32
        %dma_start3A_66 = arith.constant 0 : i32
        %dma_start3A_67 = tpu.memref_slice %arg9[%dma_start3A_65, %dma_start3A_66] : memref<64x80xi32, #tpu.memory_space<vmem>> -> memref<62x80xi32, #tpu.memory_space<vmem>>
        %dma_start3A_68 = arith.constant 0 : i32
        %dma_start3A_69 = arith.constant 0 : i32
        %dma_start3A_70 = tpu.memref_slice %arg5[%arg1, %dma_start3A_68, %dma_start3A_69] : memref<16x126x80xi32, #tpu.memory_space<hbm>> -> memref<1x126x80xi32, #tpu.memory_space<hbm>>
        %dma_start3A_71 = tpu.memref_squeeze %dma_start3A_70 : memref<1x126x80xi32, #tpu.memory_space<hbm>> -> memref<126x80xi32, #tpu.memory_space<hbm>>
        %dma_start3A_72 = arith.constant 64 : i32
        %dma_start3A_73 = arith.constant 0 : i32
        %dma_start3A_74 = tpu.memref_slice %dma_start3A_71[%dma_start3A_72, %dma_start3A_73] : memref<126x80xi32, #tpu.memory_space<hbm>> -> memref<62x80xi32, #tpu.memory_space<hbm>>
        tpu.enqueue_dma source(%dma_start3A_74 : memref<62x80xi32, #tpu.memory_space<hbm>>) target(%dma_start3A_67 : memref<62x80xi32, #tpu.memory_space<vmem>>) target_semaphore(%run_scoped3A : memref<!tpu.dma_semaphore, #tpu.memory_space<semaphore_mem>>)
        %dma_wait3A = arith.constant 0 : i32
        %dma_wait3A_75 = arith.constant 0 : i32
        %dma_wait3A_76 = tpu.memref_slice %arg9[%dma_wait3A, %dma_wait3A_75] : memref<64x80xi32, #tpu.memory_space<vmem>> -> memref<62x80xi32, #tpu.memory_space<vmem>>
        %dma_wait3A_77 = arith.constant 0 : i32
        %dma_wait3A_78 = arith.constant 0 : i32
        %dma_wait3A_79 = tpu.memref_slice %arg5[%arg1, %dma_wait3A_77, %dma_wait3A_78] : memref<16x126x80xi32, #tpu.memory_space<hbm>> -> memref<1x126x80xi32, #tpu.memory_space<hbm>>
        %dma_wait3A_80 = tpu.memref_squeeze %dma_wait3A_79 : memref<1x126x80xi32, #tpu.memory_space<hbm>> -> memref<126x80xi32, #tpu.memory_space<hbm>>
        %dma_wait3A_81 = arith.constant 64 : i32
        %dma_wait3A_82 = arith.constant 0 : i32
        %dma_wait3A_83 = tpu.memref_slice %dma_wait3A_80[%dma_wait3A_81, %dma_wait3A_82] : memref<126x80xi32, #tpu.memory_space<hbm>> -> memref<62x80xi32, #tpu.memory_space<hbm>>
        %dma_wait3A_84 = arith.constant 0 : i32
        %dma_wait3A_85 = arith.constant 0 : i32
        %dma_wait3A_86 = tpu.memref_slice %arg9[%dma_wait3A_84, %dma_wait3A_85] : memref<64x80xi32, #tpu.memory_space<vmem>> -> memref<62x80xi32, #tpu.memory_space<vmem>>
        %dma_wait3A_87 = arith.constant 0 : i32
        %dma_wait3A_88 = arith.constant 0 : i32
        %dma_wait3A_89 = tpu.memref_slice %arg5[%arg1, %dma_wait3A_87, %dma_wait3A_88] : memref<16x126x80xi32, #tpu.memory_space<hbm>> -> memref<1x126x80xi32, #tpu.memory_space<hbm>>
        %dma_wait3A_90 = tpu.memref_squeeze %dma_wait3A_89 : memref<1x126x80xi32, #tpu.memory_space<hbm>> -> memref<126x80xi32, #tpu.memory_space<hbm>>
        %dma_wait3A_91 = arith.constant 64 : i32
        %dma_wait3A_92 = arith.constant 0 : i32
        %dma_wait3A_93 = tpu.memref_slice %dma_wait3A_90[%dma_wait3A_91, %dma_wait3A_92] : memref<126x80xi32, #tpu.memory_space<hbm>> -> memref<62x80xi32, #tpu.memory_space<hbm>>
        tpu.wait_dma2 semaphore(%run_scoped3A : memref<!tpu.dma_semaphore, #tpu.memory_space<semaphore_mem>>) src(%dma_wait3A_93 : memref<62x80xi32, #tpu.memory_space<hbm>>) dst(%dma_wait3A_86 : memref<62x80xi32, #tpu.memory_space<vmem>>)
        tpu.yield
      }) : () -> ()
      %dma_start3A_28 = arith.constant 0 : i32
      %dma_start3A_29 = arith.constant 0 : i32
      %dma_start3A_30 = tpu.memref_slice %arg8[%dma_start3A_28, %dma_start3A_29] : memref<64x80xi32, #tpu.memory_space<vmem>> -> memref<1x80xi32, #tpu.memory_space<vmem>>
      %dma_start3A_31 = tpu.memref_squeeze %dma_start3A_30 : memref<1x80xi32, #tpu.memory_space<vmem>> -> memref<80xi32, #tpu.memory_space<vmem>>
      %dma_start3A_32 = arith.constant 0 : i32
      %dma_start3A_33 = arith.constant 0 : i32
      %dma_start3A_34 = tpu.memref_slice %arg2[%dma_start3A_32, %dma_start3A_33] : memref<10000x128xf32, #tpu.memory_space<hbm>> -> memref<10000x128xf32, #tpu.memory_space<hbm>>
      tpu.enqueue_indirect_dma source(%dma_start3A_34 : memref<10000x128xf32, #tpu.memory_space<hbm>>) target(%arg10 : memref<80x128xf32, #tpu.memory_space<vmem>>) offsets(%dma_start3A_31 : memref<80xi32, #tpu.memory_space<vmem>>) semaphore(%arg13 : memref<!tpu.dma_semaphore, #tpu.memory_space<semaphore_mem>>)
      %scan3A_35 = arith.constant 0 : i32
      %scan3A_36 = arith.constant 0 : i32
      %scan3A_37 = arith.constant 31 : i32
      %scan3A_38 = arith.addi %scan3A_36, %scan3A_37 : i32
      %scan3A_39 = arith.constant 1 : i32
      scf.for %scan3A_55 = %scan3A_36 to %scan3A_38 step %scan3A_39  : i32 {
        %mul3A_56 = arith.constant 2 : i32
        %mul3A_57 = arith.muli %mul3A_56, %scan3A_55 : i32
        %dma_wait3A = arith.constant 0 : i32
        %dma_wait3A_58 = arith.constant 0 : i32
        %dma_wait3A_59 = tpu.memref_slice %arg8[%dma_wait3A, %dma_wait3A_58] : memref<64x80xi32, #tpu.memory_space<vmem>> -> memref<1x80xi32, #tpu.memory_space<vmem>>
        %dma_wait3A_60 = tpu.memref_squeeze %dma_wait3A_59 : memref<1x80xi32, #tpu.memory_space<vmem>> -> memref<80xi32, #tpu.memory_space<vmem>>
        %dma_wait3A_61 = arith.constant 0 : i32
        %dma_wait3A_62 = arith.constant 0 : i32
        %dma_wait3A_63 = tpu.memref_slice %arg2[%dma_wait3A_61, %dma_wait3A_62] : memref<10000x128xf32, #tpu.memory_space<hbm>> -> memref<10000x128xf32, #tpu.memory_space<hbm>>
        tpu.wait_indirect_dma semaphore(%arg13 : memref<!tpu.dma_semaphore, #tpu.memory_space<semaphore_mem>>) src(%dma_wait3A_63 : memref<10000x128xf32, #tpu.memory_space<hbm>>) dst(%arg10 : memref<80x128xf32, #tpu.memory_space<vmem>>)
        %add3A = arith.constant 1 : i32
        %add3A_64 = arith.addi %mul3A_57, %add3A : i32
        %dma_start3A_65 = arith.constant 0 : i32
        %dma_start3A_66 = tpu.memref_slice %arg8[%add3A_64, %dma_start3A_65] : memref<64x80xi32, #tpu.memory_space<vmem>> -> memref<1x80xi32, #tpu.memory_space<vmem>>
        %dma_start3A_67 = tpu.memref_squeeze %dma_start3A_66 : memref<1x80xi32, #tpu.memory_space<vmem>> -> memref<80xi32, #tpu.memory_space<vmem>>
        %dma_start3A_68 = arith.constant 0 : i32
        %dma_start3A_69 = arith.constant 0 : i32
        %dma_start3A_70 = tpu.memref_slice %arg2[%dma_start3A_68, %dma_start3A_69] : memref<10000x128xf32, #tpu.memory_space<hbm>> -> memref<10000x128xf32, #tpu.memory_space<hbm>>
        tpu.enqueue_indirect_dma source(%dma_start3A_70 : memref<10000x128xf32, #tpu.memory_space<hbm>>) target(%arg11 : memref<80x128xf32, #tpu.memory_space<vmem>>) offsets(%dma_start3A_67 : memref<80xi32, #tpu.memory_space<vmem>>) semaphore(%arg14 : memref<!tpu.dma_semaphore, #tpu.memory_space<semaphore_mem>>)
        "tpu.region"() ({
          %run_scoped3A = tpu.sem_alloc : memref<!tpu.dma_semaphore, #tpu.memory_space<semaphore_mem>>
          %dma_start3A_87 = arith.constant 0 : i32
          %dma_start3A_88 = tpu.memref_slice %arg9[%mul3A_57, %dma_start3A_87] : memref<64x80xi32, #tpu.memory_space<vmem>> -> memref<1x80xi32, #tpu.memory_space<vmem>>
          %dma_start3A_89 = tpu.memref_squeeze %dma_start3A_88 : memref<1x80xi32, #tpu.memory_space<vmem>> -> memref<80xi32, #tpu.memory_space<vmem>>
          %dma_start3A_90 = arith.constant 0 : i32
          %dma_start3A_91 = arith.constant 0 : i32
          %dma_start3A_92 = tpu.memref_slice %arg12[%dma_start3A_90, %dma_start3A_91] : memref<10016x128xf32, #tpu.memory_space<vmem_shared>> -> memref<10016x128xf32, #tpu.memory_space<vmem_shared>>
          tpu.enqueue_indirect_dma source(%arg10 : memref<80x128xf32, #tpu.memory_space<vmem>>) target(%dma_start3A_92 : memref<10016x128xf32, #tpu.memory_space<vmem_shared>>) offsets(%dma_start3A_89 : memref<80xi32, #tpu.memory_space<vmem>>) semaphore(%run_scoped3A : memref<!tpu.dma_semaphore, #tpu.memory_space<semaphore_mem>>) {add = true}
          %dma_wait3A_93 = arith.constant 0 : i32
          %dma_wait3A_94 = tpu.memref_slice %arg9[%mul3A_57, %dma_wait3A_93] : memref<64x80xi32, #tpu.memory_space<vmem>> -> memref<1x80xi32, #tpu.memory_space<vmem>>
          %dma_wait3A_95 = tpu.memref_squeeze %dma_wait3A_94 : memref<1x80xi32, #tpu.memory_space<vmem>> -> memref<80xi32, #tpu.memory_space<vmem>>
          %dma_wait3A_96 = arith.constant 0 : i32
          %dma_wait3A_97 = arith.constant 0 : i32
          %dma_wait3A_98 = tpu.memref_slice %arg12[%dma_wait3A_96, %dma_wait3A_97] : memref<10016x128xf32, #tpu.memory_space<vmem_shared>> -> memref<10016x128xf32, #tpu.memory_space<vmem_shared>>
          tpu.wait_indirect_dma semaphore(%run_scoped3A : memref<!tpu.dma_semaphore, #tpu.memory_space<semaphore_mem>>) src(%arg10 : memref<80x128xf32, #tpu.memory_space<vmem>>) dst(%dma_wait3A_98 : memref<10016x128xf32, #tpu.memory_space<vmem_shared>>)
          tpu.yield
        }) : () -> ()
        %dma_wait3A_71 = arith.constant 0 : i32
        %dma_wait3A_72 = arith.constant 0 : i32
        %dma_wait3A_73 = tpu.memref_slice %arg8[%dma_wait3A_71, %dma_wait3A_72] : memref<64x80xi32, #tpu.memory_space<vmem>> -> memref<1x80xi32, #tpu.memory_space<vmem>>
        %dma_wait3A_74 = tpu.memref_squeeze %dma_wait3A_73 : memref<1x80xi32, #tpu.memory_space<vmem>> -> memref<80xi32, #tpu.memory_space<vmem>>
        %dma_wait3A_75 = arith.constant 0 : i32
        %dma_wait3A_76 = arith.constant 0 : i32
        %dma_wait3A_77 = tpu.memref_slice %arg2[%dma_wait3A_75, %dma_wait3A_76] : memref<10000x128xf32, #tpu.memory_space<hbm>> -> memref<10000x128xf32, #tpu.memory_space<hbm>>
        tpu.wait_indirect_dma semaphore(%arg14 : memref<!tpu.dma_semaphore, #tpu.memory_space<semaphore_mem>>) src(%dma_wait3A_77 : memref<10000x128xf32, #tpu.memory_space<hbm>>) dst(%arg11 : memref<80x128xf32, #tpu.memory_space<vmem>>)
        %add3A_78 = arith.constant 2 : i32
        %add3A_79 = arith.addi %mul3A_57, %add3A_78 : i32
        %lt3A_80 = arith.constant 62 : i32
        %lt3A_81 = arith.cmpi slt, %add3A_79, %lt3A_80 : i32
        %convert_element_type3A_82 = arith.extui %lt3A_81 : i1 to i32
        %cond3A_83 = arith.constant 0 : i32
        %cond3A_84 = arith.cmpi ne, %convert_element_type3A_82, %cond3A_83 : i32
        scf.if %cond3A_84 {
          %add3A_87 = arith.constant 2 : i32
          %add3A_88 = arith.addi %mul3A_57, %add3A_87 : i32
          %dma_start3A_89 = arith.constant 0 : i32
          %dma_start3A_90 = tpu.memref_slice %arg8[%add3A_88, %dma_start3A_89] : memref<64x80xi32, #tpu.memory_space<vmem>> -> memref<1x80xi32, #tpu.memory_space<vmem>>
          %dma_start3A_91 = tpu.memref_squeeze %dma_start3A_90 : memref<1x80xi32, #tpu.memory_space<vmem>> -> memref<80xi32, #tpu.memory_space<vmem>>
          %dma_start3A_92 = arith.constant 0 : i32
          %dma_start3A_93 = arith.constant 0 : i32
          %dma_start3A_94 = tpu.memref_slice %arg2[%dma_start3A_92, %dma_start3A_93] : memref<10000x128xf32, #tpu.memory_space<hbm>> -> memref<10000x128xf32, #tpu.memory_space<hbm>>
          tpu.enqueue_indirect_dma source(%dma_start3A_94 : memref<10000x128xf32, #tpu.memory_space<hbm>>) target(%arg10 : memref<80x128xf32, #tpu.memory_space<vmem>>) offsets(%dma_start3A_91 : memref<80xi32, #tpu.memory_space<vmem>>) semaphore(%arg13 : memref<!tpu.dma_semaphore, #tpu.memory_space<semaphore_mem>>)
        } else {
        }
        %add3A_85 = arith.constant 1 : i32
        %add3A_86 = arith.addi %mul3A_57, %add3A_85 : i32
        "tpu.region"() ({
          %run_scoped3A = tpu.sem_alloc : memref<!tpu.dma_semaphore, #tpu.memory_space<semaphore_mem>>
          %dma_start3A_87 = arith.constant 0 : i32
          %dma_start3A_88 = tpu.memref_slice %arg9[%add3A_86, %dma_start3A_87] : memref<64x80xi32, #tpu.memory_space<vmem>> -> memref<1x80xi32, #tpu.memory_space<vmem>>
          %dma_start3A_89 = tpu.memref_squeeze %dma_start3A_88 : memref<1x80xi32, #tpu.memory_space<vmem>> -> memref<80xi32, #tpu.memory_space<vmem>>
          %dma_start3A_90 = arith.constant 0 : i32
          %dma_start3A_91 = arith.constant 0 : i32
          %dma_start3A_92 = tpu.memref_slice %arg12[%dma_start3A_90, %dma_start3A_91] : memref<10016x128xf32, #tpu.memory_space<vmem_shared>> -> memref<10016x128xf32, #tpu.memory_space<vmem_shared>>
          tpu.enqueue_indirect_dma source(%arg11 : memref<80x128xf32, #tpu.memory_space<vmem>>) target(%dma_start3A_92 : memref<10016x128xf32, #tpu.memory_space<vmem_shared>>) offsets(%dma_start3A_89 : memref<80xi32, #tpu.memory_space<vmem>>) semaphore(%run_scoped3A : memref<!tpu.dma_semaphore, #tpu.memory_space<semaphore_mem>>) {add = true}
          %dma_wait3A_93 = arith.constant 0 : i32
          %dma_wait3A_94 = tpu.memref_slice %arg9[%add3A_86, %dma_wait3A_93] : memref<64x80xi32, #tpu.memory_space<vmem>> -> memref<1x80xi32, #tpu.memory_space<vmem>>
          %dma_wait3A_95 = tpu.memref_squeeze %dma_wait3A_94 : memref<1x80xi32, #tpu.memory_space<vmem>> -> memref<80xi32, #tpu.memory_space<vmem>>
          %dma_wait3A_96 = arith.constant 0 : i32
          %dma_wait3A_97 = arith.constant 0 : i32
          %dma_wait3A_98 = tpu.memref_slice %arg12[%dma_wait3A_96, %dma_wait3A_97] : memref<10016x128xf32, #tpu.memory_space<vmem_shared>> -> memref<10016x128xf32, #tpu.memory_space<vmem_shared>>
          tpu.wait_indirect_dma semaphore(%run_scoped3A : memref<!tpu.dma_semaphore, #tpu.memory_space<semaphore_mem>>) src(%arg11 : memref<80x128xf32, #tpu.memory_space<vmem>>) dst(%dma_wait3A_98 : memref<10016x128xf32, #tpu.memory_space<vmem_shared>>)
          tpu.yield
        }) : () -> ()
      }
      %scan3A_40 = arith.constant 31 : i32
      %barrier3A_41 = arith.constant 0 : index
      tpu.barrier barrier_id(%barrier3A_41)
      %mul3A_42 = arith.constant 632 : i32
      %mul3A_43 = arith.muli %arg1, %mul3A_42 : i32
      %multiple_of3A_44 = tpu.assume_multiple %mul3A_43, 8 : i32
      %lt3A_45 = arith.constant 15 : i32
      %lt3A_46 = arith.cmpi slt, %arg1, %lt3A_45 : i32
      %convert_element_type3A_47 = arith.extui %lt3A_46 : i1 to i32
      %cond3A_48 = arith.constant 0 : i32
      %cond3A_49 = arith.cmpi ne, %convert_element_type3A_47, %cond3A_48 : i32
      scf.if %cond3A_49 {
        "tpu.region"() ({
          %run_scoped3A = tpu.sem_alloc : memref<!tpu.dma_semaphore, #tpu.memory_space<semaphore_mem>>
          %dma_start3A_55 = arith.constant 0 : i32
          %dma_start3A_56 = tpu.memref_slice %arg6[%multiple_of3A_44, %dma_start3A_55] : memref<10000x128xf32, #tpu.memory_space<hbm>> -> memref<632x128xf32, #tpu.memory_space<hbm>>
          %dma_start3A_57 = arith.constant 0 : i32
          %dma_start3A_58 = tpu.memref_slice %arg12[%multiple_of3A_44, %dma_start3A_57] : memref<10016x128xf32, #tpu.memory_space<vmem_shared>> -> memref<632x128xf32, #tpu.memory_space<vmem_shared>>
          tpu.enqueue_dma source(%dma_start3A_58 : memref<632x128xf32, #tpu.memory_space<vmem_shared>>) target(%dma_start3A_56 : memref<632x128xf32, #tpu.memory_space<hbm>>) target_semaphore(%run_scoped3A : memref<!tpu.dma_semaphore, #tpu.memory_space<semaphore_mem>>)
          %dma_wait3A = arith.constant 0 : i32
          %dma_wait3A_59 = tpu.memref_slice %arg6[%multiple_of3A_44, %dma_wait3A] : memref<10000x128xf32, #tpu.memory_space<hbm>> -> memref<632x128xf32, #tpu.memory_space<hbm>>
          %dma_wait3A_60 = arith.constant 0 : i32
          %dma_wait3A_61 = tpu.memref_slice %arg12[%multiple_of3A_44, %dma_wait3A_60] : memref<10016x128xf32, #tpu.memory_space<vmem_shared>> -> memref<632x128xf32, #tpu.memory_space<vmem_shared>>
          tpu.wait_dma2 semaphore(%run_scoped3A : memref<!tpu.dma_semaphore, #tpu.memory_space<semaphore_mem>>) src(%dma_wait3A_61 : memref<632x128xf32, #tpu.memory_space<vmem_shared>>) dst(%dma_wait3A_59 : memref<632x128xf32, #tpu.memory_space<hbm>>)
          tpu.yield
        }) : () -> ()
      } else {
      }
      %eq3A_50 = arith.constant 15 : i32
      %eq3A_51 = arith.cmpi eq, %arg1, %eq3A_50 : i32
      %convert_element_type3A_52 = arith.extui %eq3A_51 : i1 to i32
      %cond3A_53 = arith.constant 0 : i32
      %cond3A_54 = arith.cmpi ne, %convert_element_type3A_52, %cond3A_53 : i32
      scf.if %cond3A_54 {
        "tpu.region"() ({
          %run_scoped3A = tpu.sem_alloc : memref<!tpu.dma_semaphore, #tpu.memory_space<semaphore_mem>>
          %dma_start3A_55 = arith.constant 9480 : i32
          %dma_start3A_56 = arith.constant 0 : i32
          %dma_start3A_57 = tpu.memref_slice %arg6[%dma_start3A_55, %dma_start3A_56] : memref<10000x128xf32, #tpu.memory_space<hbm>> -> memref<520x128xf32, #tpu.memory_space<hbm>>
          %dma_start3A_58 = arith.constant 9480 : i32
          %dma_start3A_59 = arith.constant 0 : i32
          %dma_start3A_60 = tpu.memref_slice %arg12[%dma_start3A_58, %dma_start3A_59] : memref<10016x128xf32, #tpu.memory_space<vmem_shared>> -> memref<520x128xf32, #tpu.memory_space<vmem_shared>>
          tpu.enqueue_dma source(%dma_start3A_60 : memref<520x128xf32, #tpu.memory_space<vmem_shared>>) target(%dma_start3A_57 : memref<520x128xf32, #tpu.memory_space<hbm>>) target_semaphore(%run_scoped3A : memref<!tpu.dma_semaphore, #tpu.memory_space<semaphore_mem>>)
          %dma_wait3A = arith.constant 9480 : i32
          %dma_wait3A_61 = arith.constant 0 : i32
          %dma_wait3A_62 = tpu.memref_slice %arg6[%dma_wait3A, %dma_wait3A_61] : memref<10000x128xf32, #tpu.memory_space<hbm>> -> memref<520x128xf32, #tpu.memory_space<hbm>>
          %dma_wait3A_63 = arith.constant 9480 : i32
          %dma_wait3A_64 = arith.constant 0 : i32
          %dma_wait3A_65 = tpu.memref_slice %arg12[%dma_wait3A_63, %dma_wait3A_64] : memref<10016x128xf32, #tpu.memory_space<vmem_shared>> -> memref<520x128xf32, #tpu.memory_space<vmem_shared>>
          tpu.wait_dma2 semaphore(%run_scoped3A : memref<!tpu.dma_semaphore, #tpu.memory_space<semaphore_mem>>) src(%dma_wait3A_65 : memref<520x128xf32, #tpu.memory_space<vmem_shared>>) dst(%dma_wait3A_62 : memref<520x128xf32, #tpu.memory_space<hbm>>)
          tpu.yield
        }) : () -> ()
      } else {
      }
    } else {
    }
    %eq3A_2 = arith.constant 1 : i32
    %eq3A_3 = arith.cmpi eq, %arg0, %eq3A_2 : i32
    %convert_element_type3A_4 = arith.extui %eq3A_3 : i1 to i32
    %cond3A_5 = arith.constant 0 : i32
    %cond3A_6 = arith.cmpi ne, %convert_element_type3A_4, %cond3A_5 : i32
    scf.if %cond3A_6 {
      %mul3A = arith.constant 632 : i32
      %mul3A_7 = arith.muli %arg1, %mul3A : i32
      %multiple_of3A = tpu.assume_multiple %mul3A_7, 8 : i32
      %lt3A = arith.constant 15 : i32
      %lt3A_8 = arith.cmpi slt, %arg1, %lt3A : i32
      %convert_element_type3A_9 = arith.extui %lt3A_8 : i1 to i32
      %cond3A_10 = arith.constant 0 : i32
      %cond3A_11 = arith.cmpi ne, %convert_element_type3A_9, %cond3A_10 : i32
      scf.if %cond3A_11 {
        "tpu.region"() ({
          %run_scoped3A = tpu.sem_alloc : memref<!tpu.dma_semaphore, #tpu.memory_space<semaphore_mem>>
          %dma_start3A_55 = arith.constant 0 : i32
          %dma_start3A_56 = tpu.memref_slice %arg12[%multiple_of3A, %dma_start3A_55] : memref<10016x128xf32, #tpu.memory_space<vmem_shared>> -> memref<632x128xf32, #tpu.memory_space<vmem_shared>>
          %dma_start3A_57 = arith.constant 0 : i32
          %dma_start3A_58 = tpu.memref_slice %arg3[%multiple_of3A, %dma_start3A_57] : memref<10000x128xf32, #tpu.memory_space<hbm>> -> memref<632x128xf32, #tpu.memory_space<hbm>>
          tpu.enqueue_dma source(%dma_start3A_58 : memref<632x128xf32, #tpu.memory_space<hbm>>) target(%dma_start3A_56 : memref<632x128xf32, #tpu.memory_space<vmem_shared>>) target_semaphore(%run_scoped3A : memref<!tpu.dma_semaphore, #tpu.memory_space<semaphore_mem>>)
          %dma_wait3A = arith.constant 0 : i32
          %dma_wait3A_59 = tpu.memref_slice %arg12[%multiple_of3A, %dma_wait3A] : memref<10016x128xf32, #tpu.memory_space<vmem_shared>> -> memref<632x128xf32, #tpu.memory_space<vmem_shared>>
          %dma_wait3A_60 = arith.constant 0 : i32
          %dma_wait3A_61 = tpu.memref_slice %arg3[%multiple_of3A, %dma_wait3A_60] : memref<10000x128xf32, #tpu.memory_space<hbm>> -> memref<632x128xf32, #tpu.memory_space<hbm>>
          tpu.wait_dma2 semaphore(%run_scoped3A : memref<!tpu.dma_semaphore, #tpu.memory_space<semaphore_mem>>) src(%dma_wait3A_61 : memref<632x128xf32, #tpu.memory_space<hbm>>) dst(%dma_wait3A_59 : memref<632x128xf32, #tpu.memory_space<vmem_shared>>)
          tpu.yield
        }) : () -> ()
      } else {
      }
      %eq3A_12 = arith.constant 15 : i32
      %eq3A_13 = arith.cmpi eq, %arg1, %eq3A_12 : i32
      %convert_element_type3A_14 = arith.extui %eq3A_13 : i1 to i32
      %cond3A_15 = arith.constant 0 : i32
      %cond3A_16 = arith.cmpi ne, %convert_element_type3A_14, %cond3A_15 : i32
      scf.if %cond3A_16 {
        "tpu.region"() ({
          %run_scoped3A = tpu.sem_alloc : memref<!tpu.dma_semaphore, #tpu.memory_space<semaphore_mem>>
          %dma_start3A_55 = arith.constant 9480 : i32
          %dma_start3A_56 = arith.constant 0 : i32
          %dma_start3A_57 = tpu.memref_slice %arg12[%dma_start3A_55, %dma_start3A_56] : memref<10016x128xf32, #tpu.memory_space<vmem_shared>> -> memref<520x128xf32, #tpu.memory_space<vmem_shared>>
          %dma_start3A_58 = arith.constant 9480 : i32
          %dma_start3A_59 = arith.constant 0 : i32
          %dma_start3A_60 = tpu.memref_slice %arg3[%dma_start3A_58, %dma_start3A_59] : memref<10000x128xf32, #tpu.memory_space<hbm>> -> memref<520x128xf32, #tpu.memory_space<hbm>>
          tpu.enqueue_dma source(%dma_start3A_60 : memref<520x128xf32, #tpu.memory_space<hbm>>) target(%dma_start3A_57 : memref<520x128xf32, #tpu.memory_space<vmem_shared>>) target_semaphore(%run_scoped3A : memref<!tpu.dma_semaphore, #tpu.memory_space<semaphore_mem>>)
          %dma_wait3A = arith.constant 9480 : i32
          %dma_wait3A_61 = arith.constant 0 : i32
          %dma_wait3A_62 = tpu.memref_slice %arg12[%dma_wait3A, %dma_wait3A_61] : memref<10016x128xf32, #tpu.memory_space<vmem_shared>> -> memref<520x128xf32, #tpu.memory_space<vmem_shared>>
          %dma_wait3A_63 = arith.constant 9480 : i32
          %dma_wait3A_64 = arith.constant 0 : i32
          %dma_wait3A_65 = tpu.memref_slice %arg3[%dma_wait3A_63, %dma_wait3A_64] : memref<10000x128xf32, #tpu.memory_space<hbm>> -> memref<520x128xf32, #tpu.memory_space<hbm>>
          tpu.wait_dma2 semaphore(%run_scoped3A : memref<!tpu.dma_semaphore, #tpu.memory_space<semaphore_mem>>) src(%dma_wait3A_65 : memref<520x128xf32, #tpu.memory_space<hbm>>) dst(%dma_wait3A_62 : memref<520x128xf32, #tpu.memory_space<vmem_shared>>)
          tpu.yield
        }) : () -> ()
      } else {
      }
      %barrier3A = arith.constant 0 : index
      tpu.barrier barrier_id(%barrier3A)
      "tpu.region"() ({
        %run_scoped3A = tpu.sem_alloc : memref<!tpu.dma_semaphore, #tpu.memory_space<semaphore_mem>>
        %dma_start3A_55 = arith.constant 0 : i32
        %dma_start3A_56 = arith.constant 0 : i32
        %dma_start3A_57 = tpu.memref_slice %arg8[%dma_start3A_55, %dma_start3A_56] : memref<64x80xi32, #tpu.memory_space<vmem>> -> memref<64x80xi32, #tpu.memory_space<vmem>>
        %dma_start3A_58 = arith.constant 0 : i32
        %dma_start3A_59 = arith.constant 0 : i32
        %dma_start3A_60 = tpu.memref_slice %arg4[%arg1, %dma_start3A_58, %dma_start3A_59] : memref<16x126x80xi32, #tpu.memory_space<hbm>> -> memref<1x126x80xi32, #tpu.memory_space<hbm>>
        %dma_start3A_61 = tpu.memref_squeeze %dma_start3A_60 : memref<1x126x80xi32, #tpu.memory_space<hbm>> -> memref<126x80xi32, #tpu.memory_space<hbm>>
        %dma_start3A_62 = arith.constant 0 : i32
        %dma_start3A_63 = arith.constant 0 : i32
        %dma_start3A_64 = tpu.memref_slice %dma_start3A_61[%dma_start3A_62, %dma_start3A_63] : memref<126x80xi32, #tpu.memory_space<hbm>> -> memref<64x80xi32, #tpu.memory_space<hbm>>
        %dma_start3A_65 = arith.constant 0 : i32
        %dma_start3A_66 = arith.constant 0 : i32
        %dma_start3A_67 = tpu.memref_slice %arg8[%dma_start3A_65, %dma_start3A_66] : memref<64x80xi32, #tpu.memory_space<vmem>> -> memref<64x80xi32, #tpu.memory_space<vmem>>
        %dma_start3A_68 = arith.constant 0 : i32
        %dma_start3A_69 = arith.constant 0 : i32
        %dma_start3A_70 = tpu.memref_slice %arg4[%arg1, %dma_start3A_68, %dma_start3A_69] : memref<16x126x80xi32, #tpu.memory_space<hbm>> -> memref<1x126x80xi32, #tpu.memory_space<hbm>>
        %dma_start3A_71 = tpu.memref_squeeze %dma_start3A_70 : memref<1x126x80xi32, #tpu.memory_space<hbm>> -> memref<126x80xi32, #tpu.memory_space<hbm>>
        %dma_start3A_72 = arith.constant 0 : i32
        %dma_start3A_73 = arith.constant 0 : i32
        %dma_start3A_74 = tpu.memref_slice %dma_start3A_71[%dma_start3A_72, %dma_start3A_73] : memref<126x80xi32, #tpu.memory_space<hbm>> -> memref<64x80xi32, #tpu.memory_space<hbm>>
        tpu.enqueue_dma source(%dma_start3A_74 : memref<64x80xi32, #tpu.memory_space<hbm>>) target(%dma_start3A_67 : memref<64x80xi32, #tpu.memory_space<vmem>>) target_semaphore(%run_scoped3A : memref<!tpu.dma_semaphore, #tpu.memory_space<semaphore_mem>>)
        %dma_wait3A = arith.constant 0 : i32
        %dma_wait3A_75 = arith.constant 0 : i32
        %dma_wait3A_76 = tpu.memref_slice %arg8[%dma_wait3A, %dma_wait3A_75] : memref<64x80xi32, #tpu.memory_space<vmem>> -> memref<64x80xi32, #tpu.memory_space<vmem>>
        %dma_wait3A_77 = arith.constant 0 : i32
        %dma_wait3A_78 = arith.constant 0 : i32
        %dma_wait3A_79 = tpu.memref_slice %arg4[%arg1, %dma_wait3A_77, %dma_wait3A_78] : memref<16x126x80xi32, #tpu.memory_space<hbm>> -> memref<1x126x80xi32, #tpu.memory_space<hbm>>
        %dma_wait3A_80 = tpu.memref_squeeze %dma_wait3A_79 : memref<1x126x80xi32, #tpu.memory_space<hbm>> -> memref<126x80xi32, #tpu.memory_space<hbm>>
        %dma_wait3A_81 = arith.constant 0 : i32
        %dma_wait3A_82 = arith.constant 0 : i32
        %dma_wait3A_83 = tpu.memref_slice %dma_wait3A_80[%dma_wait3A_81, %dma_wait3A_82] : memref<126x80xi32, #tpu.memory_space<hbm>> -> memref<64x80xi32, #tpu.memory_space<hbm>>
        %dma_wait3A_84 = arith.constant 0 : i32
        %dma_wait3A_85 = arith.constant 0 : i32
        %dma_wait3A_86 = tpu.memref_slice %arg8[%dma_wait3A_84, %dma_wait3A_85] : memref<64x80xi32, #tpu.memory_space<vmem>> -> memref<64x80xi32, #tpu.memory_space<vmem>>
        %dma_wait3A_87 = arith.constant 0 : i32
        %dma_wait3A_88 = arith.constant 0 : i32
        %dma_wait3A_89 = tpu.memref_slice %arg4[%arg1, %dma_wait3A_87, %dma_wait3A_88] : memref<16x126x80xi32, #tpu.memory_space<hbm>> -> memref<1x126x80xi32, #tpu.memory_space<hbm>>
        %dma_wait3A_90 = tpu.memref_squeeze %dma_wait3A_89 : memref<1x126x80xi32, #tpu.memory_space<hbm>> -> memref<126x80xi32, #tpu.memory_space<hbm>>
        %dma_wait3A_91 = arith.constant 0 : i32
        %dma_wait3A_92 = arith.constant 0 : i32
        %dma_wait3A_93 = tpu.memref_slice %dma_wait3A_90[%dma_wait3A_91, %dma_wait3A_92] : memref<126x80xi32, #tpu.memory_space<hbm>> -> memref<64x80xi32, #tpu.memory_space<hbm>>
        tpu.wait_dma2 semaphore(%run_scoped3A : memref<!tpu.dma_semaphore, #tpu.memory_space<semaphore_mem>>) src(%dma_wait3A_93 : memref<64x80xi32, #tpu.memory_space<hbm>>) dst(%dma_wait3A_86 : memref<64x80xi32, #tpu.memory_space<vmem>>)
        tpu.yield
      }) : () -> ()
      "tpu.region"() ({
        %run_scoped3A = tpu.sem_alloc : memref<!tpu.dma_semaphore, #tpu.memory_space<semaphore_mem>>
        %dma_start3A_55 = arith.constant 0 : i32
        %dma_start3A_56 = arith.constant 0 : i32
        %dma_start3A_57 = tpu.memref_slice %arg9[%dma_start3A_55, %dma_start3A_56] : memref<64x80xi32, #tpu.memory_space<vmem>> -> memref<64x80xi32, #tpu.memory_space<vmem>>
        %dma_start3A_58 = arith.constant 0 : i32
        %dma_start3A_59 = arith.constant 0 : i32
        %dma_start3A_60 = tpu.memref_slice %arg5[%arg1, %dma_start3A_58, %dma_start3A_59] : memref<16x126x80xi32, #tpu.memory_space<hbm>> -> memref<1x126x80xi32, #tpu.memory_space<hbm>>
        %dma_start3A_61 = tpu.memref_squeeze %dma_start3A_60 : memref<1x126x80xi32, #tpu.memory_space<hbm>> -> memref<126x80xi32, #tpu.memory_space<hbm>>
        %dma_start3A_62 = arith.constant 0 : i32
        %dma_start3A_63 = arith.constant 0 : i32
        %dma_start3A_64 = tpu.memref_slice %dma_start3A_61[%dma_start3A_62, %dma_start3A_63] : memref<126x80xi32, #tpu.memory_space<hbm>> -> memref<64x80xi32, #tpu.memory_space<hbm>>
        %dma_start3A_65 = arith.constant 0 : i32
        %dma_start3A_66 = arith.constant 0 : i32
        %dma_start3A_67 = tpu.memref_slice %arg9[%dma_start3A_65, %dma_start3A_66] : memref<64x80xi32, #tpu.memory_space<vmem>> -> memref<64x80xi32, #tpu.memory_space<vmem>>
        %dma_start3A_68 = arith.constant 0 : i32
        %dma_start3A_69 = arith.constant 0 : i32
        %dma_start3A_70 = tpu.memref_slice %arg5[%arg1, %dma_start3A_68, %dma_start3A_69] : memref<16x126x80xi32, #tpu.memory_space<hbm>> -> memref<1x126x80xi32, #tpu.memory_space<hbm>>
        %dma_start3A_71 = tpu.memref_squeeze %dma_start3A_70 : memref<1x126x80xi32, #tpu.memory_space<hbm>> -> memref<126x80xi32, #tpu.memory_space<hbm>>
        %dma_start3A_72 = arith.constant 0 : i32
        %dma_start3A_73 = arith.constant 0 : i32
        %dma_start3A_74 = tpu.memref_slice %dma_start3A_71[%dma_start3A_72, %dma_start3A_73] : memref<126x80xi32, #tpu.memory_space<hbm>> -> memref<64x80xi32, #tpu.memory_space<hbm>>
        tpu.enqueue_dma source(%dma_start3A_74 : memref<64x80xi32, #tpu.memory_space<hbm>>) target(%dma_start3A_67 : memref<64x80xi32, #tpu.memory_space<vmem>>) target_semaphore(%run_scoped3A : memref<!tpu.dma_semaphore, #tpu.memory_space<semaphore_mem>>)
        %dma_wait3A = arith.constant 0 : i32
        %dma_wait3A_75 = arith.constant 0 : i32
        %dma_wait3A_76 = tpu.memref_slice %arg9[%dma_wait3A, %dma_wait3A_75] : memref<64x80xi32, #tpu.memory_space<vmem>> -> memref<64x80xi32, #tpu.memory_space<vmem>>
        %dma_wait3A_77 = arith.constant 0 : i32
        %dma_wait3A_78 = arith.constant 0 : i32
        %dma_wait3A_79 = tpu.memref_slice %arg5[%arg1, %dma_wait3A_77, %dma_wait3A_78] : memref<16x126x80xi32, #tpu.memory_space<hbm>> -> memref<1x126x80xi32, #tpu.memory_space<hbm>>
        %dma_wait3A_80 = tpu.memref_squeeze %dma_wait3A_79 : memref<1x126x80xi32, #tpu.memory_space<hbm>> -> memref<126x80xi32, #tpu.memory_space<hbm>>
        %dma_wait3A_81 = arith.constant 0 : i32
        %dma_wait3A_82 = arith.constant 0 : i32
        %dma_wait3A_83 = tpu.memref_slice %dma_wait3A_80[%dma_wait3A_81, %dma_wait3A_82] : memref<126x80xi32, #tpu.memory_space<hbm>> -> memref<64x80xi32, #tpu.memory_space<hbm>>
        %dma_wait3A_84 = arith.constant 0 : i32
        %dma_wait3A_85 = arith.constant 0 : i32
        %dma_wait3A_86 = tpu.memref_slice %arg9[%dma_wait3A_84, %dma_wait3A_85] : memref<64x80xi32, #tpu.memory_space<vmem>> -> memref<64x80xi32, #tpu.memory_space<vmem>>
        %dma_wait3A_87 = arith.constant 0 : i32
        %dma_wait3A_88 = arith.constant 0 : i32
        %dma_wait3A_89 = tpu.memref_slice %arg5[%arg1, %dma_wait3A_87, %dma_wait3A_88] : memref<16x126x80xi32, #tpu.memory_space<hbm>> -> memref<1x126x80xi32, #tpu.memory_space<hbm>>
        %dma_wait3A_90 = tpu.memref_squeeze %dma_wait3A_89 : memref<1x126x80xi32, #tpu.memory_space<hbm>> -> memref<126x80xi32, #tpu.memory_space<hbm>>
        %dma_wait3A_91 = arith.constant 0 : i32
        %dma_wait3A_92 = arith.constant 0 : i32
        %dma_wait3A_93 = tpu.memref_slice %dma_wait3A_90[%dma_wait3A_91, %dma_wait3A_92] : memref<126x80xi32, #tpu.memory_space<hbm>> -> memref<64x80xi32, #tpu.memory_space<hbm>>
        tpu.wait_dma2 semaphore(%run_scoped3A : memref<!tpu.dma_semaphore, #tpu.memory_space<semaphore_mem>>) src(%dma_wait3A_93 : memref<64x80xi32, #tpu.memory_space<hbm>>) dst(%dma_wait3A_86 : memref<64x80xi32, #tpu.memory_space<vmem>>)
        tpu.yield
      }) : () -> ()
      %dma_start3A = arith.constant 0 : i32
      %dma_start3A_17 = arith.constant 0 : i32
      %dma_start3A_18 = tpu.memref_slice %arg8[%dma_start3A, %dma_start3A_17] : memref<64x80xi32, #tpu.memory_space<vmem>> -> memref<1x80xi32, #tpu.memory_space<vmem>>
      %dma_start3A_19 = tpu.memref_squeeze %dma_start3A_18 : memref<1x80xi32, #tpu.memory_space<vmem>> -> memref<80xi32, #tpu.memory_space<vmem>>
      %dma_start3A_20 = arith.constant 0 : i32
      %dma_start3A_21 = arith.constant 0 : i32
      %dma_start3A_22 = tpu.memref_slice %arg3[%dma_start3A_20, %dma_start3A_21] : memref<10000x128xf32, #tpu.memory_space<hbm>> -> memref<10000x128xf32, #tpu.memory_space<hbm>>
      tpu.enqueue_indirect_dma source(%dma_start3A_22 : memref<10000x128xf32, #tpu.memory_space<hbm>>) target(%arg10 : memref<80x128xf32, #tpu.memory_space<vmem>>) offsets(%dma_start3A_19 : memref<80xi32, #tpu.memory_space<vmem>>) semaphore(%arg13 : memref<!tpu.dma_semaphore, #tpu.memory_space<semaphore_mem>>)
      %scan3A = arith.constant 0 : i32
      %scan3A_23 = arith.constant 0 : i32
      %scan3A_24 = arith.constant 32 : i32
      %scan3A_25 = arith.addi %scan3A_23, %scan3A_24 : i32
      %scan3A_26 = arith.constant 1 : i32
      scf.for %scan3A_55 = %scan3A_23 to %scan3A_25 step %scan3A_26  : i32 {
        %mul3A_56 = arith.constant 2 : i32
        %mul3A_57 = arith.muli %mul3A_56, %scan3A_55 : i32
        %dma_wait3A = arith.constant 0 : i32
        %dma_wait3A_58 = arith.constant 0 : i32
        %dma_wait3A_59 = tpu.memref_slice %arg8[%dma_wait3A, %dma_wait3A_58] : memref<64x80xi32, #tpu.memory_space<vmem>> -> memref<1x80xi32, #tpu.memory_space<vmem>>
        %dma_wait3A_60 = tpu.memref_squeeze %dma_wait3A_59 : memref<1x80xi32, #tpu.memory_space<vmem>> -> memref<80xi32, #tpu.memory_space<vmem>>
        %dma_wait3A_61 = arith.constant 0 : i32
        %dma_wait3A_62 = arith.constant 0 : i32
        %dma_wait3A_63 = tpu.memref_slice %arg3[%dma_wait3A_61, %dma_wait3A_62] : memref<10000x128xf32, #tpu.memory_space<hbm>> -> memref<10000x128xf32, #tpu.memory_space<hbm>>
        tpu.wait_indirect_dma semaphore(%arg13 : memref<!tpu.dma_semaphore, #tpu.memory_space<semaphore_mem>>) src(%dma_wait3A_63 : memref<10000x128xf32, #tpu.memory_space<hbm>>) dst(%arg10 : memref<80x128xf32, #tpu.memory_space<vmem>>)
        %add3A = arith.constant 1 : i32
        %add3A_64 = arith.addi %mul3A_57, %add3A : i32
        %dma_start3A_65 = arith.constant 0 : i32
        %dma_start3A_66 = tpu.memref_slice %arg8[%add3A_64, %dma_start3A_65] : memref<64x80xi32, #tpu.memory_space<vmem>> -> memref<1x80xi32, #tpu.memory_space<vmem>>
        %dma_start3A_67 = tpu.memref_squeeze %dma_start3A_66 : memref<1x80xi32, #tpu.memory_space<vmem>> -> memref<80xi32, #tpu.memory_space<vmem>>
        %dma_start3A_68 = arith.constant 0 : i32
        %dma_start3A_69 = arith.constant 0 : i32
        %dma_start3A_70 = tpu.memref_slice %arg3[%dma_start3A_68, %dma_start3A_69] : memref<10000x128xf32, #tpu.memory_space<hbm>> -> memref<10000x128xf32, #tpu.memory_space<hbm>>
        tpu.enqueue_indirect_dma source(%dma_start3A_70 : memref<10000x128xf32, #tpu.memory_space<hbm>>) target(%arg11 : memref<80x128xf32, #tpu.memory_space<vmem>>) offsets(%dma_start3A_67 : memref<80xi32, #tpu.memory_space<vmem>>) semaphore(%arg14 : memref<!tpu.dma_semaphore, #tpu.memory_space<semaphore_mem>>)
        "tpu.region"() ({
          %run_scoped3A = tpu.sem_alloc : memref<!tpu.dma_semaphore, #tpu.memory_space<semaphore_mem>>
          %dma_start3A_87 = arith.constant 0 : i32
          %dma_start3A_88 = tpu.memref_slice %arg9[%mul3A_57, %dma_start3A_87] : memref<64x80xi32, #tpu.memory_space<vmem>> -> memref<1x80xi32, #tpu.memory_space<vmem>>
          %dma_start3A_89 = tpu.memref_squeeze %dma_start3A_88 : memref<1x80xi32, #tpu.memory_space<vmem>> -> memref<80xi32, #tpu.memory_space<vmem>>
          %dma_start3A_90 = arith.constant 0 : i32
          %dma_start3A_91 = arith.constant 0 : i32
          %dma_start3A_92 = tpu.memref_slice %arg12[%dma_start3A_90, %dma_start3A_91] : memref<10016x128xf32, #tpu.memory_space<vmem_shared>> -> memref<10016x128xf32, #tpu.memory_space<vmem_shared>>
          tpu.enqueue_indirect_dma source(%arg10 : memref<80x128xf32, #tpu.memory_space<vmem>>) target(%dma_start3A_92 : memref<10016x128xf32, #tpu.memory_space<vmem_shared>>) offsets(%dma_start3A_89 : memref<80xi32, #tpu.memory_space<vmem>>) semaphore(%run_scoped3A : memref<!tpu.dma_semaphore, #tpu.memory_space<semaphore_mem>>) {add = true}
          %dma_wait3A_93 = arith.constant 0 : i32
          %dma_wait3A_94 = tpu.memref_slice %arg9[%mul3A_57, %dma_wait3A_93] : memref<64x80xi32, #tpu.memory_space<vmem>> -> memref<1x80xi32, #tpu.memory_space<vmem>>
          %dma_wait3A_95 = tpu.memref_squeeze %dma_wait3A_94 : memref<1x80xi32, #tpu.memory_space<vmem>> -> memref<80xi32, #tpu.memory_space<vmem>>
          %dma_wait3A_96 = arith.constant 0 : i32
          %dma_wait3A_97 = arith.constant 0 : i32
          %dma_wait3A_98 = tpu.memref_slice %arg12[%dma_wait3A_96, %dma_wait3A_97] : memref<10016x128xf32, #tpu.memory_space<vmem_shared>> -> memref<10016x128xf32, #tpu.memory_space<vmem_shared>>
          tpu.wait_indirect_dma semaphore(%run_scoped3A : memref<!tpu.dma_semaphore, #tpu.memory_space<semaphore_mem>>) src(%arg10 : memref<80x128xf32, #tpu.memory_space<vmem>>) dst(%dma_wait3A_98 : memref<10016x128xf32, #tpu.memory_space<vmem_shared>>)
          tpu.yield
        }) : () -> ()
        %dma_wait3A_71 = arith.constant 0 : i32
        %dma_wait3A_72 = arith.constant 0 : i32
        %dma_wait3A_73 = tpu.memref_slice %arg8[%dma_wait3A_71, %dma_wait3A_72] : memref<64x80xi32, #tpu.memory_space<vmem>> -> memref<1x80xi32, #tpu.memory_space<vmem>>
        %dma_wait3A_74 = tpu.memref_squeeze %dma_wait3A_73 : memref<1x80xi32, #tpu.memory_space<vmem>> -> memref<80xi32, #tpu.memory_space<vmem>>
        %dma_wait3A_75 = arith.constant 0 : i32
        %dma_wait3A_76 = arith.constant 0 : i32
        %dma_wait3A_77 = tpu.memref_slice %arg3[%dma_wait3A_75, %dma_wait3A_76] : memref<10000x128xf32, #tpu.memory_space<hbm>> -> memref<10000x128xf32, #tpu.memory_space<hbm>>
        tpu.wait_indirect_dma semaphore(%arg14 : memref<!tpu.dma_semaphore, #tpu.memory_space<semaphore_mem>>) src(%dma_wait3A_77 : memref<10000x128xf32, #tpu.memory_space<hbm>>) dst(%arg11 : memref<80x128xf32, #tpu.memory_space<vmem>>)
        %add3A_78 = arith.constant 2 : i32
        %add3A_79 = arith.addi %mul3A_57, %add3A_78 : i32
        %lt3A_80 = arith.constant 64 : i32
        %lt3A_81 = arith.cmpi slt, %add3A_79, %lt3A_80 : i32
        %convert_element_type3A_82 = arith.extui %lt3A_81 : i1 to i32
        %cond3A_83 = arith.constant 0 : i32
        %cond3A_84 = arith.cmpi ne, %convert_element_type3A_82, %cond3A_83 : i32
        scf.if %cond3A_84 {
          %add3A_87 = arith.constant 2 : i32
          %add3A_88 = arith.addi %mul3A_57, %add3A_87 : i32
          %dma_start3A_89 = arith.constant 0 : i32
          %dma_start3A_90 = tpu.memref_slice %arg8[%add3A_88, %dma_start3A_89] : memref<64x80xi32, #tpu.memory_space<vmem>> -> memref<1x80xi32, #tpu.memory_space<vmem>>
          %dma_start3A_91 = tpu.memref_squeeze %dma_start3A_90 : memref<1x80xi32, #tpu.memory_space<vmem>> -> memref<80xi32, #tpu.memory_space<vmem>>
          %dma_start3A_92 = arith.constant 0 : i32
          %dma_start3A_93 = arith.constant 0 : i32
          %dma_start3A_94 = tpu.memref_slice %arg3[%dma_start3A_92, %dma_start3A_93] : memref<10000x128xf32, #tpu.memory_space<hbm>> -> memref<10000x128xf32, #tpu.memory_space<hbm>>
          tpu.enqueue_indirect_dma source(%dma_start3A_94 : memref<10000x128xf32, #tpu.memory_space<hbm>>) target(%arg10 : memref<80x128xf32, #tpu.memory_space<vmem>>) offsets(%dma_start3A_91 : memref<80xi32, #tpu.memory_space<vmem>>) semaphore(%arg13 : memref<!tpu.dma_semaphore, #tpu.memory_space<semaphore_mem>>)
        } else {
        }
        %add3A_85 = arith.constant 1 : i32
        %add3A_86 = arith.addi %mul3A_57, %add3A_85 : i32
        "tpu.region"() ({
          %run_scoped3A = tpu.sem_alloc : memref<!tpu.dma_semaphore, #tpu.memory_space<semaphore_mem>>
          %dma_start3A_87 = arith.constant 0 : i32
          %dma_start3A_88 = tpu.memref_slice %arg9[%add3A_86, %dma_start3A_87] : memref<64x80xi32, #tpu.memory_space<vmem>> -> memref<1x80xi32, #tpu.memory_space<vmem>>
          %dma_start3A_89 = tpu.memref_squeeze %dma_start3A_88 : memref<1x80xi32, #tpu.memory_space<vmem>> -> memref<80xi32, #tpu.memory_space<vmem>>
          %dma_start3A_90 = arith.constant 0 : i32
          %dma_start3A_91 = arith.constant 0 : i32
          %dma_start3A_92 = tpu.memref_slice %arg12[%dma_start3A_90, %dma_start3A_91] : memref<10016x128xf32, #tpu.memory_space<vmem_shared>> -> memref<10016x128xf32, #tpu.memory_space<vmem_shared>>
          tpu.enqueue_indirect_dma source(%arg11 : memref<80x128xf32, #tpu.memory_space<vmem>>) target(%dma_start3A_92 : memref<10016x128xf32, #tpu.memory_space<vmem_shared>>) offsets(%dma_start3A_89 : memref<80xi32, #tpu.memory_space<vmem>>) semaphore(%run_scoped3A : memref<!tpu.dma_semaphore, #tpu.memory_space<semaphore_mem>>) {add = true}
          %dma_wait3A_93 = arith.constant 0 : i32
          %dma_wait3A_94 = tpu.memref_slice %arg9[%add3A_86, %dma_wait3A_93] : memref<64x80xi32, #tpu.memory_space<vmem>> -> memref<1x80xi32, #tpu.memory_space<vmem>>
          %dma_wait3A_95 = tpu.memref_squeeze %dma_wait3A_94 : memref<1x80xi32, #tpu.memory_space<vmem>> -> memref<80xi32, #tpu.memory_space<vmem>>
          %dma_wait3A_96 = arith.constant 0 : i32
          %dma_wait3A_97 = arith.constant 0 : i32
          %dma_wait3A_98 = tpu.memref_slice %arg12[%dma_wait3A_96, %dma_wait3A_97] : memref<10016x128xf32, #tpu.memory_space<vmem_shared>> -> memref<10016x128xf32, #tpu.memory_space<vmem_shared>>
          tpu.wait_indirect_dma semaphore(%run_scoped3A : memref<!tpu.dma_semaphore, #tpu.memory_space<semaphore_mem>>) src(%arg11 : memref<80x128xf32, #tpu.memory_space<vmem>>) dst(%dma_wait3A_98 : memref<10016x128xf32, #tpu.memory_space<vmem_shared>>)
          tpu.yield
        }) : () -> ()
      }
      %scan3A_27 = arith.constant 32 : i32
      "tpu.region"() ({
        %run_scoped3A = tpu.sem_alloc : memref<!tpu.dma_semaphore, #tpu.memory_space<semaphore_mem>>
        %dma_start3A_55 = arith.constant 0 : i32
        %dma_start3A_56 = arith.constant 0 : i32
        %dma_start3A_57 = tpu.memref_slice %arg8[%dma_start3A_55, %dma_start3A_56] : memref<64x80xi32, #tpu.memory_space<vmem>> -> memref<62x80xi32, #tpu.memory_space<vmem>>
        %dma_start3A_58 = arith.constant 0 : i32
        %dma_start3A_59 = arith.constant 0 : i32
        %dma_start3A_60 = tpu.memref_slice %arg4[%arg1, %dma_start3A_58, %dma_start3A_59] : memref<16x126x80xi32, #tpu.memory_space<hbm>> -> memref<1x126x80xi32, #tpu.memory_space<hbm>>
        %dma_start3A_61 = tpu.memref_squeeze %dma_start3A_60 : memref<1x126x80xi32, #tpu.memory_space<hbm>> -> memref<126x80xi32, #tpu.memory_space<hbm>>
        %dma_start3A_62 = arith.constant 64 : i32
        %dma_start3A_63 = arith.constant 0 : i32
        %dma_start3A_64 = tpu.memref_slice %dma_start3A_61[%dma_start3A_62, %dma_start3A_63] : memref<126x80xi32, #tpu.memory_space<hbm>> -> memref<62x80xi32, #tpu.memory_space<hbm>>
        %dma_start3A_65 = arith.constant 0 : i32
        %dma_start3A_66 = arith.constant 0 : i32
        %dma_start3A_67 = tpu.memref_slice %arg8[%dma_start3A_65, %dma_start3A_66] : memref<64x80xi32, #tpu.memory_space<vmem>> -> memref<62x80xi32, #tpu.memory_space<vmem>>
        %dma_start3A_68 = arith.constant 0 : i32
        %dma_start3A_69 = arith.constant 0 : i32
        %dma_start3A_70 = tpu.memref_slice %arg4[%arg1, %dma_start3A_68, %dma_start3A_69] : memref<16x126x80xi32, #tpu.memory_space<hbm>> -> memref<1x126x80xi32, #tpu.memory_space<hbm>>
        %dma_start3A_71 = tpu.memref_squeeze %dma_start3A_70 : memref<1x126x80xi32, #tpu.memory_space<hbm>> -> memref<126x80xi32, #tpu.memory_space<hbm>>
        %dma_start3A_72 = arith.constant 64 : i32
        %dma_start3A_73 = arith.constant 0 : i32
        %dma_start3A_74 = tpu.memref_slice %dma_start3A_71[%dma_start3A_72, %dma_start3A_73] : memref<126x80xi32, #tpu.memory_space<hbm>> -> memref<62x80xi32, #tpu.memory_space<hbm>>
        tpu.enqueue_dma source(%dma_start3A_74 : memref<62x80xi32, #tpu.memory_space<hbm>>) target(%dma_start3A_67 : memref<62x80xi32, #tpu.memory_space<vmem>>) target_semaphore(%run_scoped3A : memref<!tpu.dma_semaphore, #tpu.memory_space<semaphore_mem>>)
        %dma_wait3A = arith.constant 0 : i32
        %dma_wait3A_75 = arith.constant 0 : i32
        %dma_wait3A_76 = tpu.memref_slice %arg8[%dma_wait3A, %dma_wait3A_75] : memref<64x80xi32, #tpu.memory_space<vmem>> -> memref<62x80xi32, #tpu.memory_space<vmem>>
        %dma_wait3A_77 = arith.constant 0 : i32
        %dma_wait3A_78 = arith.constant 0 : i32
        %dma_wait3A_79 = tpu.memref_slice %arg4[%arg1, %dma_wait3A_77, %dma_wait3A_78] : memref<16x126x80xi32, #tpu.memory_space<hbm>> -> memref<1x126x80xi32, #tpu.memory_space<hbm>>
        %dma_wait3A_80 = tpu.memref_squeeze %dma_wait3A_79 : memref<1x126x80xi32, #tpu.memory_space<hbm>> -> memref<126x80xi32, #tpu.memory_space<hbm>>
        %dma_wait3A_81 = arith.constant 64 : i32
        %dma_wait3A_82 = arith.constant 0 : i32
        %dma_wait3A_83 = tpu.memref_slice %dma_wait3A_80[%dma_wait3A_81, %dma_wait3A_82] : memref<126x80xi32, #tpu.memory_space<hbm>> -> memref<62x80xi32, #tpu.memory_space<hbm>>
        %dma_wait3A_84 = arith.constant 0 : i32
        %dma_wait3A_85 = arith.constant 0 : i32
        %dma_wait3A_86 = tpu.memref_slice %arg8[%dma_wait3A_84, %dma_wait3A_85] : memref<64x80xi32, #tpu.memory_space<vmem>> -> memref<62x80xi32, #tpu.memory_space<vmem>>
        %dma_wait3A_87 = arith.constant 0 : i32
        %dma_wait3A_88 = arith.constant 0 : i32
        %dma_wait3A_89 = tpu.memref_slice %arg4[%arg1, %dma_wait3A_87, %dma_wait3A_88] : memref<16x126x80xi32, #tpu.memory_space<hbm>> -> memref<1x126x80xi32, #tpu.memory_space<hbm>>
        %dma_wait3A_90 = tpu.memref_squeeze %dma_wait3A_89 : memref<1x126x80xi32, #tpu.memory_space<hbm>> -> memref<126x80xi32, #tpu.memory_space<hbm>>
        %dma_wait3A_91 = arith.constant 64 : i32
        %dma_wait3A_92 = arith.constant 0 : i32
        %dma_wait3A_93 = tpu.memref_slice %dma_wait3A_90[%dma_wait3A_91, %dma_wait3A_92] : memref<126x80xi32, #tpu.memory_space<hbm>> -> memref<62x80xi32, #tpu.memory_space<hbm>>
        tpu.wait_dma2 semaphore(%run_scoped3A : memref<!tpu.dma_semaphore, #tpu.memory_space<semaphore_mem>>) src(%dma_wait3A_93 : memref<62x80xi32, #tpu.memory_space<hbm>>) dst(%dma_wait3A_86 : memref<62x80xi32, #tpu.memory_space<vmem>>)
        tpu.yield
      }) : () -> ()
      "tpu.region"() ({
        %run_scoped3A = tpu.sem_alloc : memref<!tpu.dma_semaphore, #tpu.memory_space<semaphore_mem>>
        %dma_start3A_55 = arith.constant 0 : i32
        %dma_start3A_56 = arith.constant 0 : i32
        %dma_start3A_57 = tpu.memref_slice %arg9[%dma_start3A_55, %dma_start3A_56] : memref<64x80xi32, #tpu.memory_space<vmem>> -> memref<62x80xi32, #tpu.memory_space<vmem>>
        %dma_start3A_58 = arith.constant 0 : i32
        %dma_start3A_59 = arith.constant 0 : i32
        %dma_start3A_60 = tpu.memref_slice %arg5[%arg1, %dma_start3A_58, %dma_start3A_59] : memref<16x126x80xi32, #tpu.memory_space<hbm>> -> memref<1x126x80xi32, #tpu.memory_space<hbm>>
        %dma_start3A_61 = tpu.memref_squeeze %dma_start3A_60 : memref<1x126x80xi32, #tpu.memory_space<hbm>> -> memref<126x80xi32, #tpu.memory_space<hbm>>
        %dma_start3A_62 = arith.constant 64 : i32
        %dma_start3A_63 = arith.constant 0 : i32
        %dma_start3A_64 = tpu.memref_slice %dma_start3A_61[%dma_start3A_62, %dma_start3A_63] : memref<126x80xi32, #tpu.memory_space<hbm>> -> memref<62x80xi32, #tpu.memory_space<hbm>>
        %dma_start3A_65 = arith.constant 0 : i32
        %dma_start3A_66 = arith.constant 0 : i32
        %dma_start3A_67 = tpu.memref_slice %arg9[%dma_start3A_65, %dma_start3A_66] : memref<64x80xi32, #tpu.memory_space<vmem>> -> memref<62x80xi32, #tpu.memory_space<vmem>>
        %dma_start3A_68 = arith.constant 0 : i32
        %dma_start3A_69 = arith.constant 0 : i32
        %dma_start3A_70 = tpu.memref_slice %arg5[%arg1, %dma_start3A_68, %dma_start3A_69] : memref<16x126x80xi32, #tpu.memory_space<hbm>> -> memref<1x126x80xi32, #tpu.memory_space<hbm>>
        %dma_start3A_71 = tpu.memref_squeeze %dma_start3A_70 : memref<1x126x80xi32, #tpu.memory_space<hbm>> -> memref<126x80xi32, #tpu.memory_space<hbm>>
        %dma_start3A_72 = arith.constant 64 : i32
        %dma_start3A_73 = arith.constant 0 : i32
        %dma_start3A_74 = tpu.memref_slice %dma_start3A_71[%dma_start3A_72, %dma_start3A_73] : memref<126x80xi32, #tpu.memory_space<hbm>> -> memref<62x80xi32, #tpu.memory_space<hbm>>
        tpu.enqueue_dma source(%dma_start3A_74 : memref<62x80xi32, #tpu.memory_space<hbm>>) target(%dma_start3A_67 : memref<62x80xi32, #tpu.memory_space<vmem>>) target_semaphore(%run_scoped3A : memref<!tpu.dma_semaphore, #tpu.memory_space<semaphore_mem>>)
        %dma_wait3A = arith.constant 0 : i32
        %dma_wait3A_75 = arith.constant 0 : i32
        %dma_wait3A_76 = tpu.memref_slice %arg9[%dma_wait3A, %dma_wait3A_75] : memref<64x80xi32, #tpu.memory_space<vmem>> -> memref<62x80xi32, #tpu.memory_space<vmem>>
        %dma_wait3A_77 = arith.constant 0 : i32
        %dma_wait3A_78 = arith.constant 0 : i32
        %dma_wait3A_79 = tpu.memref_slice %arg5[%arg1, %dma_wait3A_77, %dma_wait3A_78] : memref<16x126x80xi32, #tpu.memory_space<hbm>> -> memref<1x126x80xi32, #tpu.memory_space<hbm>>
        %dma_wait3A_80 = tpu.memref_squeeze %dma_wait3A_79 : memref<1x126x80xi32, #tpu.memory_space<hbm>> -> memref<126x80xi32, #tpu.memory_space<hbm>>
        %dma_wait3A_81 = arith.constant 64 : i32
        %dma_wait3A_82 = arith.constant 0 : i32
        %dma_wait3A_83 = tpu.memref_slice %dma_wait3A_80[%dma_wait3A_81, %dma_wait3A_82] : memref<126x80xi32, #tpu.memory_space<hbm>> -> memref<62x80xi32, #tpu.memory_space<hbm>>
        %dma_wait3A_84 = arith.constant 0 : i32
        %dma_wait3A_85 = arith.constant 0 : i32
        %dma_wait3A_86 = tpu.memref_slice %arg9[%dma_wait3A_84, %dma_wait3A_85] : memref<64x80xi32, #tpu.memory_space<vmem>> -> memref<62x80xi32, #tpu.memory_space<vmem>>
        %dma_wait3A_87 = arith.constant 0 : i32
        %dma_wait3A_88 = arith.constant 0 : i32
        %dma_wait3A_89 = tpu.memref_slice %arg5[%arg1, %dma_wait3A_87, %dma_wait3A_88] : memref<16x126x80xi32, #tpu.memory_space<hbm>> -> memref<1x126x80xi32, #tpu.memory_space<hbm>>
        %dma_wait3A_90 = tpu.memref_squeeze %dma_wait3A_89 : memref<1x126x80xi32, #tpu.memory_space<hbm>> -> memref<126x80xi32, #tpu.memory_space<hbm>>
        %dma_wait3A_91 = arith.constant 64 : i32
        %dma_wait3A_92 = arith.constant 0 : i32
        %dma_wait3A_93 = tpu.memref_slice %dma_wait3A_90[%dma_wait3A_91, %dma_wait3A_92] : memref<126x80xi32, #tpu.memory_space<hbm>> -> memref<62x80xi32, #tpu.memory_space<hbm>>
        tpu.wait_dma2 semaphore(%run_scoped3A : memref<!tpu.dma_semaphore, #tpu.memory_space<semaphore_mem>>) src(%dma_wait3A_93 : memref<62x80xi32, #tpu.memory_space<hbm>>) dst(%dma_wait3A_86 : memref<62x80xi32, #tpu.memory_space<vmem>>)
        tpu.yield
      }) : () -> ()
      %dma_start3A_28 = arith.constant 0 : i32
      %dma_start3A_29 = arith.constant 0 : i32
      %dma_start3A_30 = tpu.memref_slice %arg8[%dma_start3A_28, %dma_start3A_29] : memref<64x80xi32, #tpu.memory_space<vmem>> -> memref<1x80xi32, #tpu.memory_space<vmem>>
      %dma_start3A_31 = tpu.memref_squeeze %dma_start3A_30 : memref<1x80xi32, #tpu.memory_space<vmem>> -> memref<80xi32, #tpu.memory_space<vmem>>
      %dma_start3A_32 = arith.constant 0 : i32
      %dma_start3A_33 = arith.constant 0 : i32
      %dma_start3A_34 = tpu.memref_slice %arg3[%dma_start3A_32, %dma_start3A_33] : memref<10000x128xf32, #tpu.memory_space<hbm>> -> memref<10000x128xf32, #tpu.memory_space<hbm>>
      tpu.enqueue_indirect_dma source(%dma_start3A_34 : memref<10000x128xf32, #tpu.memory_space<hbm>>) target(%arg10 : memref<80x128xf32, #tpu.memory_space<vmem>>) offsets(%dma_start3A_31 : memref<80xi32, #tpu.memory_space<vmem>>) semaphore(%arg13 : memref<!tpu.dma_semaphore, #tpu.memory_space<semaphore_mem>>)
      %scan3A_35 = arith.constant 0 : i32
      %scan3A_36 = arith.constant 0 : i32
      %scan3A_37 = arith.constant 31 : i32
      %scan3A_38 = arith.addi %scan3A_36, %scan3A_37 : i32
      %scan3A_39 = arith.constant 1 : i32
      scf.for %scan3A_55 = %scan3A_36 to %scan3A_38 step %scan3A_39  : i32 {
        %mul3A_56 = arith.constant 2 : i32
        %mul3A_57 = arith.muli %mul3A_56, %scan3A_55 : i32
        %dma_wait3A = arith.constant 0 : i32
        %dma_wait3A_58 = arith.constant 0 : i32
        %dma_wait3A_59 = tpu.memref_slice %arg8[%dma_wait3A, %dma_wait3A_58] : memref<64x80xi32, #tpu.memory_space<vmem>> -> memref<1x80xi32, #tpu.memory_space<vmem>>
        %dma_wait3A_60 = tpu.memref_squeeze %dma_wait3A_59 : memref<1x80xi32, #tpu.memory_space<vmem>> -> memref<80xi32, #tpu.memory_space<vmem>>
        %dma_wait3A_61 = arith.constant 0 : i32
        %dma_wait3A_62 = arith.constant 0 : i32
        %dma_wait3A_63 = tpu.memref_slice %arg3[%dma_wait3A_61, %dma_wait3A_62] : memref<10000x128xf32, #tpu.memory_space<hbm>> -> memref<10000x128xf32, #tpu.memory_space<hbm>>
        tpu.wait_indirect_dma semaphore(%arg13 : memref<!tpu.dma_semaphore, #tpu.memory_space<semaphore_mem>>) src(%dma_wait3A_63 : memref<10000x128xf32, #tpu.memory_space<hbm>>) dst(%arg10 : memref<80x128xf32, #tpu.memory_space<vmem>>)
        %add3A = arith.constant 1 : i32
        %add3A_64 = arith.addi %mul3A_57, %add3A : i32
        %dma_start3A_65 = arith.constant 0 : i32
        %dma_start3A_66 = tpu.memref_slice %arg8[%add3A_64, %dma_start3A_65] : memref<64x80xi32, #tpu.memory_space<vmem>> -> memref<1x80xi32, #tpu.memory_space<vmem>>
        %dma_start3A_67 = tpu.memref_squeeze %dma_start3A_66 : memref<1x80xi32, #tpu.memory_space<vmem>> -> memref<80xi32, #tpu.memory_space<vmem>>
        %dma_start3A_68 = arith.constant 0 : i32
        %dma_start3A_69 = arith.constant 0 : i32
        %dma_start3A_70 = tpu.memref_slice %arg3[%dma_start3A_68, %dma_start3A_69] : memref<10000x128xf32, #tpu.memory_space<hbm>> -> memref<10000x128xf32, #tpu.memory_space<hbm>>
        tpu.enqueue_indirect_dma source(%dma_start3A_70 : memref<10000x128xf32, #tpu.memory_space<hbm>>) target(%arg11 : memref<80x128xf32, #tpu.memory_space<vmem>>) offsets(%dma_start3A_67 : memref<80xi32, #tpu.memory_space<vmem>>) semaphore(%arg14 : memref<!tpu.dma_semaphore, #tpu.memory_space<semaphore_mem>>)
        "tpu.region"() ({
          %run_scoped3A = tpu.sem_alloc : memref<!tpu.dma_semaphore, #tpu.memory_space<semaphore_mem>>
          %dma_start3A_87 = arith.constant 0 : i32
          %dma_start3A_88 = tpu.memref_slice %arg9[%mul3A_57, %dma_start3A_87] : memref<64x80xi32, #tpu.memory_space<vmem>> -> memref<1x80xi32, #tpu.memory_space<vmem>>
          %dma_start3A_89 = tpu.memref_squeeze %dma_start3A_88 : memref<1x80xi32, #tpu.memory_space<vmem>> -> memref<80xi32, #tpu.memory_space<vmem>>
          %dma_start3A_90 = arith.constant 0 : i32
          %dma_start3A_91 = arith.constant 0 : i32
          %dma_start3A_92 = tpu.memref_slice %arg12[%dma_start3A_90, %dma_start3A_91] : memref<10016x128xf32, #tpu.memory_space<vmem_shared>> -> memref<10016x128xf32, #tpu.memory_space<vmem_shared>>
          tpu.enqueue_indirect_dma source(%arg10 : memref<80x128xf32, #tpu.memory_space<vmem>>) target(%dma_start3A_92 : memref<10016x128xf32, #tpu.memory_space<vmem_shared>>) offsets(%dma_start3A_89 : memref<80xi32, #tpu.memory_space<vmem>>) semaphore(%run_scoped3A : memref<!tpu.dma_semaphore, #tpu.memory_space<semaphore_mem>>) {add = true}
          %dma_wait3A_93 = arith.constant 0 : i32
          %dma_wait3A_94 = tpu.memref_slice %arg9[%mul3A_57, %dma_wait3A_93] : memref<64x80xi32, #tpu.memory_space<vmem>> -> memref<1x80xi32, #tpu.memory_space<vmem>>
          %dma_wait3A_95 = tpu.memref_squeeze %dma_wait3A_94 : memref<1x80xi32, #tpu.memory_space<vmem>> -> memref<80xi32, #tpu.memory_space<vmem>>
          %dma_wait3A_96 = arith.constant 0 : i32
          %dma_wait3A_97 = arith.constant 0 : i32
          %dma_wait3A_98 = tpu.memref_slice %arg12[%dma_wait3A_96, %dma_wait3A_97] : memref<10016x128xf32, #tpu.memory_space<vmem_shared>> -> memref<10016x128xf32, #tpu.memory_space<vmem_shared>>
          tpu.wait_indirect_dma semaphore(%run_scoped3A : memref<!tpu.dma_semaphore, #tpu.memory_space<semaphore_mem>>) src(%arg10 : memref<80x128xf32, #tpu.memory_space<vmem>>) dst(%dma_wait3A_98 : memref<10016x128xf32, #tpu.memory_space<vmem_shared>>)
          tpu.yield
        }) : () -> ()
        %dma_wait3A_71 = arith.constant 0 : i32
        %dma_wait3A_72 = arith.constant 0 : i32
        %dma_wait3A_73 = tpu.memref_slice %arg8[%dma_wait3A_71, %dma_wait3A_72] : memref<64x80xi32, #tpu.memory_space<vmem>> -> memref<1x80xi32, #tpu.memory_space<vmem>>
        %dma_wait3A_74 = tpu.memref_squeeze %dma_wait3A_73 : memref<1x80xi32, #tpu.memory_space<vmem>> -> memref<80xi32, #tpu.memory_space<vmem>>
        %dma_wait3A_75 = arith.constant 0 : i32
        %dma_wait3A_76 = arith.constant 0 : i32
        %dma_wait3A_77 = tpu.memref_slice %arg3[%dma_wait3A_75, %dma_wait3A_76] : memref<10000x128xf32, #tpu.memory_space<hbm>> -> memref<10000x128xf32, #tpu.memory_space<hbm>>
        tpu.wait_indirect_dma semaphore(%arg14 : memref<!tpu.dma_semaphore, #tpu.memory_space<semaphore_mem>>) src(%dma_wait3A_77 : memref<10000x128xf32, #tpu.memory_space<hbm>>) dst(%arg11 : memref<80x128xf32, #tpu.memory_space<vmem>>)
        %add3A_78 = arith.constant 2 : i32
        %add3A_79 = arith.addi %mul3A_57, %add3A_78 : i32
        %lt3A_80 = arith.constant 62 : i32
        %lt3A_81 = arith.cmpi slt, %add3A_79, %lt3A_80 : i32
        %convert_element_type3A_82 = arith.extui %lt3A_81 : i1 to i32
        %cond3A_83 = arith.constant 0 : i32
        %cond3A_84 = arith.cmpi ne, %convert_element_type3A_82, %cond3A_83 : i32
        scf.if %cond3A_84 {
          %add3A_87 = arith.constant 2 : i32
          %add3A_88 = arith.addi %mul3A_57, %add3A_87 : i32
          %dma_start3A_89 = arith.constant 0 : i32
          %dma_start3A_90 = tpu.memref_slice %arg8[%add3A_88, %dma_start3A_89] : memref<64x80xi32, #tpu.memory_space<vmem>> -> memref<1x80xi32, #tpu.memory_space<vmem>>
          %dma_start3A_91 = tpu.memref_squeeze %dma_start3A_90 : memref<1x80xi32, #tpu.memory_space<vmem>> -> memref<80xi32, #tpu.memory_space<vmem>>
          %dma_start3A_92 = arith.constant 0 : i32
          %dma_start3A_93 = arith.constant 0 : i32
          %dma_start3A_94 = tpu.memref_slice %arg3[%dma_start3A_92, %dma_start3A_93] : memref<10000x128xf32, #tpu.memory_space<hbm>> -> memref<10000x128xf32, #tpu.memory_space<hbm>>
          tpu.enqueue_indirect_dma source(%dma_start3A_94 : memref<10000x128xf32, #tpu.memory_space<hbm>>) target(%arg10 : memref<80x128xf32, #tpu.memory_space<vmem>>) offsets(%dma_start3A_91 : memref<80xi32, #tpu.memory_space<vmem>>) semaphore(%arg13 : memref<!tpu.dma_semaphore, #tpu.memory_space<semaphore_mem>>)
        } else {
        }
        %add3A_85 = arith.constant 1 : i32
        %add3A_86 = arith.addi %mul3A_57, %add3A_85 : i32
        "tpu.region"() ({
          %run_scoped3A = tpu.sem_alloc : memref<!tpu.dma_semaphore, #tpu.memory_space<semaphore_mem>>
          %dma_start3A_87 = arith.constant 0 : i32
          %dma_start3A_88 = tpu.memref_slice %arg9[%add3A_86, %dma_start3A_87] : memref<64x80xi32, #tpu.memory_space<vmem>> -> memref<1x80xi32, #tpu.memory_space<vmem>>
          %dma_start3A_89 = tpu.memref_squeeze %dma_start3A_88 : memref<1x80xi32, #tpu.memory_space<vmem>> -> memref<80xi32, #tpu.memory_space<vmem>>
          %dma_start3A_90 = arith.constant 0 : i32
          %dma_start3A_91 = arith.constant 0 : i32
          %dma_start3A_92 = tpu.memref_slice %arg12[%dma_start3A_90, %dma_start3A_91] : memref<10016x128xf32, #tpu.memory_space<vmem_shared>> -> memref<10016x128xf32, #tpu.memory_space<vmem_shared>>
          tpu.enqueue_indirect_dma source(%arg11 : memref<80x128xf32, #tpu.memory_space<vmem>>) target(%dma_start3A_92 : memref<10016x128xf32, #tpu.memory_space<vmem_shared>>) offsets(%dma_start3A_89 : memref<80xi32, #tpu.memory_space<vmem>>) semaphore(%run_scoped3A : memref<!tpu.dma_semaphore, #tpu.memory_space<semaphore_mem>>) {add = true}
          %dma_wait3A_93 = arith.constant 0 : i32
          %dma_wait3A_94 = tpu.memref_slice %arg9[%add3A_86, %dma_wait3A_93] : memref<64x80xi32, #tpu.memory_space<vmem>> -> memref<1x80xi32, #tpu.memory_space<vmem>>
          %dma_wait3A_95 = tpu.memref_squeeze %dma_wait3A_94 : memref<1x80xi32, #tpu.memory_space<vmem>> -> memref<80xi32, #tpu.memory_space<vmem>>
          %dma_wait3A_96 = arith.constant 0 : i32
          %dma_wait3A_97 = arith.constant 0 : i32
          %dma_wait3A_98 = tpu.memref_slice %arg12[%dma_wait3A_96, %dma_wait3A_97] : memref<10016x128xf32, #tpu.memory_space<vmem_shared>> -> memref<10016x128xf32, #tpu.memory_space<vmem_shared>>
          tpu.wait_indirect_dma semaphore(%run_scoped3A : memref<!tpu.dma_semaphore, #tpu.memory_space<semaphore_mem>>) src(%arg11 : memref<80x128xf32, #tpu.memory_space<vmem>>) dst(%dma_wait3A_98 : memref<10016x128xf32, #tpu.memory_space<vmem_shared>>)
          tpu.yield
        }) : () -> ()
      }
      %scan3A_40 = arith.constant 31 : i32
      %barrier3A_41 = arith.constant 0 : index
      tpu.barrier barrier_id(%barrier3A_41)
      %mul3A_42 = arith.constant 632 : i32
      %mul3A_43 = arith.muli %arg1, %mul3A_42 : i32
      %multiple_of3A_44 = tpu.assume_multiple %mul3A_43, 8 : i32
      %lt3A_45 = arith.constant 15 : i32
      %lt3A_46 = arith.cmpi slt, %arg1, %lt3A_45 : i32
      %convert_element_type3A_47 = arith.extui %lt3A_46 : i1 to i32
      %cond3A_48 = arith.constant 0 : i32
      %cond3A_49 = arith.cmpi ne, %convert_element_type3A_47, %cond3A_48 : i32
      scf.if %cond3A_49 {
        "tpu.region"() ({
          %run_scoped3A = tpu.sem_alloc : memref<!tpu.dma_semaphore, #tpu.memory_space<semaphore_mem>>
          %dma_start3A_55 = arith.constant 0 : i32
          %dma_start3A_56 = tpu.memref_slice %arg7[%multiple_of3A_44, %dma_start3A_55] : memref<10000x128xf32, #tpu.memory_space<hbm>> -> memref<632x128xf32, #tpu.memory_space<hbm>>
          %dma_start3A_57 = arith.constant 0 : i32
          %dma_start3A_58 = tpu.memref_slice %arg12[%multiple_of3A_44, %dma_start3A_57] : memref<10016x128xf32, #tpu.memory_space<vmem_shared>> -> memref<632x128xf32, #tpu.memory_space<vmem_shared>>
          tpu.enqueue_dma source(%dma_start3A_58 : memref<632x128xf32, #tpu.memory_space<vmem_shared>>) target(%dma_start3A_56 : memref<632x128xf32, #tpu.memory_space<hbm>>) target_semaphore(%run_scoped3A : memref<!tpu.dma_semaphore, #tpu.memory_space<semaphore_mem>>)
          %dma_wait3A = arith.constant 0 : i32
          %dma_wait3A_59 = tpu.memref_slice %arg7[%multiple_of3A_44, %dma_wait3A] : memref<10000x128xf32, #tpu.memory_space<hbm>> -> memref<632x128xf32, #tpu.memory_space<hbm>>
          %dma_wait3A_60 = arith.constant 0 : i32
          %dma_wait3A_61 = tpu.memref_slice %arg12[%multiple_of3A_44, %dma_wait3A_60] : memref<10016x128xf32, #tpu.memory_space<vmem_shared>> -> memref<632x128xf32, #tpu.memory_space<vmem_shared>>
          tpu.wait_dma2 semaphore(%run_scoped3A : memref<!tpu.dma_semaphore, #tpu.memory_space<semaphore_mem>>) src(%dma_wait3A_61 : memref<632x128xf32, #tpu.memory_space<vmem_shared>>) dst(%dma_wait3A_59 : memref<632x128xf32, #tpu.memory_space<hbm>>)
          tpu.yield
        }) : () -> ()
      } else {
      }
      %eq3A_50 = arith.constant 15 : i32
      %eq3A_51 = arith.cmpi eq, %arg1, %eq3A_50 : i32
      %convert_element_type3A_52 = arith.extui %eq3A_51 : i1 to i32
      %cond3A_53 = arith.constant 0 : i32
      %cond3A_54 = arith.cmpi ne, %convert_element_type3A_52, %cond3A_53 : i32
      scf.if %cond3A_54 {
        "tpu.region"() ({
          %run_scoped3A = tpu.sem_alloc : memref<!tpu.dma_semaphore, #tpu.memory_space<semaphore_mem>>
          %dma_start3A_55 = arith.constant 9480 : i32
          %dma_start3A_56 = arith.constant 0 : i32
          %dma_start3A_57 = tpu.memref_slice %arg7[%dma_start3A_55, %dma_start3A_56] : memref<10000x128xf32, #tpu.memory_space<hbm>> -> memref<520x128xf32, #tpu.memory_space<hbm>>
          %dma_start3A_58 = arith.constant 9480 : i32
          %dma_start3A_59 = arith.constant 0 : i32
          %dma_start3A_60 = tpu.memref_slice %arg12[%dma_start3A_58, %dma_start3A_59] : memref<10016x128xf32, #tpu.memory_space<vmem_shared>> -> memref<520x128xf32, #tpu.memory_space<vmem_shared>>
          tpu.enqueue_dma source(%dma_start3A_60 : memref<520x128xf32, #tpu.memory_space<vmem_shared>>) target(%dma_start3A_57 : memref<520x128xf32, #tpu.memory_space<hbm>>) target_semaphore(%run_scoped3A : memref<!tpu.dma_semaphore, #tpu.memory_space<semaphore_mem>>)
          %dma_wait3A = arith.constant 9480 : i32
          %dma_wait3A_61 = arith.constant 0 : i32
          %dma_wait3A_62 = tpu.memref_slice %arg7[%dma_wait3A, %dma_wait3A_61] : memref<10000x128xf32, #tpu.memory_space<hbm>> -> memref<520x128xf32, #tpu.memory_space<hbm>>
          %dma_wait3A_63 = arith.constant 9480 : i32
          %dma_wait3A_64 = arith.constant 0 : i32
          %dma_wait3A_65 = tpu.memref_slice %arg12[%dma_wait3A_63, %dma_wait3A_64] : memref<10016x128xf32, #tpu.memory_space<vmem_shared>> -> memref<520x128xf32, #tpu.memory_space<vmem_shared>>
          tpu.wait_dma2 semaphore(%run_scoped3A : memref<!tpu.dma_semaphore, #tpu.memory_space<semaphore_mem>>) src(%dma_wait3A_65 : memref<520x128xf32, #tpu.memory_space<vmem_shared>>) dst(%dma_wait3A_62 : memref<520x128xf32, #tpu.memory_space<hbm>>)
          tpu.yield
        }) : () -> ()
      } else {
      }
    } else {
    }
    return
  }
}

module attributes {stable_mosaic.version = 14 : i64} {
  func.func @_l1_body(%arg0: i32, %arg1: memref<1000x256xf32, #tpu.memory_space<vmem>>, %arg2: memref<256x512xf32, #tpu.memory_space<vmem>>, %arg3: memref<1000x128xf32, #tpu.memory_space<vmem>>, %arg4: memref<1000x128xf32, #tpu.memory_space<vmem>>, %arg5: memref<1000x128xf32, #tpu.memory_space<vmem>>, %arg6: memref<1000x128xf32, #tpu.memory_space<vmem>>, %arg7: memref<1000x128xf32, #tpu.memory_space<vmem>>, %arg8: memref<1000x128xf32, #tpu.memory_space<vmem>>) attributes {dimension_semantics = [#tpu.dimension_semantics<parallel>], iteration_bounds = array<i64: 10>, scalar_prefetch = 0 : i64, scratch_operands = 0 : i64, tpu.core_type = #tpu.core_type<tc>, window_params = [{transform_indices = @transform_0, window_bounds = array<i64: 1000, 256>}, {pipeline_mode = #tpu.pipeline_mode<synchronous>, transform_indices = @transform_1, window_bounds = array<i64: 256, 512>}, {transform_indices = @transform_2, window_bounds = array<i64: 1000, 128>}, {transform_indices = @transform_3, window_bounds = array<i64: 1000, 128>}, {transform_indices = @transform_4, window_bounds = array<i64: 1000, 128>}, {transform_indices = @transform_5, window_bounds = array<i64: 1000, 128>}, {transform_indices = @transform_6, window_bounds = array<i64: 1000, 128>}, {transform_indices = @transform_7, window_bounds = array<i64: 1000, 128>}]} {
    %get3A = arith.constant 0 : index
    %get3A_0 = arith.constant 0 : index
    %get3A_1 = vector.load %arg3[%get3A, %get3A_0] : memref<1000x128xf32, #tpu.memory_space<vmem>>, vector<1000x1xf32>
    %get3A_2 = arith.constant 0 : index
    %get3A_3 = arith.constant 0 : index
    %get3A_4 = vector.load %arg4[%get3A_2, %get3A_3] : memref<1000x128xf32, #tpu.memory_space<vmem>>, vector<1000x1xf32>
    %add3A = arith.addf %get3A_1, %get3A_4 : vector<1000x1xf32>
    %add3A_5 = arith.constant 1.000000e+00 : f32
    %add3A_6 = vector.broadcast %add3A_5 : f32 to vector<1000x1xf32>
    %add3A_7 = arith.addf %add3A, %add3A_6 : vector<1000x1xf32>
    %rsqrt3A = math.rsqrt %add3A_7 : vector<1000x1xf32>
    %get3A_8 = arith.constant 0 : index
    %get3A_9 = arith.constant 0 : index
    %get3A_10 = vector.load %arg1[%get3A_8, %get3A_9] : memref<1000x256xf32, #tpu.memory_space<vmem>>, vector<1000x256xf32>
    %get3A_11 = arith.constant 0 : index
    %get3A_12 = arith.constant 0 : index
    %get3A_13 = vector.load %arg2[%get3A_11, %get3A_12] : memref<256x512xf32, #tpu.memory_space<vmem>>, vector<256x512xf32>
    %dot_general3A = arith.constant dense<0.000000e+00> : vector<1000x512xf32>
    %dot_general3A_14 = tpu.matmul %get3A_10, %get3A_13, %dot_general3A {dimension_numbers = #tpu.dot_dimension_numbers<[1], [0], [0], [1], [0, 0, 1, 1], [], []>, transpose_lhs_hint = false} : vector<1000x256xf32>, vector<256x512xf32>, vector<1000x512xf32> -> vector<1000x512xf32>
    %mul3A = vector.broadcast %rsqrt3A : vector<1000x1xf32> to vector<1000x512xf32>
    %mul3A_15 = arith.mulf %dot_general3A_14, %mul3A : vector<1000x512xf32>
    %slice3A = vector.extract_strided_slice %mul3A_15 {offsets = [0, 0], sizes = [1000, 128], strides = [1, 1]} : vector<1000x512xf32> to vector<1000x128xf32>
    %swap3A = arith.constant 0 : index
    %swap3A_16 = arith.constant 0 : index
    %swap3A_17 = vector.load %arg5[%swap3A, %swap3A_16] : memref<1000x128xf32, #tpu.memory_space<vmem>>, vector<1000x128xf32>
    tpu.vector_store %arg5[%swap3A, %swap3A_16], %slice3A {strides = array<i32>} : memref<1000x128xf32, #tpu.memory_space<vmem>>, vector<1000x128xf32>,
    %slice3A_18 = vector.extract_strided_slice %mul3A_15 {offsets = [0, 128], sizes = [1000, 128], strides = [1, 1]} : vector<1000x512xf32> to vector<1000x128xf32>
    %swap3A_19 = arith.constant 0 : index
    %swap3A_20 = arith.constant 0 : index
    %swap3A_21 = vector.load %arg6[%swap3A_19, %swap3A_20] : memref<1000x128xf32, #tpu.memory_space<vmem>>, vector<1000x128xf32>
    tpu.vector_store %arg6[%swap3A_19, %swap3A_20], %slice3A_18 {strides = array<i32>} : memref<1000x128xf32, #tpu.memory_space<vmem>>, vector<1000x128xf32>,
    %slice3A_22 = vector.extract_strided_slice %mul3A_15 {offsets = [0, 256], sizes = [1000, 128], strides = [1, 1]} : vector<1000x512xf32> to vector<1000x128xf32>
    %swap3A_23 = arith.constant 0 : index
    %swap3A_24 = arith.constant 0 : index
    %swap3A_25 = vector.load %arg7[%swap3A_23, %swap3A_24] : memref<1000x128xf32, #tpu.memory_space<vmem>>, vector<1000x128xf32>
    tpu.vector_store %arg7[%swap3A_23, %swap3A_24], %slice3A_22 {strides = array<i32>} : memref<1000x128xf32, #tpu.memory_space<vmem>>, vector<1000x128xf32>,
    %slice3A_26 = vector.extract_strided_slice %mul3A_15 {offsets = [0, 384], sizes = [1000, 128], strides = [1, 1]} : vector<1000x512xf32> to vector<1000x128xf32>
    %swap3A_27 = arith.constant 0 : index
    %swap3A_28 = arith.constant 0 : index
    %swap3A_29 = vector.load %arg8[%swap3A_27, %swap3A_28] : memref<1000x128xf32, #tpu.memory_space<vmem>>, vector<1000x128xf32>
    tpu.vector_store %arg8[%swap3A_27, %swap3A_28], %slice3A_26 {strides = array<i32>} : memref<1000x128xf32, #tpu.memory_space<vmem>>, vector<1000x128xf32>,
    return
  }
  func.func @transform_0(%arg0: i32) -> (i32, i32) {
    %c0_i32 = arith.constant 0 : i32
    %c0_i32_0 = arith.constant 0 : i32
    return %arg0, %c0_i32 : i32, i32
  }
  func.func @transform_1(%arg0: i32) -> (i32, i32) {
    %c0_i32 = arith.constant 0 : i32
    %c0_i32_0 = arith.constant 0 : i32
    %c0_i32_1 = arith.constant 0 : i32
    return %c0_i32, %c0_i32_0 : i32, i32
  }
  func.func @transform_2(%arg0: i32) -> (i32, i32) {
    %c0_i32 = arith.constant 0 : i32
    %c0_i32_0 = arith.constant 0 : i32
    return %arg0, %c0_i32 : i32, i32
  }
  func.func @transform_3(%arg0: i32) -> (i32, i32) {
    %c0_i32 = arith.constant 0 : i32
    %c0_i32_0 = arith.constant 0 : i32
    return %arg0, %c0_i32 : i32, i32
  }
  func.func @transform_4(%arg0: i32) -> (i32, i32) {
    %c0_i32 = arith.constant 0 : i32
    %c0_i32_0 = arith.constant 0 : i32
    return %arg0, %c0_i32 : i32, i32
  }
  func.func @transform_5(%arg0: i32) -> (i32, i32) {
    %c0_i32 = arith.constant 0 : i32
    %c0_i32_0 = arith.constant 0 : i32
    return %arg0, %c0_i32 : i32, i32
  }
  func.func @transform_6(%arg0: i32) -> (i32, i32) {
    %c0_i32 = arith.constant 0 : i32
    %c0_i32_0 = arith.constant 0 : i32
    return %arg0, %c0_i32 : i32, i32
  }
  func.func @transform_7(%arg0: i32) -> (i32, i32) {
    %c0_i32 = arith.constant 0 : i32
    %c0_i32_0 = arith.constant 0 : i32
    return %arg0, %c0_i32 : i32, i32
  }
}

module attributes {stable_mosaic.version = 14 : i64} {
  func.func @_l2_body(%arg0: i32, %arg1: memref<1000x128xf32, #tpu.memory_space<vmem>>, %arg2: memref<1000x128xf32, #tpu.memory_space<vmem>>, %arg3: memref<1000x128xf32, #tpu.memory_space<vmem>>, %arg4: memref<1000x128xf32, #tpu.memory_space<vmem>>, %arg5: memref<1000x128xf32, #tpu.memory_space<vmem>>, %arg6: memref<1000x128xf32, #tpu.memory_space<vmem>>, %arg7: memref<1x512xf32, #tpu.memory_space<vmem>>, %arg8: memref<512x256xf32, #tpu.memory_space<vmem>>, %arg9: memref<1000x128xf32, #tpu.memory_space<vmem>>, %arg10: memref<1000x128xf32, #tpu.memory_space<vmem>>) attributes {dimension_semantics = [#tpu.dimension_semantics<parallel>], iteration_bounds = array<i64: 10>, scalar_prefetch = 0 : i64, scratch_operands = 0 : i64, tpu.core_type = #tpu.core_type<tc>, window_params = [{transform_indices = @transform_0, window_bounds = array<i64: 1000, 128>}, {transform_indices = @transform_1, window_bounds = array<i64: 1000, 128>}, {transform_indices = @transform_2, window_bounds = array<i64: 1000, 128>}, {transform_indices = @transform_3, window_bounds = array<i64: 1000, 128>}, {transform_indices = @transform_4, window_bounds = array<i64: 1000, 128>}, {transform_indices = @transform_5, window_bounds = array<i64: 1000, 128>}, {pipeline_mode = #tpu.pipeline_mode<synchronous>, transform_indices = @transform_6, window_bounds = array<i64: 1, 512>}, {pipeline_mode = #tpu.pipeline_mode<synchronous>, transform_indices = @transform_7, window_bounds = array<i64: 512, 256>}, {transform_indices = @transform_8, window_bounds = array<i64: 1000, 128>}, {transform_indices = @transform_9, window_bounds = array<i64: 1000, 128>}]} {
    %get3A = arith.constant 0 : index
    %get3A_0 = arith.constant 0 : index
    %get3A_1 = vector.load %arg5[%get3A, %get3A_0] : memref<1000x128xf32, #tpu.memory_space<vmem>>, vector<1000x1xf32>
    %get3A_2 = arith.constant 0 : index
    %get3A_3 = arith.constant 0 : index
    %get3A_4 = vector.load %arg6[%get3A_2, %get3A_3] : memref<1000x128xf32, #tpu.memory_space<vmem>>, vector<1000x1xf32>
    %add3A = arith.addf %get3A_1, %get3A_4 : vector<1000x1xf32>
    %add3A_5 = arith.constant 1.000000e+00 : f32
    %add3A_6 = vector.broadcast %add3A_5 : f32 to vector<1000x1xf32>
    %add3A_7 = arith.addf %add3A, %add3A_6 : vector<1000x1xf32>
    %rsqrt3A = math.rsqrt %add3A_7 : vector<1000x1xf32>
    %get3A_8 = arith.constant 0 : index
    %get3A_9 = arith.constant 0 : index
    %get3A_10 = vector.load %arg1[%get3A_8, %get3A_9] : memref<1000x128xf32, #tpu.memory_space<vmem>>, vector<1000x128xf32>
    %get3A_11 = arith.constant 0 : index
    %get3A_12 = arith.constant 0 : index
    %get3A_13 = vector.load %arg2[%get3A_11, %get3A_12] : memref<1000x128xf32, #tpu.memory_space<vmem>>, vector<1000x128xf32>
    %get3A_14 = arith.constant 0 : index
    %get3A_15 = arith.constant 0 : index
    %get3A_16 = vector.load %arg3[%get3A_14, %get3A_15] : memref<1000x128xf32, #tpu.memory_space<vmem>>, vector<1000x128xf32>
    %get3A_17 = arith.constant 0 : index
    %get3A_18 = arith.constant 0 : index
    %get3A_19 = vector.load %arg4[%get3A_17, %get3A_18] : memref<1000x128xf32, #tpu.memory_space<vmem>>, vector<1000x128xf32>
    %concatenate3A = tpu.concatenate %get3A_10, %get3A_13, %get3A_16, %get3A_19 in 1 : vector<1000x128xf32>, vector<1000x128xf32>, vector<1000x128xf32>, vector<1000x128xf32> -> vector<1000x512xf32>
    %mul3A = vector.broadcast %rsqrt3A : vector<1000x1xf32> to vector<1000x512xf32>
    %mul3A_20 = arith.mulf %concatenate3A, %mul3A : vector<1000x512xf32>
    %get3A_21 = arith.constant 0 : index
    %get3A_22 = arith.constant 0 : index
    %get3A_23 = vector.load %arg7[%get3A_21, %get3A_22] : memref<1x512xf32, #tpu.memory_space<vmem>>, vector<1x512xf32>
    %add3A_24 = vector.broadcast %get3A_23 : vector<1x512xf32> to vector<1000x512xf32>
    %add3A_25 = arith.addf %mul3A_20, %add3A_24 : vector<1000x512xf32>
    %max3A = arith.constant 0.000000e+00 : f32
    %max3A_26 = vector.broadcast %max3A : f32 to vector<1000x512xf32>
    %max3A_27 = arith.maximumf %add3A_25, %max3A_26 : vector<1000x512xf32>
    %get3A_28 = arith.constant 0 : index
    %get3A_29 = arith.constant 0 : index
    %get3A_30 = vector.load %arg8[%get3A_28, %get3A_29] : memref<512x256xf32, #tpu.memory_space<vmem>>, vector<512x256xf32>
    %dot_general3A = arith.constant dense<0.000000e+00> : vector<1000x256xf32>
    %dot_general3A_31 = tpu.matmul %max3A_27, %get3A_30, %dot_general3A {dimension_numbers = #tpu.dot_dimension_numbers<[1], [0], [0], [1], [0, 0, 1, 1], [], []>, transpose_lhs_hint = false} : vector<1000x512xf32>, vector<512x256xf32>, vector<1000x256xf32> -> vector<1000x256xf32>
    %mul3A_32 = vector.broadcast %rsqrt3A : vector<1000x1xf32> to vector<1000x256xf32>
    %mul3A_33 = arith.mulf %dot_general3A_31, %mul3A_32 : vector<1000x256xf32>
    %slice3A = vector.extract_strided_slice %mul3A_33 {offsets = [0, 0], sizes = [1000, 128], strides = [1, 1]} : vector<1000x256xf32> to vector<1000x128xf32>
    %swap3A = arith.constant 0 : index
    %swap3A_34 = arith.constant 0 : index
    %swap3A_35 = vector.load %arg9[%swap3A, %swap3A_34] : memref<1000x128xf32, #tpu.memory_space<vmem>>, vector<1000x128xf32>
    tpu.vector_store %arg9[%swap3A, %swap3A_34], %slice3A {strides = array<i32>} : memref<1000x128xf32, #tpu.memory_space<vmem>>, vector<1000x128xf32>,
    %slice3A_36 = vector.extract_strided_slice %mul3A_33 {offsets = [0, 128], sizes = [1000, 128], strides = [1, 1]} : vector<1000x256xf32> to vector<1000x128xf32>
    %swap3A_37 = arith.constant 0 : index
    %swap3A_38 = arith.constant 0 : index
    %swap3A_39 = vector.load %arg10[%swap3A_37, %swap3A_38] : memref<1000x128xf32, #tpu.memory_space<vmem>>, vector<1000x128xf32>
    tpu.vector_store %arg10[%swap3A_37, %swap3A_38], %slice3A_36 {strides = array<i32>} : memref<1000x128xf32, #tpu.memory_space<vmem>>, vector<1000x128xf32>,
    return
  }
  func.func @transform_0(%arg0: i32) -> (i32, i32) {
    %c0_i32 = arith.constant 0 : i32
    %c0_i32_0 = arith.constant 0 : i32
    return %arg0, %c0_i32 : i32, i32
  }
  func.func @transform_1(%arg0: i32) -> (i32, i32) {
    %c0_i32 = arith.constant 0 : i32
    %c0_i32_0 = arith.constant 0 : i32
    return %arg0, %c0_i32 : i32, i32
  }
  func.func @transform_2(%arg0: i32) -> (i32, i32) {
    %c0_i32 = arith.constant 0 : i32
    %c0_i32_0 = arith.constant 0 : i32
    return %arg0, %c0_i32 : i32, i32
  }
  func.func @transform_3(%arg0: i32) -> (i32, i32) {
    %c0_i32 = arith.constant 0 : i32
    %c0_i32_0 = arith.constant 0 : i32
    return %arg0, %c0_i32 : i32, i32
  }
  func.func @transform_4(%arg0: i32) -> (i32, i32) {
    %c0_i32 = arith.constant 0 : i32
    %c0_i32_0 = arith.constant 0 : i32
    return %arg0, %c0_i32 : i32, i32
  }
  func.func @transform_5(%arg0: i32) -> (i32, i32) {
    %c0_i32 = arith.constant 0 : i32
    %c0_i32_0 = arith.constant 0 : i32
    return %arg0, %c0_i32 : i32, i32
  }
  func.func @transform_6(%arg0: i32) -> (i32, i32) {
    %c0_i32 = arith.constant 0 : i32
    %c0_i32_0 = arith.constant 0 : i32
    %c0_i32_1 = arith.constant 0 : i32
    return %c0_i32, %c0_i32_0 : i32, i32
  }
  func.func @transform_7(%arg0: i32) -> (i32, i32) {
    %c0_i32 = arith.constant 0 : i32
    %c0_i32_0 = arith.constant 0 : i32
    %c0_i32_1 = arith.constant 0 : i32
    return %c0_i32, %c0_i32_0 : i32, i32
  }
  func.func @transform_8(%arg0: i32) -> (i32, i32) {
    %c0_i32 = arith.constant 0 : i32
    %c0_i32_0 = arith.constant 0 : i32
    return %arg0, %c0_i32 : i32, i32
  }
  func.func @transform_9(%arg0: i32) -> (i32, i32) {
    %c0_i32 = arith.constant 0 : i32
    %c0_i32_0 = arith.constant 0 : i32
    return %arg0, %c0_i32 : i32, i32
  }
}

module attributes {stable_mosaic.version = 14 : i64} {
  func.func @_head_body(%arg0: i32, %arg1: memref<1000x128xf32, #tpu.memory_space<vmem>>, %arg2: memref<1000x128xf32, #tpu.memory_space<vmem>>, %arg3: memref<1000x128xf32, #tpu.memory_space<vmem>>, %arg4: memref<1000x128xf32, #tpu.memory_space<vmem>>, %arg5: memref<1x256xf32, #tpu.memory_space<vmem>>, %arg6: memref<256x11xf32, #tpu.memory_space<vmem>>, %arg7: memref<1x11xf32, #tpu.memory_space<vmem>>, %arg8: memref<1000x6xf32, #tpu.memory_space<vmem>>, %arg9: memref<1000x5xf32, #tpu.memory_space<vmem>>) attributes {dimension_semantics = [#tpu.dimension_semantics<parallel>], iteration_bounds = array<i64: 10>, scalar_prefetch = 0 : i64, scratch_operands = 0 : i64, tpu.core_type = #tpu.core_type<tc>, window_params = [{transform_indices = @transform_0, window_bounds = array<i64: 1000, 128>}, {transform_indices = @transform_1, window_bounds = array<i64: 1000, 128>}, {transform_indices = @transform_2, window_bounds = array<i64: 1000, 128>}, {transform_indices = @transform_3, window_bounds = array<i64: 1000, 128>}, {pipeline_mode = #tpu.pipeline_mode<synchronous>, transform_indices = @transform_4, window_bounds = array<i64: 1, 256>}, {pipeline_mode = #tpu.pipeline_mode<synchronous>, transform_indices = @transform_5, window_bounds = array<i64: 256, 11>}, {pipeline_mode = #tpu.pipeline_mode<synchronous>, transform_indices = @transform_6, window_bounds = array<i64: 1, 11>}, {transform_indices = @transform_7, window_bounds = array<i64: 1000, 6>}, {transform_indices = @transform_8, window_bounds = array<i64: 1000, 5>}]} {
    %get3A = arith.constant 0 : index
    %get3A_0 = arith.constant 0 : index
    %get3A_1 = vector.load %arg3[%get3A, %get3A_0] : memref<1000x128xf32, #tpu.memory_space<vmem>>, vector<1000x1xf32>
    %get3A_2 = arith.constant 0 : index
    %get3A_3 = arith.constant 0 : index
    %get3A_4 = vector.load %arg4[%get3A_2, %get3A_3] : memref<1000x128xf32, #tpu.memory_space<vmem>>, vector<1000x1xf32>
    %add3A = arith.addf %get3A_1, %get3A_4 : vector<1000x1xf32>
    %add3A_5 = arith.constant 1.000000e+00 : f32
    %add3A_6 = vector.broadcast %add3A_5 : f32 to vector<1000x1xf32>
    %add3A_7 = arith.addf %add3A, %add3A_6 : vector<1000x1xf32>
    %rsqrt3A = math.rsqrt %add3A_7 : vector<1000x1xf32>
    %get3A_8 = arith.constant 0 : index
    %get3A_9 = arith.constant 0 : index
    %get3A_10 = vector.load %arg1[%get3A_8, %get3A_9] : memref<1000x128xf32, #tpu.memory_space<vmem>>, vector<1000x128xf32>
    %get3A_11 = arith.constant 0 : index
    %get3A_12 = arith.constant 0 : index
    %get3A_13 = vector.load %arg2[%get3A_11, %get3A_12] : memref<1000x128xf32, #tpu.memory_space<vmem>>, vector<1000x128xf32>
    %concatenate3A = tpu.concatenate %get3A_10, %get3A_13 in 1 : vector<1000x128xf32>, vector<1000x128xf32> -> vector<1000x256xf32>
    %mul3A = vector.broadcast %rsqrt3A : vector<1000x1xf32> to vector<1000x256xf32>
    %mul3A_14 = arith.mulf %concatenate3A, %mul3A : vector<1000x256xf32>
    %get3A_15 = arith.constant 0 : index
    %get3A_16 = arith.constant 0 : index
    %get3A_17 = vector.load %arg5[%get3A_15, %get3A_16] : memref<1x256xf32, #tpu.memory_space<vmem>>, vector<1x256xf32>
    %add3A_18 = vector.broadcast %get3A_17 : vector<1x256xf32> to vector<1000x256xf32>
    %add3A_19 = arith.addf %mul3A_14, %add3A_18 : vector<1000x256xf32>
    %max3A = arith.constant 0.000000e+00 : f32
    %max3A_20 = vector.broadcast %max3A : f32 to vector<1000x256xf32>
    %max3A_21 = arith.maximumf %add3A_19, %max3A_20 : vector<1000x256xf32>
    %get3A_22 = arith.constant 0 : index
    %get3A_23 = arith.constant 0 : index
    %get3A_24 = vector.load %arg6[%get3A_22, %get3A_23] : memref<256x11xf32, #tpu.memory_space<vmem>>, vector<256x11xf32>
    %dot_general3A = arith.constant dense<0.000000e+00> : vector<1000x11xf32>
    %dot_general3A_25 = tpu.matmul %max3A_21, %get3A_24, %dot_general3A {dimension_numbers = #tpu.dot_dimension_numbers<[1], [0], [0], [1], [0, 0, 1, 1], [], []>, transpose_lhs_hint = false} : vector<1000x256xf32>, vector<256x11xf32>, vector<1000x11xf32> -> vector<1000x11xf32>
    %get3A_26 = arith.constant 0 : index
    %get3A_27 = arith.constant 0 : index
    %get3A_28 = vector.load %arg7[%get3A_26, %get3A_27] : memref<1x11xf32, #tpu.memory_space<vmem>>, vector<1x11xf32>
    %add3A_29 = vector.broadcast %get3A_28 : vector<1x11xf32> to vector<1000x11xf32>
    %add3A_30 = arith.addf %dot_general3A_25, %add3A_29 : vector<1000x11xf32>
    %slice3A = vector.extract_strided_slice %add3A_30 {offsets = [0, 0], sizes = [1000, 6], strides = [1, 1]} : vector<1000x11xf32> to vector<1000x6xf32>
    %swap3A = arith.constant 0 : index
    %swap3A_31 = arith.constant 0 : index
    %swap3A_32 = vector.load %arg8[%swap3A, %swap3A_31] : memref<1000x6xf32, #tpu.memory_space<vmem>>, vector<1000x6xf32>
    tpu.vector_store %arg8[%swap3A, %swap3A_31], %slice3A {strides = array<i32>} : memref<1000x6xf32, #tpu.memory_space<vmem>>, vector<1000x6xf32>,
    %slice3A_33 = vector.extract_strided_slice %add3A_30 {offsets = [0, 6], sizes = [1000, 5], strides = [1, 1]} : vector<1000x11xf32> to vector<1000x5xf32>
    %swap3A_34 = arith.constant 0 : index
    %swap3A_35 = arith.constant 0 : index
    %swap3A_36 = vector.load %arg9[%swap3A_34, %swap3A_35] : memref<1000x5xf32, #tpu.memory_space<vmem>>, vector<1000x5xf32>
    tpu.vector_store %arg9[%swap3A_34, %swap3A_35], %slice3A_33 {strides = array<i32>} : memref<1000x5xf32, #tpu.memory_space<vmem>>, vector<1000x5xf32>,
    return
  }
  func.func @transform_0(%arg0: i32) -> (i32, i32) {
    %c0_i32 = arith.constant 0 : i32
    %c0_i32_0 = arith.constant 0 : i32
    return %arg0, %c0_i32 : i32, i32
  }
  func.func @transform_1(%arg0: i32) -> (i32, i32) {
    %c0_i32 = arith.constant 0 : i32
    %c0_i32_0 = arith.constant 0 : i32
    return %arg0, %c0_i32 : i32, i32
  }
  func.func @transform_2(%arg0: i32) -> (i32, i32) {
    %c0_i32 = arith.constant 0 : i32
    %c0_i32_0 = arith.constant 0 : i32
    return %arg0, %c0_i32 : i32, i32
  }
  func.func @transform_3(%arg0: i32) -> (i32, i32) {
    %c0_i32 = arith.constant 0 : i32
    %c0_i32_0 = arith.constant 0 : i32
    return %arg0, %c0_i32 : i32, i32
  }
  func.func @transform_4(%arg0: i32) -> (i32, i32) {
    %c0_i32 = arith.constant 0 : i32
    %c0_i32_0 = arith.constant 0 : i32
    %c0_i32_1 = arith.constant 0 : i32
    return %c0_i32, %c0_i32_0 : i32, i32
  }
  func.func @transform_5(%arg0: i32) -> (i32, i32) {
    %c0_i32 = arith.constant 0 : i32
    %c0_i32_0 = arith.constant 0 : i32
    %c0_i32_1 = arith.constant 0 : i32
    return %c0_i32, %c0_i32_0 : i32, i32
  }
  func.func @transform_6(%arg0: i32) -> (i32, i32) {
    %c0_i32 = arith.constant 0 : i32
    %c0_i32_0 = arith.constant 0 : i32
    %c0_i32_1 = arith.constant 0 : i32
    return %c0_i32, %c0_i32_0 : i32, i32
  }
  func.func @transform_7(%arg0: i32) -> (i32, i32) {
    %c0_i32 = arith.constant 0 : i32
    %c0_i32_0 = arith.constant 0 : i32
    return %arg0, %c0_i32 : i32, i32
  }
  func.func @transform_8(%arg0: i32) -> (i32, i32) {
    %c0_i32 = arith.constant 0 : i32
    %c0_i32_0 = arith.constant 0 : i32
    return %arg0, %c0_i32 : i32, i32
  }
}

</mosaic_0001>

<sc_bundles>
// kernel: kernel.11.cloned.1.call-start
scs
__scs_entry_jumppad:
0x0: {  	(pc) =	sbr.rel $0x88, $3  }
0x1: {  	(tag) =	ssettag $0x0;
	lr =	simm.s32 $0x1  }
0x2: {  	[smem:$0x3F97] =	sst lr;
	_ =	strace $0xD0000000  }
0x3: {  	_ = 	snop  }
0x4: {  	_ = 	snop  }
0x5: {  	_ = 	snop  }
0x6: {  	_ = 	snop  }
0x7: {  	_ = 	snop  }
__scs_overlays_trampoline_lowered:
0x8: {  	[smem:$0x3FA6] =	sst s0  }
0x9: {  	[smem:$0x3FA7] =	sst s1  }
0xa: {  	[smem:$0x3FA8] =	sst s2  }
0xb: {  	[smem:$0x3FA9] =	sst s3  }
0xc: {  	[smem:$0x3FAA] =	sst s4  }
0xd: {  	[smem:$0x3FAB] =	sst s5  }
0xe: {  	[smem:$0x3FAC] =	sst s6  }
0xf: {  	[smem:$0x3FAD] =	sst s7  }
0x10: {  	[smem:$0x3FAE] =	sst s8  }
0x11: {  	[smem:$0x3FAF] =	sst s9;
	s0 =	simm.s32 @!p0 $0x0  }
0x12: {  	s1 =	sld [smem:$0x3F95];
	s0 =	simm.s32 @p0 $0x1  }
0x13: {  	[smem:$0x3FB0] =	sst s0;
	s0 =	simm.s32 @!p1 $0x0  }
0x14: {  	s2 =	sld [smem:$0x3F94];
	s0 =	simm.s32 @p1 $0x1  }
0x15: {  	[smem:$0x3FB1] =	sst s0;
	s0 =	simm.s32 @!p2 $0x0  }
0x16: {  	s3 =	sld [smem:$0x3FDB];
	s0 =	simm.s32 @p2 $0x1  }
0x17: {  	s4 =	simm.s32 $0x1BF5;
	[smem:$0x3FB3] =	sst s0  }
0x18: {  	s0 =	sld [smem:$0x3F96];
	_ =	swait.ge [sflag:s4], $0x0  }
0x19: {  	s7 =	sld [smem:$0x3F97]  }
0x1a: {  	s8 =	sadd.s32 $0xFFFFE003, lr  }
0x1b: {  	s9 =	sadd.s32 $0xFFFFFEF7, lr;
	s5 =	simm.s32 $0xFFFFFFFF;
	p2 =	slt.u32 s8, $0xFFFFF086  }
0x1c: {  	p1 =	slt.u32 s9, $0xF7A;
	s5 =	simm.s32 @!p2 $0x0  }
0x1d: {  	s5 =	simm.s32 @p1 $0x1;
	p0 =	seq.s32 s7, s2  }
0x1e: {  	s7 =	smul.u32 @!p0 $0xF7A, s2;
	p2 =	seq.s32 @!p0 s5, $0x0  }
0x1f: {  	s9 =	smul.u32 $0xF7A, s1;
	s8 =	simm.s32 @!p0 $0x1BF5;
	p2 =	por !p2, p0  }
0x20: {  	[sflag:s8] =	ssyncset.s32 @!p0 $0xFFFFF086;
	s6 =	sadd.s32 @!p0 s3, s7;
	s7 =	simm.s32 @!p0 $0x108  }
0x21: {  	s3 =	sadd.s32 s3, s9;
	s6 =	sadd.s32 @!p0 $0x88, s6;
	s7 =	simm.s32 @p2 $0x1082  }
0x22: {  	[simem:s7], [sflag:s8] =	dma.local @!p0 [hbm:s6], $0xF7A  }
0x23: {  	s9 =	sor.u32 $0xD0000000, s2;
	s6 =	simm.s32 $0x108;
	_ =	swait.ge @!p0 [sflag:s8], $0x0  }
0x24: {  	s3 =	sadd.s32 $0x88, s3;
	s6 =	simm.s32 @!p1 $0x1082;
	[sflag:s4] =	ssyncset.s32 $0xFFFFF086  }
0x25: {  	[simem:s6], [sflag:s4] =	dma.local [hbm:s3], $0xF7A  }
0x26: {  	[smem:$0x3F97] =	sst s1;
	(tag) =	ssettag s2;
	_ =	strace s9  }
0x27: {  	s1 =	sld [smem:$0x3FA7]  }
0x28: {  	s2 =	sld [smem:$0x3FA8]  }
0x29: {  	s4 =	sld [smem:$0x3FAA]  }
0x2a: {  	p0 =	seq.s32 s5, $0x0;
	s5 =	sld [smem:$0x3FAB]  }
0x2b: {  	s6 =	sld [smem:$0x3FAC]  }
0x2c: {  	s7 =	sld [smem:$0x3FAD]  }
0x2d: {  	s3 =	simm.s32 $0x108;
	s8 =	sld [smem:$0x3FAE]  }
0x2e: {  	s3 =	simm.s32 @!p0 $0x1082;
	s9 =	sld [smem:$0x3FAF]  }
0x2f: {  	lr =	sadd.s32 s0, s3;
	s0 =	sld [smem:$0x3FA6]  }
0x30: {  	s3 =	sld [smem:$0x3FA9]  }
0x31: {  	[smem:$0x3FB2] =	sst s10  }
0x32: {  	s10 =	sld [smem:$0x3FB0];
	_ =	sdelay $0x3  }
0x33: {  	p0 =	seq.s32 s10, $0x1;
	s10 =	sld [smem:$0x3FB2];
	_ =	sdelay $0x3  }
0x34: {  	[smem:$0x3FB2] =	sst s10  }
0x35: {  	s10 =	sld [smem:$0x3FB1];
	_ =	sdelay $0x3  }
0x36: {  	p1 =	seq.s32 s10, $0x1;
	s10 =	sld [smem:$0x3FB2];
	_ =	sdelay $0x3  }
0x37: {  	[smem:$0x3FB2] =	sst s10  }
0x38: {  	s10 =	sld [smem:$0x3FB3]  }
0x39: {  	_ = 	snop;
	(pc) =	sbr.ind lr, $3  }
0x3a: {  	_ = 	snop  }
0x3b: {  	_ = 	snop  }
0x3c: {  	p2 =	seq.s32 s10, $0x1;
	s10 =	sld [smem:$0x3FB2]  }
0x3d: {  	_ =	shalt  }
0x3e: {  	_ =	shalt  }
0x3f: {  	_ =	shalt  }
0x40: {  	_ =	shalt  }
0x41: {  	_ =	shalt  }
0x42: {  	_ =	shalt  }
0x43: {  	_ =	shalt  }
0x44: {  	_ =	shalt  }
0x45: {  	_ =	shalt  }
0x46: {  	_ =	shalt  }
0x47: {  	_ =	shalt  }
0x48: {  	_ =	shalt  }
0x49: {  	_ =	shalt  }
0x4a: {  	_ =	shalt  }
0x4b: {  	_ =	shalt  }
0x4c: {  	_ =	shalt  }
0x4d: {  	_ =	shalt  }
0x4e: {  	_ =	shalt  }
0x4f: {  	_ =	shalt  }
0x50: {  	_ =	shalt  }
0x51: {  	_ =	shalt  }
0x52: {  	_ =	shalt  }
0x53: {  	_ =	shalt  }
0x54: {  	_ =	shalt  }
0x55: {  	_ =	shalt  }
0x56: {  	_ =	shalt  }
0x57: {  	_ =	shalt  }
0x58: {  	_ =	shalt  }
0x59: {  	_ =	shalt  }
0x5a: {  	_ =	shalt  }
0x5b: {  	_ =	shalt  }
0x5c: {  	_ =	shalt  }
0x5d: {  	_ =	shalt  }
0x5e: {  	_ =	shalt  }
0x5f: {  	_ =	shalt  }
0x60: {  	_ =	shalt  }
0x61: {  	_ =	shalt  }
0x62: {  	_ =	shalt  }
0x63: {  	_ =	shalt  }
0x64: {  	_ =	shalt  }
0x65: {  	_ =	shalt  }
0x66: {  	_ =	shalt  }
0x67: {  	_ =	shalt  }
0x68: {  	_ =	shalt  }
0x69: {  	_ =	shalt  }
0x6a: {  	_ =	shalt  }
0x6b: {  	_ =	shalt  }
0x6c: {  	_ =	shalt  }
0x6d: {  	_ =	shalt  }
0x6e: {  	_ =	shalt  }
0x6f: {  	_ =	shalt  }
0x70: {  	_ =	shalt  }
0x71: {  	_ =	shalt  }
0x72: {  	_ =	shalt  }
0x73: {  	_ =	shalt  }
0x74: {  	_ =	shalt  }
0x75: {  	_ =	shalt  }
0x76: {  	_ =	shalt  }
0x77: {  	_ =	shalt  }
0x78: {  	_ =	shalt  }
0x79: {  	_ =	shalt  }
0x7a: {  	_ =	shalt  }
0x7b: {  	_ =	shalt  }
0x7c: {  	_ =	shalt  }
0x7d: {  	_ =	shalt  }
0x7e: {  	_ =	shalt  }
0x7f: {  	_ =	shalt  }
0x80: {  	_ =	shalt  }
0x81: {  	_ =	shalt  }
0x82: {  	_ =	shalt  }
0x83: {  	_ =	shalt  }
0x84: {  	_ =	shalt  }
0x85: {  	_ =	shalt  }
0x86: {  	_ =	shalt  }
0x87: {  	_ =	shalt  }
.Lfunc_end0:
.L_simem_size_0:
called_computation.1_lowered:
.L_overlay_start_0:
0x88: {  	s2 =	sld [smem:$0x3FD9]  }
0x89: {  	s3 =	sld [smem:$0x3FFE];
	_ =	sdelay $0x1  }
0x8a: {  	s1 =	srdreg.scid  }
0x8b: {  	s0 =	sand.u32 $0x1, s1  }
0x8c: {  	s16 =	sshll.u32 s0, $0xA;
	s2 =	sadd.s32 s3, s2  }
0x8d: {  	s2 =	sadd.s32 s2, s16  }
0x8e: {  	[smem:$0x3FBE] =	sst s2  }
0x8f: {  	_ = 	snop  }
0x90: {  	(tm) =	ssettm $0x1  }
0x91: {  	s17 =	sld [smem:$0x3FFB];
	_ =	sdelay $0x3  }
0x92: {  	_ =	strace s17  }
0x93: {  	s2 =	sld [smem:$0x3FFC];
	_ =	sdelay $0x3  }
0x94: {  	_ =	strace s2  }
0x95: {  	s2 =	sld [smem:$0x3FFD];
	_ =	sdelay $0x3  }
0x96: {  	_ =	strace s2  }
0x97: {  	_ =	strace $0x8FFFFFFF  }
0x98: {  	s18 =	sld [smem:$0x3FDB];
	_ =	sdelay $0x1  }
0x99: {  	s19 =	simm.s32 $_scs_section_size  }
0x9a: {  	s4 =	simm.s32 $_size__tile_overlayer_lowered;
	s5 =	simm.s32 $_tile_overlayer_lowered  }
0x9b: {  	s22 =	simm.s32 $0x1BFF;
	s21 =	sshll.u32 s5, $0x1;
	s2 =	sadd.s32 s19, s18  }
0x9c: {  	s6 =	simm.s32 $0x0;
	s20 =	sshll.u32 s4, $0x1;
	s4 =	sadd.s32 s21, s2  }
0x9d: {  	[timem:s6], [sflag:s22] =	dma.local [hbm:s4], s20  }
0x9e: {  	_ =	swait.ge [sflag:s22], s20  }
0x9f: {  	s3 =	ssub.s32 $0x0, s20;
	[sflag:s22] =	ssyncset.done $0x0  }
0xa0: {  	[sflag:s22] =	ssyncadd.s32 s3;
	_ =	sdelay $0x1  }
0xa1: {  	s23 =	simm.s32 $0x1B8B  }
0xa2: {  	_ =	swait.ge [sflag:s23], $0x1  }
0xa3: {  	[sflag:s23] =	ssyncset.done $0x0  }
0xa4: {  	s25 =	simm.s32 $0x1B8E;
	s24 =	sld [smem:$0x3FFE];
	[sflag:s23] =	ssyncadd.s32 $0xFFFFFFFF  }
0xa5: {  	s26 =	simm.s32 $execute0_lowered;
	[smem:$0x3FD2] =	sst s25  }
0xa6: {  	s4 =	sshll.u32 s26, $0x1;
	_ =	strace $0x80000049;
	[dreg:$0x1] =	wrdreg $0xFFFFFFFF  }
0xa7: {  	s28 =	simm.s32 $_size_execute0_lowered;
	s2 =	sadd.s32 s2, s4;
	[dreg:$0x0] =	wrdreg $0x0  }
0xa8: {  	s4 =	sshll.u32 s28, $0x1;
	[dreg:$0x2] =	wrdreg s2  }
0xa9: {  	[dreg:$0x3] =	wrdreg s4  }
0xaa: {  	[dreg:$0x4] =	wrdreg $0xC0  }
0xab: {  	_ =	task [dreg:s6], $0x5FFFF  }
0xac: {  	[dreg:$0x1] =	wrdreg $0xFFFFFFFF  }
0xad: {  	[dreg:$0x0] =	wrdreg $0x60  }
0xae: {  	[dreg:$0x2] =	wrdreg s24  }
0xaf: {  	[dreg:$0x3] =	wrdreg $0x90000  }
0xb0: {  	[dreg:$0x4] =	wrdreg $0x9  }
0xb1: {  	_ =	task.clear_ibuf [dreg:s6], $0x5FFFF;
	_ =	strace $0x90000049  }
0xb2: {  	s29 =	simm.s32 $0x9;
	_ =	strace $0x8000004B  }
0xb3: {  	_ =	swait.ge [sflag:s29], $0x1  }
0xb4: {  	[sflag:s29] =	ssyncadd.s32 $0xFFFFFFFF  }
0xb5: {  	_ =	strace $0x9000004B  }
0xb6: {  	_ =	sfence  }
0xb7: {  	s30 =	sld [smem:$0x0];
	_ =	sdelay $0x2  }
0xb8: {  	s31 =	sshll.u32 s1, $0xD;
	s1 =	sshrl.u32 s1, $0x2  }
0xb9: {  	s3 =	sand.u32 $0x4000, s31;
	s1 =	sadd.s32 s1, s30  }
0xba: {  	s0 =	sor.u32 s3, s0;
	s1 =	sshll.u32 s1, $0x11  }
0xbb: {  	s0 =	sor.u32 s1, s0  }
0xbc: {  	s0 =	sadd.s32 $0x8F2B, s0  }
0xbd: {  	[sflag:s0] =	ssyncadd.remote.s32 $0x1  }
0xbe: {  	_ =	sfence.sel $0xFFFF  }
0xbf: {  	[dreg:$0x0] =	wrdreg $0xFFFFFFFF;
	(pc) =	sbr.abs _section_cstart, $3  }
0xc0: {  	[dreg:$0x1] =	wrdreg $0xFFFFFFFF  }
0xc1: {  	_ =	task.clear_ibuf [dreg:s6], $0x2FFFF;
	_ =	strace $0x9FFFFFFF  }
0xc2: {  	(tm) =	ssettm $0x7FFFFFFF  }
0xc3: {  	_ =	shalt  }
tec
execute0_lowered:
.L_overlay_start_1:
0x0: {  	(tag) =	ssettag $0x1  }
0x1: {  	s0 =	rddreg [dreg:$0x0]  }
0x2: {  	s1 =	rddreg [dreg:$0x1];
	s2 =	simm.s32 $0x0  }
0x3: {  	s3 =	stileid.u32;
	s7 =	srdreg.scid;
	s30 =	simm.s32 $0x3  }
0x4: {  	s31 =	simm.s32 $0x2000;
	[smem:$0x7FF] =	sst s2;
	s4 =	sadd.s32 $0xBA00, s0  }
0x5: {  	s5 =	sadd.s32 $0x89000, s0;
	s6 =	sadd.s32 $0xB0200, s0;
	s9 =	smul.u32 $0x2780, s3  }
0x6: {  	s8 =	sand.u32 $0x1, s7;
	s10 =	sshll.u32 s3, $0xB;
	s12 =	smul.u32 $0x4F000, s3  }
0x7: {  	s7 =	sadd.s32 $0xD7400, s0;
	s26 =	sadd.s32 $0x30A80, s0;
	s15 =	sadd.s32 $0x123680, s0  }
0x8: {  	s16 =	sadd.s32 $0xAE080, s0;
	_ =	strace $0x8000004A;
	[dreg:$0x5] =	wrdreg s26  }
0x9: {  	s19 =	sadd.s32 $0x14A880, s0;
	s21 =	sadd.s32 $0xD5280, s0;
	[dreg:$0x7] =	wrdreg s15  }
0xa: {  	p1 =	seq.s32 s3, $0xF;
	s29 =	sadd.s32 $0x128400, s1;
	[dreg:$0x8] =	wrdreg s16  }
0xb: {  	s11 =	ssub.s32 $0x2, s8;
	s10 =	sadd.s32 s10, s0;
	[dreg:$0xb] =	wrdreg s19  }
0xc: {  	p0 =	seq.s32 s8, $0x1;
	[dreg:$0xd] =	wrdreg s21;
	s26 =	sadd.s32 $0xFC480, s0  }
0xd: {  	s15 =	simm.s32 $0x1F80;
	s16 =	simm.s32 $0x3F00;
	s13 =	sshrl.u32 s11, $0x1  }
0xe: {  	s14 =	sadd.s32 s9, s0;
	s25 =	sadd.s32 s4, s9;
	[dreg:$0x12] =	wrdreg s26  }
0xf: {  	s23 =	sshrl.u32 s12, $0x2;
	s17 =	sadd.s32 s5, s9;
	[dreg:$0x4] =	wrdreg s25  }
0x10: {  	s12 =	sadd.s32 $0x3A00, s10;
	s20 =	sadd.s32 s6, s9;
	[dreg:$0x9] =	wrdreg s17  }
0x11: {  	s13 =	ssub.s32 s11, s13;
	s24 =	sadd.s32 s23, s1;
	[dreg:$0xc] =	wrdreg s20  }
0x12: {  	s11 =	sadd.s32 $0x81000, s10;
	s10 =	sadd.s32 $0xFE600, s14;
	[dreg:$0x3] =	wrdreg s24  }
0x13: {  	s19 =	simm.s32 $0x3E00;
	s18 =	sadd.s32 $0x125800, s14;
	[dreg:$0x6] =	wrdreg s10  }
0x14: {  	s22 =	sadd.s32 $0x14CA00, s14;
	s23 =	sadd.s32 s7, s9;
	[dreg:$0xa] =	wrdreg s18  }
0x15: {  	s25 =	sadd.s32 $0x171A80, s0;
	s0 =	sadd.s32 $0x198C80, s0;
	[dreg:$0xe] =	wrdreg s22  }
.Ltmp0:
0x16: {  	s9 =	simm.s32 $0x4000;
	[dreg:$0xf] =	wrdreg s23;
	(pc) =	sbr.rel .LBB2_1-.Ltmp0, $4  }
0x17: {  	s17 =	simm.s32 $0x3F80;
	s20 =	simm.s32 $0x3E80;
	[dreg:$0x11] =	wrdreg s25  }
0x18: {  	s24 =	sadd.s32 $0x173C00, s14;
	[dreg:$0x13] =	wrdreg s0;
	s28 =	smax.u32 s13, $0x1  }
0x19: {  	s0 =	simm.s32 $0x50;
	s10 =	simm.s32 $0x1;
	s13 =	simm.s32 $0x6800  }
0x1a: {  	s14 =	simm.s32 $0x2;
	s18 =	simm.s32 $0x1E80;
	[dreg:$0x10] =	wrdreg s24  }
.LBB2_19:
0x1b: {  	[sflag:s30] =	ssyncadd.s32 $0xFFFFD800  }
0x1c: {  	_ =	swait.ge [sflag:s10], $0x2800  }
0x1d: {  	[sflag:s10] =	ssyncset.done $0x0  }
0x1e: {  	[sflag:s10] =	ssyncadd.s32 $0xFFFFD800  }
0x1f: {  	[tilespmem:s13], [sflag:$0x2] =	stream.indirect.gather [hbm4b:s7+s0], $0x80, s18, s0, $0xb8;
	[tilespmem:$0x1C900] =	vst v63  }
0x20: {  	_ = 	snop  }
0x21: {  	[spmem:s1] =	stream.indirect.scatter.add.f32 [tilespmem:s9], [sflag:$0x3], $0x80, s19, s0, $0xb8;
	[tilespmem:$0x1C900] =	vst v63  }
0x22: {  	_ =	swait.ge [sflag:s30], $0x2800  }
0x23: {  	[sflag:s30] =	ssyncset.done $0x0  }
0x24: {  	[sflag:s30] =	ssyncadd.s32 $0xFFFFD800  }
0x25: {  	_ =	swait.ge [sflag:s14], $0x2800  }
0x26: {  	[sflag:s14] =	ssyncset.done $0x0  }
0x27: {  	[sflag:s14] =	ssyncadd.s32 $0xFFFFD800  }
0x28: {  	[spmem:s1] =	stream.indirect.scatter.add.f32 [tilespmem:s13], [sflag:$0x3], $0x80, s20, s0, $0xb8;
	[tilespmem:$0x1C900] =	vst v63  }
0x29: {  	_ =	swait.ge [sflag:s30], $0x2800  }
0x2a: {  	[sflag:s30] =	ssyncset.done $0x0  }
0x2b: {  	[sflag:s30] =	ssyncadd.s32 $0xFFFFD800  }
0x2c: {  	[bflag:$0x0] =	sbarrier.arrive $0xFFFF  }
0x2d: {  	s3 =	simm.s32 @p1 $0x1FC3;
	s8 =	rddreg [dreg:$0x13]  }
0x2e: {  	[hbm:s8], [sflag:s3] =	dma.local @p1 [spmem:s23], $0x2080  }
0x2f: {  	s3 =	simm.s32 @p1 $0x3  }
0x30: {  	_ =	swait.ge @p1 [sflag:s3], $0x2080  }
0x31: {  	[sflag:s3] =	ssyncset.done @p1 $0x0  }
0x32: {  	[sflag:s3] =	ssyncadd.s32 @p1 $0xFFFFDF80;
	s3 =	rddreg [dreg:$0x10]  }
0x33: {  	[hbm:s3], [sflag:s22] =	dma.local @!p1 [spmem:s21], $0x2780  }
0x34: {  	s3 =	simm.s32 @!p1 $0x3  }
0x35: {  	_ =	swait.ge @!p1 [sflag:s3], $0x2780  }
0x36: {  	[sflag:s3] =	ssyncset.done @!p1 $0x0  }
0x37: {  	[sflag:s3] =	ssyncadd.s32 @!p1 $0xFFFFD880  }
.LBB2_20:
0x38: {  	s2 =	sadd.s32 $0x1, s2  }
0x39: {  	p2 =	sne.s32 s2, s28  }
.Ltmp1:
0x3a: {  	_ = 	snop;
	(pc) =	sbr.rel @!p2 .LBB2_21-.Ltmp1, $1  }
0x3b: {  	_ =	sdelay $0x3  }
.LBB2_1:
.Ltmp2:
0x3c: {  	(pc) =	sbr.rel @!p0 .LBB2_2-.Ltmp2, $4  }
0x3d: {  	_ = 	snop  }
0x3e: {  	s3 =	stileid.u32  }
0x3f: {  	s22 =	sshll.u32 @!p1 s3, $0x6;
	s3 =	rddreg [dreg:$0x3]  }
0x40: {  	s23 =	sshrl.u32 @p1 s29, $0x3;
	s21 =	sshrl.u32 @!p1 s3, $0x3;
	s22 =	sor.u32 @!p1 $0x1C03, s22  }
0x41: {  	s3 =	simm.s32 @p1 $0x1FC3;
	s8 =	rddreg [dreg:$0xd]  }
0x42: {  	[spmem:s23], [sflag:s3] =	dma.local @p1 [hbm:s8], $0x2080  }
0x43: {  	s3 =	simm.s32 @p1 $0x3  }
0x44: {  	_ =	swait.ge @p1 [sflag:s3], $0x2080  }
0x45: {  	[sflag:s3] =	ssyncset.done @p1 $0x0  }
0x46: {  	[sflag:s3] =	ssyncadd.s32 @p1 $0xFFFFDF80;
	s3 =	rddreg [dreg:$0xc]  }
0x47: {  	[spmem:s21], [sflag:s22] =	dma.local @!p1 [hbm:s3], $0x2780  }
0x48: {  	s3 =	simm.s32 @!p1 $0x3  }
0x49: {  	_ =	swait.ge @!p1 [sflag:s3], $0x2780  }
0x4a: {  	[sflag:s3] =	ssyncset.done @!p1 $0x0  }
0x4b: {  	[sflag:s3] =	ssyncadd.s32 @!p1 $0xFFFFD880  }
0x4c: {  	s26 =	simm.s32 $0x0;
	[bflag:$0x0] =	sbarrier.arrive $0xFFFF  }
0x4d: {  	[tilespmem:s26], [sflag:$0x3] =	stream.linear.gather [hbm4b:s11+s26], $0x2000, $0x38;
	[tilespmem:$0x1C900] =	vst v63  }
0x4e: {  	_ =	swait.ge [sflag:s30], $0x2000  }
0x4f: {  	[sflag:s30] =	ssyncset.done $0x0  }
0x50: {  	[sflag:s30] =	ssyncadd.s32 $0xFFFFE000  }
0x51: {  	[tilespmem:s31], [sflag:$0x3] =	stream.linear.gather [hbm4b:s12+s26], $0x2000, $0x38;
	[tilespmem:$0x1C900] =	vst v63  }
0x52: {  	_ =	swait.ge [sflag:s30], $0x2000  }
0x53: {  	[sflag:s30] =	ssyncset.done $0x0  }
0x54: {  	[sflag:s30] =	ssyncadd.s32 $0xFFFFE000  }
0x55: {  	[tilespmem:s9], [sflag:$0x1] =	stream.indirect.gather [hbm4b:s6+s0], $0x80, s26, s0, $0xb8;
	[tilespmem:$0x1C900] =	vst v63  }
0x56: {  	_ =	swait.ge [sflag:s10], $0x2800  }
0x57: {  	[sflag:s10] =	ssyncset.done $0x0  }
0x58: {  	s8 =	simm.s32 $0x80;
	[sflag:s10] =	ssyncadd.s32 $0xFFFFD800  }
0x59: {  	[tilespmem:s13], [sflag:$0x2] =	stream.indirect.gather [hbm4b:s6+s0], $0x80, s8, s0, $0xb8;
	[tilespmem:$0x1C900] =	vst v63  }
0x5a: {  	s24 =	simm.s32 $0x2000  }
0x5b: {  	[spmem:s1] =	stream.indirect.scatter.add.f32 [tilespmem:s9], [sflag:$0x3], $0x80, s24, s0, $0xb8;
	[tilespmem:$0x1C900] =	vst v63  }
0x5c: {  	_ =	swait.ge [sflag:s30], $0x2800  }
0x5d: {  	[sflag:s30] =	ssyncset.done $0x0  }
0x5e: {  	[sflag:s30] =	ssyncadd.s32 $0xFFFFD800  }
0x5f: {  	_ =	swait.ge [sflag:s14], $0x2800  }
0x60: {  	[sflag:s14] =	ssyncset.done $0x0  }
0x61: {  	s25 =	simm.s32 $0x100;
	[sflag:s14] =	ssyncadd.s32 $0xFFFFD800  }
0x62: {  	[tilespmem:s9], [sflag:$0x1] =	stream.indirect.gather [hbm4b:s6+s0], $0x80, s25, s0, $0xb8;
	[tilespmem:$0x1C900] =	vst v63  }
0x63: {  	s26 =	simm.s32 $0x2080  }
0x64: {  	[spmem:s1] =	stream.indirect.scatter.add.f32 [tilespmem:s13], [sflag:$0x3], $0x80, s26, s0, $0xb8;
	[tilespmem:$0x1C900] =	vst v63  }
0x65: {  	_ =	swait.ge [sflag:s30], $0x2800  }
0x66: {  	s24 =	simm.s32 $0x400;
	[sflag:s30] =	ssyncset.done $0x0  }
.LBB2_12:
0x67: {  	p2 =	sne.s32 s24, $0x7800  }
0x68: {  	[sflag:s30] =	ssyncadd.s32 $0xFFFFD800;
	s3 =	smov.u32 s24;
	s24 =	sadd.s32 $0x400, s24  }
0x69: {  	_ = 	snop  }
0x6a: {  	_ =	swait.ge [sflag:s10], $0x2800  }
0x6b: {  	s3 =	sshra.s32 s3, $0x2;
	[sflag:s10] =	ssyncset.done $0x0  }
0x6c: {  	s8 =	sadd.s32 $0x80, s3;
	[sflag:s10] =	ssyncadd.s32 $0xFFFFD800  }
0x6d: {  	[tilespmem:s13], [sflag:$0x2] =	stream.indirect.gather [hbm4b:s6+s0], $0x80, s8, s0, $0xb8;
	[tilespmem:$0x1C900] =	vst v63  }
0x6e: {  	s8 =	sadd.s32 $0x2000, s3  }
0x6f: {  	[spmem:s1] =	stream.indirect.scatter.add.f32 [tilespmem:s9], [sflag:$0x3], $0x80, s8, s0, $0xb8;
	[tilespmem:$0x1C900] =	vst v63  }
0x70: {  	_ =	swait.ge [sflag:s30], $0x2800  }
0x71: {  	[sflag:s30] =	ssyncset.done $0x0  }
0x72: {  	[sflag:s30] =	ssyncadd.s32 $0xFFFFD800  }
0x73: {  	_ =	swait.ge [sflag:s14], $0x2800  }
0x74: {  	[sflag:s14] =	ssyncset.done $0x0  }
0x75: {  	s8 =	sadd.s32 $0x100, s3;
	[sflag:s14] =	ssyncadd.s32 $0xFFFFD800  }
0x76: {  	[tilespmem:s9], [sflag:$0x1] =	stream.indirect.gather [hbm4b:s6+s0], $0x80, s8, s0, $0xb8;
	[tilespmem:$0x1C900] =	vst v63  }
.Ltmp3:
0x77: {  	_ = 	snop;
	(pc) =	sbr.rel @p2 .LBB2_12-.Ltmp3, $4  }
0x78: {  	s3 =	sadd.s32 $0x2080, s3  }
0x79: {  	[spmem:s1] =	stream.indirect.scatter.add.f32 [tilespmem:s13], [sflag:$0x3], $0x80, s3, s0, $0xb8;
	[tilespmem:$0x1C900] =	vst v63  }
0x7a: {  	_ =	swait.ge [sflag:s30], $0x2800  }
0x7b: {  	[sflag:s30] =	ssyncset.done $0x0  }
0x7c: {  	[sflag:s30] =	ssyncadd.s32 $0xFFFFD800  }
0x7d: {  	_ =	swait.ge [sflag:s10], $0x2800  }
0x7e: {  	[sflag:s10] =	ssyncset.done $0x0  }
0x7f: {  	[sflag:s10] =	ssyncadd.s32 $0xFFFFD800  }
0x80: {  	[tilespmem:s13], [sflag:$0x2] =	stream.indirect.gather [hbm4b:s6+s0], $0x80, s15, s0, $0xb8;
	[tilespmem:$0x1C900] =	vst v63  }
0x81: {  	_ = 	snop  }
0x82: {  	[spmem:s1] =	stream.indirect.scatter.add.f32 [tilespmem:s9], [sflag:$0x3], $0x80, s16, s0, $0xb8;
	[tilespmem:$0x1C900] =	vst v63  }
0x83: {  	_ =	swait.ge [sflag:s30], $0x2800  }
0x84: {  	[sflag:s30] =	ssyncset.done $0x0  }
0x85: {  	[sflag:s30] =	ssyncadd.s32 $0xFFFFD800  }
0x86: {  	_ =	swait.ge [sflag:s14], $0x2800  }
0x87: {  	[sflag:s14] =	ssyncset.done $0x0  }
0x88: {  	[sflag:s14] =	ssyncadd.s32 $0xFFFFD800  }
0x89: {  	[spmem:s1] =	stream.indirect.scatter.add.f32 [tilespmem:s13], [sflag:$0x3], $0x80, s17, s0, $0xb8;
	[tilespmem:$0x1C900] =	vst v63  }
0x8a: {  	_ =	swait.ge [sflag:s30], $0x2800  }
0x8b: {  	[sflag:s30] =	ssyncset.done $0x0  }
0x8c: {  	s24 =	sadd.s32 $0x400, s11;
	s3 =	simm.s32 $0x0;
	[sflag:s30] =	ssyncadd.s32 $0xFFFFD800  }
0x8d: {  	[tilespmem:s3], [sflag:$0x3] =	stream.linear.gather [hbm4b:s24+s3], $0x1F00, $0x38;
	[tilespmem:$0x1C900] =	vst v63  }
0x8e: {  	_ =	swait.ge [sflag:s30], $0x1F00  }
0x8f: {  	[sflag:s30] =	ssyncset.done $0x0  }
0x90: {  	s25 =	sadd.s32 $0x400, s12;
	[sflag:s30] =	ssyncadd.s32 $0xFFFFE100  }
0x91: {  	[tilespmem:s31], [sflag:$0x3] =	stream.linear.gather [hbm4b:s25+s3], $0x1F00, $0x38;
	[tilespmem:$0x1C900] =	vst v63  }
0x92: {  	_ =	swait.ge [sflag:s30], $0x1F00  }
0x93: {  	[sflag:s30] =	ssyncset.done $0x0  }
0x94: {  	[sflag:s30] =	ssyncadd.s32 $0xFFFFE100  }
0x95: {  	[tilespmem:s9], [sflag:$0x1] =	stream.indirect.gather [hbm4b:s6+s0], $0x80, s3, s0, $0xb8;
	[tilespmem:$0x1C900] =	vst v63  }
0x96: {  	_ =	swait.ge [sflag:s10], $0x2800  }
0x97: {  	[sflag:s10] =	ssyncset.done $0x0  }
0x98: {  	s8 =	simm.s32 $0x80;
	[sflag:s10] =	ssyncadd.s32 $0xFFFFD800  }
0x99: {  	[tilespmem:s13], [sflag:$0x2] =	stream.indirect.gather [hbm4b:s6+s0], $0x80, s8, s0, $0xb8;
	[tilespmem:$0x1C900] =	vst v63  }
0x9a: {  	s26 =	simm.s32 $0x2000  }
0x9b: {  	[spmem:s1] =	stream.indirect.scatter.add.f32 [tilespmem:s9], [sflag:$0x3], $0x80, s26, s0, $0xb8;
	[tilespmem:$0x1C900] =	vst v63  }
0x9c: {  	_ =	swait.ge [sflag:s30], $0x2800  }
0x9d: {  	[sflag:s30] =	ssyncset.done $0x0  }
0x9e: {  	[sflag:s30] =	ssyncadd.s32 $0xFFFFD800  }
0x9f: {  	_ =	swait.ge [sflag:s14], $0x2800  }
0xa0: {  	[sflag:s14] =	ssyncset.done $0x0  }
0xa1: {  	s8 =	simm.s32 $0x100;
	[sflag:s14] =	ssyncadd.s32 $0xFFFFD800  }
0xa2: {  	[tilespmem:s9], [sflag:$0x1] =	stream.indirect.gather [hbm4b:s6+s0], $0x80, s8, s0, $0xb8;
	[tilespmem:$0x1C900] =	vst v63  }
0xa3: {  	s26 =	simm.s32 $0x2080  }
0xa4: {  	[spmem:s1] =	stream.indirect.scatter.add.f32 [tilespmem:s13], [sflag:$0x3], $0x80, s26, s0, $0xb8;
	[tilespmem:$0x1C900] =	vst v63  }
0xa5: {  	_ =	swait.ge [sflag:s30], $0x2800  }
0xa6: {  	s26 =	simm.s32 $0x400;
	[sflag:s30] =	ssyncset.done $0x0  }
.LBB2_14:
0xa7: {  	p2 =	sne.s32 s26, $0x7400  }
0xa8: {  	[sflag:s30] =	ssyncadd.s32 $0xFFFFD800;
	s3 =	smov.u32 s26;
	s26 =	sadd.s32 $0x400, s26  }
0xa9: {  	_ = 	snop  }
0xaa: {  	_ =	swait.ge [sflag:s10], $0x2800  }
0xab: {  	s3 =	sshra.s32 s3, $0x2;
	[sflag:s10] =	ssyncset.done $0x0  }
0xac: {  	s8 =	sadd.s32 $0x80, s3;
	[sflag:s10] =	ssyncadd.s32 $0xFFFFD800  }
0xad: {  	[tilespmem:s13], [sflag:$0x2] =	stream.indirect.gather [hbm4b:s6+s0], $0x80, s8, s0, $0xb8;
	[tilespmem:$0x1C900] =	vst v63  }
0xae: {  	s8 =	sadd.s32 $0x2000, s3  }
0xaf: {  	[spmem:s1] =	stream.indirect.scatter.add.f32 [tilespmem:s9], [sflag:$0x3], $0x80, s8, s0, $0xb8;
	[tilespmem:$0x1C900] =	vst v63  }
0xb0: {  	_ =	swait.ge [sflag:s30], $0x2800  }
0xb1: {  	[sflag:s30] =	ssyncset.done $0x0  }
0xb2: {  	[sflag:s30] =	ssyncadd.s32 $0xFFFFD800  }
0xb3: {  	_ =	swait.ge [sflag:s14], $0x2800  }
0xb4: {  	[sflag:s14] =	ssyncset.done $0x0  }
0xb5: {  	s8 =	sadd.s32 $0x100, s3;
	[sflag:s14] =	ssyncadd.s32 $0xFFFFD800  }
0xb6: {  	[tilespmem:s9], [sflag:$0x1] =	stream.indirect.gather [hbm4b:s6+s0], $0x80, s8, s0, $0xb8;
	[tilespmem:$0x1C900] =	vst v63  }
.Ltmp4:
0xb7: {  	_ = 	snop;
	(pc) =	sbr.rel @p2 .LBB2_14-.Ltmp4, $4  }
0xb8: {  	s3 =	sadd.s32 $0x2080, s3  }
0xb9: {  	[spmem:s1] =	stream.indirect.scatter.add.f32 [tilespmem:s13], [sflag:$0x3], $0x80, s3, s0, $0xb8;
	[tilespmem:$0x1C900] =	vst v63  }
0xba: {  	_ =	swait.ge [sflag:s30], $0x2800  }
0xbb: {  	[sflag:s30] =	ssyncset.done $0x0  }
0xbc: {  	[sflag:s30] =	ssyncadd.s32 $0xFFFFD800  }
0xbd: {  	_ =	swait.ge [sflag:s10], $0x2800  }
0xbe: {  	[sflag:s10] =	ssyncset.done $0x0  }
0xbf: {  	[sflag:s10] =	ssyncadd.s32 $0xFFFFD800  }
0xc0: {  	[tilespmem:s13], [sflag:$0x2] =	stream.indirect.gather [hbm4b:s6+s0], $0x80, s18, s0, $0xb8;
	[tilespmem:$0x1C900] =	vst v63  }
0xc1: {  	_ = 	snop  }
0xc2: {  	[spmem:s1] =	stream.indirect.scatter.add.f32 [tilespmem:s9], [sflag:$0x3], $0x80, s19, s0, $0xb8;
	[tilespmem:$0x1C900] =	vst v63  }
0xc3: {  	_ =	swait.ge [sflag:s30], $0x2800  }
0xc4: {  	[sflag:s30] =	ssyncset.done $0x0  }
0xc5: {  	[sflag:s30] =	ssyncadd.s32 $0xFFFFD800  }
0xc6: {  	_ =	swait.ge [sflag:s14], $0x2800  }
0xc7: {  	[sflag:s14] =	ssyncset.done $0x0  }
0xc8: {  	[sflag:s14] =	ssyncadd.s32 $0xFFFFD800  }
0xc9: {  	[spmem:s1] =	stream.indirect.scatter.add.f32 [tilespmem:s13], [sflag:$0x3], $0x80, s20, s0, $0xb8;
	[tilespmem:$0x1C900] =	vst v63  }
0xca: {  	_ =	swait.ge [sflag:s30], $0x2800  }
0xcb: {  	[sflag:s30] =	ssyncset.done $0x0  }
0xcc: {  	[sflag:s30] =	ssyncadd.s32 $0xFFFFD800  }
0xcd: {  	[bflag:$0x0] =	sbarrier.arrive $0xFFFF  }
0xce: {  	s3 =	simm.s32 @p1 $0x1FC3;
	s8 =	rddreg [dreg:$0x11]  }
0xcf: {  	[hbm:s8], [sflag:s3] =	dma.local @p1 [spmem:s23], $0x2080  }
0xd0: {  	s8 =	simm.s32 @p1 $0x3  }
0xd1: {  	_ =	swait.ge @p1 [sflag:s8], $0x2080  }
0xd2: {  	[sflag:s8] =	ssyncset.done @p1 $0x0  }
0xd3: {  	s26 =	rddreg [dreg:$0x12];
	[sflag:s8] =	ssyncadd.s32 @p1 $0xFFFFDF80  }
0xd4: {  	[spmem:s23], [sflag:s3] =	dma.local @p1 [hbm:s26], $0x2080  }
0xd5: {  	_ =	swait.ge @p1 [sflag:s8], $0x2080  }
0xd6: {  	[sflag:s8] =	ssyncset.done @p1 $0x0  }
0xd7: {  	s3 =	rddreg [dreg:$0xe];
	[sflag:s8] =	ssyncadd.s32 @p1 $0xFFFFDF80  }
0xd8: {  	[hbm:s3], [sflag:s22] =	dma.local @!p1 [spmem:s21], $0x2780  }
0xd9: {  	s3 =	simm.s32 @!p1 $0x3  }
0xda: {  	_ =	swait.ge @!p1 [sflag:s3], $0x2780  }
0xdb: {  	[sflag:s3] =	ssyncset.done @!p1 $0x0  }
0xdc: {  	s8 =	rddreg [dreg:$0xf];
	[sflag:s3] =	ssyncadd.s32 @!p1 $0xFFFFD880  }
0xdd: {  	[spmem:s21], [sflag:s22] =	dma.local @!p1 [hbm:s8], $0x2780  }
0xde: {  	_ =	swait.ge @!p1 [sflag:s3], $0x2780  }
0xdf: {  	[sflag:s3] =	ssyncset.done @!p1 $0x0  }
0xe0: {  	[sflag:s3] =	ssyncadd.s32 @!p1 $0xFFFFD880  }
0xe1: {  	s26 =	simm.s32 $0x0;
	[bflag:$0x0] =	sbarrier.arrive $0xFFFF  }
0xe2: {  	[tilespmem:s26], [sflag:$0x3] =	stream.linear.gather [hbm4b:s11+s26], $0x2000, $0x38;
	[tilespmem:$0x1C900] =	vst v63  }
0xe3: {  	_ =	swait.ge [sflag:s30], $0x2000  }
0xe4: {  	[sflag:s30] =	ssyncset.done $0x0  }
0xe5: {  	[sflag:s30] =	ssyncadd.s32 $0xFFFFE000  }
0xe6: {  	[tilespmem:s31], [sflag:$0x3] =	stream.linear.gather [hbm4b:s12+s26], $0x2000, $0x38;
	[tilespmem:$0x1C900] =	vst v63  }
0xe7: {  	_ =	swait.ge [sflag:s30], $0x2000  }
0xe8: {  	[sflag:s30] =	ssyncset.done $0x0  }
0xe9: {  	[sflag:s30] =	ssyncadd.s32 $0xFFFFE000  }
0xea: {  	[tilespmem:s9], [sflag:$0x1] =	stream.indirect.gather [hbm4b:s7+s0], $0x80, s26, s0, $0xb8;
	[tilespmem:$0x1C900] =	vst v63  }
0xeb: {  	_ =	swait.ge [sflag:s10], $0x2800  }
0xec: {  	[sflag:s10] =	ssyncset.done $0x0  }
0xed: {  	s8 =	simm.s32 $0x80;
	[sflag:s10] =	ssyncadd.s32 $0xFFFFD800  }
0xee: {  	[tilespmem:s13], [sflag:$0x2] =	stream.indirect.gather [hbm4b:s7+s0], $0x80, s8, s0, $0xb8;
	[tilespmem:$0x1C900] =	vst v63  }
0xef: {  	s26 =	simm.s32 $0x2000  }
0xf0: {  	[spmem:s1] =	stream.indirect.scatter.add.f32 [tilespmem:s9], [sflag:$0x3], $0x80, s26, s0, $0xb8;
	[tilespmem:$0x1C900] =	vst v63  }
0xf1: {  	_ =	swait.ge [sflag:s30], $0x2800  }
0xf2: {  	[sflag:s30] =	ssyncset.done $0x0  }
0xf3: {  	[sflag:s30] =	ssyncadd.s32 $0xFFFFD800  }
0xf4: {  	_ =	swait.ge [sflag:s14], $0x2800  }
0xf5: {  	[sflag:s14] =	ssyncset.done $0x0  }
0xf6: {  	s8 =	simm.s32 $0x100;
	[sflag:s14] =	ssyncadd.s32 $0xFFFFD800  }
0xf7: {  	[tilespmem:s9], [sflag:$0x1] =	stream.indirect.gather [hbm4b:s7+s0], $0x80, s8, s0, $0xb8;
	[tilespmem:$0x1C900] =	vst v63  }
0xf8: {  	s26 =	simm.s32 $0x2080  }
0xf9: {  	[spmem:s1] =	stream.indirect.scatter.add.f32 [tilespmem:s13], [sflag:$0x3], $0x80, s26, s0, $0xb8;
	[tilespmem:$0x1C900] =	vst v63  }
0xfa: {  	_ =	swait.ge [sflag:s30], $0x2800  }
0xfb: {  	s26 =	simm.s32 $0x400;
	[sflag:s30] =	ssyncset.done $0x0  }
.LBB2_16:
0xfc: {  	p2 =	sne.s32 s26, $0x7800  }
0xfd: {  	[sflag:s30] =	ssyncadd.s32 $0xFFFFD800;
	s3 =	smov.u32 s26;
	s26 =	sadd.s32 $0x400, s26  }
0xfe: {  	_ = 	snop  }
0xff: {  	_ =	swait.ge [sflag:s10], $0x2800  }
0x100: {  	s3 =	sshra.s32 s3, $0x2;
	[sflag:s10] =	ssyncset.done $0x0  }
0x101: {  	s8 =	sadd.s32 $0x80, s3;
	[sflag:s10] =	ssyncadd.s32 $0xFFFFD800  }
0x102: {  	[tilespmem:s13], [sflag:$0x2] =	stream.indirect.gather [hbm4b:s7+s0], $0x80, s8, s0, $0xb8;
	[tilespmem:$0x1C900] =	vst v63  }
0x103: {  	s8 =	sadd.s32 $0x2000, s3  }
0x104: {  	[spmem:s1] =	stream.indirect.scatter.add.f32 [tilespmem:s9], [sflag:$0x3], $0x80, s8, s0, $0xb8;
	[tilespmem:$0x1C900] =	vst v63  }
0x105: {  	_ =	swait.ge [sflag:s30], $0x2800  }
0x106: {  	[sflag:s30] =	ssyncset.done $0x0  }
0x107: {  	[sflag:s30] =	ssyncadd.s32 $0xFFFFD800  }
0x108: {  	_ =	swait.ge [sflag:s14], $0x2800  }
0x109: {  	[sflag:s14] =	ssyncset.done $0x0  }
0x10a: {  	s8 =	sadd.s32 $0x100, s3;
	[sflag:s14] =	ssyncadd.s32 $0xFFFFD800  }
0x10b: {  	[tilespmem:s9], [sflag:$0x1] =	stream.indirect.gather [hbm4b:s7+s0], $0x80, s8, s0, $0xb8;
	[tilespmem:$0x1C900] =	vst v63  }
.Ltmp5:
0x10c: {  	_ = 	snop;
	(pc) =	sbr.rel @p2 .LBB2_16-.Ltmp5, $4  }
0x10d: {  	s3 =	sadd.s32 $0x2080, s3  }
0x10e: {  	[spmem:s1] =	stream.indirect.scatter.add.f32 [tilespmem:s13], [sflag:$0x3], $0x80, s3, s0, $0xb8;
	[tilespmem:$0x1C900] =	vst v63  }
0x10f: {  	_ =	swait.ge [sflag:s30], $0x2800  }
0x110: {  	[sflag:s30] =	ssyncset.done $0x0  }
0x111: {  	[sflag:s30] =	ssyncadd.s32 $0xFFFFD800  }
0x112: {  	_ =	swait.ge [sflag:s10], $0x2800  }
0x113: {  	[sflag:s10] =	ssyncset.done $0x0  }
0x114: {  	[sflag:s10] =	ssyncadd.s32 $0xFFFFD800  }
0x115: {  	[tilespmem:s13], [sflag:$0x2] =	stream.indirect.gather [hbm4b:s7+s0], $0x80, s15, s0, $0xb8;
	[tilespmem:$0x1C900] =	vst v63  }
0x116: {  	_ = 	snop  }
0x117: {  	[spmem:s1] =	stream.indirect.scatter.add.f32 [tilespmem:s9], [sflag:$0x3], $0x80, s16, s0, $0xb8;
	[tilespmem:$0x1C900] =	vst v63  }
0x118: {  	_ =	swait.ge [sflag:s30], $0x2800  }
0x119: {  	[sflag:s30] =	ssyncset.done $0x0  }
0x11a: {  	[sflag:s30] =	ssyncadd.s32 $0xFFFFD800  }
0x11b: {  	_ =	swait.ge [sflag:s14], $0x2800  }
0x11c: {  	[sflag:s14] =	ssyncset.done $0x0  }
0x11d: {  	[sflag:s14] =	ssyncadd.s32 $0xFFFFD800  }
0x11e: {  	[spmem:s1] =	stream.indirect.scatter.add.f32 [tilespmem:s13], [sflag:$0x3], $0x80, s17, s0, $0xb8;
	[tilespmem:$0x1C900] =	vst v63  }
0x11f: {  	_ =	swait.ge [sflag:s30], $0x2800  }
0x120: {  	[sflag:s30] =	ssyncset.done $0x0  }
0x121: {  	s3 =	simm.s32 $0x0;
	[sflag:s30] =	ssyncadd.s32 $0xFFFFD800  }
0x122: {  	[tilespmem:s3], [sflag:$0x3] =	stream.linear.gather [hbm4b:s24+s3], $0x1F00, $0x38;
	[tilespmem:$0x1C900] =	vst v63  }
0x123: {  	_ =	swait.ge [sflag:s30], $0x1F00  }
0x124: {  	[sflag:s30] =	ssyncset.done $0x0  }
0x125: {  	[sflag:s30] =	ssyncadd.s32 $0xFFFFE100  }
0x126: {  	[tilespmem:s31], [sflag:$0x3] =	stream.linear.gather [hbm4b:s25+s3], $0x1F00, $0x38;
	[tilespmem:$0x1C900] =	vst v63  }
0x127: {  	_ =	swait.ge [sflag:s30], $0x1F00  }
0x128: {  	[sflag:s30] =	ssyncset.done $0x0  }
0x129: {  	[sflag:s30] =	ssyncadd.s32 $0xFFFFE100  }
0x12a: {  	[tilespmem:s9], [sflag:$0x1] =	stream.indirect.gather [hbm4b:s7+s0], $0x80, s3, s0, $0xb8;
	[tilespmem:$0x1C900] =	vst v63  }
0x12b: {  	_ =	swait.ge [sflag:s10], $0x2800  }
0x12c: {  	[sflag:s10] =	ssyncset.done $0x0  }
0x12d: {  	s8 =	simm.s32 $0x80;
	[sflag:s10] =	ssyncadd.s32 $0xFFFFD800  }
0x12e: {  	[tilespmem:s13], [sflag:$0x2] =	stream.indirect.gather [hbm4b:s7+s0], $0x80, s8, s0, $0xb8;
	[tilespmem:$0x1C900] =	vst v63  }
0x12f: {  	s24 =	simm.s32 $0x2000  }
0x130: {  	[spmem:s1] =	stream.indirect.scatter.add.f32 [tilespmem:s9], [sflag:$0x3], $0x80, s24, s0, $0xb8;
	[tilespmem:$0x1C900] =	vst v63  }
0x131: {  	_ =	swait.ge [sflag:s30], $0x2800  }
0x132: {  	[sflag:s30] =	ssyncset.done $0x0  }
0x133: {  	[sflag:s30] =	ssyncadd.s32 $0xFFFFD800  }
0x134: {  	_ =	swait.ge [sflag:s14], $0x2800  }
0x135: {  	[sflag:s14] =	ssyncset.done $0x0  }
0x136: {  	s25 =	simm.s32 $0x100;
	[sflag:s14] =	ssyncadd.s32 $0xFFFFD800  }
0x137: {  	[tilespmem:s9], [sflag:$0x1] =	stream.indirect.gather [hbm4b:s7+s0], $0x80, s25, s0, $0xb8;
	[tilespmem:$0x1C900] =	vst v63  }
0x138: {  	s26 =	simm.s32 $0x2080  }
0x139: {  	[spmem:s1] =	stream.indirect.scatter.add.f32 [tilespmem:s13], [sflag:$0x3], $0x80, s26, s0, $0xb8;
	[tilespmem:$0x1C900] =	vst v63  }
0x13a: {  	_ =	swait.ge [sflag:s30], $0x2800  }
0x13b: {  	s24 =	simm.s32 $0x400;
	[sflag:s30] =	ssyncset.done $0x0  }
.LBB2_18:
0x13c: {  	p2 =	sne.s32 s24, $0x7400  }
0x13d: {  	[sflag:s30] =	ssyncadd.s32 $0xFFFFD800;
	s3 =	smov.u32 s24;
	s24 =	sadd.s32 $0x400, s24  }
0x13e: {  	_ = 	snop  }
0x13f: {  	_ =	swait.ge [sflag:s10], $0x2800  }
0x140: {  	s3 =	sshra.s32 s3, $0x2;
	[sflag:s10] =	ssyncset.done $0x0  }
0x141: {  	s8 =	sadd.s32 $0x80, s3;
	[sflag:s10] =	ssyncadd.s32 $0xFFFFD800  }
0x142: {  	[tilespmem:s13], [sflag:$0x2] =	stream.indirect.gather [hbm4b:s7+s0], $0x80, s8, s0, $0xb8;
	[tilespmem:$0x1C900] =	vst v63  }
0x143: {  	s8 =	sadd.s32 $0x2000, s3  }
0x144: {  	[spmem:s1] =	stream.indirect.scatter.add.f32 [tilespmem:s9], [sflag:$0x3], $0x80, s8, s0, $0xb8;
	[tilespmem:$0x1C900] =	vst v63  }
0x145: {  	_ =	swait.ge [sflag:s30], $0x2800  }
0x146: {  	[sflag:s30] =	ssyncset.done $0x0  }
0x147: {  	[sflag:s30] =	ssyncadd.s32 $0xFFFFD800  }
0x148: {  	_ =	swait.ge [sflag:s14], $0x2800  }
0x149: {  	[sflag:s14] =	ssyncset.done $0x0  }
0x14a: {  	s8 =	sadd.s32 $0x100, s3;
	[sflag:s14] =	ssyncadd.s32 $0xFFFFD800  }
0x14b: {  	[tilespmem:s9], [sflag:$0x1] =	stream.indirect.gather [hbm4b:s7+s0], $0x80, s8, s0, $0xb8;
	[tilespmem:$0x1C900] =	vst v63  }
.Ltmp6:
0x14c: {  	_ = 	snop;
	(pc) =	sbr.rel @p2 .LBB2_18-.Ltmp6, $4  }
0x14d: {  	s3 =	sadd.s32 $0x2080, s3  }
0x14e: {  	[spmem:s1] =	stream.indirect.scatter.add.f32 [tilespmem:s13], [sflag:$0x3], $0x80, s3, s0, $0xb8;
	[tilespmem:$0x1C900] =	vst v63  }
0x14f: {  	_ =	swait.ge [sflag:s30], $0x2800  }
0x150: {  	[sflag:s30] =	ssyncset.done $0x0  }
.Ltmp7:
0x151: {  	_ = 	snop;
	(pc) =	sbr.rel .LBB2_19-.Ltmp7, $1  }
0x152: {  	_ =	sdelay $0x3  }
.LBB2_2:
0x153: {  	s24 =	simm.s32 @p1 $0x1FC3;
	s3 =	rddreg [dreg:$0x5]  }
0x154: {  	[spmem:s23], [sflag:s24] =	dma.local @p1 [hbm:s3], $0x2080  }
0x155: {  	s24 =	simm.s32 @p1 $0x3  }
0x156: {  	_ =	swait.ge @p1 [sflag:s24], $0x2080  }
0x157: {  	[sflag:s24] =	ssyncset.done @p1 $0x0  }
0x158: {  	s3 =	rddreg [dreg:$0x4];
	[sflag:s24] =	ssyncadd.s32 @p1 $0xFFFFDF80;
	s24 =	simm.s32 @!p1 $0x3  }
0x159: {  	[spmem:s21], [sflag:s22] =	dma.local @!p1 [hbm:s3], $0x2780  }
0x15a: {  	_ =	swait.ge @!p1 [sflag:s24], $0x2780  }
0x15b: {  	[sflag:s24] =	ssyncset.done @!p1 $0x0  }
0x15c: {  	[sflag:s24] =	ssyncadd.s32 @!p1 $0xFFFFD880  }
0x15d: {  	s26 =	simm.s32 $0x0;
	[bflag:$0x0] =	sbarrier.arrive $0xFFFF  }
0x15e: {  	[tilespmem:s26], [sflag:$0x3] =	stream.linear.gather [hbm4b:s11+s26], $0x2000, $0x38;
	[tilespmem:$0x1C900] =	vst v63  }
0x15f: {  	_ =	swait.ge [sflag:s30], $0x2000  }
0x160: {  	[sflag:s30] =	ssyncset.done $0x0  }
0x161: {  	[sflag:s30] =	ssyncadd.s32 $0xFFFFE000  }
0x162: {  	[tilespmem:s31], [sflag:$0x3] =	stream.linear.gather [hbm4b:s12+s26], $0x2000, $0x38;
	[tilespmem:$0x1C900] =	vst v63  }
0x163: {  	_ =	swait.ge [sflag:s30], $0x2000  }
0x164: {  	[sflag:s30] =	ssyncset.done $0x0  }
0x165: {  	[sflag:s30] =	ssyncadd.s32 $0xFFFFE000  }
0x166: {  	[tilespmem:s9], [sflag:$0x1] =	stream.indirect.gather [hbm4b:s4+s0], $0x80, s26, s0, $0xb8;
	[tilespmem:$0x1C900] =	vst v63  }
0x167: {  	_ =	swait.ge [sflag:s10], $0x2800  }
0x168: {  	[sflag:s10] =	ssyncset.done $0x0  }
0x169: {  	s3 =	simm.s32 $0x80;
	[sflag:s10] =	ssyncadd.s32 $0xFFFFD800  }
0x16a: {  	[tilespmem:s13], [sflag:$0x2] =	stream.indirect.gather [hbm4b:s4+s0], $0x80, s3, s0, $0xb8;
	[tilespmem:$0x1C900] =	vst v63  }
0x16b: {  	s8 =	simm.s32 $0x2000  }
0x16c: {  	[spmem:s1] =	stream.indirect.scatter.add.f32 [tilespmem:s9], [sflag:$0x3], $0x80, s8, s0, $0xb8;
	[tilespmem:$0x1C900] =	vst v63  }
0x16d: {  	_ =	swait.ge [sflag:s30], $0x2800  }
0x16e: {  	[sflag:s30] =	ssyncset.done $0x0  }
0x16f: {  	[sflag:s30] =	ssyncadd.s32 $0xFFFFD800  }
0x170: {  	_ =	swait.ge [sflag:s14], $0x2800  }
0x171: {  	[sflag:s14] =	ssyncset.done $0x0  }
0x172: {  	s25 =	simm.s32 $0x100;
	[sflag:s14] =	ssyncadd.s32 $0xFFFFD800  }
0x173: {  	[tilespmem:s9], [sflag:$0x1] =	stream.indirect.gather [hbm4b:s4+s0], $0x80, s25, s0, $0xb8;
	[tilespmem:$0x1C900] =	vst v63  }
0x174: {  	s26 =	simm.s32 $0x2080  }
0x175: {  	[spmem:s1] =	stream.indirect.scatter.add.f32 [tilespmem:s13], [sflag:$0x3], $0x80, s26, s0, $0xb8;
	[tilespmem:$0x1C900] =	vst v63  }
0x176: {  	_ =	swait.ge [sflag:s30], $0x2800  }
0x177: {  	s24 =	simm.s32 $0x400;
	[sflag:s30] =	ssyncset.done $0x0  }
.LBB2_3:
0x178: {  	p2 =	sne.s32 s24, $0x7800  }
0x179: {  	[sflag:s30] =	ssyncadd.s32 $0xFFFFD800;
	s25 =	smov.u32 s24;
	s24 =	sadd.s32 $0x400, s24  }
0x17a: {  	_ = 	snop  }
0x17b: {  	_ =	swait.ge [sflag:s10], $0x2800  }
0x17c: {  	s25 =	sshra.s32 s25, $0x2;
	[sflag:s10] =	ssyncset.done $0x0  }
0x17d: {  	s26 =	sadd.s32 $0x80, s25;
	[sflag:s10] =	ssyncadd.s32 $0xFFFFD800  }
0x17e: {  	[tilespmem:s13], [sflag:$0x2] =	stream.indirect.gather [hbm4b:s4+s0], $0x80, s26, s0, $0xb8;
	[tilespmem:$0x1C900] =	vst v63  }
0x17f: {  	s26 =	sadd.s32 $0x2000, s25  }
0x180: {  	[spmem:s1] =	stream.indirect.scatter.add.f32 [tilespmem:s9], [sflag:$0x3], $0x80, s26, s0, $0xb8;
	[tilespmem:$0x1C900] =	vst v63  }
0x181: {  	_ =	swait.ge [sflag:s30], $0x2800  }
0x182: {  	[sflag:s30] =	ssyncset.done $0x0  }
0x183: {  	[sflag:s30] =	ssyncadd.s32 $0xFFFFD800  }
0x184: {  	_ =	swait.ge [sflag:s14], $0x2800  }
0x185: {  	[sflag:s14] =	ssyncset.done $0x0  }
0x186: {  	s26 =	sadd.s32 $0x100, s25;
	[sflag:s14] =	ssyncadd.s32 $0xFFFFD800  }
0x187: {  	[tilespmem:s9], [sflag:$0x1] =	stream.indirect.gather [hbm4b:s4+s0], $0x80, s26, s0, $0xb8;
	[tilespmem:$0x1C900] =	vst v63  }
.Ltmp8:
0x188: {  	_ = 	snop;
	(pc) =	sbr.rel @p2 .LBB2_3-.Ltmp8, $4  }
0x189: {  	s25 =	sadd.s32 $0x2080, s25  }
0x18a: {  	[spmem:s1] =	stream.indirect.scatter.add.f32 [tilespmem:s13], [sflag:$0x3], $0x80, s25, s0, $0xb8;
	[tilespmem:$0x1C900] =	vst v63  }
0x18b: {  	_ =	swait.ge [sflag:s30], $0x2800  }
0x18c: {  	[sflag:s30] =	ssyncset.done $0x0  }
0x18d: {  	[sflag:s30] =	ssyncadd.s32 $0xFFFFD800  }
0x18e: {  	_ =	swait.ge [sflag:s10], $0x2800  }
0x18f: {  	[sflag:s10] =	ssyncset.done $0x0  }
0x190: {  	[sflag:s10] =	ssyncadd.s32 $0xFFFFD800  }
0x191: {  	[tilespmem:s13], [sflag:$0x2] =	stream.indirect.gather [hbm4b:s4+s0], $0x80, s15, s0, $0xb8;
	[tilespmem:$0x1C900] =	vst v63  }
0x192: {  	_ = 	snop  }
0x193: {  	[spmem:s1] =	stream.indirect.scatter.add.f32 [tilespmem:s9], [sflag:$0x3], $0x80, s16, s0, $0xb8;
	[tilespmem:$0x1C900] =	vst v63  }
0x194: {  	_ =	swait.ge [sflag:s30], $0x2800  }
0x195: {  	[sflag:s30] =	ssyncset.done $0x0  }
0x196: {  	[sflag:s30] =	ssyncadd.s32 $0xFFFFD800  }
0x197: {  	_ =	swait.ge [sflag:s14], $0x2800  }
0x198: {  	[sflag:s14] =	ssyncset.done $0x0  }
0x199: {  	[sflag:s14] =	ssyncadd.s32 $0xFFFFD800  }
0x19a: {  	[spmem:s1] =	stream.indirect.scatter.add.f32 [tilespmem:s13], [sflag:$0x3], $0x80, s17, s0, $0xb8;
	[tilespmem:$0x1C900] =	vst v63  }
0x19b: {  	_ =	swait.ge [sflag:s30], $0x2800  }
0x19c: {  	[sflag:s30] =	ssyncset.done $0x0  }
0x19d: {  	s24 =	sadd.s32 $0x400, s11;
	s26 =	simm.s32 $0x0;
	[sflag:s30] =	ssyncadd.s32 $0xFFFFD800  }
0x19e: {  	[tilespmem:s26], [sflag:$0x3] =	stream.linear.gather [hbm4b:s24+s26], $0x1F00, $0x38;
	[tilespmem:$0x1C900] =	vst v63  }
0x19f: {  	_ =	swait.ge [sflag:s30], $0x1F00  }
0x1a0: {  	[sflag:s30] =	ssyncset.done $0x0  }
0x1a1: {  	s25 =	sadd.s32 $0x400, s12;
	[sflag:s30] =	ssyncadd.s32 $0xFFFFE100  }
0x1a2: {  	[tilespmem:s31], [sflag:$0x3] =	stream.linear.gather [hbm4b:s25+s26], $0x1F00, $0x38;
	[tilespmem:$0x1C900] =	vst v63  }
0x1a3: {  	_ =	swait.ge [sflag:s30], $0x1F00  }
0x1a4: {  	[sflag:s30] =	ssyncset.done $0x0  }
0x1a5: {  	[sflag:s30] =	ssyncadd.s32 $0xFFFFE100  }
0x1a6: {  	[tilespmem:s9], [sflag:$0x1] =	stream.indirect.gather [hbm4b:s4+s0], $0x80, s26, s0, $0xb8;
	[tilespmem:$0x1C900] =	vst v63  }
0x1a7: {  	_ =	swait.ge [sflag:s10], $0x2800  }
0x1a8: {  	[sflag:s10] =	ssyncset.done $0x0  }
0x1a9: {  	s3 =	simm.s32 $0x80;
	[sflag:s10] =	ssyncadd.s32 $0xFFFFD800  }
0x1aa: {  	[tilespmem:s13], [sflag:$0x2] =	stream.indirect.gather [hbm4b:s4+s0], $0x80, s3, s0, $0xb8;
	[tilespmem:$0x1C900] =	vst v63  }
0x1ab: {  	s8 =	simm.s32 $0x2000  }
0x1ac: {  	[spmem:s1] =	stream.indirect.scatter.add.f32 [tilespmem:s9], [sflag:$0x3], $0x80, s8, s0, $0xb8;
	[tilespmem:$0x1C900] =	vst v63  }
0x1ad: {  	_ =	swait.ge [sflag:s30], $0x2800  }
0x1ae: {  	[sflag:s30] =	ssyncset.done $0x0  }
0x1af: {  	[sflag:s30] =	ssyncadd.s32 $0xFFFFD800  }
0x1b0: {  	_ =	swait.ge [sflag:s14], $0x2800  }
0x1b1: {  	[sflag:s14] =	ssyncset.done $0x0  }
0x1b2: {  	s3 =	simm.s32 $0x100;
	[sflag:s14] =	ssyncadd.s32 $0xFFFFD800  }
0x1b3: {  	[tilespmem:s9], [sflag:$0x1] =	stream.indirect.gather [hbm4b:s4+s0], $0x80, s3, s0, $0xb8;
	[tilespmem:$0x1C900] =	vst v63  }
0x1b4: {  	s8 =	simm.s32 $0x2080  }
0x1b5: {  	[spmem:s1] =	stream.indirect.scatter.add.f32 [tilespmem:s13], [sflag:$0x3], $0x80, s8, s0, $0xb8;
	[tilespmem:$0x1C900] =	vst v63  }
0x1b6: {  	_ =	swait.ge [sflag:s30], $0x2800  }
0x1b7: {  	s26 =	simm.s32 $0x400;
	[sflag:s30] =	ssyncset.done $0x0  }
.LBB2_5:
0x1b8: {  	p2 =	sne.s32 s26, $0x7400  }
0x1b9: {  	[sflag:s30] =	ssyncadd.s32 $0xFFFFD800;
	s3 =	smov.u32 s26;
	s26 =	sadd.s32 $0x400, s26  }
0x1ba: {  	_ = 	snop  }
0x1bb: {  	_ =	swait.ge [sflag:s10], $0x2800  }
0x1bc: {  	s3 =	sshra.s32 s3, $0x2;
	[sflag:s10] =	ssyncset.done $0x0  }
0x1bd: {  	s8 =	sadd.s32 $0x80, s3;
	[sflag:s10] =	ssyncadd.s32 $0xFFFFD800  }
0x1be: {  	[tilespmem:s13], [sflag:$0x2] =	stream.indirect.gather [hbm4b:s4+s0], $0x80, s8, s0, $0xb8;
	[tilespmem:$0x1C900] =	vst v63  }
0x1bf: {  	s8 =	sadd.s32 $0x2000, s3  }
0x1c0: {  	[spmem:s1] =	stream.indirect.scatter.add.f32 [tilespmem:s9], [sflag:$0x3], $0x80, s8, s0, $0xb8;
	[tilespmem:$0x1C900] =	vst v63  }
0x1c1: {  	_ =	swait.ge [sflag:s30], $0x2800  }
0x1c2: {  	[sflag:s30] =	ssyncset.done $0x0  }
0x1c3: {  	[sflag:s30] =	ssyncadd.s32 $0xFFFFD800  }
0x1c4: {  	_ =	swait.ge [sflag:s14], $0x2800  }
0x1c5: {  	[sflag:s14] =	ssyncset.done $0x0  }
0x1c6: {  	s8 =	sadd.s32 $0x100, s3;
	[sflag:s14] =	ssyncadd.s32 $0xFFFFD800  }
0x1c7: {  	[tilespmem:s9], [sflag:$0x1] =	stream.indirect.gather [hbm4b:s4+s0], $0x80, s8, s0, $0xb8;
	[tilespmem:$0x1C900] =	vst v63  }
.Ltmp9:
0x1c8: {  	_ = 	snop;
	(pc) =	sbr.rel @p2 .LBB2_5-.Ltmp9, $4  }
0x1c9: {  	s3 =	sadd.s32 $0x2080, s3  }
0x1ca: {  	[spmem:s1] =	stream.indirect.scatter.add.f32 [tilespmem:s13], [sflag:$0x3], $0x80, s3, s0, $0xb8;
	[tilespmem:$0x1C900] =	vst v63  }
0x1cb: {  	_ =	swait.ge [sflag:s30], $0x2800  }
0x1cc: {  	[sflag:s30] =	ssyncset.done $0x0  }
0x1cd: {  	[sflag:s30] =	ssyncadd.s32 $0xFFFFD800  }
0x1ce: {  	_ =	swait.ge [sflag:s10], $0x2800  }
0x1cf: {  	[sflag:s10] =	ssyncset.done $0x0  }
0x1d0: {  	[sflag:s10] =	ssyncadd.s32 $0xFFFFD800  }
0x1d1: {  	[tilespmem:s13], [sflag:$0x2] =	stream.indirect.gather [hbm4b:s4+s0], $0x80, s18, s0, $0xb8;
	[tilespmem:$0x1C900] =	vst v63  }
0x1d2: {  	_ = 	snop  }
0x1d3: {  	[spmem:s1] =	stream.indirect.scatter.add.f32 [tilespmem:s9], [sflag:$0x3], $0x80, s19, s0, $0xb8;
	[tilespmem:$0x1C900] =	vst v63  }
0x1d4: {  	_ =	swait.ge [sflag:s30], $0x2800  }
0x1d5: {  	[sflag:s30] =	ssyncset.done $0x0  }
0x1d6: {  	[sflag:s30] =	ssyncadd.s32 $0xFFFFD800  }
0x1d7: {  	_ =	swait.ge [sflag:s14], $0x2800  }
0x1d8: {  	[sflag:s14] =	ssyncset.done $0x0  }
0x1d9: {  	[sflag:s14] =	ssyncadd.s32 $0xFFFFD800  }
0x1da: {  	[spmem:s1] =	stream.indirect.scatter.add.f32 [tilespmem:s13], [sflag:$0x3], $0x80, s20, s0, $0xb8;
	[tilespmem:$0x1C900] =	vst v63  }
0x1db: {  	_ =	swait.ge [sflag:s30], $0x2800  }
0x1dc: {  	[sflag:s30] =	ssyncset.done $0x0  }
0x1dd: {  	[sflag:s30] =	ssyncadd.s32 $0xFFFFD800  }
0x1de: {  	[bflag:$0x0] =	sbarrier.arrive $0xFFFF  }
0x1df: {  	s3 =	simm.s32 @p1 $0x1FC3;
	s8 =	rddreg [dreg:$0x7]  }
0x1e0: {  	[hbm:s8], [sflag:s3] =	dma.local @p1 [spmem:s23], $0x2080  }
0x1e1: {  	s8 =	simm.s32 @p1 $0x3  }
0x1e2: {  	_ =	swait.ge @p1 [sflag:s8], $0x2080  }
0x1e3: {  	[sflag:s8] =	ssyncset.done @p1 $0x0  }
0x1e4: {  	s26 =	rddreg [dreg:$0x8];
	[sflag:s8] =	ssyncadd.s32 @p1 $0xFFFFDF80  }
0x1e5: {  	[spmem:s23], [sflag:s3] =	dma.local @p1 [hbm:s26], $0x2080  }
0x1e6: {  	_ =	swait.ge @p1 [sflag:s8], $0x2080  }
0x1e7: {  	[sflag:s8] =	ssyncset.done @p1 $0x0  }
0x1e8: {  	s3 =	rddreg [dreg:$0x6];
	[sflag:s8] =	ssyncadd.s32 @p1 $0xFFFFDF80  }
0x1e9: {  	[hbm:s3], [sflag:s22] =	dma.local @!p1 [spmem:s21], $0x2780  }
0x1ea: {  	s3 =	simm.s32 @!p1 $0x3  }
0x1eb: {  	_ =	swait.ge @!p1 [sflag:s3], $0x2780  }
0x1ec: {  	[sflag:s3] =	ssyncset.done @!p1 $0x0  }
0x1ed: {  	s8 =	rddreg [dreg:$0x9];
	[sflag:s3] =	ssyncadd.s32 @!p1 $0xFFFFD880  }
0x1ee: {  	[spmem:s21], [sflag:s22] =	dma.local @!p1 [hbm:s8], $0x2780  }
0x1ef: {  	_ =	swait.ge @!p1 [sflag:s3], $0x2780  }
0x1f0: {  	[sflag:s3] =	ssyncset.done @!p1 $0x0  }
0x1f1: {  	[sflag:s3] =	ssyncadd.s32 @!p1 $0xFFFFD880  }
0x1f2: {  	s26 =	simm.s32 $0x0;
	[bflag:$0x0] =	sbarrier.arrive $0xFFFF  }
0x1f3: {  	[tilespmem:s26], [sflag:$0x3] =	stream.linear.gather [hbm4b:s11+s26], $0x2000, $0x38;
	[tilespmem:$0x1C900] =	vst v63  }
0x1f4: {  	_ =	swait.ge [sflag:s30], $0x2000  }
0x1f5: {  	[sflag:s30] =	ssyncset.done $0x0  }
0x1f6: {  	[sflag:s30] =	ssyncadd.s32 $0xFFFFE000  }
0x1f7: {  	[tilespmem:s31], [sflag:$0x3] =	stream.linear.gather [hbm4b:s12+s26], $0x2000, $0x38;
	[tilespmem:$0x1C900] =	vst v63  }
0x1f8: {  	_ =	swait.ge [sflag:s30], $0x2000  }
0x1f9: {  	[sflag:s30] =	ssyncset.done $0x0  }
0x1fa: {  	[sflag:s30] =	ssyncadd.s32 $0xFFFFE000  }
0x1fb: {  	[tilespmem:s9], [sflag:$0x1] =	stream.indirect.gather [hbm4b:s5+s0], $0x80, s26, s0, $0xb8;
	[tilespmem:$0x1C900] =	vst v63  }
0x1fc: {  	_ =	swait.ge [sflag:s10], $0x2800  }
0x1fd: {  	[sflag:s10] =	ssyncset.done $0x0  }
0x1fe: {  	s8 =	simm.s32 $0x80;
	[sflag:s10] =	ssyncadd.s32 $0xFFFFD800  }
0x1ff: {  	[tilespmem:s13], [sflag:$0x2] =	stream.indirect.gather [hbm4b:s5+s0], $0x80, s8, s0, $0xb8;
	[tilespmem:$0x1C900] =	vst v63  }
0x200: {  	s26 =	simm.s32 $0x2000  }
0x201: {  	[spmem:s1] =	stream.indirect.scatter.add.f32 [tilespmem:s9], [sflag:$0x3], $0x80, s26, s0, $0xb8;
	[tilespmem:$0x1C900] =	vst v63  }
0x202: {  	_ =	swait.ge [sflag:s30], $0x2800  }
0x203: {  	[sflag:s30] =	ssyncset.done $0x0  }
0x204: {  	[sflag:s30] =	ssyncadd.s32 $0xFFFFD800  }
0x205: {  	_ =	swait.ge [sflag:s14], $0x2800  }
0x206: {  	[sflag:s14] =	ssyncset.done $0x0  }
0x207: {  	s8 =	simm.s32 $0x100;
	[sflag:s14] =	ssyncadd.s32 $0xFFFFD800  }
0x208: {  	[tilespmem:s9], [sflag:$0x1] =	stream.indirect.gather [hbm4b:s5+s0], $0x80, s8, s0, $0xb8;
	[tilespmem:$0x1C900] =	vst v63  }
0x209: {  	s26 =	simm.s32 $0x2080  }
0x20a: {  	[spmem:s1] =	stream.indirect.scatter.add.f32 [tilespmem:s13], [sflag:$0x3], $0x80, s26, s0, $0xb8;
	[tilespmem:$0x1C900] =	vst v63  }
0x20b: {  	_ =	swait.ge [sflag:s30], $0x2800  }
0x20c: {  	s26 =	simm.s32 $0x400;
	[sflag:s30] =	ssyncset.done $0x0  }
.LBB2_7:
0x20d: {  	p2 =	sne.s32 s26, $0x7800  }
0x20e: {  	[sflag:s30] =	ssyncadd.s32 $0xFFFFD800;
	s3 =	smov.u32 s26;
	s26 =	sadd.s32 $0x400, s26  }
0x20f: {  	_ = 	snop  }
0x210: {  	_ =	swait.ge [sflag:s10], $0x2800  }
0x211: {  	s3 =	sshra.s32 s3, $0x2;
	[sflag:s10] =	ssyncset.done $0x0  }
0x212: {  	s8 =	sadd.s32 $0x80, s3;
	[sflag:s10] =	ssyncadd.s32 $0xFFFFD800  }
0x213: {  	[tilespmem:s13], [sflag:$0x2] =	stream.indirect.gather [hbm4b:s5+s0], $0x80, s8, s0, $0xb8;
	[tilespmem:$0x1C900] =	vst v63  }
0x214: {  	s8 =	sadd.s32 $0x2000, s3  }
0x215: {  	[spmem:s1] =	stream.indirect.scatter.add.f32 [tilespmem:s9], [sflag:$0x3], $0x80, s8, s0, $0xb8;
	[tilespmem:$0x1C900] =	vst v63  }
0x216: {  	_ =	swait.ge [sflag:s30], $0x2800  }
0x217: {  	[sflag:s30] =	ssyncset.done $0x0  }
0x218: {  	[sflag:s30] =	ssyncadd.s32 $0xFFFFD800  }
0x219: {  	_ =	swait.ge [sflag:s14], $0x2800  }
0x21a: {  	[sflag:s14] =	ssyncset.done $0x0  }
0x21b: {  	s8 =	sadd.s32 $0x100, s3;
	[sflag:s14] =	ssyncadd.s32 $0xFFFFD800  }
0x21c: {  	[tilespmem:s9], [sflag:$0x1] =	stream.indirect.gather [hbm4b:s5+s0], $0x80, s8, s0, $0xb8;
	[tilespmem:$0x1C900] =	vst v63  }
.Ltmp10:
0x21d: {  	_ = 	snop;
	(pc) =	sbr.rel @p2 .LBB2_7-.Ltmp10, $4  }
0x21e: {  	s3 =	sadd.s32 $0x2080, s3  }
0x21f: {  	[spmem:s1] =	stream.indirect.scatter.add.f32 [tilespmem:s13], [sflag:$0x3], $0x80, s3, s0, $0xb8;
	[tilespmem:$0x1C900] =	vst v63  }
0x220: {  	_ =	swait.ge [sflag:s30], $0x2800  }
0x221: {  	[sflag:s30] =	ssyncset.done $0x0  }
0x222: {  	[sflag:s30] =	ssyncadd.s32 $0xFFFFD800  }
0x223: {  	_ =	swait.ge [sflag:s10], $0x2800  }
0x224: {  	[sflag:s10] =	ssyncset.done $0x0  }
0x225: {  	[sflag:s10] =	ssyncadd.s32 $0xFFFFD800  }
0x226: {  	[tilespmem:s13], [sflag:$0x2] =	stream.indirect.gather [hbm4b:s5+s0], $0x80, s15, s0, $0xb8;
	[tilespmem:$0x1C900] =	vst v63  }
0x227: {  	_ = 	snop  }
0x228: {  	[spmem:s1] =	stream.indirect.scatter.add.f32 [tilespmem:s9], [sflag:$0x3], $0x80, s16, s0, $0xb8;
	[tilespmem:$0x1C900] =	vst v63  }
0x229: {  	_ =	swait.ge [sflag:s30], $0x2800  }
0x22a: {  	[sflag:s30] =	ssyncset.done $0x0  }
0x22b: {  	[sflag:s30] =	ssyncadd.s32 $0xFFFFD800  }
0x22c: {  	_ =	swait.ge [sflag:s14], $0x2800  }
0x22d: {  	[sflag:s14] =	ssyncset.done $0x0  }
0x22e: {  	[sflag:s14] =	ssyncadd.s32 $0xFFFFD800  }
0x22f: {  	[spmem:s1] =	stream.indirect.scatter.add.f32 [tilespmem:s13], [sflag:$0x3], $0x80, s17, s0, $0xb8;
	[tilespmem:$0x1C900] =	vst v63  }
0x230: {  	_ =	swait.ge [sflag:s30], $0x2800  }
0x231: {  	[sflag:s30] =	ssyncset.done $0x0  }
0x232: {  	s3 =	simm.s32 $0x0;
	[sflag:s30] =	ssyncadd.s32 $0xFFFFD800  }
0x233: {  	[tilespmem:s3], [sflag:$0x3] =	stream.linear.gather [hbm4b:s24+s3], $0x1F00, $0x38;
	[tilespmem:$0x1C900] =	vst v63  }
0x234: {  	_ =	swait.ge [sflag:s30], $0x1F00  }
0x235: {  	[sflag:s30] =	ssyncset.done $0x0  }
0x236: {  	[sflag:s30] =	ssyncadd.s32 $0xFFFFE100  }
0x237: {  	[tilespmem:s31], [sflag:$0x3] =	stream.linear.gather [hbm4b:s25+s3], $0x1F00, $0x38;
	[tilespmem:$0x1C900] =	vst v63  }
0x238: {  	_ =	swait.ge [sflag:s30], $0x1F00  }
0x239: {  	[sflag:s30] =	ssyncset.done $0x0  }
0x23a: {  	[sflag:s30] =	ssyncadd.s32 $0xFFFFE100  }
0x23b: {  	[tilespmem:s9], [sflag:$0x1] =	stream.indirect.gather [hbm4b:s5+s0], $0x80, s3, s0, $0xb8;
	[tilespmem:$0x1C900] =	vst v63  }
0x23c: {  	_ =	swait.ge [sflag:s10], $0x2800  }
0x23d: {  	[sflag:s10] =	ssyncset.done $0x0  }
0x23e: {  	s8 =	simm.s32 $0x80;
	[sflag:s10] =	ssyncadd.s32 $0xFFFFD800  }
0x23f: {  	[tilespmem:s13], [sflag:$0x2] =	stream.indirect.gather [hbm4b:s5+s0], $0x80, s8, s0, $0xb8;
	[tilespmem:$0x1C900] =	vst v63  }
0x240: {  	s24 =	simm.s32 $0x2000  }
0x241: {  	[spmem:s1] =	stream.indirect.scatter.add.f32 [tilespmem:s9], [sflag:$0x3], $0x80, s24, s0, $0xb8;
	[tilespmem:$0x1C900] =	vst v63  }
0x242: {  	_ =	swait.ge [sflag:s30], $0x2800  }
0x243: {  	[sflag:s30] =	ssyncset.done $0x0  }
0x244: {  	[sflag:s30] =	ssyncadd.s32 $0xFFFFD800  }
0x245: {  	_ =	swait.ge [sflag:s14], $0x2800  }
0x246: {  	[sflag:s14] =	ssyncset.done $0x0  }
0x247: {  	s25 =	simm.s32 $0x100;
	[sflag:s14] =	ssyncadd.s32 $0xFFFFD800  }
0x248: {  	[tilespmem:s9], [sflag:$0x1] =	stream.indirect.gather [hbm4b:s5+s0], $0x80, s25, s0, $0xb8;
	[tilespmem:$0x1C900] =	vst v63  }
0x249: {  	s26 =	simm.s32 $0x2080  }
0x24a: {  	[spmem:s1] =	stream.indirect.scatter.add.f32 [tilespmem:s13], [sflag:$0x3], $0x80, s26, s0, $0xb8;
	[tilespmem:$0x1C900] =	vst v63  }
0x24b: {  	_ =	swait.ge [sflag:s30], $0x2800  }
0x24c: {  	s24 =	simm.s32 $0x400;
	[sflag:s30] =	ssyncset.done $0x0  }
.LBB2_9:
0x24d: {  	p2 =	sne.s32 s24, $0x7400  }
0x24e: {  	[sflag:s30] =	ssyncadd.s32 $0xFFFFD800;
	s3 =	smov.u32 s24;
	s24 =	sadd.s32 $0x400, s24  }
0x24f: {  	_ = 	snop  }
0x250: {  	_ =	swait.ge [sflag:s10], $0x2800  }
0x251: {  	s3 =	sshra.s32 s3, $0x2;
	[sflag:s10] =	ssyncset.done $0x0  }
0x252: {  	s8 =	sadd.s32 $0x80, s3;
	[sflag:s10] =	ssyncadd.s32 $0xFFFFD800  }
0x253: {  	[tilespmem:s13], [sflag:$0x2] =	stream.indirect.gather [hbm4b:s5+s0], $0x80, s8, s0, $0xb8;
	[tilespmem:$0x1C900] =	vst v63  }
0x254: {  	s8 =	sadd.s32 $0x2000, s3  }
0x255: {  	[spmem:s1] =	stream.indirect.scatter.add.f32 [tilespmem:s9], [sflag:$0x3], $0x80, s8, s0, $0xb8;
	[tilespmem:$0x1C900] =	vst v63  }
0x256: {  	_ =	swait.ge [sflag:s30], $0x2800  }
0x257: {  	[sflag:s30] =	ssyncset.done $0x0  }
0x258: {  	[sflag:s30] =	ssyncadd.s32 $0xFFFFD800  }
0x259: {  	_ =	swait.ge [sflag:s14], $0x2800  }
0x25a: {  	[sflag:s14] =	ssyncset.done $0x0  }
0x25b: {  	s8 =	sadd.s32 $0x100, s3;
	[sflag:s14] =	ssyncadd.s32 $0xFFFFD800  }
0x25c: {  	[tilespmem:s9], [sflag:$0x1] =	stream.indirect.gather [hbm4b:s5+s0], $0x80, s8, s0, $0xb8;
	[tilespmem:$0x1C900] =	vst v63  }
.Ltmp11:
0x25d: {  	_ = 	snop;
	(pc) =	sbr.rel @p2 .LBB2_9-.Ltmp11, $4  }
0x25e: {  	s3 =	sadd.s32 $0x2080, s3  }
0x25f: {  	[spmem:s1] =	stream.indirect.scatter.add.f32 [tilespmem:s13], [sflag:$0x3], $0x80, s3, s0, $0xb8;
	[tilespmem:$0x1C900] =	vst v63  }
0x260: {  	_ =	swait.ge [sflag:s30], $0x2800  }
0x261: {  	[sflag:s30] =	ssyncset.done $0x0  }
0x262: {  	[sflag:s30] =	ssyncadd.s32 $0xFFFFD800  }
0x263: {  	_ =	swait.ge [sflag:s10], $0x2800  }
0x264: {  	[sflag:s10] =	ssyncset.done $0x0  }
0x265: {  	[sflag:s10] =	ssyncadd.s32 $0xFFFFD800  }
0x266: {  	[tilespmem:s13], [sflag:$0x2] =	stream.indirect.gather [hbm4b:s5+s0], $0x80, s18, s0, $0xb8;
	[tilespmem:$0x1C900] =	vst v63  }
0x267: {  	_ = 	snop  }
0x268: {  	[spmem:s1] =	stream.indirect.scatter.add.f32 [tilespmem:s9], [sflag:$0x3], $0x80, s19, s0, $0xb8;
	[tilespmem:$0x1C900] =	vst v63  }
0x269: {  	_ =	swait.ge [sflag:s30], $0x2800  }
0x26a: {  	[sflag:s30] =	ssyncset.done $0x0  }
0x26b: {  	[sflag:s30] =	ssyncadd.s32 $0xFFFFD800  }
0x26c: {  	_ =	swait.ge [sflag:s14], $0x2800  }
0x26d: {  	[sflag:s14] =	ssyncset.done $0x0  }
0x26e: {  	[sflag:s14] =	ssyncadd.s32 $0xFFFFD800  }
0x26f: {  	[spmem:s1] =	stream.indirect.scatter.add.f32 [tilespmem:s13], [sflag:$0x3], $0x80, s20, s0, $0xb8;
	[tilespmem:$0x1C900] =	vst v63  }
0x270: {  	_ =	swait.ge [sflag:s30], $0x2800  }
0x271: {  	[sflag:s30] =	ssyncset.done $0x0  }
0x272: {  	[sflag:s30] =	ssyncadd.s32 $0xFFFFD800  }
0x273: {  	[bflag:$0x0] =	sbarrier.arrive $0xFFFF  }
0x274: {  	s3 =	simm.s32 @p1 $0x1FC3;
	s8 =	rddreg [dreg:$0xb]  }
0x275: {  	[hbm:s8], [sflag:s3] =	dma.local @p1 [spmem:s23], $0x2080  }
0x276: {  	s3 =	simm.s32 @p1 $0x3  }
0x277: {  	_ =	swait.ge @p1 [sflag:s3], $0x2080  }
0x278: {  	[sflag:s3] =	ssyncset.done @p1 $0x0  }
0x279: {  	[sflag:s3] =	ssyncadd.s32 @p1 $0xFFFFDF80;
	s3 =	rddreg [dreg:$0xa]  }
0x27a: {  	[hbm:s3], [sflag:s22] =	dma.local @!p1 [spmem:s21], $0x2780  }
.Ltmp12:
0x27b: {  	_ = 	snop;
	(pc) =	sbr.rel .LBB2_20-.Ltmp12, $4  }
0x27c: {  	s3 =	simm.s32 @!p1 $0x3  }
0x27d: {  	_ =	swait.ge @!p1 [sflag:s3], $0x2780  }
0x27e: {  	[sflag:s3] =	ssyncset.done @!p1 $0x0  }
0x27f: {  	[sflag:s3] =	ssyncadd.s32 @!p1 $0xFFFFD880  }
.LBB2_21:
0x280: {  	_ =	sfence.sel $0x180000  }
0x281: {  	[bflag:$0x0] =	sbarrier.arrive $0xFFFF  }
0x282: {  	_ =	strace $0x9000004A  }
0x283: {  	s0 =	stileid.u32;
	[bflag:$0x2] =	sbarrier.arrive $0xFFFF  }
0x284: {  	p0 =	sne.s32 s0, $0x0;
	s0 =	rddreg [dreg:$0x2]  }
0x285: {  	s0 =	sadd.s32 @!p0 $0x100000, s0  }
0x286: {  	[sflag:s0] =	ssyncadd.tile.s32 @!p0 $0x1;
	_ =	shalt  }
.Lfunc_end2:
_tile_overlayer_lowered:
.L_overlay_start_2:
0x287: {  	(tag) =	ssettag $0x2  }
0x288: {  	s0 =	rddreg [dreg:$0x0];
	s2 =	stileid.u32  }
0x289: {  	s1 =	rddreg [dreg:$0x1];
	p0 =	sne.s32 s2, $0x0  }
0x28a: {  	s3 =	rddreg [dreg:$0x2];
	[bflag:$0x3] =	sbarrier.arrive $0xFFFF;
	s2 =	simm.s32 @!p0 $0x1C03  }
0x28b: {  	[timem:s3], [sflag:s2] =	dma.local @!p0 [hbm:s0], s1  }
0x28c: {  	s0 =	simm.s32 @!p0 $0x3  }
0x28d: {  	_ =	swait.ge @!p0 [sflag:s0], s1  }
0x28e: {  	s1 =	ssub.s32 @!p0 $0x0, s1;
	[sflag:s0] =	ssyncset.done @!p0 $0x0  }
0x28f: {  	[sflag:s0] =	ssyncadd.s32 @!p0 s1  }
0x290: {  	[bflag:$0x3] =	sbarrier.arrive $0xFFFF  }
0x291: {  	_ =	shalt  }

// kernel: kernel.14.cloned.1.call-start
scs
__scs_entry_jumppad:
0x0: {  	(pc) =	sbr.rel $0x88, $3  }
0x1: {  	(tag) =	ssettag $0x0;
	lr =	simm.s32 $0x1  }
0x2: {  	[smem:$0x3F97] =	sst lr;
	_ =	strace $0xD0000000  }
0x3: {  	_ = 	snop  }
0x4: {  	_ = 	snop  }
0x5: {  	_ = 	snop  }
0x6: {  	_ = 	snop  }
0x7: {  	_ = 	snop  }
__scs_overlays_trampoline_lowered:
0x8: {  	[smem:$0x3FA6] =	sst s0  }
0x9: {  	[smem:$0x3FA7] =	sst s1  }
0xa: {  	[smem:$0x3FA8] =	sst s2  }
0xb: {  	[smem:$0x3FA9] =	sst s3  }
0xc: {  	[smem:$0x3FAA] =	sst s4  }
0xd: {  	[smem:$0x3FAB] =	sst s5  }
0xe: {  	[smem:$0x3FAC] =	sst s6  }
0xf: {  	[smem:$0x3FAD] =	sst s7  }
0x10: {  	[smem:$0x3FAE] =	sst s8  }
0x11: {  	[smem:$0x3FAF] =	sst s9;
	s0 =	simm.s32 @!p0 $0x0  }
0x12: {  	s1 =	sld [smem:$0x3F95];
	s0 =	simm.s32 @p0 $0x1  }
0x13: {  	[smem:$0x3FB0] =	sst s0;
	s0 =	simm.s32 @!p1 $0x0  }
0x14: {  	s2 =	sld [smem:$0x3F94];
	s0 =	simm.s32 @p1 $0x1  }
0x15: {  	[smem:$0x3FB1] =	sst s0;
	s0 =	simm.s32 @!p2 $0x0  }
0x16: {  	s3 =	sld [smem:$0x3FDB];
	s0 =	simm.s32 @p2 $0x1  }
0x17: {  	s4 =	simm.s32 $0x1BF5;
	[smem:$0x3FB3] =	sst s0  }
0x18: {  	s0 =	sld [smem:$0x3F96];
	_ =	swait.ge [sflag:s4], $0x0  }
0x19: {  	s7 =	sld [smem:$0x3F97]  }
0x1a: {  	s8 =	sadd.s32 $0xFFFFE003, lr  }
0x1b: {  	s9 =	sadd.s32 $0xFFFFFEF7, lr;
	s5 =	simm.s32 $0xFFFFFFFF;
	p2 =	slt.u32 s8, $0xFFFFF086  }
0x1c: {  	p1 =	slt.u32 s9, $0xF7A;
	s5 =	simm.s32 @!p2 $0x0  }
0x1d: {  	s5 =	simm.s32 @p1 $0x1;
	p0 =	seq.s32 s7, s2  }
0x1e: {  	s7 =	smul.u32 @!p0 $0xF7A, s2;
	p2 =	seq.s32 @!p0 s5, $0x0  }
0x1f: {  	s9 =	smul.u32 $0xF7A, s1;
	s8 =	simm.s32 @!p0 $0x1BF5;
	p2 =	por !p2, p0  }
0x20: {  	[sflag:s8] =	ssyncset.s32 @!p0 $0xFFFFF086;
	s6 =	sadd.s32 @!p0 s3, s7;
	s7 =	simm.s32 @!p0 $0x108  }
0x21: {  	s3 =	sadd.s32 s3, s9;
	s6 =	sadd.s32 @!p0 $0x88, s6;
	s7 =	simm.s32 @p2 $0x1082  }
0x22: {  	[simem:s7], [sflag:s8] =	dma.local @!p0 [hbm:s6], $0xF7A  }
0x23: {  	s9 =	sor.u32 $0xD0000000, s2;
	s6 =	simm.s32 $0x108;
	_ =	swait.ge @!p0 [sflag:s8], $0x0  }
0x24: {  	s3 =	sadd.s32 $0x88, s3;
	s6 =	simm.s32 @!p1 $0x1082;
	[sflag:s4] =	ssyncset.s32 $0xFFFFF086  }
0x25: {  	[simem:s6], [sflag:s4] =	dma.local [hbm:s3], $0xF7A  }
0x26: {  	[smem:$0x3F97] =	sst s1;
	(tag) =	ssettag s2;
	_ =	strace s9  }
0x27: {  	s1 =	sld [smem:$0x3FA7]  }
0x28: {  	s2 =	sld [smem:$0x3FA8]  }
0x29: {  	s4 =	sld [smem:$0x3FAA]  }
0x2a: {  	p0 =	seq.s32 s5, $0x0;
	s5 =	sld [smem:$0x3FAB]  }
0x2b: {  	s6 =	sld [smem:$0x3FAC]  }
0x2c: {  	s7 =	sld [smem:$0x3FAD]  }
0x2d: {  	s3 =	simm.s32 $0x108;
	s8 =	sld [smem:$0x3FAE]  }
0x2e: {  	s3 =	simm.s32 @!p0 $0x1082;
	s9 =	sld [smem:$0x3FAF]  }
0x2f: {  	lr =	sadd.s32 s0, s3;
	s0 =	sld [smem:$0x3FA6]  }
0x30: {  	s3 =	sld [smem:$0x3FA9]  }
0x31: {  	[smem:$0x3FB2] =	sst s10  }
0x32: {  	s10 =	sld [smem:$0x3FB0];
	_ =	sdelay $0x3  }
0x33: {  	p0 =	seq.s32 s10, $0x1;
	s10 =	sld [smem:$0x3FB2];
	_ =	sdelay $0x3  }
0x34: {  	[smem:$0x3FB2] =	sst s10  }
0x35: {  	s10 =	sld [smem:$0x3FB1];
	_ =	sdelay $0x3  }
0x36: {  	p1 =	seq.s32 s10, $0x1;
	s10 =	sld [smem:$0x3FB2];
	_ =	sdelay $0x3  }
0x37: {  	[smem:$0x3FB2] =	sst s10  }
0x38: {  	s10 =	sld [smem:$0x3FB3]  }
0x39: {  	_ = 	snop;
	(pc) =	sbr.ind lr, $3  }
0x3a: {  	_ = 	snop  }
0x3b: {  	_ = 	snop  }
0x3c: {  	p2 =	seq.s32 s10, $0x1;
	s10 =	sld [smem:$0x3FB2]  }
0x3d: {  	_ =	shalt  }
0x3e: {  	_ =	shalt  }
0x3f: {  	_ =	shalt  }
0x40: {  	_ =	shalt  }
0x41: {  	_ =	shalt  }
0x42: {  	_ =	shalt  }
0x43: {  	_ =	shalt  }
0x44: {  	_ =	shalt  }
0x45: {  	_ =	shalt  }
0x46: {  	_ =	shalt  }
0x47: {  	_ =	shalt  }
0x48: {  	_ =	shalt  }
0x49: {  	_ =	shalt  }
0x4a: {  	_ =	shalt  }
0x4b: {  	_ =	shalt  }
0x4c: {  	_ =	shalt  }
0x4d: {  	_ =	shalt  }
0x4e: {  	_ =	shalt  }
0x4f: {  	_ =	shalt  }
0x50: {  	_ =	shalt  }
0x51: {  	_ =	shalt  }
0x52: {  	_ =	shalt  }
0x53: {  	_ =	shalt  }
0x54: {  	_ =	shalt  }
0x55: {  	_ =	shalt  }
0x56: {  	_ =	shalt  }
0x57: {  	_ =	shalt  }
0x58: {  	_ =	shalt  }
0x59: {  	_ =	shalt  }
0x5a: {  	_ =	shalt  }
0x5b: {  	_ =	shalt  }
0x5c: {  	_ =	shalt  }
0x5d: {  	_ =	shalt  }
0x5e: {  	_ =	shalt  }
0x5f: {  	_ =	shalt  }
0x60: {  	_ =	shalt  }
0x61: {  	_ =	shalt  }
0x62: {  	_ =	shalt  }
0x63: {  	_ =	shalt  }
0x64: {  	_ =	shalt  }
0x65: {  	_ =	shalt  }
0x66: {  	_ =	shalt  }
0x67: {  	_ =	shalt  }
0x68: {  	_ =	shalt  }
0x69: {  	_ =	shalt  }
0x6a: {  	_ =	shalt  }
0x6b: {  	_ =	shalt  }
0x6c: {  	_ =	shalt  }
0x6d: {  	_ =	shalt  }
0x6e: {  	_ =	shalt  }
0x6f: {  	_ =	shalt  }
0x70: {  	_ =	shalt  }
0x71: {  	_ =	shalt  }
0x72: {  	_ =	shalt  }
0x73: {  	_ =	shalt  }
0x74: {  	_ =	shalt  }
0x75: {  	_ =	shalt  }
0x76: {  	_ =	shalt  }
0x77: {  	_ =	shalt  }
0x78: {  	_ =	shalt  }
0x79: {  	_ =	shalt  }
0x7a: {  	_ =	shalt  }
0x7b: {  	_ =	shalt  }
0x7c: {  	_ =	shalt  }
0x7d: {  	_ =	shalt  }
0x7e: {  	_ =	shalt  }
0x7f: {  	_ =	shalt  }
0x80: {  	_ =	shalt  }
0x81: {  	_ =	shalt  }
0x82: {  	_ =	shalt  }
0x83: {  	_ =	shalt  }
0x84: {  	_ =	shalt  }
0x85: {  	_ =	shalt  }
0x86: {  	_ =	shalt  }
0x87: {  	_ =	shalt  }
.Lfunc_end0:
.L_simem_size_0:
called_computation.2_lowered:
.L_overlay_start_0:
0x88: {  	s2 =	sld [smem:$0x3FD9]  }
0x89: {  	s3 =	sld [smem:$0x3FFE];
	_ =	sdelay $0x1  }
0x8a: {  	s1 =	srdreg.scid  }
0x8b: {  	s0 =	sand.u32 $0x1, s1  }
0x8c: {  	s16 =	sshll.u32 s0, $0xA;
	s2 =	sadd.s32 s3, s2  }
0x8d: {  	s2 =	sadd.s32 s2, s16  }
0x8e: {  	[smem:$0x3FBE] =	sst s2  }
0x8f: {  	_ = 	snop  }
0x90: {  	(tm) =	ssettm $0x1  }
0x91: {  	s17 =	sld [smem:$0x3FFB];
	_ =	sdelay $0x3  }
0x92: {  	_ =	strace s17  }
0x93: {  	s2 =	sld [smem:$0x3FFC];
	_ =	sdelay $0x3  }
0x94: {  	_ =	strace s2  }
0x95: {  	s2 =	sld [smem:$0x3FFD];
	_ =	sdelay $0x3  }
0x96: {  	_ =	strace s2  }
0x97: {  	_ =	strace $0x8FFFFFFF  }
0x98: {  	s18 =	sld [smem:$0x3FDB];
	_ =	sdelay $0x1  }
0x99: {  	s19 =	simm.s32 $_scs_section_size  }
0x9a: {  	s4 =	simm.s32 $_size__tile_overlayer_lowered;
	s5 =	simm.s32 $_tile_overlayer_lowered  }
0x9b: {  	s22 =	simm.s32 $0x1BFF;
	s21 =	sshll.u32 s5, $0x1;
	s2 =	sadd.s32 s19, s18  }
0x9c: {  	s6 =	simm.s32 $0x0;
	s20 =	sshll.u32 s4, $0x1;
	s4 =	sadd.s32 s21, s2  }
0x9d: {  	[timem:s6], [sflag:s22] =	dma.local [hbm:s4], s20  }
0x9e: {  	_ =	swait.ge [sflag:s22], s20  }
0x9f: {  	s3 =	ssub.s32 $0x0, s20;
	[sflag:s22] =	ssyncset.done $0x0  }
0xa0: {  	[sflag:s22] =	ssyncadd.s32 s3;
	_ =	sdelay $0x1  }
0xa1: {  	s23 =	simm.s32 $0x1B8B  }
0xa2: {  	_ =	swait.ge [sflag:s23], $0x1  }
0xa3: {  	[sflag:s23] =	ssyncset.done $0x0  }
0xa4: {  	s25 =	simm.s32 $0x1B8E;
	s24 =	sld [smem:$0x3FFE];
	[sflag:s23] =	ssyncadd.s32 $0xFFFFFFFF  }
0xa5: {  	s26 =	simm.s32 $execute0_lowered;
	[smem:$0x3FD2] =	sst s25  }
0xa6: {  	s4 =	sshll.u32 s26, $0x1;
	_ =	strace $0x8000004C;
	[dreg:$0x1] =	wrdreg $0xFFFFFFFF  }
0xa7: {  	s28 =	simm.s32 $_size_execute0_lowered;
	s2 =	sadd.s32 s2, s4;
	[dreg:$0x0] =	wrdreg $0x0  }
0xa8: {  	s4 =	sshll.u32 s28, $0x1;
	[dreg:$0x2] =	wrdreg s2  }
0xa9: {  	[dreg:$0x3] =	wrdreg s4  }
0xaa: {  	[dreg:$0x4] =	wrdreg $0xC0  }
0xab: {  	_ =	task [dreg:s6], $0x5FFFF  }
0xac: {  	[dreg:$0x1] =	wrdreg $0xFFFFFFFF  }
0xad: {  	[dreg:$0x0] =	wrdreg $0x60  }
0xae: {  	[dreg:$0x2] =	wrdreg s24  }
0xaf: {  	[dreg:$0x3] =	wrdreg $0x90000  }
0xb0: {  	[dreg:$0x4] =	wrdreg $0x9  }
0xb1: {  	_ =	task.clear_ibuf [dreg:s6], $0x5FFFF;
	_ =	strace $0x9000004C  }
0xb2: {  	s29 =	simm.s32 $0x9;
	_ =	strace $0x8000004E  }
0xb3: {  	_ =	swait.ge [sflag:s29], $0x1  }
0xb4: {  	[sflag:s29] =	ssyncadd.s32 $0xFFFFFFFF  }
0xb5: {  	_ =	strace $0x9000004E  }
0xb6: {  	_ =	sfence  }
0xb7: {  	s30 =	sld [smem:$0x0];
	_ =	sdelay $0x2  }
0xb8: {  	s31 =	sshll.u32 s1, $0xD;
	s1 =	sshrl.u32 s1, $0x2  }
0xb9: {  	s3 =	sand.u32 $0x4000, s31;
	s1 =	sadd.s32 s1, s30  }
0xba: {  	s0 =	sor.u32 s3, s0;
	s1 =	sshll.u32 s1, $0x11  }
0xbb: {  	s0 =	sor.u32 s1, s0  }
0xbc: {  	s0 =	sadd.s32 $0x8F2B, s0  }
0xbd: {  	[sflag:s0] =	ssyncadd.remote.s32 $0x1  }
0xbe: {  	_ =	sfence.sel $0xFFFF  }
0xbf: {  	[dreg:$0x0] =	wrdreg $0xFFFFFFFF;
	(pc) =	sbr.abs _section_cstart, $3  }
0xc0: {  	[dreg:$0x1] =	wrdreg $0xFFFFFFFF  }
0xc1: {  	_ =	task.clear_ibuf [dreg:s6], $0x2FFFF;
	_ =	strace $0x9FFFFFFF  }
0xc2: {  	(tm) =	ssettm $0x7FFFFFFF  }
0xc3: {  	_ =	shalt  }
tec
execute0_lowered:
.L_overlay_start_1:
0x0: {  	(tag) =	ssettag $0x1  }
0x1: {  	s0 =	rddreg [dreg:$0x0]  }
0x2: {  	s1 =	rddreg [dreg:$0x1];
	s3 =	simm.s32 $0x0;
	s18 =	stileid.u32  }
0x3: {  	s5 =	srdreg.scid;
	s20 =	simm.s32 $0x3;
	s21 =	simm.s32 $0x2000  }
0x4: {  	s22 =	simm.s32 $0x50;
	s23 =	simm.s32 $0x4000;
	s28 =	simm.s32 $0x1F80  }
0x5: {  	s29 =	simm.s32 $0x3F00;
	s30 =	simm.s32 $0x3F80;
	s31 =	simm.s32 $0x1E80  }
0x6: {  	[smem:$0x7FF] =	sst s3;
	s4 =	sadd.s32 $0xBA00, s0;
	s2 =	smul.u32 $0x2780, s18  }
0x7: {  	s6 =	sshll.u32 s18, $0xB;
	s7 =	sand.u32 $0x1, s5;
	s8 =	smul.u32 $0x4F000, s18  }
0x8: {  	s5 =	sadd.s32 $0x89000, s0;
	s17 =	sadd.s32 $0x128400, s1;
	s25 =	sadd.s32 $0x30A80, s0  }
0x9: {  	s11 =	sadd.s32 $0xD5280, s0;
	s13 =	sadd.s32 $0xAE080, s0;
	s15 =	sadd.s32 $0xFC480, s0  }
0xa: {  	p1 =	seq.s32 s18, $0xF;
	_ =	strace $0x8000004D;
	s6 =	sadd.s32 s6, s0  }
0xb: {  	s9 =	ssub.s32 $0x2, s7;
	p0 =	seq.s32 s7, $0x1;
	[dreg:$0x4] =	wrdreg s25  }
0xc: {  	s17 =	sshrl.u32 @p1 s17, $0x3;
	s25 =	simm.s32 $0x6800;
	s14 =	sadd.s32 s2, s0  }
0xd: {  	s10 =	sshrl.u32 s9, $0x1;
	s8 =	sshrl.u32 s8, $0x2;
	s24 =	sadd.s32 s4, s2  }
0xe: {  	s12 =	sadd.s32 s5, s2;
	s0 =	sshll.u32 @!p1 s18, $0x6;
	s2 =	simm.s32 $0x3E80  }
.Ltmp0:
0xf: {  	s16 =	ssub.s32 s9, s10;
	s19 =	sadd.s32 s8, s1;
	(pc) =	sbr.rel .LBB2_1-.Ltmp0, $4  }
0x10: {  	[dreg:$0x3] =	wrdreg s24;
	s8 =	sadd.s32 $0x81000, s6;
	s9 =	sadd.s32 $0x3A00, s6  }
0x11: {  	s26 =	sadd.s32 $0xB0200, s14;
	s14 =	sadd.s32 $0xD7400, s14;
	s18 =	sor.u32 @!p1 $0x1C03, s0  }
0x12: {  	s24 =	simm.s32 $0x1;
	s0 =	simm.s32 $0x3E00;
	[dreg:$0x5] =	wrdreg s26  }
0x13: {  	s16 =	smax.u32 s16, $0x1;
	s19 =	sshrl.u32 @!p1 s19, $0x3;
	s26 =	simm.s32 $0x2  }
.LBB2_11:
0x14: {  	[sflag:s20] =	ssyncadd.s32 $0xFFFFD800  }
0x15: {  	_ =	swait.ge [sflag:s24], $0x2800  }
0x16: {  	[sflag:s24] =	ssyncset.done $0x0  }
0x17: {  	[sflag:s24] =	ssyncadd.s32 $0xFFFFD800  }
0x18: {  	[tilespmem:s25], [sflag:$0x2] =	stream.indirect.gather [hbm4b:s5+s22], $0x80, s31, s22, $0xb8;
	[tilespmem:$0x1C900] =	vst v63  }
0x19: {  	_ = 	snop  }
0x1a: {  	[spmem:s1] =	stream.indirect.scatter.add.f32 [tilespmem:s23], [sflag:$0x3], $0x80, s0, s22, $0xb8;
	[tilespmem:$0x1C900] =	vst v63  }
0x1b: {  	_ =	swait.ge [sflag:s20], $0x2800  }
0x1c: {  	[sflag:s20] =	ssyncset.done $0x0  }
0x1d: {  	[sflag:s20] =	ssyncadd.s32 $0xFFFFD800  }
0x1e: {  	_ =	swait.ge [sflag:s26], $0x2800  }
0x1f: {  	[sflag:s26] =	ssyncset.done $0x0  }
0x20: {  	[sflag:s26] =	ssyncadd.s32 $0xFFFFD800  }
0x21: {  	[spmem:s1] =	stream.indirect.scatter.add.f32 [tilespmem:s25], [sflag:$0x3], $0x80, s2, s22, $0xb8;
	[tilespmem:$0x1C900] =	vst v63  }
0x22: {  	_ =	swait.ge [sflag:s20], $0x2800  }
0x23: {  	[sflag:s20] =	ssyncset.done $0x0  }
0x24: {  	[sflag:s20] =	ssyncadd.s32 $0xFFFFD800  }
0x25: {  	s6 =	simm.s32 @p1 $0x1FC3;
	[bflag:$0x0] =	sbarrier.arrive $0xFFFF  }
0x26: {  	[hbm:s15], [sflag:s6] =	dma.local @p1 [spmem:s17], $0x2080  }
0x27: {  	s6 =	simm.s32 @p1 $0x3  }
0x28: {  	_ =	swait.ge @p1 [sflag:s6], $0x2080  }
0x29: {  	[sflag:s6] =	ssyncset.done @p1 $0x0  }
0x2a: {  	[sflag:s6] =	ssyncadd.s32 @p1 $0xFFFFDF80;
	s6 =	simm.s32 @!p1 $0x3  }
0x2b: {  	[hbm:s14], [sflag:s18] =	dma.local @!p1 [spmem:s19], $0x2780  }
0x2c: {  	_ =	swait.ge @!p1 [sflag:s6], $0x2780  }
0x2d: {  	[sflag:s6] =	ssyncset.done @!p1 $0x0  }
0x2e: {  	[sflag:s6] =	ssyncadd.s32 @!p1 $0xFFFFD880  }
.LBB2_12:
0x2f: {  	s3 =	sadd.s32 $0x1, s3  }
0x30: {  	p2 =	sne.s32 s3, s16  }
.Ltmp1:
0x31: {  	_ = 	snop;
	(pc) =	sbr.rel @!p2 .LBB2_13-.Ltmp1, $1  }
0x32: {  	_ =	sdelay $0x3  }
.LBB2_1:
.Ltmp2:
0x33: {  	(pc) =	sbr.rel @!p0 .LBB2_2-.Ltmp2, $1  }
0x34: {  	_ =	sdelay $0x3  }
0x35: {  	s6 =	simm.s32 @p1 $0x1FC3  }
0x36: {  	[spmem:s17], [sflag:s6] =	dma.local @p1 [hbm:s13], $0x2080  }
0x37: {  	s6 =	simm.s32 @p1 $0x3  }
0x38: {  	_ =	swait.ge @p1 [sflag:s6], $0x2080  }
0x39: {  	[sflag:s6] =	ssyncset.done @p1 $0x0  }
0x3a: {  	[sflag:s6] =	ssyncadd.s32 @p1 $0xFFFFDF80;
	s6 =	simm.s32 @!p1 $0x3  }
0x3b: {  	[spmem:s19], [sflag:s18] =	dma.local @!p1 [hbm:s12], $0x2780  }
0x3c: {  	_ =	swait.ge @!p1 [sflag:s6], $0x2780  }
0x3d: {  	[sflag:s6] =	ssyncset.done @!p1 $0x0  }
0x3e: {  	[sflag:s6] =	ssyncadd.s32 @!p1 $0xFFFFD880  }
0x3f: {  	s10 =	simm.s32 $0x0;
	[bflag:$0x0] =	sbarrier.arrive $0xFFFF  }
0x40: {  	[tilespmem:s10], [sflag:$0x3] =	stream.linear.gather [hbm4b:s8+s10], $0x2000, $0x38;
	[tilespmem:$0x1C900] =	vst v63  }
0x41: {  	_ =	swait.ge [sflag:s20], $0x2000  }
0x42: {  	[sflag:s20] =	ssyncset.done $0x0  }
0x43: {  	[sflag:s20] =	ssyncadd.s32 $0xFFFFE000  }
0x44: {  	[tilespmem:s21], [sflag:$0x3] =	stream.linear.gather [hbm4b:s9+s10], $0x2000, $0x38;
	[tilespmem:$0x1C900] =	vst v63  }
0x45: {  	_ =	swait.ge [sflag:s20], $0x2000  }
0x46: {  	[sflag:s20] =	ssyncset.done $0x0  }
0x47: {  	[sflag:s20] =	ssyncadd.s32 $0xFFFFE000  }
0x48: {  	[tilespmem:s23], [sflag:$0x1] =	stream.indirect.gather [hbm4b:s5+s22], $0x80, s10, s22, $0xb8;
	[tilespmem:$0x1C900] =	vst v63  }
0x49: {  	_ =	swait.ge [sflag:s24], $0x2800  }
0x4a: {  	[sflag:s24] =	ssyncset.done $0x0  }
0x4b: {  	s7 =	simm.s32 $0x80;
	[sflag:s24] =	ssyncadd.s32 $0xFFFFD800  }
0x4c: {  	[tilespmem:s25], [sflag:$0x2] =	stream.indirect.gather [hbm4b:s5+s22], $0x80, s7, s22, $0xb8;
	[tilespmem:$0x1C900] =	vst v63  }
0x4d: {  	s10 =	simm.s32 $0x2000  }
0x4e: {  	[spmem:s1] =	stream.indirect.scatter.add.f32 [tilespmem:s23], [sflag:$0x3], $0x80, s10, s22, $0xb8;
	[tilespmem:$0x1C900] =	vst v63  }
0x4f: {  	_ =	swait.ge [sflag:s20], $0x2800  }
0x50: {  	[sflag:s20] =	ssyncset.done $0x0  }
0x51: {  	[sflag:s20] =	ssyncadd.s32 $0xFFFFD800  }
0x52: {  	_ =	swait.ge [sflag:s26], $0x2800  }
0x53: {  	[sflag:s26] =	ssyncset.done $0x0  }
0x54: {  	s7 =	simm.s32 $0x100;
	[sflag:s26] =	ssyncadd.s32 $0xFFFFD800  }
0x55: {  	[tilespmem:s23], [sflag:$0x1] =	stream.indirect.gather [hbm4b:s5+s22], $0x80, s7, s22, $0xb8;
	[tilespmem:$0x1C900] =	vst v63  }
0x56: {  	s10 =	simm.s32 $0x2080  }
0x57: {  	[spmem:s1] =	stream.indirect.scatter.add.f32 [tilespmem:s25], [sflag:$0x3], $0x80, s10, s22, $0xb8;
	[tilespmem:$0x1C900] =	vst v63  }
0x58: {  	_ =	swait.ge [sflag:s20], $0x2800  }
0x59: {  	s6 =	simm.s32 $0x400;
	[sflag:s20] =	ssyncset.done $0x0  }
.LBB2_8:
0x5a: {  	p2 =	sne.s32 s6, $0x7800  }
0x5b: {  	[sflag:s20] =	ssyncadd.s32 $0xFFFFD800;
	s7 =	smov.u32 s6;
	s6 =	sadd.s32 $0x400, s6  }
0x5c: {  	_ = 	snop  }
0x5d: {  	_ =	swait.ge [sflag:s24], $0x2800  }
0x5e: {  	s7 =	sshra.s32 s7, $0x2;
	[sflag:s24] =	ssyncset.done $0x0  }
0x5f: {  	s10 =	sadd.s32 $0x80, s7;
	[sflag:s24] =	ssyncadd.s32 $0xFFFFD800  }
0x60: {  	[tilespmem:s25], [sflag:$0x2] =	stream.indirect.gather [hbm4b:s5+s22], $0x80, s10, s22, $0xb8;
	[tilespmem:$0x1C900] =	vst v63  }
0x61: {  	s10 =	sadd.s32 $0x2000, s7  }
0x62: {  	[spmem:s1] =	stream.indirect.scatter.add.f32 [tilespmem:s23], [sflag:$0x3], $0x80, s10, s22, $0xb8;
	[tilespmem:$0x1C900] =	vst v63  }
0x63: {  	_ =	swait.ge [sflag:s20], $0x2800  }
0x64: {  	[sflag:s20] =	ssyncset.done $0x0  }
0x65: {  	[sflag:s20] =	ssyncadd.s32 $0xFFFFD800  }
0x66: {  	_ =	swait.ge [sflag:s26], $0x2800  }
0x67: {  	[sflag:s26] =	ssyncset.done $0x0  }
0x68: {  	s10 =	sadd.s32 $0x100, s7;
	[sflag:s26] =	ssyncadd.s32 $0xFFFFD800  }
0x69: {  	[tilespmem:s23], [sflag:$0x1] =	stream.indirect.gather [hbm4b:s5+s22], $0x80, s10, s22, $0xb8;
	[tilespmem:$0x1C900] =	vst v63  }
.Ltmp3:
0x6a: {  	_ = 	snop;
	(pc) =	sbr.rel @p2 .LBB2_8-.Ltmp3, $4  }
0x6b: {  	s7 =	sadd.s32 $0x2080, s7  }
0x6c: {  	[spmem:s1] =	stream.indirect.scatter.add.f32 [tilespmem:s25], [sflag:$0x3], $0x80, s7, s22, $0xb8;
	[tilespmem:$0x1C900] =	vst v63  }
0x6d: {  	_ =	swait.ge [sflag:s20], $0x2800  }
0x6e: {  	[sflag:s20] =	ssyncset.done $0x0  }
0x6f: {  	[sflag:s20] =	ssyncadd.s32 $0xFFFFD800  }
0x70: {  	_ =	swait.ge [sflag:s24], $0x2800  }
0x71: {  	[sflag:s24] =	ssyncset.done $0x0  }
0x72: {  	[sflag:s24] =	ssyncadd.s32 $0xFFFFD800  }
0x73: {  	[tilespmem:s25], [sflag:$0x2] =	stream.indirect.gather [hbm4b:s5+s22], $0x80, s28, s22, $0xb8;
	[tilespmem:$0x1C900] =	vst v63  }
0x74: {  	_ = 	snop  }
0x75: {  	[spmem:s1] =	stream.indirect.scatter.add.f32 [tilespmem:s23], [sflag:$0x3], $0x80, s29, s22, $0xb8;
	[tilespmem:$0x1C900] =	vst v63  }
0x76: {  	_ =	swait.ge [sflag:s20], $0x2800  }
0x77: {  	[sflag:s20] =	ssyncset.done $0x0  }
0x78: {  	[sflag:s20] =	ssyncadd.s32 $0xFFFFD800  }
0x79: {  	_ =	swait.ge [sflag:s26], $0x2800  }
0x7a: {  	[sflag:s26] =	ssyncset.done $0x0  }
0x7b: {  	[sflag:s26] =	ssyncadd.s32 $0xFFFFD800  }
0x7c: {  	[spmem:s1] =	stream.indirect.scatter.add.f32 [tilespmem:s25], [sflag:$0x3], $0x80, s30, s22, $0xb8;
	[tilespmem:$0x1C900] =	vst v63  }
0x7d: {  	_ =	swait.ge [sflag:s20], $0x2800  }
0x7e: {  	[sflag:s20] =	ssyncset.done $0x0  }
0x7f: {  	s6 =	sadd.s32 $0x400, s8;
	s7 =	simm.s32 $0x0;
	[sflag:s20] =	ssyncadd.s32 $0xFFFFD800  }
0x80: {  	[tilespmem:s7], [sflag:$0x3] =	stream.linear.gather [hbm4b:s6+s7], $0x1F00, $0x38;
	[tilespmem:$0x1C900] =	vst v63  }
0x81: {  	_ =	swait.ge [sflag:s20], $0x1F00  }
0x82: {  	[sflag:s20] =	ssyncset.done $0x0  }
0x83: {  	s10 =	sadd.s32 $0x400, s9;
	[sflag:s20] =	ssyncadd.s32 $0xFFFFE100  }
0x84: {  	[tilespmem:s21], [sflag:$0x3] =	stream.linear.gather [hbm4b:s10+s7], $0x1F00, $0x38;
	[tilespmem:$0x1C900] =	vst v63  }
0x85: {  	_ =	swait.ge [sflag:s20], $0x1F00  }
0x86: {  	[sflag:s20] =	ssyncset.done $0x0  }
0x87: {  	[sflag:s20] =	ssyncadd.s32 $0xFFFFE100  }
0x88: {  	[tilespmem:s23], [sflag:$0x1] =	stream.indirect.gather [hbm4b:s5+s22], $0x80, s7, s22, $0xb8;
	[tilespmem:$0x1C900] =	vst v63  }
0x89: {  	_ =	swait.ge [sflag:s24], $0x2800  }
0x8a: {  	[sflag:s24] =	ssyncset.done $0x0  }
0x8b: {  	s7 =	simm.s32 $0x80;
	[sflag:s24] =	ssyncadd.s32 $0xFFFFD800  }
0x8c: {  	[tilespmem:s25], [sflag:$0x2] =	stream.indirect.gather [hbm4b:s5+s22], $0x80, s7, s22, $0xb8;
	[tilespmem:$0x1C900] =	vst v63  }
0x8d: {  	s10 =	simm.s32 $0x2000  }
0x8e: {  	[spmem:s1] =	stream.indirect.scatter.add.f32 [tilespmem:s23], [sflag:$0x3], $0x80, s10, s22, $0xb8;
	[tilespmem:$0x1C900] =	vst v63  }
0x8f: {  	_ =	swait.ge [sflag:s20], $0x2800  }
0x90: {  	[sflag:s20] =	ssyncset.done $0x0  }
0x91: {  	[sflag:s20] =	ssyncadd.s32 $0xFFFFD800  }
0x92: {  	_ =	swait.ge [sflag:s26], $0x2800  }
0x93: {  	[sflag:s26] =	ssyncset.done $0x0  }
0x94: {  	s7 =	simm.s32 $0x100;
	[sflag:s26] =	ssyncadd.s32 $0xFFFFD800  }
0x95: {  	[tilespmem:s23], [sflag:$0x1] =	stream.indirect.gather [hbm4b:s5+s22], $0x80, s7, s22, $0xb8;
	[tilespmem:$0x1C900] =	vst v63  }
0x96: {  	s10 =	simm.s32 $0x2080  }
0x97: {  	[spmem:s1] =	stream.indirect.scatter.add.f32 [tilespmem:s25], [sflag:$0x3], $0x80, s10, s22, $0xb8;
	[tilespmem:$0x1C900] =	vst v63  }
0x98: {  	_ =	swait.ge [sflag:s20], $0x2800  }
0x99: {  	s6 =	simm.s32 $0x400;
	[sflag:s20] =	ssyncset.done $0x0  }
.LBB2_10:
0x9a: {  	p2 =	sne.s32 s6, $0x7400  }
0x9b: {  	[sflag:s20] =	ssyncadd.s32 $0xFFFFD800;
	s7 =	smov.u32 s6;
	s6 =	sadd.s32 $0x400, s6  }
0x9c: {  	_ = 	snop  }
0x9d: {  	_ =	swait.ge [sflag:s24], $0x2800  }
0x9e: {  	s7 =	sshra.s32 s7, $0x2;
	[sflag:s24] =	ssyncset.done $0x0  }
0x9f: {  	s10 =	sadd.s32 $0x80, s7;
	[sflag:s24] =	ssyncadd.s32 $0xFFFFD800  }
0xa0: {  	[tilespmem:s25], [sflag:$0x2] =	stream.indirect.gather [hbm4b:s5+s22], $0x80, s10, s22, $0xb8;
	[tilespmem:$0x1C900] =	vst v63  }
0xa1: {  	s10 =	sadd.s32 $0x2000, s7  }
0xa2: {  	[spmem:s1] =	stream.indirect.scatter.add.f32 [tilespmem:s23], [sflag:$0x3], $0x80, s10, s22, $0xb8;
	[tilespmem:$0x1C900] =	vst v63  }
0xa3: {  	_ =	swait.ge [sflag:s20], $0x2800  }
0xa4: {  	[sflag:s20] =	ssyncset.done $0x0  }
0xa5: {  	[sflag:s20] =	ssyncadd.s32 $0xFFFFD800  }
0xa6: {  	_ =	swait.ge [sflag:s26], $0x2800  }
0xa7: {  	[sflag:s26] =	ssyncset.done $0x0  }
0xa8: {  	s10 =	sadd.s32 $0x100, s7;
	[sflag:s26] =	ssyncadd.s32 $0xFFFFD800  }
0xa9: {  	[tilespmem:s23], [sflag:$0x1] =	stream.indirect.gather [hbm4b:s5+s22], $0x80, s10, s22, $0xb8;
	[tilespmem:$0x1C900] =	vst v63  }
.Ltmp4:
0xaa: {  	_ = 	snop;
	(pc) =	sbr.rel @p2 .LBB2_10-.Ltmp4, $4  }
0xab: {  	s7 =	sadd.s32 $0x2080, s7  }
0xac: {  	[spmem:s1] =	stream.indirect.scatter.add.f32 [tilespmem:s25], [sflag:$0x3], $0x80, s7, s22, $0xb8;
	[tilespmem:$0x1C900] =	vst v63  }
0xad: {  	_ =	swait.ge [sflag:s20], $0x2800  }
0xae: {  	[sflag:s20] =	ssyncset.done $0x0  }
.Ltmp5:
0xaf: {  	_ = 	snop;
	(pc) =	sbr.rel .LBB2_11-.Ltmp5, $1  }
0xb0: {  	_ =	sdelay $0x3  }
.LBB2_2:
0xb1: {  	s6 =	simm.s32 @p1 $0x1FC3;
	s7 =	rddreg [dreg:$0x4]  }
0xb2: {  	[spmem:s17], [sflag:s6] =	dma.local @p1 [hbm:s7], $0x2080  }
0xb3: {  	s6 =	simm.s32 @p1 $0x3  }
0xb4: {  	_ =	swait.ge @p1 [sflag:s6], $0x2080  }
0xb5: {  	[sflag:s6] =	ssyncset.done @p1 $0x0  }
0xb6: {  	[sflag:s6] =	ssyncadd.s32 @p1 $0xFFFFDF80;
	s6 =	rddreg [dreg:$0x3]  }
0xb7: {  	[spmem:s19], [sflag:s18] =	dma.local @!p1 [hbm:s6], $0x2780  }
0xb8: {  	s6 =	simm.s32 @!p1 $0x3  }
0xb9: {  	_ =	swait.ge @!p1 [sflag:s6], $0x2780  }
0xba: {  	[sflag:s6] =	ssyncset.done @!p1 $0x0  }
0xbb: {  	[sflag:s6] =	ssyncadd.s32 @!p1 $0xFFFFD880  }
0xbc: {  	s10 =	simm.s32 $0x0;
	[bflag:$0x0] =	sbarrier.arrive $0xFFFF  }
0xbd: {  	[tilespmem:s10], [sflag:$0x3] =	stream.linear.gather [hbm4b:s8+s10], $0x2000, $0x38;
	[tilespmem:$0x1C900] =	vst v63  }
0xbe: {  	_ =	swait.ge [sflag:s20], $0x2000  }
0xbf: {  	[sflag:s20] =	ssyncset.done $0x0  }
0xc0: {  	[sflag:s20] =	ssyncadd.s32 $0xFFFFE000  }
0xc1: {  	[tilespmem:s21], [sflag:$0x3] =	stream.linear.gather [hbm4b:s9+s10], $0x2000, $0x38;
	[tilespmem:$0x1C900] =	vst v63  }
0xc2: {  	_ =	swait.ge [sflag:s20], $0x2000  }
0xc3: {  	[sflag:s20] =	ssyncset.done $0x0  }
0xc4: {  	[sflag:s20] =	ssyncadd.s32 $0xFFFFE000  }
0xc5: {  	[tilespmem:s23], [sflag:$0x1] =	stream.indirect.gather [hbm4b:s4+s22], $0x80, s10, s22, $0xb8;
	[tilespmem:$0x1C900] =	vst v63  }
0xc6: {  	_ =	swait.ge [sflag:s24], $0x2800  }
0xc7: {  	[sflag:s24] =	ssyncset.done $0x0  }
0xc8: {  	s7 =	simm.s32 $0x80;
	[sflag:s24] =	ssyncadd.s32 $0xFFFFD800  }
0xc9: {  	[tilespmem:s25], [sflag:$0x2] =	stream.indirect.gather [hbm4b:s4+s22], $0x80, s7, s22, $0xb8;
	[tilespmem:$0x1C900] =	vst v63  }
0xca: {  	s10 =	simm.s32 $0x2000  }
0xcb: {  	[spmem:s1] =	stream.indirect.scatter.add.f32 [tilespmem:s23], [sflag:$0x3], $0x80, s10, s22, $0xb8;
	[tilespmem:$0x1C900] =	vst v63  }
0xcc: {  	_ =	swait.ge [sflag:s20], $0x2800  }
0xcd: {  	[sflag:s20] =	ssyncset.done $0x0  }
0xce: {  	[sflag:s20] =	ssyncadd.s32 $0xFFFFD800  }
0xcf: {  	_ =	swait.ge [sflag:s26], $0x2800  }
0xd0: {  	[sflag:s26] =	ssyncset.done $0x0  }
0xd1: {  	s7 =	simm.s32 $0x100;
	[sflag:s26] =	ssyncadd.s32 $0xFFFFD800  }
0xd2: {  	[tilespmem:s23], [sflag:$0x1] =	stream.indirect.gather [hbm4b:s4+s22], $0x80, s7, s22, $0xb8;
	[tilespmem:$0x1C900] =	vst v63  }
0xd3: {  	s10 =	simm.s32 $0x2080  }
0xd4: {  	[spmem:s1] =	stream.indirect.scatter.add.f32 [tilespmem:s25], [sflag:$0x3], $0x80, s10, s22, $0xb8;
	[tilespmem:$0x1C900] =	vst v63  }
0xd5: {  	_ =	swait.ge [sflag:s20], $0x2800  }
0xd6: {  	s6 =	simm.s32 $0x400;
	[sflag:s20] =	ssyncset.done $0x0  }
.LBB2_3:
0xd7: {  	p2 =	sne.s32 s6, $0x7800  }
0xd8: {  	[sflag:s20] =	ssyncadd.s32 $0xFFFFD800;
	s7 =	smov.u32 s6;
	s6 =	sadd.s32 $0x400, s6  }
0xd9: {  	_ = 	snop  }
0xda: {  	_ =	swait.ge [sflag:s24], $0x2800  }
0xdb: {  	s7 =	sshra.s32 s7, $0x2;
	[sflag:s24] =	ssyncset.done $0x0  }
0xdc: {  	s10 =	sadd.s32 $0x80, s7;
	[sflag:s24] =	ssyncadd.s32 $0xFFFFD800  }
0xdd: {  	[tilespmem:s25], [sflag:$0x2] =	stream.indirect.gather [hbm4b:s4+s22], $0x80, s10, s22, $0xb8;
	[tilespmem:$0x1C900] =	vst v63  }
0xde: {  	s10 =	sadd.s32 $0x2000, s7  }
0xdf: {  	[spmem:s1] =	stream.indirect.scatter.add.f32 [tilespmem:s23], [sflag:$0x3], $0x80, s10, s22, $0xb8;
	[tilespmem:$0x1C900] =	vst v63  }
0xe0: {  	_ =	swait.ge [sflag:s20], $0x2800  }
0xe1: {  	[sflag:s20] =	ssyncset.done $0x0  }
0xe2: {  	[sflag:s20] =	ssyncadd.s32 $0xFFFFD800  }
0xe3: {  	_ =	swait.ge [sflag:s26], $0x2800  }
0xe4: {  	[sflag:s26] =	ssyncset.done $0x0  }
0xe5: {  	s10 =	sadd.s32 $0x100, s7;
	[sflag:s26] =	ssyncadd.s32 $0xFFFFD800  }
0xe6: {  	[tilespmem:s23], [sflag:$0x1] =	stream.indirect.gather [hbm4b:s4+s22], $0x80, s10, s22, $0xb8;
	[tilespmem:$0x1C900] =	vst v63  }
.Ltmp6:
0xe7: {  	_ = 	snop;
	(pc) =	sbr.rel @p2 .LBB2_3-.Ltmp6, $4  }
0xe8: {  	s7 =	sadd.s32 $0x2080, s7  }
0xe9: {  	[spmem:s1] =	stream.indirect.scatter.add.f32 [tilespmem:s25], [sflag:$0x3], $0x80, s7, s22, $0xb8;
	[tilespmem:$0x1C900] =	vst v63  }
0xea: {  	_ =	swait.ge [sflag:s20], $0x2800  }
0xeb: {  	[sflag:s20] =	ssyncset.done $0x0  }
0xec: {  	[sflag:s20] =	ssyncadd.s32 $0xFFFFD800  }
0xed: {  	_ =	swait.ge [sflag:s24], $0x2800  }
0xee: {  	[sflag:s24] =	ssyncset.done $0x0  }
0xef: {  	[sflag:s24] =	ssyncadd.s32 $0xFFFFD800  }
0xf0: {  	[tilespmem:s25], [sflag:$0x2] =	stream.indirect.gather [hbm4b:s4+s22], $0x80, s28, s22, $0xb8;
	[tilespmem:$0x1C900] =	vst v63  }
0xf1: {  	_ = 	snop  }
0xf2: {  	[spmem:s1] =	stream.indirect.scatter.add.f32 [tilespmem:s23], [sflag:$0x3], $0x80, s29, s22, $0xb8;
	[tilespmem:$0x1C900] =	vst v63  }
0xf3: {  	_ =	swait.ge [sflag:s20], $0x2800  }
0xf4: {  	[sflag:s20] =	ssyncset.done $0x0  }
0xf5: {  	[sflag:s20] =	ssyncadd.s32 $0xFFFFD800  }
0xf6: {  	_ =	swait.ge [sflag:s26], $0x2800  }
0xf7: {  	[sflag:s26] =	ssyncset.done $0x0  }
0xf8: {  	[sflag:s26] =	ssyncadd.s32 $0xFFFFD800  }
0xf9: {  	[spmem:s1] =	stream.indirect.scatter.add.f32 [tilespmem:s25], [sflag:$0x3], $0x80, s30, s22, $0xb8;
	[tilespmem:$0x1C900] =	vst v63  }
0xfa: {  	_ =	swait.ge [sflag:s20], $0x2800  }
0xfb: {  	[sflag:s20] =	ssyncset.done $0x0  }
0xfc: {  	s6 =	sadd.s32 $0x400, s8;
	s7 =	simm.s32 $0x0;
	[sflag:s20] =	ssyncadd.s32 $0xFFFFD800  }
0xfd: {  	[tilespmem:s7], [sflag:$0x3] =	stream.linear.gather [hbm4b:s6+s7], $0x1F00, $0x38;
	[tilespmem:$0x1C900] =	vst v63  }
0xfe: {  	_ =	swait.ge [sflag:s20], $0x1F00  }
0xff: {  	[sflag:s20] =	ssyncset.done $0x0  }
0x100: {  	s10 =	sadd.s32 $0x400, s9;
	[sflag:s20] =	ssyncadd.s32 $0xFFFFE100  }
0x101: {  	[tilespmem:s21], [sflag:$0x3] =	stream.linear.gather [hbm4b:s10+s7], $0x1F00, $0x38;
	[tilespmem:$0x1C900] =	vst v63  }
0x102: {  	_ =	swait.ge [sflag:s20], $0x1F00  }
0x103: {  	[sflag:s20] =	ssyncset.done $0x0  }
0x104: {  	[sflag:s20] =	ssyncadd.s32 $0xFFFFE100  }
0x105: {  	[tilespmem:s23], [sflag:$0x1] =	stream.indirect.gather [hbm4b:s4+s22], $0x80, s7, s22, $0xb8;
	[tilespmem:$0x1C900] =	vst v63  }
0x106: {  	_ =	swait.ge [sflag:s24], $0x2800  }
0x107: {  	[sflag:s24] =	ssyncset.done $0x0  }
0x108: {  	s7 =	simm.s32 $0x80;
	[sflag:s24] =	ssyncadd.s32 $0xFFFFD800  }
0x109: {  	[tilespmem:s25], [sflag:$0x2] =	stream.indirect.gather [hbm4b:s4+s22], $0x80, s7, s22, $0xb8;
	[tilespmem:$0x1C900] =	vst v63  }
0x10a: {  	s10 =	simm.s32 $0x2000  }
0x10b: {  	[spmem:s1] =	stream.indirect.scatter.add.f32 [tilespmem:s23], [sflag:$0x3], $0x80, s10, s22, $0xb8;
	[tilespmem:$0x1C900] =	vst v63  }
0x10c: {  	_ =	swait.ge [sflag:s20], $0x2800  }
0x10d: {  	[sflag:s20] =	ssyncset.done $0x0  }
0x10e: {  	[sflag:s20] =	ssyncadd.s32 $0xFFFFD800  }
0x10f: {  	_ =	swait.ge [sflag:s26], $0x2800  }
0x110: {  	[sflag:s26] =	ssyncset.done $0x0  }
0x111: {  	s7 =	simm.s32 $0x100;
	[sflag:s26] =	ssyncadd.s32 $0xFFFFD800  }
0x112: {  	[tilespmem:s23], [sflag:$0x1] =	stream.indirect.gather [hbm4b:s4+s22], $0x80, s7, s22, $0xb8;
	[tilespmem:$0x1C900] =	vst v63  }
0x113: {  	s10 =	simm.s32 $0x2080  }
0x114: {  	[spmem:s1] =	stream.indirect.scatter.add.f32 [tilespmem:s25], [sflag:$0x3], $0x80, s10, s22, $0xb8;
	[tilespmem:$0x1C900] =	vst v63  }
0x115: {  	_ =	swait.ge [sflag:s20], $0x2800  }
0x116: {  	s6 =	simm.s32 $0x400;
	[sflag:s20] =	ssyncset.done $0x0  }
.LBB2_5:
0x117: {  	p2 =	sne.s32 s6, $0x7400  }
0x118: {  	[sflag:s20] =	ssyncadd.s32 $0xFFFFD800;
	s7 =	smov.u32 s6;
	s6 =	sadd.s32 $0x400, s6  }
0x119: {  	_ = 	snop  }
0x11a: {  	_ =	swait.ge [sflag:s24], $0x2800  }
0x11b: {  	s7 =	sshra.s32 s7, $0x2;
	[sflag:s24] =	ssyncset.done $0x0  }
0x11c: {  	s10 =	sadd.s32 $0x80, s7;
	[sflag:s24] =	ssyncadd.s32 $0xFFFFD800  }
0x11d: {  	[tilespmem:s25], [sflag:$0x2] =	stream.indirect.gather [hbm4b:s4+s22], $0x80, s10, s22, $0xb8;
	[tilespmem:$0x1C900] =	vst v63  }
0x11e: {  	s10 =	sadd.s32 $0x2000, s7  }
0x11f: {  	[spmem:s1] =	stream.indirect.scatter.add.f32 [tilespmem:s23], [sflag:$0x3], $0x80, s10, s22, $0xb8;
	[tilespmem:$0x1C900] =	vst v63  }
0x120: {  	_ =	swait.ge [sflag:s20], $0x2800  }
0x121: {  	[sflag:s20] =	ssyncset.done $0x0  }
0x122: {  	[sflag:s20] =	ssyncadd.s32 $0xFFFFD800  }
0x123: {  	_ =	swait.ge [sflag:s26], $0x2800  }
0x124: {  	[sflag:s26] =	ssyncset.done $0x0  }
0x125: {  	s10 =	sadd.s32 $0x100, s7;
	[sflag:s26] =	ssyncadd.s32 $0xFFFFD800  }
0x126: {  	[tilespmem:s23], [sflag:$0x1] =	stream.indirect.gather [hbm4b:s4+s22], $0x80, s10, s22, $0xb8;
	[tilespmem:$0x1C900] =	vst v63  }
.Ltmp7:
0x127: {  	_ = 	snop;
	(pc) =	sbr.rel @p2 .LBB2_5-.Ltmp7, $4  }
0x128: {  	s7 =	sadd.s32 $0x2080, s7  }
0x129: {  	[spmem:s1] =	stream.indirect.scatter.add.f32 [tilespmem:s25], [sflag:$0x3], $0x80, s7, s22, $0xb8;
	[tilespmem:$0x1C900] =	vst v63  }
0x12a: {  	_ =	swait.ge [sflag:s20], $0x2800  }
0x12b: {  	[sflag:s20] =	ssyncset.done $0x0  }
0x12c: {  	[sflag:s20] =	ssyncadd.s32 $0xFFFFD800  }
0x12d: {  	_ =	swait.ge [sflag:s24], $0x2800  }
0x12e: {  	[sflag:s24] =	ssyncset.done $0x0  }
0x12f: {  	[sflag:s24] =	ssyncadd.s32 $0xFFFFD800  }
0x130: {  	[tilespmem:s25], [sflag:$0x2] =	stream.indirect.gather [hbm4b:s4+s22], $0x80, s31, s22, $0xb8;
	[tilespmem:$0x1C900] =	vst v63  }
0x131: {  	_ = 	snop  }
0x132: {  	[spmem:s1] =	stream.indirect.scatter.add.f32 [tilespmem:s23], [sflag:$0x3], $0x80, s0, s22, $0xb8;
	[tilespmem:$0x1C900] =	vst v63  }
0x133: {  	_ =	swait.ge [sflag:s20], $0x2800  }
0x134: {  	[sflag:s20] =	ssyncset.done $0x0  }
0x135: {  	[sflag:s20] =	ssyncadd.s32 $0xFFFFD800  }
0x136: {  	_ =	swait.ge [sflag:s26], $0x2800  }
0x137: {  	[sflag:s26] =	ssyncset.done $0x0  }
0x138: {  	[sflag:s26] =	ssyncadd.s32 $0xFFFFD800  }
0x139: {  	[spmem:s1] =	stream.indirect.scatter.add.f32 [tilespmem:s25], [sflag:$0x3], $0x80, s2, s22, $0xb8;
	[tilespmem:$0x1C900] =	vst v63  }
0x13a: {  	_ =	swait.ge [sflag:s20], $0x2800  }
0x13b: {  	[sflag:s20] =	ssyncset.done $0x0  }
0x13c: {  	[sflag:s20] =	ssyncadd.s32 $0xFFFFD800  }
0x13d: {  	s6 =	simm.s32 @p1 $0x1FC3;
	[bflag:$0x0] =	sbarrier.arrive $0xFFFF  }
0x13e: {  	[hbm:s11], [sflag:s6] =	dma.local @p1 [spmem:s17], $0x2080  }
0x13f: {  	s6 =	simm.s32 @p1 $0x3  }
0x140: {  	_ =	swait.ge @p1 [sflag:s6], $0x2080  }
0x141: {  	[sflag:s6] =	ssyncset.done @p1 $0x0  }
0x142: {  	[sflag:s6] =	ssyncadd.s32 @p1 $0xFFFFDF80;
	s6 =	rddreg [dreg:$0x5]  }
0x143: {  	[hbm:s6], [sflag:s18] =	dma.local @!p1 [spmem:s19], $0x2780  }
.Ltmp8:
0x144: {  	_ = 	snop;
	(pc) =	sbr.rel .LBB2_12-.Ltmp8, $4  }
0x145: {  	s6 =	simm.s32 @!p1 $0x3  }
0x146: {  	_ =	swait.ge @!p1 [sflag:s6], $0x2780  }
0x147: {  	[sflag:s6] =	ssyncset.done @!p1 $0x0  }
0x148: {  	[sflag:s6] =	ssyncadd.s32 @!p1 $0xFFFFD880  }
.LBB2_13:
0x149: {  	_ =	sfence.sel $0x180000  }
0x14a: {  	[bflag:$0x0] =	sbarrier.arrive $0xFFFF  }
0x14b: {  	_ =	strace $0x9000004D  }
0x14c: {  	s0 =	stileid.u32;
	[bflag:$0x2] =	sbarrier.arrive $0xFFFF  }
0x14d: {  	p0 =	sne.s32 s0, $0x0;
	s0 =	rddreg [dreg:$0x2]  }
0x14e: {  	s0 =	sadd.s32 @!p0 $0x100000, s0  }
0x14f: {  	[sflag:s0] =	ssyncadd.tile.s32 @!p0 $0x1;
	_ =	shalt  }
.Lfunc_end2:
_tile_overlayer_lowered:
.L_overlay_start_2:
0x150: {  	(tag) =	ssettag $0x2  }
0x151: {  	s0 =	rddreg [dreg:$0x0];
	s2 =	stileid.u32  }
0x152: {  	s1 =	rddreg [dreg:$0x1];
	p0 =	sne.s32 s2, $0x0  }
0x153: {  	s3 =	rddreg [dreg:$0x2];
	[bflag:$0x3] =	sbarrier.arrive $0xFFFF;
	s2 =	simm.s32 @!p0 $0x1C03  }
0x154: {  	[timem:s3], [sflag:s2] =	dma.local @!p0 [hbm:s0], s1  }
0x155: {  	s0 =	simm.s32 @!p0 $0x3  }
0x156: {  	_ =	swait.ge @!p0 [sflag:s0], s1  }
0x157: {  	s1 =	ssub.s32 @!p0 $0x0, s1;
	[sflag:s0] =	ssyncset.done @!p0 $0x0  }
0x158: {  	[sflag:s0] =	ssyncadd.s32 @!p0 s1  }
0x159: {  	[bflag:$0x3] =	sbarrier.arrive $0xFFFF  }
0x15a: {  	_ =	shalt  }

// kernel: kernel.8.cloned.1.call-start
scs
__scs_entry_jumppad:
0x0: {  	(pc) =	sbr.rel $0x88, $3  }
0x1: {  	(tag) =	ssettag $0x0;
	lr =	simm.s32 $0x1  }
0x2: {  	[smem:$0x3F97] =	sst lr;
	_ =	strace $0xD0000000  }
0x3: {  	_ = 	snop  }
0x4: {  	_ = 	snop  }
0x5: {  	_ = 	snop  }
0x6: {  	_ = 	snop  }
0x7: {  	_ = 	snop  }
__scs_overlays_trampoline_lowered:
0x8: {  	[smem:$0x3FA6] =	sst s0  }
0x9: {  	[smem:$0x3FA7] =	sst s1  }
0xa: {  	[smem:$0x3FA8] =	sst s2  }
0xb: {  	[smem:$0x3FA9] =	sst s3  }
0xc: {  	[smem:$0x3FAA] =	sst s4  }
0xd: {  	[smem:$0x3FAB] =	sst s5  }
0xe: {  	[smem:$0x3FAC] =	sst s6  }
0xf: {  	[smem:$0x3FAD] =	sst s7  }
0x10: {  	[smem:$0x3FAE] =	sst s8  }
0x11: {  	[smem:$0x3FAF] =	sst s9;
	s0 =	simm.s32 @!p0 $0x0  }
0x12: {  	s1 =	sld [smem:$0x3F95];
	s0 =	simm.s32 @p0 $0x1  }
0x13: {  	[smem:$0x3FB0] =	sst s0;
	s0 =	simm.s32 @!p1 $0x0  }
0x14: {  	s2 =	sld [smem:$0x3F94];
	s0 =	simm.s32 @p1 $0x1  }
0x15: {  	[smem:$0x3FB1] =	sst s0;
	s0 =	simm.s32 @!p2 $0x0  }
0x16: {  	s3 =	sld [smem:$0x3FDB];
	s0 =	simm.s32 @p2 $0x1  }
0x17: {  	s4 =	simm.s32 $0x1BF5;
	[smem:$0x3FB3] =	sst s0  }
0x18: {  	s0 =	sld [smem:$0x3F96];
	_ =	swait.ge [sflag:s4], $0x0  }
0x19: {  	s7 =	sld [smem:$0x3F97]  }
0x1a: {  	s8 =	sadd.s32 $0xFFFFE003, lr  }
0x1b: {  	s9 =	sadd.s32 $0xFFFFFEF7, lr;
	s5 =	simm.s32 $0xFFFFFFFF;
	p2 =	slt.u32 s8, $0xFFFFF086  }
0x1c: {  	p1 =	slt.u32 s9, $0xF7A;
	s5 =	simm.s32 @!p2 $0x0  }
0x1d: {  	s5 =	simm.s32 @p1 $0x1;
	p0 =	seq.s32 s7, s2  }
0x1e: {  	s7 =	smul.u32 @!p0 $0xF7A, s2;
	p2 =	seq.s32 @!p0 s5, $0x0  }
0x1f: {  	s9 =	smul.u32 $0xF7A, s1;
	s8 =	simm.s32 @!p0 $0x1BF5;
	p2 =	por !p2, p0  }
0x20: {  	[sflag:s8] =	ssyncset.s32 @!p0 $0xFFFFF086;
	s6 =	sadd.s32 @!p0 s3, s7;
	s7 =	simm.s32 @!p0 $0x108  }
0x21: {  	s3 =	sadd.s32 s3, s9;
	s6 =	sadd.s32 @!p0 $0x88, s6;
	s7 =	simm.s32 @p2 $0x1082  }
0x22: {  	[simem:s7], [sflag:s8] =	dma.local @!p0 [hbm:s6], $0xF7A  }
0x23: {  	s9 =	sor.u32 $0xD0000000, s2;
	s6 =	simm.s32 $0x108;
	_ =	swait.ge @!p0 [sflag:s8], $0x0  }
0x24: {  	s3 =	sadd.s32 $0x88, s3;
	s6 =	simm.s32 @!p1 $0x1082;
	[sflag:s4] =	ssyncset.s32 $0xFFFFF086  }
0x25: {  	[simem:s6], [sflag:s4] =	dma.local [hbm:s3], $0xF7A  }
0x26: {  	[smem:$0x3F97] =	sst s1;
	(tag) =	ssettag s2;
	_ =	strace s9  }
0x27: {  	s1 =	sld [smem:$0x3FA7]  }
0x28: {  	s2 =	sld [smem:$0x3FA8]  }
0x29: {  	s4 =	sld [smem:$0x3FAA]  }
0x2a: {  	p0 =	seq.s32 s5, $0x0;
	s5 =	sld [smem:$0x3FAB]  }
0x2b: {  	s6 =	sld [smem:$0x3FAC]  }
0x2c: {  	s7 =	sld [smem:$0x3FAD]  }
0x2d: {  	s3 =	simm.s32 $0x108;
	s8 =	sld [smem:$0x3FAE]  }
0x2e: {  	s3 =	simm.s32 @!p0 $0x1082;
	s9 =	sld [smem:$0x3FAF]  }
0x2f: {  	lr =	sadd.s32 s0, s3;
	s0 =	sld [smem:$0x3FA6]  }
0x30: {  	s3 =	sld [smem:$0x3FA9]  }
0x31: {  	[smem:$0x3FB2] =	sst s10  }
0x32: {  	s10 =	sld [smem:$0x3FB0];
	_ =	sdelay $0x3  }
0x33: {  	p0 =	seq.s32 s10, $0x1;
	s10 =	sld [smem:$0x3FB2];
	_ =	sdelay $0x3  }
0x34: {  	[smem:$0x3FB2] =	sst s10  }
0x35: {  	s10 =	sld [smem:$0x3FB1];
	_ =	sdelay $0x3  }
0x36: {  	p1 =	seq.s32 s10, $0x1;
	s10 =	sld [smem:$0x3FB2];
	_ =	sdelay $0x3  }
0x37: {  	[smem:$0x3FB2] =	sst s10  }
0x38: {  	s10 =	sld [smem:$0x3FB3]  }
0x39: {  	_ = 	snop;
	(pc) =	sbr.ind lr, $3  }
0x3a: {  	_ = 	snop  }
0x3b: {  	_ = 	snop  }
0x3c: {  	p2 =	seq.s32 s10, $0x1;
	s10 =	sld [smem:$0x3FB2]  }
0x3d: {  	_ =	shalt  }
0x3e: {  	_ =	shalt  }
0x3f: {  	_ =	shalt  }
0x40: {  	_ =	shalt  }
0x41: {  	_ =	shalt  }
0x42: {  	_ =	shalt  }
0x43: {  	_ =	shalt  }
0x44: {  	_ =	shalt  }
0x45: {  	_ =	shalt  }
0x46: {  	_ =	shalt  }
0x47: {  	_ =	shalt  }
0x48: {  	_ =	shalt  }
0x49: {  	_ =	shalt  }
0x4a: {  	_ =	shalt  }
0x4b: {  	_ =	shalt  }
0x4c: {  	_ =	shalt  }
0x4d: {  	_ =	shalt  }
0x4e: {  	_ =	shalt  }
0x4f: {  	_ =	shalt  }
0x50: {  	_ =	shalt  }
0x51: {  	_ =	shalt  }
0x52: {  	_ =	shalt  }
0x53: {  	_ =	shalt  }
0x54: {  	_ =	shalt  }
0x55: {  	_ =	shalt  }
0x56: {  	_ =	shalt  }
0x57: {  	_ =	shalt  }
0x58: {  	_ =	shalt  }
0x59: {  	_ =	shalt  }
0x5a: {  	_ =	shalt  }
0x5b: {  	_ =	shalt  }
0x5c: {  	_ =	shalt  }
0x5d: {  	_ =	shalt  }
0x5e: {  	_ =	shalt  }
0x5f: {  	_ =	shalt  }
0x60: {  	_ =	shalt  }
0x61: {  	_ =	shalt  }
0x62: {  	_ =	shalt  }
0x63: {  	_ =	shalt  }
0x64: {  	_ =	shalt  }
0x65: {  	_ =	shalt  }
0x66: {  	_ =	shalt  }
0x67: {  	_ =	shalt  }
0x68: {  	_ =	shalt  }
0x69: {  	_ =	shalt  }
0x6a: {  	_ =	shalt  }
0x6b: {  	_ =	shalt  }
0x6c: {  	_ =	shalt  }
0x6d: {  	_ =	shalt  }
0x6e: {  	_ =	shalt  }
0x6f: {  	_ =	shalt  }
0x70: {  	_ =	shalt  }
0x71: {  	_ =	shalt  }
0x72: {  	_ =	shalt  }
0x73: {  	_ =	shalt  }
0x74: {  	_ =	shalt  }
0x75: {  	_ =	shalt  }
0x76: {  	_ =	shalt  }
0x77: {  	_ =	shalt  }
0x78: {  	_ =	shalt  }
0x79: {  	_ =	shalt  }
0x7a: {  	_ =	shalt  }
0x7b: {  	_ =	shalt  }
0x7c: {  	_ =	shalt  }
0x7d: {  	_ =	shalt  }
0x7e: {  	_ =	shalt  }
0x7f: {  	_ =	shalt  }
0x80: {  	_ =	shalt  }
0x81: {  	_ =	shalt  }
0x82: {  	_ =	shalt  }
0x83: {  	_ =	shalt  }
0x84: {  	_ =	shalt  }
0x85: {  	_ =	shalt  }
0x86: {  	_ =	shalt  }
0x87: {  	_ =	shalt  }
.Lfunc_end0:
.L_simem_size_0:
called_computation_lowered:
.L_overlay_start_0:
0x88: {  	s2 =	sld [smem:$0x3FD9]  }
0x89: {  	s3 =	sld [smem:$0x3FFE];
	_ =	sdelay $0x1  }
0x8a: {  	s1 =	srdreg.scid  }
0x8b: {  	s0 =	sand.u32 $0x1, s1  }
0x8c: {  	s14 =	sshll.u32 s0, $0xA;
	s2 =	sadd.s32 s3, s2  }
0x8d: {  	s2 =	sadd.s32 s2, s14  }
0x8e: {  	[smem:$0x3FBE] =	sst s2  }
0x8f: {  	_ = 	snop  }
0x90: {  	s2 =	sld [smem:$0x3FD0];
	_ =	sdelay $0x2  }
0x91: {  	s15 =	simm.s32 $0xA;
	s4 =	simm.s32 $0x10  }
0x92: {  	[smem:s4], [sflag:s15] =	dma.local [hbm:s2], $0x1  }
0x93: {  	_ =	swait.eq [sflag:s15], $0x1  }
0x94: {  	[sflag:s15] =	ssyncset.done $0x0  }
0x95: {  	[sflag:s15] =	ssyncadd.s32 $0xFFFFFFFF  }
0x96: {  	s16 =	sld [smem:$0x11];
	(tm) =	ssettm $0x1  }
0x97: {  	s17 =	sld [smem:$0x3FFB];
	_ =	sdelay $0x3  }
0x98: {  	_ =	strace s17  }
0x99: {  	s3 =	sld [smem:$0x3FFC];
	_ =	sdelay $0x3  }
0x9a: {  	_ =	strace s3  }
0x9b: {  	s3 =	sld [smem:$0x3FFD];
	_ =	sdelay $0x3  }
0x9c: {  	_ =	strace s3  }
0x9d: {  	_ =	strace $0x8FFFFFFF  }
0x9e: {  	s18 =	sld [smem:$0x3FDB];
	_ =	sdelay $0x1  }
0x9f: {  	s19 =	simm.s32 $_scs_section_size  }
0xa0: {  	s5 =	simm.s32 $_size__tile_overlayer_lowered;
	s6 =	simm.s32 $_tile_overlayer_lowered  }
0xa1: {  	s22 =	simm.s32 $0x1BFF;
	s21 =	sshll.u32 s6, $0x1;
	s3 =	sadd.s32 s19, s18  }
0xa2: {  	s7 =	simm.s32 $0x0;
	s20 =	sshll.u32 s5, $0x1;
	s5 =	sadd.s32 s21, s3  }
0xa3: {  	[timem:s7], [sflag:s22] =	dma.local [hbm:s5], s20  }
0xa4: {  	_ =	swait.ge [sflag:s22], s20  }
0xa5: {  	s4 =	ssub.s32 $0x0, s20;
	[sflag:s22] =	ssyncset.done $0x0  }
0xa6: {  	[sflag:s22] =	ssyncadd.s32 s4;
	_ =	sdelay $0x1  }
0xa7: {  	s23 =	simm.s32 $0x1B8B  }
0xa8: {  	_ =	swait.ge [sflag:s23], $0x1  }
0xa9: {  	[sflag:s23] =	ssyncset.done $0x0  }
0xaa: {  	s25 =	simm.s32 $0x1B8E;
	s24 =	sld [smem:$0x3FFE];
	[sflag:s23] =	ssyncadd.s32 $0xFFFFFFFF  }
0xab: {  	s26 =	simm.s32 $execute0_lowered;
	[smem:$0x3FD2] =	sst s25  }
0xac: {  	s5 =	sshll.u32 s26, $0x1;
	_ =	strace $0x80000046;
	[dreg:$0x1] =	wrdreg $0xFFFFFFFF  }
0xad: {  	s28 =	simm.s32 $_size_execute0_lowered;
	s3 =	sadd.s32 s3, s5;
	[dreg:$0x0] =	wrdreg $0x0  }
0xae: {  	s5 =	sshll.u32 s28, $0x1;
	[dreg:$0x2] =	wrdreg s3  }
0xaf: {  	[dreg:$0x3] =	wrdreg s5  }
0xb0: {  	[dreg:$0x4] =	wrdreg $0xC0  }
0xb1: {  	_ =	task [dreg:s7], $0x5FFFF  }
0xb2: {  	[dreg:$0x1] =	wrdreg $0xFFFFFFFF  }
0xb3: {  	[dreg:$0x0] =	wrdreg $0x60  }
0xb4: {  	[dreg:$0x2] =	wrdreg s24  }
0xb5: {  	[dreg:$0x3] =	wrdreg s16  }
0xb6: {  	[dreg:$0x4] =	wrdreg $0x68000  }
0xb7: {  	[dreg:$0x5] =	wrdreg $0x9  }
0xb8: {  	_ =	task.clear_ibuf [dreg:s7], $0x6FFFF;
	_ =	strace $0x90000046  }
0xb9: {  	s29 =	simm.s32 $0x9;
	_ =	strace $0x80000048  }
0xba: {  	_ =	swait.ge [sflag:s29], $0x1  }
0xbb: {  	[sflag:s29] =	ssyncadd.s32 $0xFFFFFFFF  }
0xbc: {  	_ =	strace $0x90000048  }
0xbd: {  	_ =	sfence  }
0xbe: {  	s30 =	sld [smem:$0x0];
	_ =	sdelay $0x2  }
0xbf: {  	s31 =	sshll.u32 s1, $0xD;
	s1 =	sshrl.u32 s1, $0x2  }
0xc0: {  	s3 =	sand.u32 $0x4000, s31;
	s1 =	sadd.s32 s1, s30  }
0xc1: {  	s0 =	sor.u32 s3, s0;
	s1 =	sshll.u32 s1, $0x11  }
0xc2: {  	s0 =	sor.u32 s1, s0  }
0xc3: {  	s0 =	sadd.s32 $0x8F2B, s0  }
0xc4: {  	[sflag:s0] =	ssyncadd.remote.s32 $0x1  }
0xc5: {  	_ =	sfence.sel $0xFFFF  }
0xc6: {  	[dreg:$0x0] =	wrdreg $0xFFFFFFFF;
	(pc) =	sbr.abs _section_cstart, $3  }
0xc7: {  	[dreg:$0x1] =	wrdreg $0xFFFFFFFF  }
0xc8: {  	_ =	task.clear_ibuf [dreg:s7], $0x2FFFF;
	_ =	strace $0x9FFFFFFF  }
0xc9: {  	(tm) =	ssettm $0x7FFFFFFF  }
tec
execute0_lowered:
.L_overlay_start_1:
0x0: {  	(tag) =	ssettag $0x1  }
0x1: {  	s14 =	rddreg [dreg:$0x0]  }
0x2: {  	s2 =	rddreg [dreg:$0x1]  }
0x3: {  	s3 =	rddreg [dreg:$0x2]  }
0x4: {  	s0 =	rddreg [dreg:$0x3]  }
0x5: {  	s4 =	simm.s32 $0x0;
	s1 =	stileid.u32;
	s5 =	srdreg.scid  }
0x6: {  	s19 =	simm.s32 $0x4000;
	s20 =	simm.s32 $0x2;
	s21 =	simm.s32 $0x50  }
0x7: {  	s22 =	simm.s32 $0x1;
	s26 =	simm.s32 $0x0;
	[smem:$0x7FF] =	sst s4  }
0x8: {  	s6 =	smul.u32 $0x2780, s1;
	s11 =	sand.u32 $0x1, s5;
	s29 =	sshll.u32 s1, $0xB  }
0x9: {  	s8 =	smul.u32 $0x4F000, s1;
	s12 =	sadd.s32 $0x57C80, s14;
	p0 =	seq.s32 s1, $0xF  }
0xa: {  	s7 =	ssub.s32 $0x2, s11;
	_ =	strace $0x80000047;
	s9 =	sadd.s32 s29, s14  }
0xb: {  	s10 =	smul.u32 $0x7E00, s11;
	p4 =	seq.s32 s11, $0x1;
	s17 =	sshll.u32 @!p0 s1, $0x6  }
0xc: {  	s30 =	sshrl.u32 s7, $0x1;
	s13 =	sadd.s32 s6, s14;
	s31 =	sshrl.u32 s8, $0x2  }
0xd: {  	s8 =	sadd.s32 $0x30A80, s14;
	s9 =	sadd.s32 $0x3A00, s9;
	s14 =	sadd.s32 $0x7EE80, s14  }
0xe: {  	s17 =	sor.u32 @!p0 $0x1C02, s17;
	p2 =	seq.s32 @p4 s1, $0xF;
	p5 =	seq.s32 @!p4 s1, $0xF  }
0xf: {  	s15 =	ssub.s32 s7, s30;
	s5 =	sadd.s32 s31, s3;
	s6 =	sadd.s32 $0xBA00, s13  }
0x10: {  	s7 =	sadd.s32 $0x128400, s3;
	s10 =	sshrl.u32 s10, $0x2;
	s11 =	sadd.s32 $0x32C00, s13  }
0x11: {  	s13 =	sadd.s32 $0x59E00, s13;
	p1 =	por !p2, !p4;
	p2 =	por p2, !p4  }
0x12: {  	p3 =	por !p5, p4;
	p4 =	por p5, p4;
	s15 =	smax.u32 s15, $0x1  }
0x13: {  	s16 =	sshrl.u32 @p0 s7, $0x3;
	s18 =	sshrl.u32 @!p0 s5, $0x3;
	s24 =	sshll.u32 @!p2 s1, $0x6  }
0x14: {  	s23 =	sshrl.u32 @!p1 s7, $0x3;
	s25 =	sshrl.u32 @!p2 s5, $0x3;
	s24 =	sor.u32 @!p2 $0x1C02, s24  }
.LBB2_1:
0x15: {  	s28 =	simm.s32 @p0 $0x1FC2  }
0x16: {  	[spmem:s16], [sflag:s28] =	dma.local @p0 [hbm:s8], $0x2080  }
0x17: {  	s28 =	simm.s32 @p0 $0x2  }
0x18: {  	_ =	swait.ge @p0 [sflag:s28], $0x2080  }
0x19: {  	[sflag:s28] =	ssyncset.done @p0 $0x0  }
0x1a: {  	[sflag:s28] =	ssyncadd.s32 @p0 $0xFFFFDF80;
	s28 =	simm.s32 @!p0 $0x2  }
0x1b: {  	[spmem:s18], [sflag:s17] =	dma.local @!p0 [hbm:s6], $0x2780  }
0x1c: {  	_ =	swait.ge @!p0 [sflag:s28], $0x2780  }
0x1d: {  	[sflag:s28] =	ssyncset.done @!p0 $0x0  }
0x1e: {  	[sflag:s28] =	ssyncadd.s32 @!p0 $0xFFFFD880  }
0x1f: {  	[tilespmem:s19], [sflag:$0x2] =	stream.linear.gather [hbm4b:s2+s4], $0x2800, $0x38;
	[tilespmem:$0x1A100] =	vst v63  }
0x20: {  	_ =	swait.ge [sflag:s20], $0x2800  }
0x21: {  	[sflag:s20] =	ssyncset.done $0x0  }
0x22: {  	[sflag:s20] =	ssyncadd.s32 $0xFFFFD800  }
0x23: {  	[tilespmem:s4], [sflag:$0x2] =	stream.linear.gather [hbm4b:s9+s4], $0x3F00, $0x38;
	[tilespmem:$0x1A100] =	vst v63  }
0x24: {  	_ =	swait.ge [sflag:s20], $0x3F00  }
0x25: {  	[sflag:s20] =	ssyncset.done $0x0  }
0x26: {  	[sflag:s20] =	ssyncadd.s32 $0xFFFFC100  }
0x27: {  	[bflag:$0x0] =	sbarrier.arrive $0xFFFF  }
0x28: {  	[spmem:s3] =	stream.indirect.scatter.add.f32 [tilespmem:s19], [sflag:$0x1], $0x80, s10, s21, $0xb8;
	[tilespmem:$0x1A100] =	vst v63  }
0x29: {  	s28 =	sadd.s32 $0x80, s10  }
0x2a: {  	[spmem:s3] =	stream.indirect.scatter.add.f32 [tilespmem:s19], [sflag:$0x1], $0x80, s28, s21, $0xb8;
	[tilespmem:$0x1A100] =	vst v63  }
0x2b: {  	s28 =	simm.s32 $0x400;
	_ =	swait.ge [sflag:s22], $0x2800  }
.LBB2_2:
0x2c: {  	s29 =	sshra.s32 s28, $0x2;
	[sflag:s22] =	ssyncset.done $0x0;
	p5 =	sne.s32 s28, $0x7C00  }
.Ltmp0:
0x2d: {  	s29 =	sadd.s32 s29, s10;
	[sflag:s22] =	ssyncadd.s32 $0xFFFFD800;
	(pc) =	sbr.rel @p5 .LBB2_2-.Ltmp0, $3  }
0x2e: {  	[spmem:s3] =	stream.indirect.scatter.add.f32 [tilespmem:s19], [sflag:$0x1], $0x80, s29, s21, $0xb8;
	[tilespmem:$0x1A100] =	vst v63  }
0x2f: {  	s28 =	sadd.s32 $0x200, s28;
	_ =	sdelay $0x1  }
0x30: {  	_ =	swait.ge [sflag:s22], $0x2800  }
0x31: {  	[sflag:s22] =	ssyncset.done $0x0  }
0x32: {  	[sflag:s22] =	ssyncadd.s32 $0xFFFFD800  }
0x33: {  	_ =	swait.ge [sflag:s22], $0x2800  }
0x34: {  	[sflag:s22] =	ssyncset.done $0x0  }
0x35: {  	[sflag:s22] =	ssyncadd.s32 $0xFFFFD800  }
0x36: {  	s28 =	simm.s32 @!p1 $0x1FC2;
	[bflag:$0x0] =	sbarrier.arrive $0xFFFF  }
0x37: {  	[hbm:s14], [sflag:s28] =	dma.local @!p1 [spmem:s23], $0x2080  }
0x38: {  	s28 =	simm.s32 @!p1 $0x2  }
0x39: {  	_ =	swait.ge @!p1 [sflag:s28], $0x2080  }
0x3a: {  	[sflag:s28] =	ssyncset.done @!p1 $0x0  }
0x3b: {  	[sflag:s28] =	ssyncadd.s32 @!p1 $0xFFFFDF80;
	s28 =	simm.s32 @!p2 $0x2  }
0x3c: {  	[hbm:s13], [sflag:s24] =	dma.local @!p2 [spmem:s25], $0x2780  }
0x3d: {  	_ =	swait.ge @!p2 [sflag:s28], $0x2780  }
0x3e: {  	[sflag:s28] =	ssyncset.done @!p2 $0x0  }
0x3f: {  	s29 =	simm.s32 @!p3 $0x1FC2;
	[sflag:s28] =	ssyncadd.s32 @!p2 $0xFFFFD880;
	s28 =	sshrl.u32 @!p3 s7, $0x3  }
0x40: {  	[hbm:s12], [sflag:s29] =	dma.local @!p3 [spmem:s28], $0x2080  }
0x41: {  	s28 =	simm.s32 @!p3 $0x2  }
0x42: {  	s26 =	sadd.s32 $0x1, s26;
	_ =	swait.ge @!p3 [sflag:s28], $0x2080  }
0x43: {  	p5 =	sne.s32 s26, s15;
	s29 =	sshll.u32 @!p4 s1, $0x6;
	[sflag:s28] =	ssyncset.done @!p3 $0x0  }
0x44: {  	[sflag:s28] =	ssyncadd.s32 @!p3 $0xFFFFDF80;
	s28 =	sor.u32 @!p4 $0x1C02, s29;
	s29 =	sshrl.u32 @!p4 s5, $0x3  }
0x45: {  	[hbm:s11], [sflag:s28] =	dma.local @!p4 [spmem:s29], $0x2780  }
.Ltmp1:
0x46: {  	_ = 	snop;
	(pc) =	sbr.rel @p5 .LBB2_1-.Ltmp1, $4  }
0x47: {  	s28 =	simm.s32 @!p4 $0x2  }
0x48: {  	_ =	swait.ge @!p4 [sflag:s28], $0x2780  }
0x49: {  	[sflag:s28] =	ssyncset.done @!p4 $0x0  }
0x4a: {  	[sflag:s28] =	ssyncadd.s32 @!p4 $0xFFFFD880  }
0x4b: {  	_ =	sfence.sel $0x180000  }
0x4c: {  	[bflag:$0x0] =	sbarrier.arrive $0xFFFF  }
0x4d: {  	p0 =	sne.s32 s1, $0x0;
	_ =	strace $0x90000047  }
0x4e: {  	s0 =	sadd.s32 @!p0 $0x100000, s0;
	[bflag:$0x2] =	sbarrier.arrive $0xFFFF  }
0x4f: {  	[sflag:s0] =	ssyncadd.tile.s32 @!p0 $0x1;
	_ =	shalt  }
.Lfunc_end2:
_tile_overlayer_lowered:
.L_overlay_start_2:
0x50: {  	(tag) =	ssettag $0x2  }
0x51: {  	s0 =	rddreg [dreg:$0x0];
	s2 =	stileid.u32  }
0x52: {  	s1 =	rddreg [dreg:$0x1];
	p0 =	sne.s32 s2, $0x0  }
0x53: {  	s3 =	rddreg [dreg:$0x2];
	[bflag:$0x3] =	sbarrier.arrive $0xFFFF;
	s2 =	simm.s32 @!p0 $0x1C02  }
0x54: {  	[timem:s3], [sflag:s2] =	dma.local @!p0 [hbm:s0], s1  }
0x55: {  	s0 =	simm.s32 @!p0 $0x2  }
0x56: {  	_ =	swait.ge @!p0 [sflag:s0], s1  }
0x57: {  	s1 =	ssub.s32 @!p0 $0x0, s1;
	[sflag:s0] =	ssyncset.done @!p0 $0x0  }
0x58: {  	[sflag:s0] =	ssyncadd.s32 @!p0 s1  }
0x59: {  	[bflag:$0x3] =	sbarrier.arrive $0xFFFF  }
0x5a: {  	_ =	shalt  }

</sc_bundles>
